<compile_context>
chip_gen: v7x
topology: tpu7x:2x2x1
jax: 0.10.2.dev20260603
libtpu: 0.0.44.dev20260713+nightly
codegen_flags: <defaults>
</compile_context>

<pallas_src>
import functools

import jax
import jax.numpy as jnp
from jax import lax
from jax.experimental import pallas as pl
from jax.experimental.pallas import tpu as pltpu
from jax.experimental.pallas import tpu_sc as plsc

N = 4096
DIM = 256
K = 32
BLK = 256
CH = 64
NCH = N // CH
INF = float("inf")

NC = 2
NS = 16
NW = NC * NS
RPW = N // NW
CAND_MAX = N + 16


def _dist_tau_kernel(x_blk_ref, x_full_ref, sq_ref, sq_row_ref, d_ref,
                     tau_ref):
    i = pl.program_id(0)
    x_blk = x_blk_ref[...]
    x_full = x_full_ref[...]
    sq_full = sq_ref[...]

    s = lax.dot_general(
        x_blk, x_full, (((1,), (1,)), ((), ())),
        preferred_element_type=jnp.float32,
    )
    sq_blk = sq_row_ref[0, :]
    d = sq_blk[:, None] + sq_full - 2.0 * s
    d = jnp.maximum(d, 0.0)

    col = lax.broadcasted_iota(jnp.int32, (BLK, N), 1)
    row_g = i * BLK + lax.broadcasted_iota(jnp.int32, (BLK, N), 0)
    d = jnp.where(col == row_g, INF, d)
    d_ref[...] = d

    cm = jnp.min(d.reshape(BLK, NCH, CH), axis=2)

    cmi = lax.broadcasted_iota(jnp.int32, (BLK, NCH), 1)

    def tau_body(j, cm_cur):
        m = jnp.min(cm_cur, axis=1)
        ii = jnp.where(cm_cur == m[:, None], cmi, NCH)
        first = jnp.min(ii, axis=1)
        return jnp.where(cmi == first[:, None], INF, cm_cur)

    cm_red = lax.fori_loop(0, K - 1, tau_body, cm)
    tau_ref[...] = jnp.min(cm_red, axis=1)[None, :]


def _sc_topk_body(d_hbm, tau_hbm, vals_hbm, idx_hbm,
                  tau_v, buf0, buf1, cand_v, cand_i, out_v, out_i,
                  sem0, sem1):
    c = lax.axis_index("c")
    s = lax.axis_index("s")
    wid = s * NC + c
    base = wid * RPW

    pltpu.sync_copy(tau_hbm.at[pl.ds(base, RPW)], tau_v)

    iota16 = lax.iota(jnp.int32, 16)
    infv = jnp.full((16,), INF, jnp.float32)

    def _g(v, idx):
        return v.at[idx].get(mode="promise_in_bounds")

    def tree_min(v):
        for sh in (8, 4, 2, 1):
            v = jnp.minimum(v, _g(v, (iota16 + sh) & 15))
        return v

    def process_row(r_local, buf):
        tvec = tau_v[pl.ds((r_local // 16) * 16, 16)]
        tb = _g(tvec, jnp.full((16,), r_local % 16, jnp.int32))

        for j in range(4):
            cand_v[pl.ds(j * 16, 16)] = infv

        FB = 32

        def fbody(b, cnt):
            vs = [buf[pl.ds((b * FB + j) * 16, 16)] for j in range(FB)]
            ms = [v <= tb for v in vs]
            pcs = [plsc.all_reduce_population_count(m)[0] for m in ms]
            off = cnt
            for j in range(FB):
                colv = (b * FB + j) * 16 + iota16
                plsc.store_compressed(cand_v.at[pl.ds(off, 16)], vs[j],
                                      mask=ms[j])
                plsc.store_compressed(cand_i.at[pl.ds(off, 16)], colv,
                                      mask=ms[j])
                off = off + pcs[j]
            return off

        cnt = lax.fori_loop(0, N // (16 * FB), fbody, jnp.int32(0))

        cand_v[pl.ds(cnt, 16)] = infv
        nvp = (cnt + 15) // 16

        def sel_fast(_):
            i4 = [cand_i[pl.ds(j * 16, 16)] for j in range(4)]
            big = jnp.full((16,), CAND_MAX, jnp.int32)

            def round4(t, carry):
                c0, c1, c2, c3, ov0, ov1, oi0, oi1 = carry
                mb = tree_min(jnp.minimum(jnp.minimum(c0, c1),
                                          jnp.minimum(c2, c3)))
                pv = big
                cs = (c0, c1, c2, c3)
                for j in range(4):
                    pv = jnp.minimum(
                        pv, jnp.where(cs[j] == mb, j * 16 + iota16,
                                      CAND_MAX))
                pb = pv
                for sh in (8, 4, 2, 1):
                    pb = jnp.minimum(pb, _g(pb, (iota16 + sh) & 15))
                cm = jnp.zeros((16,), jnp.int32)
                for j in range(4):
                    cm = jnp.where(j * 16 + iota16 == pb, i4[j], cm)
                cb = cm
                for sh in (8, 4, 2, 1):
                    cb = jnp.maximum(cb, _g(cb, (iota16 + sh) & 15))
                lm = iota16 == (t % 16)
                in0 = t < 16
                ov0 = jnp.where(lm & in0, mb, ov0)
                ov1 = jnp.where(lm & (~in0), mb, ov1)
                oi0 = jnp.where(lm & in0, cb, oi0)
                oi1 = jnp.where(lm & (~in0), cb, oi1)
                c0 = jnp.where(iota16 == pb, INF, c0)
                c1 = jnp.where(16 + iota16 == pb, INF, c1)
                c2 = jnp.where(32 + iota16 == pb, INF, c2)
                c3 = jnp.where(48 + iota16 == pb, INF, c3)
                return c0, c1, c2, c3, ov0, ov1, oi0, oi1

            zi = jnp.zeros((16,), jnp.int32)
            c4 = [cand_v[pl.ds(j * 16, 16)] for j in range(4)]
            out = lax.fori_loop(0, K, round4,
                                (*c4, infv, infv, zi, zi))
            return out[4:]

        def sel_round(t, carry):
            ov0, ov1, oi0, oi1 = carry

            def minb(j, m):
                return jnp.minimum(m, cand_v[pl.ds(j * 16, 16)])

            mb = tree_min(lax.fori_loop(0, nvp, minb, infv))

            def posb(j, p):
                eq = cand_v[pl.ds(j * 16, 16)] == mb
                pos = jnp.where(eq, j * 16 + iota16, CAND_MAX)
                return jnp.minimum(p, pos)

            pv = lax.fori_loop(0, nvp, posb,
                               jnp.full((16,), CAND_MAX, jnp.int32))
            pb = jnp.minimum(pv, _g(pv, iota16 ^ 8))
            pb = jnp.minimum(pb, _g(pb, iota16 ^ 4))
            pb = jnp.minimum(pb, _g(pb, iota16 ^ 2))
            pb = jnp.minimum(pb, _g(pb, iota16 ^ 1))
            pos = pb[0]
            slot = (pos // 16) * 16

            iv = cand_i[pl.ds(slot, 16)]
            cb = _g(iv, pb & 15)

            lm = iota16 == (t % 16)
            in0 = t < 16
            ov0 = jnp.where(lm & in0, mb, ov0)
            ov1 = jnp.where(lm & (~in0), mb, ov1)
            oi0 = jnp.where(lm & in0, cb, oi0)
            oi1 = jnp.where(lm & (~in0), cb, oi1)

            vv = cand_v[pl.ds(slot, 16)]
            cand_v[pl.ds(slot, 16)] = jnp.where(slot + iota16 == pb,
                                                INF, vv)
            return ov0, ov1, oi0, oi1

        def sel_slow(_):
            zi = jnp.zeros((16,), jnp.int32)
            return lax.fori_loop(0, K, sel_round, (infv, infv, zi, zi))

        ov0, ov1, oi0, oi1 = lax.cond(cnt <= 64, sel_fast, sel_slow, 0)
        ob = r_local * K
        out_v[pl.ds(ob, 16)] = ov0
        out_v[pl.ds(ob + 16, 16)] = ov1
        out_i[pl.ds(ob, 16)] = oi0
        out_i[pl.ds(ob + 16, 16)] = oi1

    cp0 = pltpu.async_copy(d_hbm.at[base], buf0, sem0)

    def pair(p, _):
        r0 = 2 * p
        cpa = pltpu.async_copy(d_hbm.at[base + r0 + 1], buf1, sem1)
        pltpu.make_async_copy(d_hbm.at[base + r0], buf0, sem0).wait()
        process_row(r0, buf0)
        @pl.when(r0 + 2 < RPW)
        def _():
            pltpu.async_copy(d_hbm.at[base + r0 + 2], buf0, sem0)
        cpa.wait()
        process_row(r0 + 1, buf1)
        return 0

    lax.fori_loop(0, RPW // 2, pair, 0)

    pltpu.sync_copy(out_v, vals_hbm.at[pl.ds(base * K, RPW * K)])
    pltpu.sync_copy(out_i, idx_hbm.at[pl.ds(base * K, RPW * K)])


_sc_topk = functools.partial(
    pl.kernel,
    out_type=[
        jax.ShapeDtypeStruct((N * K,), jnp.float32),
        jax.ShapeDtypeStruct((N * K,), jnp.int32),
    ],
    mesh=plsc.VectorSubcoreMesh(
        core_axis_name="c", subcore_axis_name="s", num_cores=NC,
        num_subcores=NS),
    scratch_types=[
        pltpu.VMEM((RPW,), jnp.float32),
        pltpu.VMEM((N,), jnp.float32),
        pltpu.VMEM((N,), jnp.float32),
        pltpu.VMEM((CAND_MAX,), jnp.float32),
        pltpu.VMEM((CAND_MAX,), jnp.int32),
        pltpu.VMEM((RPW * K,), jnp.float32),
        pltpu.VMEM((RPW * K,), jnp.int32),
        pltpu.SemaphoreType.DMA,
        pltpu.SemaphoreType.DMA,
    ],
    compiler_params=pltpu.CompilerParams(needs_layout_passes=False),
)(_sc_topk_body)


@jax.jit
def kernel(X, k):
    sq = jnp.sum(X * X, axis=1)[None, :]
    d, tau = pl.pallas_call(
        _dist_tau_kernel,
        grid=(N // BLK,),
        in_specs=[
            pl.BlockSpec((BLK, DIM), lambda i: (i, 0)),
            pl.BlockSpec((N, DIM), lambda i: (0, 0)),
            pl.BlockSpec((1, N), lambda i: (0, 0)),
            pl.BlockSpec((1, BLK), lambda i: (0, i)),
        ],
        out_specs=[
            pl.BlockSpec((BLK, N), lambda i: (i, 0)),
            pl.BlockSpec((1, BLK), lambda i: (0, i)),
        ],
        out_shape=[
            jax.ShapeDtypeStruct((N, N), jnp.float32),
            jax.ShapeDtypeStruct((1, N), jnp.float32),
        ],
    )(X, X, sq, sq)
    vals, idx = _sc_topk(d, tau[0])
    return vals.reshape(N, K), idx.reshape(N, K)

# --- scband reference (transcript-rebuilt; emitter-appended) ---
"""Pipeline reference for scband-affinity-50826642981184 (READ-ONLY COPY).

The authoritative reference and input builder live on the scoring server;
editing this copy changes nothing except your own understanding.
"""

import jax, jax.numpy as jnp
import numpy as np


def setup_inputs(seed: int = 0) -> dict:
    key = jax.random.key(seed)
    X = jax.random.normal(key, (4096, 256), dtype=jnp.float32)
    return {"X": X, "k": 32}


def reference(X, k):
    # Affinity.__call__ -> _compute_affinity -> _distance_matrix with
    # metric='sqeuclidean', zero_diag=True (exclude self), k-NN retrieval.
    sq = jnp.sum(X * X, axis=1)
    D = sq[:, None] + sq[None, :] - 2.0 * (X @ X.T)
    D = jnp.maximum(D, 0.0)  # numerical clamp used by sqeuclidean backends
    n = D.shape[0]
    diag = jnp.arange(n)
    # exclude_diag=True: self-distance must never be selected as a neighbor
    D = D.at[diag, diag].set(jnp.inf)
    neg_vals, indices = jax.lax.top_k(-D, 32)
    knn_dists = -neg_vals + 0.0 * jnp.asarray(k, jnp.float32)
    return knn_dists, indices

if __name__ == "__main__":
    import jax
    _d = setup_inputs()
    print(jax.jit(kernel)(*tuple(_d.values())))

</pallas_src>

<mosaic_0001>
#map = affine_map<(d0, d1) -> (0, 0)>
#map1 = affine_map<(d0, d1) -> (0)>
module attributes {stable_mosaic.version = 14 : i64} {
  func.func @_sc_topk_body(%arg0: i32, %arg1: i32, %arg2: memref<4096x4096xf32, #tpu.memory_space<hbm>>, %arg3: memref<4096xf32, #tpu.memory_space<hbm>>, %arg4: memref<131072xf32, #tpu.memory_space<hbm>>, %arg5: memref<131072xi32, #tpu.memory_space<hbm>>, %arg6: memref<128xf32, #tpu.memory_space<vmem>>, %arg7: memref<4096xf32, #tpu.memory_space<vmem>>, %arg8: memref<4096xf32, #tpu.memory_space<vmem>>, %arg9: memref<4112xf32, #tpu.memory_space<vmem>>, %arg10: memref<4112xi32, #tpu.memory_space<vmem>>, %arg11: memref<4096xf32, #tpu.memory_space<vmem>>, %arg12: memref<4096xi32, #tpu.memory_space<vmem>>, %arg13: memref<!tpu.dma_semaphore, #tpu.memory_space<semaphore_mem>>, %arg14: memref<!tpu.dma_semaphore, #tpu.memory_space<semaphore_mem>>) attributes {dimension_semantics = [#tpu.dimension_semantics<core_parallel>, #tpu.dimension_semantics<subcore_parallel>], iteration_bounds = array<i64: 2, 16>, scalar_prefetch = 0 : i64, scratch_operands = 9 : i64, tpu.core_type = #tpu.core_type<sc_vector_subcore>, window_params = [{transform_indices = #map}, {transform_indices = #map1}, {transform_indices = #map1}, {transform_indices = #map1}]} {
    %mul3A = arith.constant 2 : i32
    %mul3A_0 = arith.muli %arg1, %mul3A : i32
    %add3A = arith.addi %mul3A_0, %arg0 : i32
    %mul3A_1 = arith.constant 128 : i32
    %mul3A_2 = arith.muli %add3A, %mul3A_1 : i32
    "tpu.region"() ({
      %run_scoped3A = tpu.sem_alloc : memref<!tpu.dma_semaphore, #tpu.memory_space<semaphore_mem>>
      %dma_start3A_19 = tpu.memref_slice %arg3[%mul3A_2] : memref<4096xf32, #tpu.memory_space<hbm>> -> memref<128xf32, #tpu.memory_space<hbm>>
      %dma_start3A_20 = tpu.memref_slice %arg3[%mul3A_2] : memref<4096xf32, #tpu.memory_space<hbm>> -> memref<128xf32, #tpu.memory_space<hbm>>
      tpu.enqueue_dma source(%dma_start3A_20 : memref<128xf32, #tpu.memory_space<hbm>>) target(%arg6 : memref<128xf32, #tpu.memory_space<vmem>>) target_semaphore(%run_scoped3A : memref<!tpu.dma_semaphore, #tpu.memory_space<semaphore_mem>>)
      %dma_wait3A = tpu.memref_slice %arg3[%mul3A_2] : memref<4096xf32, #tpu.memory_space<hbm>> -> memref<128xf32, #tpu.memory_space<hbm>>
      %dma_wait3A_21 = tpu.memref_slice %arg3[%mul3A_2] : memref<4096xf32, #tpu.memory_space<hbm>> -> memref<128xf32, #tpu.memory_space<hbm>>
      tpu.wait_dma2 semaphore(%run_scoped3A : memref<!tpu.dma_semaphore, #tpu.memory_space<semaphore_mem>>) src(%dma_wait3A_21 : memref<128xf32, #tpu.memory_space<hbm>>) dst(%arg6 : memref<128xf32, #tpu.memory_space<vmem>>)
      tpu.yield
    }) : () -> ()
    %iota3A = tpu.iota {dimensions = array<i32: 0>} : vector<16xi32>
    %broadcast_in_dim3A = arith.constant 0x7F800000 : f32
    %broadcast_in_dim3A_3 = vector.broadcast %broadcast_in_dim3A : f32 to vector<16xf32>
    %dma_start3A = arith.constant 0 : i32
    %dma_start3A_4 = tpu.memref_slice %arg2[%mul3A_2, %dma_start3A] : memref<4096x4096xf32, #tpu.memory_space<hbm>> -> memref<1x4096xf32, #tpu.memory_space<hbm>>
    %dma_start3A_5 = tpu.memref_squeeze %dma_start3A_4 : memref<1x4096xf32, #tpu.memory_space<hbm>> -> memref<4096xf32, #tpu.memory_space<hbm>>
    %dma_start3A_6 = arith.constant 0 : i32
    %dma_start3A_7 = tpu.memref_slice %arg2[%mul3A_2, %dma_start3A_6] : memref<4096x4096xf32, #tpu.memory_space<hbm>> -> memref<1x4096xf32, #tpu.memory_space<hbm>>
    %dma_start3A_8 = tpu.memref_squeeze %dma_start3A_7 : memref<1x4096xf32, #tpu.memory_space<hbm>> -> memref<4096xf32, #tpu.memory_space<hbm>>
    tpu.enqueue_dma source(%dma_start3A_8 : memref<4096xf32, #tpu.memory_space<hbm>>) target(%arg7 : memref<4096xf32, #tpu.memory_space<vmem>>) target_semaphore(%arg13 : memref<!tpu.dma_semaphore, #tpu.memory_space<semaphore_mem>>)
    %scan3A = arith.constant 0 : i32
    %scan3A_9 = arith.constant 0 : i32
    %scan3A_10 = arith.constant 64 : i32
    %scan3A_11 = arith.addi %scan3A_9, %scan3A_10 : i32
    %scan3A_12 = arith.constant 1 : i32
    %scan3A_13 = scf.for %scan3A_19 = %scan3A_9 to %scan3A_11 step %scan3A_12 iter_args(%scan3A_20 = %scan3A) -> (i32)  : i32 {
      %mul3A_21 = arith.constant 2 : i32
      %mul3A_22 = arith.muli %mul3A_21, %scan3A_19 : i32
      %add3A_23 = arith.addi %mul3A_2, %mul3A_22 : i32
      %add3A_24 = arith.constant 1 : i32
      %add3A_25 = arith.addi %add3A_23, %add3A_24 : i32
      %dma_start3A_26 = arith.constant 0 : i32
      %dma_start3A_27 = tpu.memref_slice %arg2[%add3A_25, %dma_start3A_26] : memref<4096x4096xf32, #tpu.memory_space<hbm>> -> memref<1x4096xf32, #tpu.memory_space<hbm>>
      %dma_start3A_28 = tpu.memref_squeeze %dma_start3A_27 : memref<1x4096xf32, #tpu.memory_space<hbm>> -> memref<4096xf32, #tpu.memory_space<hbm>>
      %dma_start3A_29 = arith.constant 0 : i32
      %dma_start3A_30 = tpu.memref_slice %arg2[%add3A_25, %dma_start3A_29] : memref<4096x4096xf32, #tpu.memory_space<hbm>> -> memref<1x4096xf32, #tpu.memory_space<hbm>>
      %dma_start3A_31 = tpu.memref_squeeze %dma_start3A_30 : memref<1x4096xf32, #tpu.memory_space<hbm>> -> memref<4096xf32, #tpu.memory_space<hbm>>
      tpu.enqueue_dma source(%dma_start3A_31 : memref<4096xf32, #tpu.memory_space<hbm>>) target(%arg8 : memref<4096xf32, #tpu.memory_space<vmem>>) target_semaphore(%arg14 : memref<!tpu.dma_semaphore, #tpu.memory_space<semaphore_mem>>)
      %add3A_32 = arith.addi %mul3A_2, %mul3A_22 : i32
      %dma_wait3A = arith.constant 0 : i32
      %dma_wait3A_33 = tpu.memref_slice %arg2[%add3A_32, %dma_wait3A] : memref<4096x4096xf32, #tpu.memory_space<hbm>> -> memref<1x4096xf32, #tpu.memory_space<hbm>>
      %dma_wait3A_34 = tpu.memref_squeeze %dma_wait3A_33 : memref<1x4096xf32, #tpu.memory_space<hbm>> -> memref<4096xf32, #tpu.memory_space<hbm>>
      %dma_wait3A_35 = arith.constant 0 : i32
      %dma_wait3A_36 = tpu.memref_slice %arg2[%add3A_32, %dma_wait3A_35] : memref<4096x4096xf32, #tpu.memory_space<hbm>> -> memref<1x4096xf32, #tpu.memory_space<hbm>>
      %dma_wait3A_37 = tpu.memref_squeeze %dma_wait3A_36 : memref<1x4096xf32, #tpu.memory_space<hbm>> -> memref<4096xf32, #tpu.memory_space<hbm>>
      tpu.wait_dma2 semaphore(%arg13 : memref<!tpu.dma_semaphore, #tpu.memory_space<semaphore_mem>>) src(%dma_wait3A_37 : memref<4096xf32, #tpu.memory_space<hbm>>) dst(%arg7 : memref<4096xf32, #tpu.memory_space<vmem>>)
      %jit3A = arith.constant 16 : i32
      %div3A = arith.divsi %mul3A_22, %jit3A : i32
      %sign3A = arith.constant 0 : i32
      %sign3A_38 = arith.cmpi sgt, %mul3A_22, %sign3A : i32
      %sign3A_39 = arith.extui %sign3A_38 : i1 to i32
      %sign3A_40 = arith.constant 0 : i32
      %sign3A_41 = arith.cmpi slt, %mul3A_22, %sign3A_40 : i32
      %sign3A_42 = arith.extui %sign3A_41 : i1 to i32
      %sign3A_43 = arith.subi %sign3A_39, %sign3A_42 : i32
      %sign3A_44 = arith.constant 0 : i32
      %sign3A_45 = arith.cmpi sgt, %jit3A, %sign3A_44 : i32
      %sign3A_46 = arith.extui %sign3A_45 : i1 to i32
      %sign3A_47 = arith.constant 0 : i32
      %sign3A_48 = arith.cmpi slt, %jit3A, %sign3A_47 : i32
      %sign3A_49 = arith.extui %sign3A_48 : i1 to i32
      %sign3A_50 = arith.subi %sign3A_46, %sign3A_49 : i32
      %ne3A = arith.cmpi ne, %sign3A_43, %sign3A_50 : i32
      %rem3A = arith.remsi %mul3A_22, %jit3A : i32
      %ne3A_51 = arith.constant 0 : i32
      %ne3A_52 = arith.cmpi ne, %rem3A, %ne3A_51 : i32
      %and3A = arith.andi %ne3A, %ne3A_52 : i1
      %sub3A = arith.constant 1 : i32
      %sub3A_53 = arith.subi %div3A, %sub3A : i32
      %select_n3A = arith.select %and3A, %sub3A_53, %div3A : i32
      %mul3A_54 = arith.constant 16 : i32
      %mul3A_55 = arith.muli %select_n3A, %mul3A_54 : i32
      %get3A = arith.index_cast %mul3A_55 : i32 to index
      %get3A_56 = tpu.vector_load %arg6[%get3A] {strides = array<i32>} : memref<128xf32, #tpu.memory_space<vmem>>, vector<16xf32>,
      %jit3A_57 = arith.constant 16 : i32
      %eq3A = arith.constant 0 : i32
      %eq3A_58 = arith.cmpi eq, %jit3A_57, %eq3A : i32
      %jit3A_59 = arith.constant 1 : i32
      %select_n3A_60 = arith.select %eq3A_58, %jit3A_59, %jit3A_57 : i32
      %rem3A_61 = arith.remsi %mul3A_22, %select_n3A_60 : i32
      %ne3A_62 = arith.constant 0 : i32
      %ne3A_63 = arith.cmpi ne, %rem3A_61, %ne3A_62 : i32
      %lt3A = arith.constant 0 : i32
      %lt3A_64 = arith.cmpi slt, %rem3A_61, %lt3A : i32
      %lt3A_65 = arith.constant 0 : i32
      %lt3A_66 = arith.cmpi slt, %select_n3A_60, %lt3A_65 : i32
      %ne3A_67 = arith.xori %lt3A_64, %lt3A_66 : i1
      %and3A_68 = arith.andi %ne3A_67, %ne3A_63 : i1
      %add3A_69 = arith.addi %rem3A_61, %select_n3A_60 : i32
      %select_n3A_70 = arith.select %and3A_68, %add3A_69, %rem3A_61 : i32
      %broadcast_in_dim3A_71 = vector.broadcast %select_n3A_70 : i32 to vector<16xi32>
      %lt3A_72 = arith.constant 0 : i32
      %lt3A_73 = vector.broadcast %lt3A_72 : i32 to vector<16xi32>
      %lt3A_74 = arith.cmpi slt, %broadcast_in_dim3A_71, %lt3A_73 : vector<16xi32>
      %add3A_75 = arith.constant 16 : i32
      %add3A_76 = vector.broadcast %add3A_75 : i32 to vector<16xi32>
      %add3A_77 = arith.addi %broadcast_in_dim3A_71, %add3A_76 : vector<16xi32>
      %select_n3A_78 = arith.select %lt3A_74, %add3A_77, %broadcast_in_dim3A_71 : vector<16xi1>, vector<16xi32>
      %broadcast_in_dim3A_79 = vector.shape_cast %select_n3A_78 : vector<16xi32> to vector<16x1xi32>
      %gather3A = vector.shape_cast %broadcast_in_dim3A_79 : vector<16x1xi32> to vector<16xi32>
      %gather3A_80 = tpu.dynamic_gather %get3A_56[%gather3A] in [0] : vector<16xf32>, vector<16xi32> -> vector<16xf32>
      %swap3A = arith.constant 0 : index
      %swap3A_81 = tpu.vector_load %arg9[%swap3A] {strides = array<i32>} : memref<4112xf32, #tpu.memory_space<vmem>>, vector<16xf32>,
      tpu.vector_store %arg9[%swap3A], %broadcast_in_dim3A_3 {strides = array<i32>} : memref<4112xf32, #tpu.memory_space<vmem>>, vector<16xf32>,
      %swap3A_82 = arith.constant 16 : index
      %swap3A_83 = tpu.vector_load %arg9[%swap3A_82] {strides = array<i32>} : memref<4112xf32, #tpu.memory_space<vmem>>, vector<16xf32>,
      tpu.vector_store %arg9[%swap3A_82], %broadcast_in_dim3A_3 {strides = array<i32>} : memref<4112xf32, #tpu.memory_space<vmem>>, vector<16xf32>,
      %swap3A_84 = arith.constant 32 : index
      %swap3A_85 = tpu.vector_load %arg9[%swap3A_84] {strides = array<i32>} : memref<4112xf32, #tpu.memory_space<vmem>>, vector<16xf32>,
      tpu.vector_store %arg9[%swap3A_84], %broadcast_in_dim3A_3 {strides = array<i32>} : memref<4112xf32, #tpu.memory_space<vmem>>, vector<16xf32>,
      %swap3A_86 = arith.constant 48 : index
      %swap3A_87 = tpu.vector_load %arg9[%swap3A_86] {strides = array<i32>} : memref<4112xf32, #tpu.memory_space<vmem>>, vector<16xf32>,
      tpu.vector_store %arg9[%swap3A_86], %broadcast_in_dim3A_3 {strides = array<i32>} : memref<4112xf32, #tpu.memory_space<vmem>>, vector<16xf32>,
      %scan3A_88 = arith.constant 0 : i32
      %scan3A_89 = arith.constant 0 : i32
      %scan3A_90 = arith.constant 8 : i32
      %scan3A_91 = arith.addi %scan3A_89, %scan3A_90 : i32
      %scan3A_92 = arith.constant 1 : i32
      %scan3A_93 = scf.for %scan3A_276 = %scan3A_89 to %scan3A_91 step %scan3A_92 iter_args(%scan3A_277 = %scan3A_88) -> (i32)  : i32 {
        %mul3A_278 = arith.constant 32 : i32
        %mul3A_279 = arith.muli %scan3A_276, %mul3A_278 : i32
        %add3A_280 = arith.constant 0 : i32
        %add3A_281 = arith.addi %mul3A_279, %add3A_280 : i32
        %mul3A_282 = arith.constant 16 : i32
        %mul3A_283 = arith.muli %add3A_281, %mul3A_282 : i32
        %get3A_284 = arith.index_cast %mul3A_283 : i32 to index
        %get3A_285 = tpu.vector_load %arg7[%get3A_284] {strides = array<i32>} : memref<4096xf32, #tpu.memory_space<vmem>>, vector<16xf32>,
        %mul3A_286 = arith.constant 32 : i32
        %mul3A_287 = arith.muli %scan3A_276, %mul3A_286 : i32
        %add3A_288 = arith.constant 1 : i32
        %add3A_289 = arith.addi %mul3A_287, %add3A_288 : i32
        %mul3A_290 = arith.constant 16 : i32
        %mul3A_291 = arith.muli %add3A_289, %mul3A_290 : i32
        %get3A_292 = arith.index_cast %mul3A_291 : i32 to index
        %get3A_293 = tpu.vector_load %arg7[%get3A_292] {strides = array<i32>} : memref<4096xf32, #tpu.memory_space<vmem>>, vector<16xf32>,
        %mul3A_294 = arith.constant 32 : i32
        %mul3A_295 = arith.muli %scan3A_276, %mul3A_294 : i32
        %add3A_296 = arith.constant 2 : i32
        %add3A_297 = arith.addi %mul3A_295, %add3A_296 : i32
        %mul3A_298 = arith.constant 16 : i32
        %mul3A_299 = arith.muli %add3A_297, %mul3A_298 : i32
        %get3A_300 = arith.index_cast %mul3A_299 : i32 to index
        %get3A_301 = tpu.vector_load %arg7[%get3A_300] {strides = array<i32>} : memref<4096xf32, #tpu.memory_space<vmem>>, vector<16xf32>,
        %mul3A_302 = arith.constant 32 : i32
        %mul3A_303 = arith.muli %scan3A_276, %mul3A_302 : i32
        %add3A_304 = arith.constant 3 : i32
        %add3A_305 = arith.addi %mul3A_303, %add3A_304 : i32
        %mul3A_306 = arith.constant 16 : i32
        %mul3A_307 = arith.muli %add3A_305, %mul3A_306 : i32
        %get3A_308 = arith.index_cast %mul3A_307 : i32 to index
        %get3A_309 = tpu.vector_load %arg7[%get3A_308] {strides = array<i32>} : memref<4096xf32, #tpu.memory_space<vmem>>, vector<16xf32>,
        %mul3A_310 = arith.constant 32 : i32
        %mul3A_311 = arith.muli %scan3A_276, %mul3A_310 : i32
        %add3A_312 = arith.constant 4 : i32
        %add3A_313 = arith.addi %mul3A_311, %add3A_312 : i32
        %mul3A_314 = arith.constant 16 : i32
        %mul3A_315 = arith.muli %add3A_313, %mul3A_314 : i32
        %get3A_316 = arith.index_cast %mul3A_315 : i32 to index
        %get3A_317 = tpu.vector_load %arg7[%get3A_316] {strides = array<i32>} : memref<4096xf32, #tpu.memory_space<vmem>>, vector<16xf32>,
        %mul3A_318 = arith.constant 32 : i32
        %mul3A_319 = arith.muli %scan3A_276, %mul3A_318 : i32
        %add3A_320 = arith.constant 5 : i32
        %add3A_321 = arith.addi %mul3A_319, %add3A_320 : i32
        %mul3A_322 = arith.constant 16 : i32
        %mul3A_323 = arith.muli %add3A_321, %mul3A_322 : i32
        %get3A_324 = arith.index_cast %mul3A_323 : i32 to index
        %get3A_325 = tpu.vector_load %arg7[%get3A_324] {strides = array<i32>} : memref<4096xf32, #tpu.memory_space<vmem>>, vector<16xf32>,
        %mul3A_326 = arith.constant 32 : i32
        %mul3A_327 = arith.muli %scan3A_276, %mul3A_326 : i32
        %add3A_328 = arith.constant 6 : i32
        %add3A_329 = arith.addi %mul3A_327, %add3A_328 : i32
        %mul3A_330 = arith.constant 16 : i32
        %mul3A_331 = arith.muli %add3A_329, %mul3A_330 : i32
        %get3A_332 = arith.index_cast %mul3A_331 : i32 to index
        %get3A_333 = tpu.vector_load %arg7[%get3A_332] {strides = array<i32>} : memref<4096xf32, #tpu.memory_space<vmem>>, vector<16xf32>,
        %mul3A_334 = arith.constant 32 : i32
        %mul3A_335 = arith.muli %scan3A_276, %mul3A_334 : i32
        %add3A_336 = arith.constant 7 : i32
        %add3A_337 = arith.addi %mul3A_335, %add3A_336 : i32
        %mul3A_338 = arith.constant 16 : i32
        %mul3A_339 = arith.muli %add3A_337, %mul3A_338 : i32
        %get3A_340 = arith.index_cast %mul3A_339 : i32 to index
        %get3A_341 = tpu.vector_load %arg7[%get3A_340] {strides = array<i32>} : memref<4096xf32, #tpu.memory_space<vmem>>, vector<16xf32>,
        %mul3A_342 = arith.constant 32 : i32
        %mul3A_343 = arith.muli %scan3A_276, %mul3A_342 : i32
        %add3A_344 = arith.constant 8 : i32
        %add3A_345 = arith.addi %mul3A_343, %add3A_344 : i32
        %mul3A_346 = arith.constant 16 : i32
        %mul3A_347 = arith.muli %add3A_345, %mul3A_346 : i32
        %get3A_348 = arith.index_cast %mul3A_347 : i32 to index
        %get3A_349 = tpu.vector_load %arg7[%get3A_348] {strides = array<i32>} : memref<4096xf32, #tpu.memory_space<vmem>>, vector<16xf32>,
        %mul3A_350 = arith.constant 32 : i32
        %mul3A_351 = arith.muli %scan3A_276, %mul3A_350 : i32
        %add3A_352 = arith.constant 9 : i32
        %add3A_353 = arith.addi %mul3A_351, %add3A_352 : i32
        %mul3A_354 = arith.constant 16 : i32
        %mul3A_355 = arith.muli %add3A_353, %mul3A_354 : i32
        %get3A_356 = arith.index_cast %mul3A_355 : i32 to index
        %get3A_357 = tpu.vector_load %arg7[%get3A_356] {strides = array<i32>} : memref<4096xf32, #tpu.memory_space<vmem>>, vector<16xf32>,
        %mul3A_358 = arith.constant 32 : i32
        %mul3A_359 = arith.muli %scan3A_276, %mul3A_358 : i32
        %add3A_360 = arith.constant 10 : i32
        %add3A_361 = arith.addi %mul3A_359, %add3A_360 : i32
        %mul3A_362 = arith.constant 16 : i32
        %mul3A_363 = arith.muli %add3A_361, %mul3A_362 : i32
        %get3A_364 = arith.index_cast %mul3A_363 : i32 to index
        %get3A_365 = tpu.vector_load %arg7[%get3A_364] {strides = array<i32>} : memref<4096xf32, #tpu.memory_space<vmem>>, vector<16xf32>,
        %mul3A_366 = arith.constant 32 : i32
        %mul3A_367 = arith.muli %scan3A_276, %mul3A_366 : i32
        %add3A_368 = arith.constant 11 : i32
        %add3A_369 = arith.addi %mul3A_367, %add3A_368 : i32
        %mul3A_370 = arith.constant 16 : i32
        %mul3A_371 = arith.muli %add3A_369, %mul3A_370 : i32
        %get3A_372 = arith.index_cast %mul3A_371 : i32 to index
        %get3A_373 = tpu.vector_load %arg7[%get3A_372] {strides = array<i32>} : memref<4096xf32, #tpu.memory_space<vmem>>, vector<16xf32>,
        %mul3A_374 = arith.constant 32 : i32
        %mul3A_375 = arith.muli %scan3A_276, %mul3A_374 : i32
        %add3A_376 = arith.constant 12 : i32
        %add3A_377 = arith.addi %mul3A_375, %add3A_376 : i32
        %mul3A_378 = arith.constant 16 : i32
        %mul3A_379 = arith.muli %add3A_377, %mul3A_378 : i32
        %get3A_380 = arith.index_cast %mul3A_379 : i32 to index
        %get3A_381 = tpu.vector_load %arg7[%get3A_380] {strides = array<i32>} : memref<4096xf32, #tpu.memory_space<vmem>>, vector<16xf32>,
        %mul3A_382 = arith.constant 32 : i32
        %mul3A_383 = arith.muli %scan3A_276, %mul3A_382 : i32
        %add3A_384 = arith.constant 13 : i32
        %add3A_385 = arith.addi %mul3A_383, %add3A_384 : i32
        %mul3A_386 = arith.constant 16 : i32
        %mul3A_387 = arith.muli %add3A_385, %mul3A_386 : i32
        %get3A_388 = arith.index_cast %mul3A_387 : i32 to index
        %get3A_389 = tpu.vector_load %arg7[%get3A_388] {strides = array<i32>} : memref<4096xf32, #tpu.memory_space<vmem>>, vector<16xf32>,
        %mul3A_390 = arith.constant 32 : i32
        %mul3A_391 = arith.muli %scan3A_276, %mul3A_390 : i32
        %add3A_392 = arith.constant 14 : i32
        %add3A_393 = arith.addi %mul3A_391, %add3A_392 : i32
        %mul3A_394 = arith.constant 16 : i32
        %mul3A_395 = arith.muli %add3A_393, %mul3A_394 : i32
        %get3A_396 = arith.index_cast %mul3A_395 : i32 to index
        %get3A_397 = tpu.vector_load %arg7[%get3A_396] {strides = array<i32>} : memref<4096xf32, #tpu.memory_space<vmem>>, vector<16xf32>,
        %mul3A_398 = arith.constant 32 : i32
        %mul3A_399 = arith.muli %scan3A_276, %mul3A_398 : i32
        %add3A_400 = arith.constant 15 : i32
        %add3A_401 = arith.addi %mul3A_399, %add3A_400 : i32
        %mul3A_402 = arith.constant 16 : i32
        %mul3A_403 = arith.muli %add3A_401, %mul3A_402 : i32
        %get3A_404 = arith.index_cast %mul3A_403 : i32 to index
        %get3A_405 = tpu.vector_load %arg7[%get3A_404] {strides = array<i32>} : memref<4096xf32, #tpu.memory_space<vmem>>, vector<16xf32>,
        %mul3A_406 = arith.constant 32 : i32
        %mul3A_407 = arith.muli %scan3A_276, %mul3A_406 : i32
        %add3A_408 = arith.constant 16 : i32
        %add3A_409 = arith.addi %mul3A_407, %add3A_408 : i32
        %mul3A_410 = arith.constant 16 : i32
        %mul3A_411 = arith.muli %add3A_409, %mul3A_410 : i32
        %get3A_412 = arith.index_cast %mul3A_411 : i32 to index
        %get3A_413 = tpu.vector_load %arg7[%get3A_412] {strides = array<i32>} : memref<4096xf32, #tpu.memory_space<vmem>>, vector<16xf32>,
        %mul3A_414 = arith.constant 32 : i32
        %mul3A_415 = arith.muli %scan3A_276, %mul3A_414 : i32
        %add3A_416 = arith.constant 17 : i32
        %add3A_417 = arith.addi %mul3A_415, %add3A_416 : i32
        %mul3A_418 = arith.constant 16 : i32
        %mul3A_419 = arith.muli %add3A_417, %mul3A_418 : i32
        %get3A_420 = arith.index_cast %mul3A_419 : i32 to index
        %get3A_421 = tpu.vector_load %arg7[%get3A_420] {strides = array<i32>} : memref<4096xf32, #tpu.memory_space<vmem>>, vector<16xf32>,
        %mul3A_422 = arith.constant 32 : i32
        %mul3A_423 = arith.muli %scan3A_276, %mul3A_422 : i32
        %add3A_424 = arith.constant 18 : i32
        %add3A_425 = arith.addi %mul3A_423, %add3A_424 : i32
        %mul3A_426 = arith.constant 16 : i32
        %mul3A_427 = arith.muli %add3A_425, %mul3A_426 : i32
        %get3A_428 = arith.index_cast %mul3A_427 : i32 to index
        %get3A_429 = tpu.vector_load %arg7[%get3A_428] {strides = array<i32>} : memref<4096xf32, #tpu.memory_space<vmem>>, vector<16xf32>,
        %mul3A_430 = arith.constant 32 : i32
        %mul3A_431 = arith.muli %scan3A_276, %mul3A_430 : i32
        %add3A_432 = arith.constant 19 : i32
        %add3A_433 = arith.addi %mul3A_431, %add3A_432 : i32
        %mul3A_434 = arith.constant 16 : i32
        %mul3A_435 = arith.muli %add3A_433, %mul3A_434 : i32
        %get3A_436 = arith.index_cast %mul3A_435 : i32 to index
        %get3A_437 = tpu.vector_load %arg7[%get3A_436] {strides = array<i32>} : memref<4096xf32, #tpu.memory_space<vmem>>, vector<16xf32>,
        %mul3A_438 = arith.constant 32 : i32
        %mul3A_439 = arith.muli %scan3A_276, %mul3A_438 : i32
        %add3A_440 = arith.constant 20 : i32
        %add3A_441 = arith.addi %mul3A_439, %add3A_440 : i32
        %mul3A_442 = arith.constant 16 : i32
        %mul3A_443 = arith.muli %add3A_441, %mul3A_442 : i32
        %get3A_444 = arith.index_cast %mul3A_443 : i32 to index
        %get3A_445 = tpu.vector_load %arg7[%get3A_444] {strides = array<i32>} : memref<4096xf32, #tpu.memory_space<vmem>>, vector<16xf32>,
        %mul3A_446 = arith.constant 32 : i32
        %mul3A_447 = arith.muli %scan3A_276, %mul3A_446 : i32
        %add3A_448 = arith.constant 21 : i32
        %add3A_449 = arith.addi %mul3A_447, %add3A_448 : i32
        %mul3A_450 = arith.constant 16 : i32
        %mul3A_451 = arith.muli %add3A_449, %mul3A_450 : i32
        %get3A_452 = arith.index_cast %mul3A_451 : i32 to index
        %get3A_453 = tpu.vector_load %arg7[%get3A_452] {strides = array<i32>} : memref<4096xf32, #tpu.memory_space<vmem>>, vector<16xf32>,
        %mul3A_454 = arith.constant 32 : i32
        %mul3A_455 = arith.muli %scan3A_276, %mul3A_454 : i32
        %add3A_456 = arith.constant 22 : i32
        %add3A_457 = arith.addi %mul3A_455, %add3A_456 : i32
        %mul3A_458 = arith.constant 16 : i32
        %mul3A_459 = arith.muli %add3A_457, %mul3A_458 : i32
        %get3A_460 = arith.index_cast %mul3A_459 : i32 to index
        %get3A_461 = tpu.vector_load %arg7[%get3A_460] {strides = array<i32>} : memref<4096xf32, #tpu.memory_space<vmem>>, vector<16xf32>,
        %mul3A_462 = arith.constant 32 : i32
        %mul3A_463 = arith.muli %scan3A_276, %mul3A_462 : i32
        %add3A_464 = arith.constant 23 : i32
        %add3A_465 = arith.addi %mul3A_463, %add3A_464 : i32
        %mul3A_466 = arith.constant 16 : i32
        %mul3A_467 = arith.muli %add3A_465, %mul3A_466 : i32
        %get3A_468 = arith.index_cast %mul3A_467 : i32 to index
        %get3A_469 = tpu.vector_load %arg7[%get3A_468] {strides = array<i32>} : memref<4096xf32, #tpu.memory_space<vmem>>, vector<16xf32>,
        %mul3A_470 = arith.constant 32 : i32
        %mul3A_471 = arith.muli %scan3A_276, %mul3A_470 : i32
        %add3A_472 = arith.constant 24 : i32
        %add3A_473 = arith.addi %mul3A_471, %add3A_472 : i32
        %mul3A_474 = arith.constant 16 : i32
        %mul3A_475 = arith.muli %add3A_473, %mul3A_474 : i32
        %get3A_476 = arith.index_cast %mul3A_475 : i32 to index
        %get3A_477 = tpu.vector_load %arg7[%get3A_476] {strides = array<i32>} : memref<4096xf32, #tpu.memory_space<vmem>>, vector<16xf32>,
        %mul3A_478 = arith.constant 32 : i32
        %mul3A_479 = arith.muli %scan3A_276, %mul3A_478 : i32
        %add3A_480 = arith.constant 25 : i32
        %add3A_481 = arith.addi %mul3A_479, %add3A_480 : i32
        %mul3A_482 = arith.constant 16 : i32
        %mul3A_483 = arith.muli %add3A_481, %mul3A_482 : i32
        %get3A_484 = arith.index_cast %mul3A_483 : i32 to index
        %get3A_485 = tpu.vector_load %arg7[%get3A_484] {strides = array<i32>} : memref<4096xf32, #tpu.memory_space<vmem>>, vector<16xf32>,
        %mul3A_486 = arith.constant 32 : i32
        %mul3A_487 = arith.muli %scan3A_276, %mul3A_486 : i32
        %add3A_488 = arith.constant 26 : i32
        %add3A_489 = arith.addi %mul3A_487, %add3A_488 : i32
        %mul3A_490 = arith.constant 16 : i32
        %mul3A_491 = arith.muli %add3A_489, %mul3A_490 : i32
        %get3A_492 = arith.index_cast %mul3A_491 : i32 to index
        %get3A_493 = tpu.vector_load %arg7[%get3A_492] {strides = array<i32>} : memref<4096xf32, #tpu.memory_space<vmem>>, vector<16xf32>,
        %mul3A_494 = arith.constant 32 : i32
        %mul3A_495 = arith.muli %scan3A_276, %mul3A_494 : i32
        %add3A_496 = arith.constant 27 : i32
        %add3A_497 = arith.addi %mul3A_495, %add3A_496 : i32
        %mul3A_498 = arith.constant 16 : i32
        %mul3A_499 = arith.muli %add3A_497, %mul3A_498 : i32
        %get3A_500 = arith.index_cast %mul3A_499 : i32 to index
        %get3A_501 = tpu.vector_load %arg7[%get3A_500] {strides = array<i32>} : memref<4096xf32, #tpu.memory_space<vmem>>, vector<16xf32>,
        %mul3A_502 = arith.constant 32 : i32
        %mul3A_503 = arith.muli %scan3A_276, %mul3A_502 : i32
        %add3A_504 = arith.constant 28 : i32
        %add3A_505 = arith.addi %mul3A_503, %add3A_504 : i32
        %mul3A_506 = arith.constant 16 : i32
        %mul3A_507 = arith.muli %add3A_505, %mul3A_506 : i32
        %get3A_508 = arith.index_cast %mul3A_507 : i32 to index
        %get3A_509 = tpu.vector_load %arg7[%get3A_508] {strides = array<i32>} : memref<4096xf32, #tpu.memory_space<vmem>>, vector<16xf32>,
        %mul3A_510 = arith.constant 32 : i32
        %mul3A_511 = arith.muli %scan3A_276, %mul3A_510 : i32
        %add3A_512 = arith.constant 29 : i32
        %add3A_513 = arith.addi %mul3A_511, %add3A_512 : i32
        %mul3A_514 = arith.constant 16 : i32
        %mul3A_515 = arith.muli %add3A_513, %mul3A_514 : i32
        %get3A_516 = arith.index_cast %mul3A_515 : i32 to index
        %get3A_517 = tpu.vector_load %arg7[%get3A_516] {strides = array<i32>} : memref<4096xf32, #tpu.memory_space<vmem>>, vector<16xf32>,
        %mul3A_518 = arith.constant 32 : i32
        %mul3A_519 = arith.muli %scan3A_276, %mul3A_518 : i32
        %add3A_520 = arith.constant 30 : i32
        %add3A_521 = arith.addi %mul3A_519, %add3A_520 : i32
        %mul3A_522 = arith.constant 16 : i32
        %mul3A_523 = arith.muli %add3A_521, %mul3A_522 : i32
        %get3A_524 = arith.index_cast %mul3A_523 : i32 to index
        %get3A_525 = tpu.vector_load %arg7[%get3A_524] {strides = array<i32>} : memref<4096xf32, #tpu.memory_space<vmem>>, vector<16xf32>,
        %mul3A_526 = arith.constant 32 : i32
        %mul3A_527 = arith.muli %scan3A_276, %mul3A_526 : i32
        %add3A_528 = arith.constant 31 : i32
        %add3A_529 = arith.addi %mul3A_527, %add3A_528 : i32
        %mul3A_530 = arith.constant 16 : i32
        %mul3A_531 = arith.muli %add3A_529, %mul3A_530 : i32
        %get3A_532 = arith.index_cast %mul3A_531 : i32 to index
        %get3A_533 = tpu.vector_load %arg7[%get3A_532] {strides = array<i32>} : memref<4096xf32, #tpu.memory_space<vmem>>, vector<16xf32>,
        %le3A_534 = arith.cmpf ole, %get3A_285, %gather3A_80 : vector<16xf32>
        %le3A_535 = arith.cmpf ole, %get3A_293, %gather3A_80 : vector<16xf32>
        %le3A_536 = arith.cmpf ole, %get3A_301, %gather3A_80 : vector<16xf32>
        %le3A_537 = arith.cmpf ole, %get3A_309, %gather3A_80 : vector<16xf32>
        %le3A_538 = arith.cmpf ole, %get3A_317, %gather3A_80 : vector<16xf32>
        %le3A_539 = arith.cmpf ole, %get3A_325, %gather3A_80 : vector<16xf32>
        %le3A_540 = arith.cmpf ole, %get3A_333, %gather3A_80 : vector<16xf32>
        %le3A_541 = arith.cmpf ole, %get3A_341, %gather3A_80 : vector<16xf32>
        %le3A_542 = arith.cmpf ole, %get3A_349, %gather3A_80 : vector<16xf32>
        %le3A_543 = arith.cmpf ole, %get3A_357, %gather3A_80 : vector<16xf32>
        %le3A_544 = arith.cmpf ole, %get3A_365, %gather3A_80 : vector<16xf32>
        %le3A_545 = arith.cmpf ole, %get3A_373, %gather3A_80 : vector<16xf32>
        %le3A_546 = arith.cmpf ole, %get3A_381, %gather3A_80 : vector<16xf32>
        %le3A_547 = arith.cmpf ole, %get3A_389, %gather3A_80 : vector<16xf32>
        %le3A_548 = arith.cmpf ole, %get3A_397, %gather3A_80 : vector<16xf32>
        %le3A_549 = arith.cmpf ole, %get3A_405, %gather3A_80 : vector<16xf32>
        %le3A_550 = arith.cmpf ole, %get3A_413, %gather3A_80 : vector<16xf32>
        %le3A_551 = arith.cmpf ole, %get3A_421, %gather3A_80 : vector<16xf32>
        %le3A_552 = arith.cmpf ole, %get3A_429, %gather3A_80 : vector<16xf32>
        %le3A_553 = arith.cmpf ole, %get3A_437, %gather3A_80 : vector<16xf32>
        %le3A_554 = arith.cmpf ole, %get3A_445, %gather3A_80 : vector<16xf32>
        %le3A_555 = arith.cmpf ole, %get3A_453, %gather3A_80 : vector<16xf32>
        %le3A_556 = arith.cmpf ole, %get3A_461, %gather3A_80 : vector<16xf32>
        %le3A_557 = arith.cmpf ole, %get3A_469, %gather3A_80 : vector<16xf32>
        %le3A_558 = arith.cmpf ole, %get3A_477, %gather3A_80 : vector<16xf32>
        %le3A_559 = arith.cmpf ole, %get3A_485, %gather3A_80 : vector<16xf32>
        %le3A_560 = arith.cmpf ole, %get3A_493, %gather3A_80 : vector<16xf32>
        %le3A_561 = arith.cmpf ole, %get3A_501, %gather3A_80 : vector<16xf32>
        %le3A_562 = arith.cmpf ole, %get3A_509, %gather3A_80 : vector<16xf32>
        %le3A_563 = arith.cmpf ole, %get3A_517, %gather3A_80 : vector<16xf32>
        %le3A_564 = arith.cmpf ole, %get3A_525, %gather3A_80 : vector<16xf32>
        %le3A_565 = arith.cmpf ole, %get3A_533, %gather3A_80 : vector<16xf32>
        %all_reduce_population_count3A = tpu.all_reduce %le3A_534 {dim = 0 : i64, kind = #tpu.reduction_kind<sum>} : vector<16xi1> -> vector<16xi32>
        %slice3A = vector.extract_strided_slice %all_reduce_population_count3A {offsets = [0], sizes = [1], strides = [1]} : vector<16xi32> to vector<1xi32>
        %squeeze3A = vector.extract %slice3A[0] : i32 from vector<1xi32>
        %all_reduce_population_count3A_566 = tpu.all_reduce %le3A_535 {dim = 0 : i64, kind = #tpu.reduction_kind<sum>} : vector<16xi1> -> vector<16xi32>
        %slice3A_567 = vector.extract_strided_slice %all_reduce_population_count3A_566 {offsets = [0], sizes = [1], strides = [1]} : vector<16xi32> to vector<1xi32>
        %squeeze3A_568 = vector.extract %slice3A_567[0] : i32 from vector<1xi32>
        %all_reduce_population_count3A_569 = tpu.all_reduce %le3A_536 {dim = 0 : i64, kind = #tpu.reduction_kind<sum>} : vector<16xi1> -> vector<16xi32>
        %slice3A_570 = vector.extract_strided_slice %all_reduce_population_count3A_569 {offsets = [0], sizes = [1], strides = [1]} : vector<16xi32> to vector<1xi32>
        %squeeze3A_571 = vector.extract %slice3A_570[0] : i32 from vector<1xi32>
        %all_reduce_population_count3A_572 = tpu.all_reduce %le3A_537 {dim = 0 : i64, kind = #tpu.reduction_kind<sum>} : vector<16xi1> -> vector<16xi32>
        %slice3A_573 = vector.extract_strided_slice %all_reduce_population_count3A_572 {offsets = [0], sizes = [1], strides = [1]} : vector<16xi32> to vector<1xi32>
        %squeeze3A_574 = vector.extract %slice3A_573[0] : i32 from vector<1xi32>
        %all_reduce_population_count3A_575 = tpu.all_reduce %le3A_538 {dim = 0 : i64, kind = #tpu.reduction_kind<sum>} : vector<16xi1> -> vector<16xi32>
        %slice3A_576 = vector.extract_strided_slice %all_reduce_population_count3A_575 {offsets = [0], sizes = [1], strides = [1]} : vector<16xi32> to vector<1xi32>
        %squeeze3A_577 = vector.extract %slice3A_576[0] : i32 from vector<1xi32>
        %all_reduce_population_count3A_578 = tpu.all_reduce %le3A_539 {dim = 0 : i64, kind = #tpu.reduction_kind<sum>} : vector<16xi1> -> vector<16xi32>
        %slice3A_579 = vector.extract_strided_slice %all_reduce_population_count3A_578 {offsets = [0], sizes = [1], strides = [1]} : vector<16xi32> to vector<1xi32>
        %squeeze3A_580 = vector.extract %slice3A_579[0] : i32 from vector<1xi32>
        %all_reduce_population_count3A_581 = tpu.all_reduce %le3A_540 {dim = 0 : i64, kind = #tpu.reduction_kind<sum>} : vector<16xi1> -> vector<16xi32>
        %slice3A_582 = vector.extract_strided_slice %all_reduce_population_count3A_581 {offsets = [0], sizes = [1], strides = [1]} : vector<16xi32> to vector<1xi32>
        %squeeze3A_583 = vector.extract %slice3A_582[0] : i32 from vector<1xi32>
        %all_reduce_population_count3A_584 = tpu.all_reduce %le3A_541 {dim = 0 : i64, kind = #tpu.reduction_kind<sum>} : vector<16xi1> -> vector<16xi32>
        %slice3A_585 = vector.extract_strided_slice %all_reduce_population_count3A_584 {offsets = [0], sizes = [1], strides = [1]} : vector<16xi32> to vector<1xi32>
        %squeeze3A_586 = vector.extract %slice3A_585[0] : i32 from vector<1xi32>
        %all_reduce_population_count3A_587 = tpu.all_reduce %le3A_542 {dim = 0 : i64, kind = #tpu.reduction_kind<sum>} : vector<16xi1> -> vector<16xi32>
        %slice3A_588 = vector.extract_strided_slice %all_reduce_population_count3A_587 {offsets = [0], sizes = [1], strides = [1]} : vector<16xi32> to vector<1xi32>
        %squeeze3A_589 = vector.extract %slice3A_588[0] : i32 from vector<1xi32>
        %all_reduce_population_count3A_590 = tpu.all_reduce %le3A_543 {dim = 0 : i64, kind = #tpu.reduction_kind<sum>} : vector<16xi1> -> vector<16xi32>
        %slice3A_591 = vector.extract_strided_slice %all_reduce_population_count3A_590 {offsets = [0], sizes = [1], strides = [1]} : vector<16xi32> to vector<1xi32>
        %squeeze3A_592 = vector.extract %slice3A_591[0] : i32 from vector<1xi32>
        %all_reduce_population_count3A_593 = tpu.all_reduce %le3A_544 {dim = 0 : i64, kind = #tpu.reduction_kind<sum>} : vector<16xi1> -> vector<16xi32>
        %slice3A_594 = vector.extract_strided_slice %all_reduce_population_count3A_593 {offsets = [0], sizes = [1], strides = [1]} : vector<16xi32> to vector<1xi32>
        %squeeze3A_595 = vector.extract %slice3A_594[0] : i32 from vector<1xi32>
        %all_reduce_population_count3A_596 = tpu.all_reduce %le3A_545 {dim = 0 : i64, kind = #tpu.reduction_kind<sum>} : vector<16xi1> -> vector<16xi32>
        %slice3A_597 = vector.extract_strided_slice %all_reduce_population_count3A_596 {offsets = [0], sizes = [1], strides = [1]} : vector<16xi32> to vector<1xi32>
        %squeeze3A_598 = vector.extract %slice3A_597[0] : i32 from vector<1xi32>
        %all_reduce_population_count3A_599 = tpu.all_reduce %le3A_546 {dim = 0 : i64, kind = #tpu.reduction_kind<sum>} : vector<16xi1> -> vector<16xi32>
        %slice3A_600 = vector.extract_strided_slice %all_reduce_population_count3A_599 {offsets = [0], sizes = [1], strides = [1]} : vector<16xi32> to vector<1xi32>
        %squeeze3A_601 = vector.extract %slice3A_600[0] : i32 from vector<1xi32>
        %all_reduce_population_count3A_602 = tpu.all_reduce %le3A_547 {dim = 0 : i64, kind = #tpu.reduction_kind<sum>} : vector<16xi1> -> vector<16xi32>
        %slice3A_603 = vector.extract_strided_slice %all_reduce_population_count3A_602 {offsets = [0], sizes = [1], strides = [1]} : vector<16xi32> to vector<1xi32>
        %squeeze3A_604 = vector.extract %slice3A_603[0] : i32 from vector<1xi32>
        %all_reduce_population_count3A_605 = tpu.all_reduce %le3A_548 {dim = 0 : i64, kind = #tpu.reduction_kind<sum>} : vector<16xi1> -> vector<16xi32>
        %slice3A_606 = vector.extract_strided_slice %all_reduce_population_count3A_605 {offsets = [0], sizes = [1], strides = [1]} : vector<16xi32> to vector<1xi32>
        %squeeze3A_607 = vector.extract %slice3A_606[0] : i32 from vector<1xi32>
        %all_reduce_population_count3A_608 = tpu.all_reduce %le3A_549 {dim = 0 : i64, kind = #tpu.reduction_kind<sum>} : vector<16xi1> -> vector<16xi32>
        %slice3A_609 = vector.extract_strided_slice %all_reduce_population_count3A_608 {offsets = [0], sizes = [1], strides = [1]} : vector<16xi32> to vector<1xi32>
        %squeeze3A_610 = vector.extract %slice3A_609[0] : i32 from vector<1xi32>
        %all_reduce_population_count3A_611 = tpu.all_reduce %le3A_550 {dim = 0 : i64, kind = #tpu.reduction_kind<sum>} : vector<16xi1> -> vector<16xi32>
        %slice3A_612 = vector.extract_strided_slice %all_reduce_population_count3A_611 {offsets = [0], sizes = [1], strides = [1]} : vector<16xi32> to vector<1xi32>
        %squeeze3A_613 = vector.extract %slice3A_612[0] : i32 from vector<1xi32>
        %all_reduce_population_count3A_614 = tpu.all_reduce %le3A_551 {dim = 0 : i64, kind = #tpu.reduction_kind<sum>} : vector<16xi1> -> vector<16xi32>
        %slice3A_615 = vector.extract_strided_slice %all_reduce_population_count3A_614 {offsets = [0], sizes = [1], strides = [1]} : vector<16xi32> to vector<1xi32>
        %squeeze3A_616 = vector.extract %slice3A_615[0] : i32 from vector<1xi32>
        %all_reduce_population_count3A_617 = tpu.all_reduce %le3A_552 {dim = 0 : i64, kind = #tpu.reduction_kind<sum>} : vector<16xi1> -> vector<16xi32>
        %slice3A_618 = vector.extract_strided_slice %all_reduce_population_count3A_617 {offsets = [0], sizes = [1], strides = [1]} : vector<16xi32> to vector<1xi32>
        %squeeze3A_619 = vector.extract %slice3A_618[0] : i32 from vector<1xi32>
        %all_reduce_population_count3A_620 = tpu.all_reduce %le3A_553 {dim = 0 : i64, kind = #tpu.reduction_kind<sum>} : vector<16xi1> -> vector<16xi32>
        %slice3A_621 = vector.extract_strided_slice %all_reduce_population_count3A_620 {offsets = [0], sizes = [1], strides = [1]} : vector<16xi32> to vector<1xi32>
        %squeeze3A_622 = vector.extract %slice3A_621[0] : i32 from vector<1xi32>
        %all_reduce_population_count3A_623 = tpu.all_reduce %le3A_554 {dim = 0 : i64, kind = #tpu.reduction_kind<sum>} : vector<16xi1> -> vector<16xi32>
        %slice3A_624 = vector.extract_strided_slice %all_reduce_population_count3A_623 {offsets = [0], sizes = [1], strides = [1]} : vector<16xi32> to vector<1xi32>
        %squeeze3A_625 = vector.extract %slice3A_624[0] : i32 from vector<1xi32>
        %all_reduce_population_count3A_626 = tpu.all_reduce %le3A_555 {dim = 0 : i64, kind = #tpu.reduction_kind<sum>} : vector<16xi1> -> vector<16xi32>
        %slice3A_627 = vector.extract_strided_slice %all_reduce_population_count3A_626 {offsets = [0], sizes = [1], strides = [1]} : vector<16xi32> to vector<1xi32>
        %squeeze3A_628 = vector.extract %slice3A_627[0] : i32 from vector<1xi32>
        %all_reduce_population_count3A_629 = tpu.all_reduce %le3A_556 {dim = 0 : i64, kind = #tpu.reduction_kind<sum>} : vector<16xi1> -> vector<16xi32>
        %slice3A_630 = vector.extract_strided_slice %all_reduce_population_count3A_629 {offsets = [0], sizes = [1], strides = [1]} : vector<16xi32> to vector<1xi32>
        %squeeze3A_631 = vector.extract %slice3A_630[0] : i32 from vector<1xi32>
        %all_reduce_population_count3A_632 = tpu.all_reduce %le3A_557 {dim = 0 : i64, kind = #tpu.reduction_kind<sum>} : vector<16xi1> -> vector<16xi32>
        %slice3A_633 = vector.extract_strided_slice %all_reduce_population_count3A_632 {offsets = [0], sizes = [1], strides = [1]} : vector<16xi32> to vector<1xi32>
        %squeeze3A_634 = vector.extract %slice3A_633[0] : i32 from vector<1xi32>
        %all_reduce_population_count3A_635 = tpu.all_reduce %le3A_558 {dim = 0 : i64, kind = #tpu.reduction_kind<sum>} : vector<16xi1> -> vector<16xi32>
        %slice3A_636 = vector.extract_strided_slice %all_reduce_population_count3A_635 {offsets = [0], sizes = [1], strides = [1]} : vector<16xi32> to vector<1xi32>
        %squeeze3A_637 = vector.extract %slice3A_636[0] : i32 from vector<1xi32>
        %all_reduce_population_count3A_638 = tpu.all_reduce %le3A_559 {dim = 0 : i64, kind = #tpu.reduction_kind<sum>} : vector<16xi1> -> vector<16xi32>
        %slice3A_639 = vector.extract_strided_slice %all_reduce_population_count3A_638 {offsets = [0], sizes = [1], strides = [1]} : vector<16xi32> to vector<1xi32>
        %squeeze3A_640 = vector.extract %slice3A_639[0] : i32 from vector<1xi32>
        %all_reduce_population_count3A_641 = tpu.all_reduce %le3A_560 {dim = 0 : i64, kind = #tpu.reduction_kind<sum>} : vector<16xi1> -> vector<16xi32>
        %slice3A_642 = vector.extract_strided_slice %all_reduce_population_count3A_641 {offsets = [0], sizes = [1], strides = [1]} : vector<16xi32> to vector<1xi32>
        %squeeze3A_643 = vector.extract %slice3A_642[0] : i32 from vector<1xi32>
        %all_reduce_population_count3A_644 = tpu.all_reduce %le3A_561 {dim = 0 : i64, kind = #tpu.reduction_kind<sum>} : vector<16xi1> -> vector<16xi32>
        %slice3A_645 = vector.extract_strided_slice %all_reduce_population_count3A_644 {offsets = [0], sizes = [1], strides = [1]} : vector<16xi32> to vector<1xi32>
        %squeeze3A_646 = vector.extract %slice3A_645[0] : i32 from vector<1xi32>
        %all_reduce_population_count3A_647 = tpu.all_reduce %le3A_562 {dim = 0 : i64, kind = #tpu.reduction_kind<sum>} : vector<16xi1> -> vector<16xi32>
        %slice3A_648 = vector.extract_strided_slice %all_reduce_population_count3A_647 {offsets = [0], sizes = [1], strides = [1]} : vector<16xi32> to vector<1xi32>
        %squeeze3A_649 = vector.extract %slice3A_648[0] : i32 from vector<1xi32>
        %all_reduce_population_count3A_650 = tpu.all_reduce %le3A_563 {dim = 0 : i64, kind = #tpu.reduction_kind<sum>} : vector<16xi1> -> vector<16xi32>
        %slice3A_651 = vector.extract_strided_slice %all_reduce_population_count3A_650 {offsets = [0], sizes = [1], strides = [1]} : vector<16xi32> to vector<1xi32>
        %squeeze3A_652 = vector.extract %slice3A_651[0] : i32 from vector<1xi32>
        %all_reduce_population_count3A_653 = tpu.all_reduce %le3A_564 {dim = 0 : i64, kind = #tpu.reduction_kind<sum>} : vector<16xi1> -> vector<16xi32>
        %slice3A_654 = vector.extract_strided_slice %all_reduce_population_count3A_653 {offsets = [0], sizes = [1], strides = [1]} : vector<16xi32> to vector<1xi32>
        %squeeze3A_655 = vector.extract %slice3A_654[0] : i32 from vector<1xi32>
        %all_reduce_population_count3A_656 = tpu.all_reduce %le3A_565 {dim = 0 : i64, kind = #tpu.reduction_kind<sum>} : vector<16xi1> -> vector<16xi32>
        %slice3A_657 = vector.extract_strided_slice %all_reduce_population_count3A_656 {offsets = [0], sizes = [1], strides = [1]} : vector<16xi32> to vector<1xi32>
        %squeeze3A_658 = vector.extract %slice3A_657[0] : i32 from vector<1xi32>
        %mul3A_659 = arith.constant 32 : i32
        %mul3A_660 = arith.muli %scan3A_276, %mul3A_659 : i32
        %add3A_661 = arith.constant 0 : i32
        %add3A_662 = arith.addi %mul3A_660, %add3A_661 : i32
        %mul3A_663 = arith.constant 16 : i32
        %mul3A_664 = arith.muli %add3A_662, %mul3A_663 : i32
        %add3A_665 = vector.broadcast %mul3A_664 : i32 to vector<16xi32>
        %add3A_666 = arith.addi %add3A_665, %iota3A : vector<16xi32>
        %swap3A_667 = arith.index_cast %scan3A_277 : i32 to index
        %swap3A_668 = tpu.vector_load %arg9[%swap3A_667] masked %le3A_534 {strides = array<i32>} : memref<4112xf32, #tpu.memory_space<vmem>>, vector<16xf32>, vector<16xi1>
        tpu.vector_store %arg9[%swap3A_667], %get3A_285 masked %le3A_534 {strides = array<i32>} : memref<4112xf32, #tpu.memory_space<vmem>>, vector<16xf32>, vector<16xi1>
        %swap3A_669 = arith.index_cast %scan3A_277 : i32 to index
        %swap3A_670 = tpu.vector_load %arg10[%swap3A_669] masked %le3A_534 {strides = array<i32>} : memref<4112xi32, #tpu.memory_space<vmem>>, vector<16xi32>, vector<16xi1>
        tpu.vector_store %arg10[%swap3A_669], %add3A_666 masked %le3A_534 {strides = array<i32>} : memref<4112xi32, #tpu.memory_space<vmem>>, vector<16xi32>, vector<16xi1>
        %add3A_671 = arith.addi %scan3A_277, %squeeze3A : i32
        %mul3A_672 = arith.constant 32 : i32
        %mul3A_673 = arith.muli %scan3A_276, %mul3A_672 : i32
        %add3A_674 = arith.constant 1 : i32
        %add3A_675 = arith.addi %mul3A_673, %add3A_674 : i32
        %mul3A_676 = arith.constant 16 : i32
        %mul3A_677 = arith.muli %add3A_675, %mul3A_676 : i32
        %add3A_678 = vector.broadcast %mul3A_677 : i32 to vector<16xi32>
        %add3A_679 = arith.addi %add3A_678, %iota3A : vector<16xi32>
        %swap3A_680 = arith.index_cast %add3A_671 : i32 to index
        %swap3A_681 = tpu.vector_load %arg9[%swap3A_680] masked %le3A_535 {strides = array<i32>} : memref<4112xf32, #tpu.memory_space<vmem>>, vector<16xf32>, vector<16xi1>
        tpu.vector_store %arg9[%swap3A_680], %get3A_293 masked %le3A_535 {strides = array<i32>} : memref<4112xf32, #tpu.memory_space<vmem>>, vector<16xf32>, vector<16xi1>
        %swap3A_682 = arith.index_cast %add3A_671 : i32 to index
        %swap3A_683 = tpu.vector_load %arg10[%swap3A_682] masked %le3A_535 {strides = array<i32>} : memref<4112xi32, #tpu.memory_space<vmem>>, vector<16xi32>, vector<16xi1>
        tpu.vector_store %arg10[%swap3A_682], %add3A_679 masked %le3A_535 {strides = array<i32>} : memref<4112xi32, #tpu.memory_space<vmem>>, vector<16xi32>, vector<16xi1>
        %add3A_684 = arith.addi %add3A_671, %squeeze3A_568 : i32
        %mul3A_685 = arith.constant 32 : i32
        %mul3A_686 = arith.muli %scan3A_276, %mul3A_685 : i32
        %add3A_687 = arith.constant 2 : i32
        %add3A_688 = arith.addi %mul3A_686, %add3A_687 : i32
        %mul3A_689 = arith.constant 16 : i32
        %mul3A_690 = arith.muli %add3A_688, %mul3A_689 : i32
        %add3A_691 = vector.broadcast %mul3A_690 : i32 to vector<16xi32>
        %add3A_692 = arith.addi %add3A_691, %iota3A : vector<16xi32>
        %swap3A_693 = arith.index_cast %add3A_684 : i32 to index
        %swap3A_694 = tpu.vector_load %arg9[%swap3A_693] masked %le3A_536 {strides = array<i32>} : memref<4112xf32, #tpu.memory_space<vmem>>, vector<16xf32>, vector<16xi1>
        tpu.vector_store %arg9[%swap3A_693], %get3A_301 masked %le3A_536 {strides = array<i32>} : memref<4112xf32, #tpu.memory_space<vmem>>, vector<16xf32>, vector<16xi1>
        %swap3A_695 = arith.index_cast %add3A_684 : i32 to index
        %swap3A_696 = tpu.vector_load %arg10[%swap3A_695] masked %le3A_536 {strides = array<i32>} : memref<4112xi32, #tpu.memory_space<vmem>>, vector<16xi32>, vector<16xi1>
        tpu.vector_store %arg10[%swap3A_695], %add3A_692 masked %le3A_536 {strides = array<i32>} : memref<4112xi32, #tpu.memory_space<vmem>>, vector<16xi32>, vector<16xi1>
        %add3A_697 = arith.addi %add3A_684, %squeeze3A_571 : i32
        %mul3A_698 = arith.constant 32 : i32
        %mul3A_699 = arith.muli %scan3A_276, %mul3A_698 : i32
        %add3A_700 = arith.constant 3 : i32
        %add3A_701 = arith.addi %mul3A_699, %add3A_700 : i32
        %mul3A_702 = arith.constant 16 : i32
        %mul3A_703 = arith.muli %add3A_701, %mul3A_702 : i32
        %add3A_704 = vector.broadcast %mul3A_703 : i32 to vector<16xi32>
        %add3A_705 = arith.addi %add3A_704, %iota3A : vector<16xi32>
        %swap3A_706 = arith.index_cast %add3A_697 : i32 to index
        %swap3A_707 = tpu.vector_load %arg9[%swap3A_706] masked %le3A_537 {strides = array<i32>} : memref<4112xf32, #tpu.memory_space<vmem>>, vector<16xf32>, vector<16xi1>
        tpu.vector_store %arg9[%swap3A_706], %get3A_309 masked %le3A_537 {strides = array<i32>} : memref<4112xf32, #tpu.memory_space<vmem>>, vector<16xf32>, vector<16xi1>
        %swap3A_708 = arith.index_cast %add3A_697 : i32 to index
        %swap3A_709 = tpu.vector_load %arg10[%swap3A_708] masked %le3A_537 {strides = array<i32>} : memref<4112xi32, #tpu.memory_space<vmem>>, vector<16xi32>, vector<16xi1>
        tpu.vector_store %arg10[%swap3A_708], %add3A_705 masked %le3A_537 {strides = array<i32>} : memref<4112xi32, #tpu.memory_space<vmem>>, vector<16xi32>, vector<16xi1>
        %add3A_710 = arith.addi %add3A_697, %squeeze3A_574 : i32
        %mul3A_711 = arith.constant 32 : i32
        %mul3A_712 = arith.muli %scan3A_276, %mul3A_711 : i32
        %add3A_713 = arith.constant 4 : i32
        %add3A_714 = arith.addi %mul3A_712, %add3A_713 : i32
        %mul3A_715 = arith.constant 16 : i32
        %mul3A_716 = arith.muli %add3A_714, %mul3A_715 : i32
        %add3A_717 = vector.broadcast %mul3A_716 : i32 to vector<16xi32>
        %add3A_718 = arith.addi %add3A_717, %iota3A : vector<16xi32>
        %swap3A_719 = arith.index_cast %add3A_710 : i32 to index
        %swap3A_720 = tpu.vector_load %arg9[%swap3A_719] masked %le3A_538 {strides = array<i32>} : memref<4112xf32, #tpu.memory_space<vmem>>, vector<16xf32>, vector<16xi1>
        tpu.vector_store %arg9[%swap3A_719], %get3A_317 masked %le3A_538 {strides = array<i32>} : memref<4112xf32, #tpu.memory_space<vmem>>, vector<16xf32>, vector<16xi1>
        %swap3A_721 = arith.index_cast %add3A_710 : i32 to index
        %swap3A_722 = tpu.vector_load %arg10[%swap3A_721] masked %le3A_538 {strides = array<i32>} : memref<4112xi32, #tpu.memory_space<vmem>>, vector<16xi32>, vector<16xi1>
        tpu.vector_store %arg10[%swap3A_721], %add3A_718 masked %le3A_538 {strides = array<i32>} : memref<4112xi32, #tpu.memory_space<vmem>>, vector<16xi32>, vector<16xi1>
        %add3A_723 = arith.addi %add3A_710, %squeeze3A_577 : i32
        %mul3A_724 = arith.constant 32 : i32
        %mul3A_725 = arith.muli %scan3A_276, %mul3A_724 : i32
        %add3A_726 = arith.constant 5 : i32
        %add3A_727 = arith.addi %mul3A_725, %add3A_726 : i32
        %mul3A_728 = arith.constant 16 : i32
        %mul3A_729 = arith.muli %add3A_727, %mul3A_728 : i32
        %add3A_730 = vector.broadcast %mul3A_729 : i32 to vector<16xi32>
        %add3A_731 = arith.addi %add3A_730, %iota3A : vector<16xi32>
        %swap3A_732 = arith.index_cast %add3A_723 : i32 to index
        %swap3A_733 = tpu.vector_load %arg9[%swap3A_732] masked %le3A_539 {strides = array<i32>} : memref<4112xf32, #tpu.memory_space<vmem>>, vector<16xf32>, vector<16xi1>
        tpu.vector_store %arg9[%swap3A_732], %get3A_325 masked %le3A_539 {strides = array<i32>} : memref<4112xf32, #tpu.memory_space<vmem>>, vector<16xf32>, vector<16xi1>
        %swap3A_734 = arith.index_cast %add3A_723 : i32 to index
        %swap3A_735 = tpu.vector_load %arg10[%swap3A_734] masked %le3A_539 {strides = array<i32>} : memref<4112xi32, #tpu.memory_space<vmem>>, vector<16xi32>, vector<16xi1>
        tpu.vector_store %arg10[%swap3A_734], %add3A_731 masked %le3A_539 {strides = array<i32>} : memref<4112xi32, #tpu.memory_space<vmem>>, vector<16xi32>, vector<16xi1>
        %add3A_736 = arith.addi %add3A_723, %squeeze3A_580 : i32
        %mul3A_737 = arith.constant 32 : i32
        %mul3A_738 = arith.muli %scan3A_276, %mul3A_737 : i32
        %add3A_739 = arith.constant 6 : i32
        %add3A_740 = arith.addi %mul3A_738, %add3A_739 : i32
        %mul3A_741 = arith.constant 16 : i32
        %mul3A_742 = arith.muli %add3A_740, %mul3A_741 : i32
        %add3A_743 = vector.broadcast %mul3A_742 : i32 to vector<16xi32>
        %add3A_744 = arith.addi %add3A_743, %iota3A : vector<16xi32>
        %swap3A_745 = arith.index_cast %add3A_736 : i32 to index
        %swap3A_746 = tpu.vector_load %arg9[%swap3A_745] masked %le3A_540 {strides = array<i32>} : memref<4112xf32, #tpu.memory_space<vmem>>, vector<16xf32>, vector<16xi1>
        tpu.vector_store %arg9[%swap3A_745], %get3A_333 masked %le3A_540 {strides = array<i32>} : memref<4112xf32, #tpu.memory_space<vmem>>, vector<16xf32>, vector<16xi1>
        %swap3A_747 = arith.index_cast %add3A_736 : i32 to index
        %swap3A_748 = tpu.vector_load %arg10[%swap3A_747] masked %le3A_540 {strides = array<i32>} : memref<4112xi32, #tpu.memory_space<vmem>>, vector<16xi32>, vector<16xi1>
        tpu.vector_store %arg10[%swap3A_747], %add3A_744 masked %le3A_540 {strides = array<i32>} : memref<4112xi32, #tpu.memory_space<vmem>>, vector<16xi32>, vector<16xi1>
        %add3A_749 = arith.addi %add3A_736, %squeeze3A_583 : i32
        %mul3A_750 = arith.constant 32 : i32
        %mul3A_751 = arith.muli %scan3A_276, %mul3A_750 : i32
        %add3A_752 = arith.constant 7 : i32
        %add3A_753 = arith.addi %mul3A_751, %add3A_752 : i32
        %mul3A_754 = arith.constant 16 : i32
        %mul3A_755 = arith.muli %add3A_753, %mul3A_754 : i32
        %add3A_756 = vector.broadcast %mul3A_755 : i32 to vector<16xi32>
        %add3A_757 = arith.addi %add3A_756, %iota3A : vector<16xi32>
        %swap3A_758 = arith.index_cast %add3A_749 : i32 to index
        %swap3A_759 = tpu.vector_load %arg9[%swap3A_758] masked %le3A_541 {strides = array<i32>} : memref<4112xf32, #tpu.memory_space<vmem>>, vector<16xf32>, vector<16xi1>
        tpu.vector_store %arg9[%swap3A_758], %get3A_341 masked %le3A_541 {strides = array<i32>} : memref<4112xf32, #tpu.memory_space<vmem>>, vector<16xf32>, vector<16xi1>
        %swap3A_760 = arith.index_cast %add3A_749 : i32 to index
        %swap3A_761 = tpu.vector_load %arg10[%swap3A_760] masked %le3A_541 {strides = array<i32>} : memref<4112xi32, #tpu.memory_space<vmem>>, vector<16xi32>, vector<16xi1>
        tpu.vector_store %arg10[%swap3A_760], %add3A_757 masked %le3A_541 {strides = array<i32>} : memref<4112xi32, #tpu.memory_space<vmem>>, vector<16xi32>, vector<16xi1>
        %add3A_762 = arith.addi %add3A_749, %squeeze3A_586 : i32
        %mul3A_763 = arith.constant 32 : i32
        %mul3A_764 = arith.muli %scan3A_276, %mul3A_763 : i32
        %add3A_765 = arith.constant 8 : i32
        %add3A_766 = arith.addi %mul3A_764, %add3A_765 : i32
        %mul3A_767 = arith.constant 16 : i32
        %mul3A_768 = arith.muli %add3A_766, %mul3A_767 : i32
        %add3A_769 = vector.broadcast %mul3A_768 : i32 to vector<16xi32>
        %add3A_770 = arith.addi %add3A_769, %iota3A : vector<16xi32>
        %swap3A_771 = arith.index_cast %add3A_762 : i32 to index
        %swap3A_772 = tpu.vector_load %arg9[%swap3A_771] masked %le3A_542 {strides = array<i32>} : memref<4112xf32, #tpu.memory_space<vmem>>, vector<16xf32>, vector<16xi1>
        tpu.vector_store %arg9[%swap3A_771], %get3A_349 masked %le3A_542 {strides = array<i32>} : memref<4112xf32, #tpu.memory_space<vmem>>, vector<16xf32>, vector<16xi1>
        %swap3A_773 = arith.index_cast %add3A_762 : i32 to index
        %swap3A_774 = tpu.vector_load %arg10[%swap3A_773] masked %le3A_542 {strides = array<i32>} : memref<4112xi32, #tpu.memory_space<vmem>>, vector<16xi32>, vector<16xi1>
        tpu.vector_store %arg10[%swap3A_773], %add3A_770 masked %le3A_542 {strides = array<i32>} : memref<4112xi32, #tpu.memory_space<vmem>>, vector<16xi32>, vector<16xi1>
        %add3A_775 = arith.addi %add3A_762, %squeeze3A_589 : i32
        %mul3A_776 = arith.constant 32 : i32
        %mul3A_777 = arith.muli %scan3A_276, %mul3A_776 : i32
        %add3A_778 = arith.constant 9 : i32
        %add3A_779 = arith.addi %mul3A_777, %add3A_778 : i32
        %mul3A_780 = arith.constant 16 : i32
        %mul3A_781 = arith.muli %add3A_779, %mul3A_780 : i32
        %add3A_782 = vector.broadcast %mul3A_781 : i32 to vector<16xi32>
        %add3A_783 = arith.addi %add3A_782, %iota3A : vector<16xi32>
        %swap3A_784 = arith.index_cast %add3A_775 : i32 to index
        %swap3A_785 = tpu.vector_load %arg9[%swap3A_784] masked %le3A_543 {strides = array<i32>} : memref<4112xf32, #tpu.memory_space<vmem>>, vector<16xf32>, vector<16xi1>
        tpu.vector_store %arg9[%swap3A_784], %get3A_357 masked %le3A_543 {strides = array<i32>} : memref<4112xf32, #tpu.memory_space<vmem>>, vector<16xf32>, vector<16xi1>
        %swap3A_786 = arith.index_cast %add3A_775 : i32 to index
        %swap3A_787 = tpu.vector_load %arg10[%swap3A_786] masked %le3A_543 {strides = array<i32>} : memref<4112xi32, #tpu.memory_space<vmem>>, vector<16xi32>, vector<16xi1>
        tpu.vector_store %arg10[%swap3A_786], %add3A_783 masked %le3A_543 {strides = array<i32>} : memref<4112xi32, #tpu.memory_space<vmem>>, vector<16xi32>, vector<16xi1>
        %add3A_788 = arith.addi %add3A_775, %squeeze3A_592 : i32
        %mul3A_789 = arith.constant 32 : i32
        %mul3A_790 = arith.muli %scan3A_276, %mul3A_789 : i32
        %add3A_791 = arith.constant 10 : i32
        %add3A_792 = arith.addi %mul3A_790, %add3A_791 : i32
        %mul3A_793 = arith.constant 16 : i32
        %mul3A_794 = arith.muli %add3A_792, %mul3A_793 : i32
        %add3A_795 = vector.broadcast %mul3A_794 : i32 to vector<16xi32>
        %add3A_796 = arith.addi %add3A_795, %iota3A : vector<16xi32>
        %swap3A_797 = arith.index_cast %add3A_788 : i32 to index
        %swap3A_798 = tpu.vector_load %arg9[%swap3A_797] masked %le3A_544 {strides = array<i32>} : memref<4112xf32, #tpu.memory_space<vmem>>, vector<16xf32>, vector<16xi1>
        tpu.vector_store %arg9[%swap3A_797], %get3A_365 masked %le3A_544 {strides = array<i32>} : memref<4112xf32, #tpu.memory_space<vmem>>, vector<16xf32>, vector<16xi1>
        %swap3A_799 = arith.index_cast %add3A_788 : i32 to index
        %swap3A_800 = tpu.vector_load %arg10[%swap3A_799] masked %le3A_544 {strides = array<i32>} : memref<4112xi32, #tpu.memory_space<vmem>>, vector<16xi32>, vector<16xi1>
        tpu.vector_store %arg10[%swap3A_799], %add3A_796 masked %le3A_544 {strides = array<i32>} : memref<4112xi32, #tpu.memory_space<vmem>>, vector<16xi32>, vector<16xi1>
        %add3A_801 = arith.addi %add3A_788, %squeeze3A_595 : i32
        %mul3A_802 = arith.constant 32 : i32
        %mul3A_803 = arith.muli %scan3A_276, %mul3A_802 : i32
        %add3A_804 = arith.constant 11 : i32
        %add3A_805 = arith.addi %mul3A_803, %add3A_804 : i32
        %mul3A_806 = arith.constant 16 : i32
        %mul3A_807 = arith.muli %add3A_805, %mul3A_806 : i32
        %add3A_808 = vector.broadcast %mul3A_807 : i32 to vector<16xi32>
        %add3A_809 = arith.addi %add3A_808, %iota3A : vector<16xi32>
        %swap3A_810 = arith.index_cast %add3A_801 : i32 to index
        %swap3A_811 = tpu.vector_load %arg9[%swap3A_810] masked %le3A_545 {strides = array<i32>} : memref<4112xf32, #tpu.memory_space<vmem>>, vector<16xf32>, vector<16xi1>
        tpu.vector_store %arg9[%swap3A_810], %get3A_373 masked %le3A_545 {strides = array<i32>} : memref<4112xf32, #tpu.memory_space<vmem>>, vector<16xf32>, vector<16xi1>
        %swap3A_812 = arith.index_cast %add3A_801 : i32 to index
        %swap3A_813 = tpu.vector_load %arg10[%swap3A_812] masked %le3A_545 {strides = array<i32>} : memref<4112xi32, #tpu.memory_space<vmem>>, vector<16xi32>, vector<16xi1>
        tpu.vector_store %arg10[%swap3A_812], %add3A_809 masked %le3A_545 {strides = array<i32>} : memref<4112xi32, #tpu.memory_space<vmem>>, vector<16xi32>, vector<16xi1>
        %add3A_814 = arith.addi %add3A_801, %squeeze3A_598 : i32
        %mul3A_815 = arith.constant 32 : i32
        %mul3A_816 = arith.muli %scan3A_276, %mul3A_815 : i32
        %add3A_817 = arith.constant 12 : i32
        %add3A_818 = arith.addi %mul3A_816, %add3A_817 : i32
        %mul3A_819 = arith.constant 16 : i32
        %mul3A_820 = arith.muli %add3A_818, %mul3A_819 : i32
        %add3A_821 = vector.broadcast %mul3A_820 : i32 to vector<16xi32>
        %add3A_822 = arith.addi %add3A_821, %iota3A : vector<16xi32>
        %swap3A_823 = arith.index_cast %add3A_814 : i32 to index
        %swap3A_824 = tpu.vector_load %arg9[%swap3A_823] masked %le3A_546 {strides = array<i32>} : memref<4112xf32, #tpu.memory_space<vmem>>, vector<16xf32>, vector<16xi1>
        tpu.vector_store %arg9[%swap3A_823], %get3A_381 masked %le3A_546 {strides = array<i32>} : memref<4112xf32, #tpu.memory_space<vmem>>, vector<16xf32>, vector<16xi1>
        %swap3A_825 = arith.index_cast %add3A_814 : i32 to index
        %swap3A_826 = tpu.vector_load %arg10[%swap3A_825] masked %le3A_546 {strides = array<i32>} : memref<4112xi32, #tpu.memory_space<vmem>>, vector<16xi32>, vector<16xi1>
        tpu.vector_store %arg10[%swap3A_825], %add3A_822 masked %le3A_546 {strides = array<i32>} : memref<4112xi32, #tpu.memory_space<vmem>>, vector<16xi32>, vector<16xi1>
        %add3A_827 = arith.addi %add3A_814, %squeeze3A_601 : i32
        %mul3A_828 = arith.constant 32 : i32
        %mul3A_829 = arith.muli %scan3A_276, %mul3A_828 : i32
        %add3A_830 = arith.constant 13 : i32
        %add3A_831 = arith.addi %mul3A_829, %add3A_830 : i32
        %mul3A_832 = arith.constant 16 : i32
        %mul3A_833 = arith.muli %add3A_831, %mul3A_832 : i32
        %add3A_834 = vector.broadcast %mul3A_833 : i32 to vector<16xi32>
        %add3A_835 = arith.addi %add3A_834, %iota3A : vector<16xi32>
        %swap3A_836 = arith.index_cast %add3A_827 : i32 to index
        %swap3A_837 = tpu.vector_load %arg9[%swap3A_836] masked %le3A_547 {strides = array<i32>} : memref<4112xf32, #tpu.memory_space<vmem>>, vector<16xf32>, vector<16xi1>
        tpu.vector_store %arg9[%swap3A_836], %get3A_389 masked %le3A_547 {strides = array<i32>} : memref<4112xf32, #tpu.memory_space<vmem>>, vector<16xf32>, vector<16xi1>
        %swap3A_838 = arith.index_cast %add3A_827 : i32 to index
        %swap3A_839 = tpu.vector_load %arg10[%swap3A_838] masked %le3A_547 {strides = array<i32>} : memref<4112xi32, #tpu.memory_space<vmem>>, vector<16xi32>, vector<16xi1>
        tpu.vector_store %arg10[%swap3A_838], %add3A_835 masked %le3A_547 {strides = array<i32>} : memref<4112xi32, #tpu.memory_space<vmem>>, vector<16xi32>, vector<16xi1>
        %add3A_840 = arith.addi %add3A_827, %squeeze3A_604 : i32
        %mul3A_841 = arith.constant 32 : i32
        %mul3A_842 = arith.muli %scan3A_276, %mul3A_841 : i32
        %add3A_843 = arith.constant 14 : i32
        %add3A_844 = arith.addi %mul3A_842, %add3A_843 : i32
        %mul3A_845 = arith.constant 16 : i32
        %mul3A_846 = arith.muli %add3A_844, %mul3A_845 : i32
        %add3A_847 = vector.broadcast %mul3A_846 : i32 to vector<16xi32>
        %add3A_848 = arith.addi %add3A_847, %iota3A : vector<16xi32>
        %swap3A_849 = arith.index_cast %add3A_840 : i32 to index
        %swap3A_850 = tpu.vector_load %arg9[%swap3A_849] masked %le3A_548 {strides = array<i32>} : memref<4112xf32, #tpu.memory_space<vmem>>, vector<16xf32>, vector<16xi1>
        tpu.vector_store %arg9[%swap3A_849], %get3A_397 masked %le3A_548 {strides = array<i32>} : memref<4112xf32, #tpu.memory_space<vmem>>, vector<16xf32>, vector<16xi1>
        %swap3A_851 = arith.index_cast %add3A_840 : i32 to index
        %swap3A_852 = tpu.vector_load %arg10[%swap3A_851] masked %le3A_548 {strides = array<i32>} : memref<4112xi32, #tpu.memory_space<vmem>>, vector<16xi32>, vector<16xi1>
        tpu.vector_store %arg10[%swap3A_851], %add3A_848 masked %le3A_548 {strides = array<i32>} : memref<4112xi32, #tpu.memory_space<vmem>>, vector<16xi32>, vector<16xi1>
        %add3A_853 = arith.addi %add3A_840, %squeeze3A_607 : i32
        %mul3A_854 = arith.constant 32 : i32
        %mul3A_855 = arith.muli %scan3A_276, %mul3A_854 : i32
        %add3A_856 = arith.constant 15 : i32
        %add3A_857 = arith.addi %mul3A_855, %add3A_856 : i32
        %mul3A_858 = arith.constant 16 : i32
        %mul3A_859 = arith.muli %add3A_857, %mul3A_858 : i32
        %add3A_860 = vector.broadcast %mul3A_859 : i32 to vector<16xi32>
        %add3A_861 = arith.addi %add3A_860, %iota3A : vector<16xi32>
        %swap3A_862 = arith.index_cast %add3A_853 : i32 to index
        %swap3A_863 = tpu.vector_load %arg9[%swap3A_862] masked %le3A_549 {strides = array<i32>} : memref<4112xf32, #tpu.memory_space<vmem>>, vector<16xf32>, vector<16xi1>
        tpu.vector_store %arg9[%swap3A_862], %get3A_405 masked %le3A_549 {strides = array<i32>} : memref<4112xf32, #tpu.memory_space<vmem>>, vector<16xf32>, vector<16xi1>
        %swap3A_864 = arith.index_cast %add3A_853 : i32 to index
        %swap3A_865 = tpu.vector_load %arg10[%swap3A_864] masked %le3A_549 {strides = array<i32>} : memref<4112xi32, #tpu.memory_space<vmem>>, vector<16xi32>, vector<16xi1>
        tpu.vector_store %arg10[%swap3A_864], %add3A_861 masked %le3A_549 {strides = array<i32>} : memref<4112xi32, #tpu.memory_space<vmem>>, vector<16xi32>, vector<16xi1>
        %add3A_866 = arith.addi %add3A_853, %squeeze3A_610 : i32
        %mul3A_867 = arith.constant 32 : i32
        %mul3A_868 = arith.muli %scan3A_276, %mul3A_867 : i32
        %add3A_869 = arith.constant 16 : i32
        %add3A_870 = arith.addi %mul3A_868, %add3A_869 : i32
        %mul3A_871 = arith.constant 16 : i32
        %mul3A_872 = arith.muli %add3A_870, %mul3A_871 : i32
        %add3A_873 = vector.broadcast %mul3A_872 : i32 to vector<16xi32>
        %add3A_874 = arith.addi %add3A_873, %iota3A : vector<16xi32>
        %swap3A_875 = arith.index_cast %add3A_866 : i32 to index
        %swap3A_876 = tpu.vector_load %arg9[%swap3A_875] masked %le3A_550 {strides = array<i32>} : memref<4112xf32, #tpu.memory_space<vmem>>, vector<16xf32>, vector<16xi1>
        tpu.vector_store %arg9[%swap3A_875], %get3A_413 masked %le3A_550 {strides = array<i32>} : memref<4112xf32, #tpu.memory_space<vmem>>, vector<16xf32>, vector<16xi1>
        %swap3A_877 = arith.index_cast %add3A_866 : i32 to index
        %swap3A_878 = tpu.vector_load %arg10[%swap3A_877] masked %le3A_550 {strides = array<i32>} : memref<4112xi32, #tpu.memory_space<vmem>>, vector<16xi32>, vector<16xi1>
        tpu.vector_store %arg10[%swap3A_877], %add3A_874 masked %le3A_550 {strides = array<i32>} : memref<4112xi32, #tpu.memory_space<vmem>>, vector<16xi32>, vector<16xi1>
        %add3A_879 = arith.addi %add3A_866, %squeeze3A_613 : i32
        %mul3A_880 = arith.constant 32 : i32
        %mul3A_881 = arith.muli %scan3A_276, %mul3A_880 : i32
        %add3A_882 = arith.constant 17 : i32
        %add3A_883 = arith.addi %mul3A_881, %add3A_882 : i32
        %mul3A_884 = arith.constant 16 : i32
        %mul3A_885 = arith.muli %add3A_883, %mul3A_884 : i32
        %add3A_886 = vector.broadcast %mul3A_885 : i32 to vector<16xi32>
        %add3A_887 = arith.addi %add3A_886, %iota3A : vector<16xi32>
        %swap3A_888 = arith.index_cast %add3A_879 : i32 to index
        %swap3A_889 = tpu.vector_load %arg9[%swap3A_888] masked %le3A_551 {strides = array<i32>} : memref<4112xf32, #tpu.memory_space<vmem>>, vector<16xf32>, vector<16xi1>
        tpu.vector_store %arg9[%swap3A_888], %get3A_421 masked %le3A_551 {strides = array<i32>} : memref<4112xf32, #tpu.memory_space<vmem>>, vector<16xf32>, vector<16xi1>
        %swap3A_890 = arith.index_cast %add3A_879 : i32 to index
        %swap3A_891 = tpu.vector_load %arg10[%swap3A_890] masked %le3A_551 {strides = array<i32>} : memref<4112xi32, #tpu.memory_space<vmem>>, vector<16xi32>, vector<16xi1>
        tpu.vector_store %arg10[%swap3A_890], %add3A_887 masked %le3A_551 {strides = array<i32>} : memref<4112xi32, #tpu.memory_space<vmem>>, vector<16xi32>, vector<16xi1>
        %add3A_892 = arith.addi %add3A_879, %squeeze3A_616 : i32
        %mul3A_893 = arith.constant 32 : i32
        %mul3A_894 = arith.muli %scan3A_276, %mul3A_893 : i32
        %add3A_895 = arith.constant 18 : i32
        %add3A_896 = arith.addi %mul3A_894, %add3A_895 : i32
        %mul3A_897 = arith.constant 16 : i32
        %mul3A_898 = arith.muli %add3A_896, %mul3A_897 : i32
        %add3A_899 = vector.broadcast %mul3A_898 : i32 to vector<16xi32>
        %add3A_900 = arith.addi %add3A_899, %iota3A : vector<16xi32>
        %swap3A_901 = arith.index_cast %add3A_892 : i32 to index
        %swap3A_902 = tpu.vector_load %arg9[%swap3A_901] masked %le3A_552 {strides = array<i32>} : memref<4112xf32, #tpu.memory_space<vmem>>, vector<16xf32>, vector<16xi1>
        tpu.vector_store %arg9[%swap3A_901], %get3A_429 masked %le3A_552 {strides = array<i32>} : memref<4112xf32, #tpu.memory_space<vmem>>, vector<16xf32>, vector<16xi1>
        %swap3A_903 = arith.index_cast %add3A_892 : i32 to index
        %swap3A_904 = tpu.vector_load %arg10[%swap3A_903] masked %le3A_552 {strides = array<i32>} : memref<4112xi32, #tpu.memory_space<vmem>>, vector<16xi32>, vector<16xi1>
        tpu.vector_store %arg10[%swap3A_903], %add3A_900 masked %le3A_552 {strides = array<i32>} : memref<4112xi32, #tpu.memory_space<vmem>>, vector<16xi32>, vector<16xi1>
        %add3A_905 = arith.addi %add3A_892, %squeeze3A_619 : i32
        %mul3A_906 = arith.constant 32 : i32
        %mul3A_907 = arith.muli %scan3A_276, %mul3A_906 : i32
        %add3A_908 = arith.constant 19 : i32
        %add3A_909 = arith.addi %mul3A_907, %add3A_908 : i32
        %mul3A_910 = arith.constant 16 : i32
        %mul3A_911 = arith.muli %add3A_909, %mul3A_910 : i32
        %add3A_912 = vector.broadcast %mul3A_911 : i32 to vector<16xi32>
        %add3A_913 = arith.addi %add3A_912, %iota3A : vector<16xi32>
        %swap3A_914 = arith.index_cast %add3A_905 : i32 to index
        %swap3A_915 = tpu.vector_load %arg9[%swap3A_914] masked %le3A_553 {strides = array<i32>} : memref<4112xf32, #tpu.memory_space<vmem>>, vector<16xf32>, vector<16xi1>
        tpu.vector_store %arg9[%swap3A_914], %get3A_437 masked %le3A_553 {strides = array<i32>} : memref<4112xf32, #tpu.memory_space<vmem>>, vector<16xf32>, vector<16xi1>
        %swap3A_916 = arith.index_cast %add3A_905 : i32 to index
        %swap3A_917 = tpu.vector_load %arg10[%swap3A_916] masked %le3A_553 {strides = array<i32>} : memref<4112xi32, #tpu.memory_space<vmem>>, vector<16xi32>, vector<16xi1>
        tpu.vector_store %arg10[%swap3A_916], %add3A_913 masked %le3A_553 {strides = array<i32>} : memref<4112xi32, #tpu.memory_space<vmem>>, vector<16xi32>, vector<16xi1>
        %add3A_918 = arith.addi %add3A_905, %squeeze3A_622 : i32
        %mul3A_919 = arith.constant 32 : i32
        %mul3A_920 = arith.muli %scan3A_276, %mul3A_919 : i32
        %add3A_921 = arith.constant 20 : i32
        %add3A_922 = arith.addi %mul3A_920, %add3A_921 : i32
        %mul3A_923 = arith.constant 16 : i32
        %mul3A_924 = arith.muli %add3A_922, %mul3A_923 : i32
        %add3A_925 = vector.broadcast %mul3A_924 : i32 to vector<16xi32>
        %add3A_926 = arith.addi %add3A_925, %iota3A : vector<16xi32>
        %swap3A_927 = arith.index_cast %add3A_918 : i32 to index
        %swap3A_928 = tpu.vector_load %arg9[%swap3A_927] masked %le3A_554 {strides = array<i32>} : memref<4112xf32, #tpu.memory_space<vmem>>, vector<16xf32>, vector<16xi1>
        tpu.vector_store %arg9[%swap3A_927], %get3A_445 masked %le3A_554 {strides = array<i32>} : memref<4112xf32, #tpu.memory_space<vmem>>, vector<16xf32>, vector<16xi1>
        %swap3A_929 = arith.index_cast %add3A_918 : i32 to index
        %swap3A_930 = tpu.vector_load %arg10[%swap3A_929] masked %le3A_554 {strides = array<i32>} : memref<4112xi32, #tpu.memory_space<vmem>>, vector<16xi32>, vector<16xi1>
        tpu.vector_store %arg10[%swap3A_929], %add3A_926 masked %le3A_554 {strides = array<i32>} : memref<4112xi32, #tpu.memory_space<vmem>>, vector<16xi32>, vector<16xi1>
        %add3A_931 = arith.addi %add3A_918, %squeeze3A_625 : i32
        %mul3A_932 = arith.constant 32 : i32
        %mul3A_933 = arith.muli %scan3A_276, %mul3A_932 : i32
        %add3A_934 = arith.constant 21 : i32
        %add3A_935 = arith.addi %mul3A_933, %add3A_934 : i32
        %mul3A_936 = arith.constant 16 : i32
        %mul3A_937 = arith.muli %add3A_935, %mul3A_936 : i32
        %add3A_938 = vector.broadcast %mul3A_937 : i32 to vector<16xi32>
        %add3A_939 = arith.addi %add3A_938, %iota3A : vector<16xi32>
        %swap3A_940 = arith.index_cast %add3A_931 : i32 to index
        %swap3A_941 = tpu.vector_load %arg9[%swap3A_940] masked %le3A_555 {strides = array<i32>} : memref<4112xf32, #tpu.memory_space<vmem>>, vector<16xf32>, vector<16xi1>
        tpu.vector_store %arg9[%swap3A_940], %get3A_453 masked %le3A_555 {strides = array<i32>} : memref<4112xf32, #tpu.memory_space<vmem>>, vector<16xf32>, vector<16xi1>
        %swap3A_942 = arith.index_cast %add3A_931 : i32 to index
        %swap3A_943 = tpu.vector_load %arg10[%swap3A_942] masked %le3A_555 {strides = array<i32>} : memref<4112xi32, #tpu.memory_space<vmem>>, vector<16xi32>, vector<16xi1>
        tpu.vector_store %arg10[%swap3A_942], %add3A_939 masked %le3A_555 {strides = array<i32>} : memref<4112xi32, #tpu.memory_space<vmem>>, vector<16xi32>, vector<16xi1>
        %add3A_944 = arith.addi %add3A_931, %squeeze3A_628 : i32
        %mul3A_945 = arith.constant 32 : i32
        %mul3A_946 = arith.muli %scan3A_276, %mul3A_945 : i32
        %add3A_947 = arith.constant 22 : i32
        %add3A_948 = arith.addi %mul3A_946, %add3A_947 : i32
        %mul3A_949 = arith.constant 16 : i32
        %mul3A_950 = arith.muli %add3A_948, %mul3A_949 : i32
        %add3A_951 = vector.broadcast %mul3A_950 : i32 to vector<16xi32>
        %add3A_952 = arith.addi %add3A_951, %iota3A : vector<16xi32>
        %swap3A_953 = arith.index_cast %add3A_944 : i32 to index
        %swap3A_954 = tpu.vector_load %arg9[%swap3A_953] masked %le3A_556 {strides = array<i32>} : memref<4112xf32, #tpu.memory_space<vmem>>, vector<16xf32>, vector<16xi1>
        tpu.vector_store %arg9[%swap3A_953], %get3A_461 masked %le3A_556 {strides = array<i32>} : memref<4112xf32, #tpu.memory_space<vmem>>, vector<16xf32>, vector<16xi1>
        %swap3A_955 = arith.index_cast %add3A_944 : i32 to index
        %swap3A_956 = tpu.vector_load %arg10[%swap3A_955] masked %le3A_556 {strides = array<i32>} : memref<4112xi32, #tpu.memory_space<vmem>>, vector<16xi32>, vector<16xi1>
        tpu.vector_store %arg10[%swap3A_955], %add3A_952 masked %le3A_556 {strides = array<i32>} : memref<4112xi32, #tpu.memory_space<vmem>>, vector<16xi32>, vector<16xi1>
        %add3A_957 = arith.addi %add3A_944, %squeeze3A_631 : i32
        %mul3A_958 = arith.constant 32 : i32
        %mul3A_959 = arith.muli %scan3A_276, %mul3A_958 : i32
        %add3A_960 = arith.constant 23 : i32
        %add3A_961 = arith.addi %mul3A_959, %add3A_960 : i32
        %mul3A_962 = arith.constant 16 : i32
        %mul3A_963 = arith.muli %add3A_961, %mul3A_962 : i32
        %add3A_964 = vector.broadcast %mul3A_963 : i32 to vector<16xi32>
        %add3A_965 = arith.addi %add3A_964, %iota3A : vector<16xi32>
        %swap3A_966 = arith.index_cast %add3A_957 : i32 to index
        %swap3A_967 = tpu.vector_load %arg9[%swap3A_966] masked %le3A_557 {strides = array<i32>} : memref<4112xf32, #tpu.memory_space<vmem>>, vector<16xf32>, vector<16xi1>
        tpu.vector_store %arg9[%swap3A_966], %get3A_469 masked %le3A_557 {strides = array<i32>} : memref<4112xf32, #tpu.memory_space<vmem>>, vector<16xf32>, vector<16xi1>
        %swap3A_968 = arith.index_cast %add3A_957 : i32 to index
        %swap3A_969 = tpu.vector_load %arg10[%swap3A_968] masked %le3A_557 {strides = array<i32>} : memref<4112xi32, #tpu.memory_space<vmem>>, vector<16xi32>, vector<16xi1>
        tpu.vector_store %arg10[%swap3A_968], %add3A_965 masked %le3A_557 {strides = array<i32>} : memref<4112xi32, #tpu.memory_space<vmem>>, vector<16xi32>, vector<16xi1>
        %add3A_970 = arith.addi %add3A_957, %squeeze3A_634 : i32
        %mul3A_971 = arith.constant 32 : i32
        %mul3A_972 = arith.muli %scan3A_276, %mul3A_971 : i32
        %add3A_973 = arith.constant 24 : i32
        %add3A_974 = arith.addi %mul3A_972, %add3A_973 : i32
        %mul3A_975 = arith.constant 16 : i32
        %mul3A_976 = arith.muli %add3A_974, %mul3A_975 : i32
        %add3A_977 = vector.broadcast %mul3A_976 : i32 to vector<16xi32>
        %add3A_978 = arith.addi %add3A_977, %iota3A : vector<16xi32>
        %swap3A_979 = arith.index_cast %add3A_970 : i32 to index
        %swap3A_980 = tpu.vector_load %arg9[%swap3A_979] masked %le3A_558 {strides = array<i32>} : memref<4112xf32, #tpu.memory_space<vmem>>, vector<16xf32>, vector<16xi1>
        tpu.vector_store %arg9[%swap3A_979], %get3A_477 masked %le3A_558 {strides = array<i32>} : memref<4112xf32, #tpu.memory_space<vmem>>, vector<16xf32>, vector<16xi1>
        %swap3A_981 = arith.index_cast %add3A_970 : i32 to index
        %swap3A_982 = tpu.vector_load %arg10[%swap3A_981] masked %le3A_558 {strides = array<i32>} : memref<4112xi32, #tpu.memory_space<vmem>>, vector<16xi32>, vector<16xi1>
        tpu.vector_store %arg10[%swap3A_981], %add3A_978 masked %le3A_558 {strides = array<i32>} : memref<4112xi32, #tpu.memory_space<vmem>>, vector<16xi32>, vector<16xi1>
        %add3A_983 = arith.addi %add3A_970, %squeeze3A_637 : i32
        %mul3A_984 = arith.constant 32 : i32
        %mul3A_985 = arith.muli %scan3A_276, %mul3A_984 : i32
        %add3A_986 = arith.constant 25 : i32
        %add3A_987 = arith.addi %mul3A_985, %add3A_986 : i32
        %mul3A_988 = arith.constant 16 : i32
        %mul3A_989 = arith.muli %add3A_987, %mul3A_988 : i32
        %add3A_990 = vector.broadcast %mul3A_989 : i32 to vector<16xi32>
        %add3A_991 = arith.addi %add3A_990, %iota3A : vector<16xi32>
        %swap3A_992 = arith.index_cast %add3A_983 : i32 to index
        %swap3A_993 = tpu.vector_load %arg9[%swap3A_992] masked %le3A_559 {strides = array<i32>} : memref<4112xf32, #tpu.memory_space<vmem>>, vector<16xf32>, vector<16xi1>
        tpu.vector_store %arg9[%swap3A_992], %get3A_485 masked %le3A_559 {strides = array<i32>} : memref<4112xf32, #tpu.memory_space<vmem>>, vector<16xf32>, vector<16xi1>
        %swap3A_994 = arith.index_cast %add3A_983 : i32 to index
        %swap3A_995 = tpu.vector_load %arg10[%swap3A_994] masked %le3A_559 {strides = array<i32>} : memref<4112xi32, #tpu.memory_space<vmem>>, vector<16xi32>, vector<16xi1>
        tpu.vector_store %arg10[%swap3A_994], %add3A_991 masked %le3A_559 {strides = array<i32>} : memref<4112xi32, #tpu.memory_space<vmem>>, vector<16xi32>, vector<16xi1>
        %add3A_996 = arith.addi %add3A_983, %squeeze3A_640 : i32
        %mul3A_997 = arith.constant 32 : i32
        %mul3A_998 = arith.muli %scan3A_276, %mul3A_997 : i32
        %add3A_999 = arith.constant 26 : i32
        %add3A_1000 = arith.addi %mul3A_998, %add3A_999 : i32
        %mul3A_1001 = arith.constant 16 : i32
        %mul3A_1002 = arith.muli %add3A_1000, %mul3A_1001 : i32
        %add3A_1003 = vector.broadcast %mul3A_1002 : i32 to vector<16xi32>
        %add3A_1004 = arith.addi %add3A_1003, %iota3A : vector<16xi32>
        %swap3A_1005 = arith.index_cast %add3A_996 : i32 to index
        %swap3A_1006 = tpu.vector_load %arg9[%swap3A_1005] masked %le3A_560 {strides = array<i32>} : memref<4112xf32, #tpu.memory_space<vmem>>, vector<16xf32>, vector<16xi1>
        tpu.vector_store %arg9[%swap3A_1005], %get3A_493 masked %le3A_560 {strides = array<i32>} : memref<4112xf32, #tpu.memory_space<vmem>>, vector<16xf32>, vector<16xi1>
        %swap3A_1007 = arith.index_cast %add3A_996 : i32 to index
        %swap3A_1008 = tpu.vector_load %arg10[%swap3A_1007] masked %le3A_560 {strides = array<i32>} : memref<4112xi32, #tpu.memory_space<vmem>>, vector<16xi32>, vector<16xi1>
        tpu.vector_store %arg10[%swap3A_1007], %add3A_1004 masked %le3A_560 {strides = array<i32>} : memref<4112xi32, #tpu.memory_space<vmem>>, vector<16xi32>, vector<16xi1>
        %add3A_1009 = arith.addi %add3A_996, %squeeze3A_643 : i32
        %mul3A_1010 = arith.constant 32 : i32
        %mul3A_1011 = arith.muli %scan3A_276, %mul3A_1010 : i32
        %add3A_1012 = arith.constant 27 : i32
        %add3A_1013 = arith.addi %mul3A_1011, %add3A_1012 : i32
        %mul3A_1014 = arith.constant 16 : i32
        %mul3A_1015 = arith.muli %add3A_1013, %mul3A_1014 : i32
        %add3A_1016 = vector.broadcast %mul3A_1015 : i32 to vector<16xi32>
        %add3A_1017 = arith.addi %add3A_1016, %iota3A : vector<16xi32>
        %swap3A_1018 = arith.index_cast %add3A_1009 : i32 to index
        %swap3A_1019 = tpu.vector_load %arg9[%swap3A_1018] masked %le3A_561 {strides = array<i32>} : memref<4112xf32, #tpu.memory_space<vmem>>, vector<16xf32>, vector<16xi1>
        tpu.vector_store %arg9[%swap3A_1018], %get3A_501 masked %le3A_561 {strides = array<i32>} : memref<4112xf32, #tpu.memory_space<vmem>>, vector<16xf32>, vector<16xi1>
        %swap3A_1020 = arith.index_cast %add3A_1009 : i32 to index
        %swap3A_1021 = tpu.vector_load %arg10[%swap3A_1020] masked %le3A_561 {strides = array<i32>} : memref<4112xi32, #tpu.memory_space<vmem>>, vector<16xi32>, vector<16xi1>
        tpu.vector_store %arg10[%swap3A_1020], %add3A_1017 masked %le3A_561 {strides = array<i32>} : memref<4112xi32, #tpu.memory_space<vmem>>, vector<16xi32>, vector<16xi1>
        %add3A_1022 = arith.addi %add3A_1009, %squeeze3A_646 : i32
        %mul3A_1023 = arith.constant 32 : i32
        %mul3A_1024 = arith.muli %scan3A_276, %mul3A_1023 : i32
        %add3A_1025 = arith.constant 28 : i32
        %add3A_1026 = arith.addi %mul3A_1024, %add3A_1025 : i32
        %mul3A_1027 = arith.constant 16 : i32
        %mul3A_1028 = arith.muli %add3A_1026, %mul3A_1027 : i32
        %add3A_1029 = vector.broadcast %mul3A_1028 : i32 to vector<16xi32>
        %add3A_1030 = arith.addi %add3A_1029, %iota3A : vector<16xi32>
        %swap3A_1031 = arith.index_cast %add3A_1022 : i32 to index
        %swap3A_1032 = tpu.vector_load %arg9[%swap3A_1031] masked %le3A_562 {strides = array<i32>} : memref<4112xf32, #tpu.memory_space<vmem>>, vector<16xf32>, vector<16xi1>
        tpu.vector_store %arg9[%swap3A_1031], %get3A_509 masked %le3A_562 {strides = array<i32>} : memref<4112xf32, #tpu.memory_space<vmem>>, vector<16xf32>, vector<16xi1>
        %swap3A_1033 = arith.index_cast %add3A_1022 : i32 to index
        %swap3A_1034 = tpu.vector_load %arg10[%swap3A_1033] masked %le3A_562 {strides = array<i32>} : memref<4112xi32, #tpu.memory_space<vmem>>, vector<16xi32>, vector<16xi1>
        tpu.vector_store %arg10[%swap3A_1033], %add3A_1030 masked %le3A_562 {strides = array<i32>} : memref<4112xi32, #tpu.memory_space<vmem>>, vector<16xi32>, vector<16xi1>
        %add3A_1035 = arith.addi %add3A_1022, %squeeze3A_649 : i32
        %mul3A_1036 = arith.constant 32 : i32
        %mul3A_1037 = arith.muli %scan3A_276, %mul3A_1036 : i32
        %add3A_1038 = arith.constant 29 : i32
        %add3A_1039 = arith.addi %mul3A_1037, %add3A_1038 : i32
        %mul3A_1040 = arith.constant 16 : i32
        %mul3A_1041 = arith.muli %add3A_1039, %mul3A_1040 : i32
        %add3A_1042 = vector.broadcast %mul3A_1041 : i32 to vector<16xi32>
        %add3A_1043 = arith.addi %add3A_1042, %iota3A : vector<16xi32>
        %swap3A_1044 = arith.index_cast %add3A_1035 : i32 to index
        %swap3A_1045 = tpu.vector_load %arg9[%swap3A_1044] masked %le3A_563 {strides = array<i32>} : memref<4112xf32, #tpu.memory_space<vmem>>, vector<16xf32>, vector<16xi1>
        tpu.vector_store %arg9[%swap3A_1044], %get3A_517 masked %le3A_563 {strides = array<i32>} : memref<4112xf32, #tpu.memory_space<vmem>>, vector<16xf32>, vector<16xi1>
        %swap3A_1046 = arith.index_cast %add3A_1035 : i32 to index
        %swap3A_1047 = tpu.vector_load %arg10[%swap3A_1046] masked %le3A_563 {strides = array<i32>} : memref<4112xi32, #tpu.memory_space<vmem>>, vector<16xi32>, vector<16xi1>
        tpu.vector_store %arg10[%swap3A_1046], %add3A_1043 masked %le3A_563 {strides = array<i32>} : memref<4112xi32, #tpu.memory_space<vmem>>, vector<16xi32>, vector<16xi1>
        %add3A_1048 = arith.addi %add3A_1035, %squeeze3A_652 : i32
        %mul3A_1049 = arith.constant 32 : i32
        %mul3A_1050 = arith.muli %scan3A_276, %mul3A_1049 : i32
        %add3A_1051 = arith.constant 30 : i32
        %add3A_1052 = arith.addi %mul3A_1050, %add3A_1051 : i32
        %mul3A_1053 = arith.constant 16 : i32
        %mul3A_1054 = arith.muli %add3A_1052, %mul3A_1053 : i32
        %add3A_1055 = vector.broadcast %mul3A_1054 : i32 to vector<16xi32>
        %add3A_1056 = arith.addi %add3A_1055, %iota3A : vector<16xi32>
        %swap3A_1057 = arith.index_cast %add3A_1048 : i32 to index
        %swap3A_1058 = tpu.vector_load %arg9[%swap3A_1057] masked %le3A_564 {strides = array<i32>} : memref<4112xf32, #tpu.memory_space<vmem>>, vector<16xf32>, vector<16xi1>
        tpu.vector_store %arg9[%swap3A_1057], %get3A_525 masked %le3A_564 {strides = array<i32>} : memref<4112xf32, #tpu.memory_space<vmem>>, vector<16xf32>, vector<16xi1>
        %swap3A_1059 = arith.index_cast %add3A_1048 : i32 to index
        %swap3A_1060 = tpu.vector_load %arg10[%swap3A_1059] masked %le3A_564 {strides = array<i32>} : memref<4112xi32, #tpu.memory_space<vmem>>, vector<16xi32>, vector<16xi1>
        tpu.vector_store %arg10[%swap3A_1059], %add3A_1056 masked %le3A_564 {strides = array<i32>} : memref<4112xi32, #tpu.memory_space<vmem>>, vector<16xi32>, vector<16xi1>
        %add3A_1061 = arith.addi %add3A_1048, %squeeze3A_655 : i32
        %mul3A_1062 = arith.constant 32 : i32
        %mul3A_1063 = arith.muli %scan3A_276, %mul3A_1062 : i32
        %add3A_1064 = arith.constant 31 : i32
        %add3A_1065 = arith.addi %mul3A_1063, %add3A_1064 : i32
        %mul3A_1066 = arith.constant 16 : i32
        %mul3A_1067 = arith.muli %add3A_1065, %mul3A_1066 : i32
        %add3A_1068 = vector.broadcast %mul3A_1067 : i32 to vector<16xi32>
        %add3A_1069 = arith.addi %add3A_1068, %iota3A : vector<16xi32>
        %swap3A_1070 = arith.index_cast %add3A_1061 : i32 to index
        %swap3A_1071 = tpu.vector_load %arg9[%swap3A_1070] masked %le3A_565 {strides = array<i32>} : memref<4112xf32, #tpu.memory_space<vmem>>, vector<16xf32>, vector<16xi1>
        tpu.vector_store %arg9[%swap3A_1070], %get3A_533 masked %le3A_565 {strides = array<i32>} : memref<4112xf32, #tpu.memory_space<vmem>>, vector<16xf32>, vector<16xi1>
        %swap3A_1072 = arith.index_cast %add3A_1061 : i32 to index
        %swap3A_1073 = tpu.vector_load %arg10[%swap3A_1072] masked %le3A_565 {strides = array<i32>} : memref<4112xi32, #tpu.memory_space<vmem>>, vector<16xi32>, vector<16xi1>
        tpu.vector_store %arg10[%swap3A_1072], %add3A_1069 masked %le3A_565 {strides = array<i32>} : memref<4112xi32, #tpu.memory_space<vmem>>, vector<16xi32>, vector<16xi1>
        %add3A_1074 = arith.addi %add3A_1061, %squeeze3A_658 : i32
        scf.yield %add3A_1074 : i32
      }
      %scan3A_94 = arith.constant 8 : i32
      %swap3A_95 = arith.index_cast %scan3A_93 : i32 to index
      %swap3A_96 = tpu.vector_load %arg9[%swap3A_95] {strides = array<i32>} : memref<4112xf32, #tpu.memory_space<vmem>>, vector<16xf32>,
      tpu.vector_store %arg9[%swap3A_95], %broadcast_in_dim3A_3 {strides = array<i32>} : memref<4112xf32, #tpu.memory_space<vmem>>, vector<16xf32>,
      %add3A_97 = arith.constant 15 : i32
      %add3A_98 = arith.addi %scan3A_93, %add3A_97 : i32
      %jit3A_99 = arith.constant 16 : i32
      %div3A_100 = arith.divsi %add3A_98, %jit3A_99 : i32
      %sign3A_101 = arith.constant 0 : i32
      %sign3A_102 = arith.cmpi sgt, %add3A_98, %sign3A_101 : i32
      %sign3A_103 = arith.extui %sign3A_102 : i1 to i32
      %sign3A_104 = arith.constant 0 : i32
      %sign3A_105 = arith.cmpi slt, %add3A_98, %sign3A_104 : i32
      %sign3A_106 = arith.extui %sign3A_105 : i1 to i32
      %sign3A_107 = arith.subi %sign3A_103, %sign3A_106 : i32
      %sign3A_108 = arith.constant 0 : i32
      %sign3A_109 = arith.cmpi sgt, %jit3A_99, %sign3A_108 : i32
      %sign3A_110 = arith.extui %sign3A_109 : i1 to i32
      %sign3A_111 = arith.constant 0 : i32
      %sign3A_112 = arith.cmpi slt, %jit3A_99, %sign3A_111 : i32
      %sign3A_113 = arith.extui %sign3A_112 : i1 to i32
      %sign3A_114 = arith.subi %sign3A_110, %sign3A_113 : i32
      %ne3A_115 = arith.cmpi ne, %sign3A_107, %sign3A_114 : i32
      %rem3A_116 = arith.remsi %add3A_98, %jit3A_99 : i32
      %ne3A_117 = arith.constant 0 : i32
      %ne3A_118 = arith.cmpi ne, %rem3A_116, %ne3A_117 : i32
      %and3A_119 = arith.andi %ne3A_115, %ne3A_118 : i1
      %sub3A_120 = arith.constant 1 : i32
      %sub3A_121 = arith.subi %div3A_100, %sub3A_120 : i32
      %select_n3A_122 = arith.select %and3A_119, %sub3A_121, %div3A_100 : i32
      %le3A = arith.constant 64 : i32
      %le3A_123 = arith.cmpi sle, %scan3A_93, %le3A : i32
      %convert_element_type3A = arith.extui %le3A_123 : i1 to i32
      %cond3A = arith.constant 0 : i32
      %cond3A_124 = arith.constant 0 : i32
      %cond3A_125 = arith.cmpi ne, %convert_element_type3A, %cond3A_124 : i32
      %cond3A_126:4 = scf.if %cond3A_125 -> (vector<16xf32>, vector<16xf32>, vector<16xi32>, vector<16xi32>) {
        %get3A_276 = arith.constant 0 : index
        %get3A_277 = tpu.vector_load %arg10[%get3A_276] {strides = array<i32>} : memref<4112xi32, #tpu.memory_space<vmem>>, vector<16xi32>,
        %get3A_278 = arith.constant 16 : index
        %get3A_279 = tpu.vector_load %arg10[%get3A_278] {strides = array<i32>} : memref<4112xi32, #tpu.memory_space<vmem>>, vector<16xi32>,
        %get3A_280 = arith.constant 32 : index
        %get3A_281 = tpu.vector_load %arg10[%get3A_280] {strides = array<i32>} : memref<4112xi32, #tpu.memory_space<vmem>>, vector<16xi32>,
        %get3A_282 = arith.constant 48 : index
        %get3A_283 = tpu.vector_load %arg10[%get3A_282] {strides = array<i32>} : memref<4112xi32, #tpu.memory_space<vmem>>, vector<16xi32>,
        %broadcast_in_dim3A_284 = arith.constant 4112 : i32
        %broadcast_in_dim3A_285 = vector.broadcast %broadcast_in_dim3A_284 : i32 to vector<16xi32>
        %broadcast_in_dim3A_286 = arith.constant 0 : i32
        %broadcast_in_dim3A_287 = vector.broadcast %broadcast_in_dim3A_286 : i32 to vector<16xi32>
        %get3A_288 = arith.constant 0 : index
        %get3A_289 = tpu.vector_load %arg9[%get3A_288] {strides = array<i32>} : memref<4112xf32, #tpu.memory_space<vmem>>, vector<16xf32>,
        %get3A_290 = arith.constant 16 : index
        %get3A_291 = tpu.vector_load %arg9[%get3A_290] {strides = array<i32>} : memref<4112xf32, #tpu.memory_space<vmem>>, vector<16xf32>,
        %get3A_292 = arith.constant 32 : index
        %get3A_293 = tpu.vector_load %arg9[%get3A_292] {strides = array<i32>} : memref<4112xf32, #tpu.memory_space<vmem>>, vector<16xf32>,
        %get3A_294 = arith.constant 48 : index
        %get3A_295 = tpu.vector_load %arg9[%get3A_294] {strides = array<i32>} : memref<4112xf32, #tpu.memory_space<vmem>>, vector<16xf32>,
        %scan3A_296 = arith.constant 0 : i32
        %scan3A_297 = arith.constant 32 : i32
        %scan3A_298 = arith.addi %scan3A_296, %scan3A_297 : i32
        %scan3A_299 = arith.constant 1 : i32
        %scan3A_300:8 = scf.for %scan3A_302 = %scan3A_296 to %scan3A_298 step %scan3A_299 iter_args(%scan3A_303 = %get3A_289, %scan3A_304 = %get3A_291, %scan3A_305 = %get3A_293, %scan3A_306 = %get3A_295, %scan3A_307 = %broadcast_in_dim3A_3, %scan3A_308 = %broadcast_in_dim3A_3, %scan3A_309 = %broadcast_in_dim3A_287, %scan3A_310 = %broadcast_in_dim3A_287) -> (vector<16xf32>, vector<16xf32>, vector<16xf32>, vector<16xf32>, vector<16xf32>, vector<16xf32>, vector<16xi32>, vector<16xi32>)  : i32 {
          %min3A = arith.minimumf %scan3A_303, %scan3A_304 : vector<16xf32>
          %min3A_311 = arith.minimumf %scan3A_305, %scan3A_306 : vector<16xf32>
          %min3A_312 = arith.minimumf %min3A, %min3A_311 : vector<16xf32>
          %add3A_313 = arith.constant 8 : i32
          %add3A_314 = vector.broadcast %add3A_313 : i32 to vector<16xi32>
          %add3A_315 = arith.addi %iota3A, %add3A_314 : vector<16xi32>
          %and3A_316 = arith.constant 15 : i32
          %and3A_317 = vector.broadcast %and3A_316 : i32 to vector<16xi32>
          %and3A_318 = arith.andi %add3A_315, %and3A_317 : vector<16xi32>
          %lt3A_319 = arith.constant 0 : i32
          %lt3A_320 = vector.broadcast %lt3A_319 : i32 to vector<16xi32>
          %lt3A_321 = arith.cmpi slt, %and3A_318, %lt3A_320 : vector<16xi32>
          %add3A_322 = arith.constant 16 : i32
          %add3A_323 = vector.broadcast %add3A_322 : i32 to vector<16xi32>
          %add3A_324 = arith.addi %and3A_318, %add3A_323 : vector<16xi32>
          %select_n3A_325 = arith.select %lt3A_321, %add3A_324, %and3A_318 : vector<16xi1>, vector<16xi32>
          %broadcast_in_dim3A_326 = vector.shape_cast %select_n3A_325 : vector<16xi32> to vector<16x1xi32>
          %gather3A_327 = vector.shape_cast %broadcast_in_dim3A_326 : vector<16x1xi32> to vector<16xi32>
          %gather3A_328 = tpu.dynamic_gather %min3A_312[%gather3A_327] in [0] : vector<16xf32>, vector<16xi32> -> vector<16xf32>
          %min3A_329 = arith.minimumf %min3A_312, %gather3A_328 : vector<16xf32>
          %add3A_330 = arith.constant 4 : i32
          %add3A_331 = vector.broadcast %add3A_330 : i32 to vector<16xi32>
          %add3A_332 = arith.addi %iota3A, %add3A_331 : vector<16xi32>
          %and3A_333 = arith.constant 15 : i32
          %and3A_334 = vector.broadcast %and3A_333 : i32 to vector<16xi32>
          %and3A_335 = arith.andi %add3A_332, %and3A_334 : vector<16xi32>
          %lt3A_336 = arith.constant 0 : i32
          %lt3A_337 = vector.broadcast %lt3A_336 : i32 to vector<16xi32>
          %lt3A_338 = arith.cmpi slt, %and3A_335, %lt3A_337 : vector<16xi32>
          %add3A_339 = arith.constant 16 : i32
          %add3A_340 = vector.broadcast %add3A_339 : i32 to vector<16xi32>
          %add3A_341 = arith.addi %and3A_335, %add3A_340 : vector<16xi32>
          %select_n3A_342 = arith.select %lt3A_338, %add3A_341, %and3A_335 : vector<16xi1>, vector<16xi32>
          %broadcast_in_dim3A_343 = vector.shape_cast %select_n3A_342 : vector<16xi32> to vector<16x1xi32>
          %gather3A_344 = vector.shape_cast %broadcast_in_dim3A_343 : vector<16x1xi32> to vector<16xi32>
          %gather3A_345 = tpu.dynamic_gather %min3A_329[%gather3A_344] in [0] : vector<16xf32>, vector<16xi32> -> vector<16xf32>
          %min3A_346 = arith.minimumf %min3A_329, %gather3A_345 : vector<16xf32>
          %add3A_347 = arith.constant 2 : i32
          %add3A_348 = vector.broadcast %add3A_347 : i32 to vector<16xi32>
          %add3A_349 = arith.addi %iota3A, %add3A_348 : vector<16xi32>
          %and3A_350 = arith.constant 15 : i32
          %and3A_351 = vector.broadcast %and3A_350 : i32 to vector<16xi32>
          %and3A_352 = arith.andi %add3A_349, %and3A_351 : vector<16xi32>
          %lt3A_353 = arith.constant 0 : i32
          %lt3A_354 = vector.broadcast %lt3A_353 : i32 to vector<16xi32>
          %lt3A_355 = arith.cmpi slt, %and3A_352, %lt3A_354 : vector<16xi32>
          %add3A_356 = arith.constant 16 : i32
          %add3A_357 = vector.broadcast %add3A_356 : i32 to vector<16xi32>
          %add3A_358 = arith.addi %and3A_352, %add3A_357 : vector<16xi32>
          %select_n3A_359 = arith.select %lt3A_355, %add3A_358, %and3A_352 : vector<16xi1>, vector<16xi32>
          %broadcast_in_dim3A_360 = vector.shape_cast %select_n3A_359 : vector<16xi32> to vector<16x1xi32>
          %gather3A_361 = vector.shape_cast %broadcast_in_dim3A_360 : vector<16x1xi32> to vector<16xi32>
          %gather3A_362 = tpu.dynamic_gather %min3A_346[%gather3A_361] in [0] : vector<16xf32>, vector<16xi32> -> vector<16xf32>
          %min3A_363 = arith.minimumf %min3A_346, %gather3A_362 : vector<16xf32>
          %add3A_364 = arith.constant 1 : i32
          %add3A_365 = vector.broadcast %add3A_364 : i32 to vector<16xi32>
          %add3A_366 = arith.addi %iota3A, %add3A_365 : vector<16xi32>
          %and3A_367 = arith.constant 15 : i32
          %and3A_368 = vector.broadcast %and3A_367 : i32 to vector<16xi32>
          %and3A_369 = arith.andi %add3A_366, %and3A_368 : vector<16xi32>
          %lt3A_370 = arith.constant 0 : i32
          %lt3A_371 = vector.broadcast %lt3A_370 : i32 to vector<16xi32>
          %lt3A_372 = arith.cmpi slt, %and3A_369, %lt3A_371 : vector<16xi32>
          %add3A_373 = arith.constant 16 : i32
          %add3A_374 = vector.broadcast %add3A_373 : i32 to vector<16xi32>
          %add3A_375 = arith.addi %and3A_369, %add3A_374 : vector<16xi32>
          %select_n3A_376 = arith.select %lt3A_372, %add3A_375, %and3A_369 : vector<16xi1>, vector<16xi32>
          %broadcast_in_dim3A_377 = vector.shape_cast %select_n3A_376 : vector<16xi32> to vector<16x1xi32>
          %gather3A_378 = vector.shape_cast %broadcast_in_dim3A_377 : vector<16x1xi32> to vector<16xi32>
          %gather3A_379 = tpu.dynamic_gather %min3A_363[%gather3A_378] in [0] : vector<16xf32>, vector<16xi32> -> vector<16xf32>
          %min3A_380 = arith.minimumf %min3A_363, %gather3A_379 : vector<16xf32>
          %eq3A_381 = arith.cmpf oeq, %scan3A_303, %min3A_380 : vector<16xf32>
          %add3A_382 = arith.constant 0 : i32
          %add3A_383 = vector.broadcast %add3A_382 : i32 to vector<16xi32>
          %add3A_384 = arith.addi %add3A_383, %iota3A : vector<16xi32>
          %jit3A_385 = arith.constant 4112 : i32
          %broadcast_in_dim3A_386 = vector.broadcast %jit3A_385 : i32 to vector<16xi32>
          %select_n3A_387 = arith.select %eq3A_381, %add3A_384, %broadcast_in_dim3A_386 : vector<16xi1>, vector<16xi32>
          %min3A_388 = arith.minsi %broadcast_in_dim3A_285, %select_n3A_387 : vector<16xi32>
          %eq3A_389 = arith.cmpf oeq, %scan3A_304, %min3A_380 : vector<16xf32>
          %add3A_390 = arith.constant 16 : i32
          %add3A_391 = vector.broadcast %add3A_390 : i32 to vector<16xi32>
          %add3A_392 = arith.addi %add3A_391, %iota3A : vector<16xi32>
          %jit3A_393 = arith.constant 4112 : i32
          %broadcast_in_dim3A_394 = vector.broadcast %jit3A_393 : i32 to vector<16xi32>
          %select_n3A_395 = arith.select %eq3A_389, %add3A_392, %broadcast_in_dim3A_394 : vector<16xi1>, vector<16xi32>
          %min3A_396 = arith.minsi %min3A_388, %select_n3A_395 : vector<16xi32>
          %eq3A_397 = arith.cmpf oeq, %scan3A_305, %min3A_380 : vector<16xf32>
          %add3A_398 = arith.constant 32 : i32
          %add3A_399 = vector.broadcast %add3A_398 : i32 to vector<16xi32>
          %add3A_400 = arith.addi %add3A_399, %iota3A : vector<16xi32>
          %jit3A_401 = arith.constant 4112 : i32
          %broadcast_in_dim3A_402 = vector.broadcast %jit3A_401 : i32 to vector<16xi32>
          %select_n3A_403 = arith.select %eq3A_397, %add3A_400, %broadcast_in_dim3A_402 : vector<16xi1>, vector<16xi32>
          %min3A_404 = arith.minsi %min3A_396, %select_n3A_403 : vector<16xi32>
          %eq3A_405 = arith.cmpf oeq, %scan3A_306, %min3A_380 : vector<16xf32>
          %add3A_406 = arith.constant 48 : i32
          %add3A_407 = vector.broadcast %add3A_406 : i32 to vector<16xi32>
          %add3A_408 = arith.addi %add3A_407, %iota3A : vector<16xi32>
          %jit3A_409 = arith.constant 4112 : i32
          %broadcast_in_dim3A_410 = vector.broadcast %jit3A_409 : i32 to vector<16xi32>
          %select_n3A_411 = arith.select %eq3A_405, %add3A_408, %broadcast_in_dim3A_410 : vector<16xi1>, vector<16xi32>
          %min3A_412 = arith.minsi %min3A_404, %select_n3A_411 : vector<16xi32>
          %add3A_413 = arith.constant 8 : i32
          %add3A_414 = vector.broadcast %add3A_413 : i32 to vector<16xi32>
          %add3A_415 = arith.addi %iota3A, %add3A_414 : vector<16xi32>
          %and3A_416 = arith.constant 15 : i32
          %and3A_417 = vector.broadcast %and3A_416 : i32 to vector<16xi32>
          %and3A_418 = arith.andi %add3A_415, %and3A_417 : vector<16xi32>
          %lt3A_419 = arith.constant 0 : i32
          %lt3A_420 = vector.broadcast %lt3A_419 : i32 to vector<16xi32>
          %lt3A_421 = arith.cmpi slt, %and3A_418, %lt3A_420 : vector<16xi32>
          %add3A_422 = arith.constant 16 : i32
          %add3A_423 = vector.broadcast %add3A_422 : i32 to vector<16xi32>
          %add3A_424 = arith.addi %and3A_418, %add3A_423 : vector<16xi32>
          %select_n3A_425 = arith.select %lt3A_421, %add3A_424, %and3A_418 : vector<16xi1>, vector<16xi32>
          %broadcast_in_dim3A_426 = vector.shape_cast %select_n3A_425 : vector<16xi32> to vector<16x1xi32>
          %gather3A_427 = vector.shape_cast %broadcast_in_dim3A_426 : vector<16x1xi32> to vector<16xi32>
          %gather3A_428 = tpu.dynamic_gather %min3A_412[%gather3A_427] in [0] : vector<16xi32>, vector<16xi32> -> vector<16xi32>
          %min3A_429 = arith.minsi %min3A_412, %gather3A_428 : vector<16xi32>
          %add3A_430 = arith.constant 4 : i32
          %add3A_431 = vector.broadcast %add3A_430 : i32 to vector<16xi32>
          %add3A_432 = arith.addi %iota3A, %add3A_431 : vector<16xi32>
          %and3A_433 = arith.constant 15 : i32
          %and3A_434 = vector.broadcast %and3A_433 : i32 to vector<16xi32>
          %and3A_435 = arith.andi %add3A_432, %and3A_434 : vector<16xi32>
          %lt3A_436 = arith.constant 0 : i32
          %lt3A_437 = vector.broadcast %lt3A_436 : i32 to vector<16xi32>
          %lt3A_438 = arith.cmpi slt, %and3A_435, %lt3A_437 : vector<16xi32>
          %add3A_439 = arith.constant 16 : i32
          %add3A_440 = vector.broadcast %add3A_439 : i32 to vector<16xi32>
          %add3A_441 = arith.addi %and3A_435, %add3A_440 : vector<16xi32>
          %select_n3A_442 = arith.select %lt3A_438, %add3A_441, %and3A_435 : vector<16xi1>, vector<16xi32>
          %broadcast_in_dim3A_443 = vector.shape_cast %select_n3A_442 : vector<16xi32> to vector<16x1xi32>
          %gather3A_444 = vector.shape_cast %broadcast_in_dim3A_443 : vector<16x1xi32> to vector<16xi32>
          %gather3A_445 = tpu.dynamic_gather %min3A_429[%gather3A_444] in [0] : vector<16xi32>, vector<16xi32> -> vector<16xi32>
          %min3A_446 = arith.minsi %min3A_429, %gather3A_445 : vector<16xi32>
          %add3A_447 = arith.constant 2 : i32
          %add3A_448 = vector.broadcast %add3A_447 : i32 to vector<16xi32>
          %add3A_449 = arith.addi %iota3A, %add3A_448 : vector<16xi32>
          %and3A_450 = arith.constant 15 : i32
          %and3A_451 = vector.broadcast %and3A_450 : i32 to vector<16xi32>
          %and3A_452 = arith.andi %add3A_449, %and3A_451 : vector<16xi32>
          %lt3A_453 = arith.constant 0 : i32
          %lt3A_454 = vector.broadcast %lt3A_453 : i32 to vector<16xi32>
          %lt3A_455 = arith.cmpi slt, %and3A_452, %lt3A_454 : vector<16xi32>
          %add3A_456 = arith.constant 16 : i32
          %add3A_457 = vector.broadcast %add3A_456 : i32 to vector<16xi32>
          %add3A_458 = arith.addi %and3A_452, %add3A_457 : vector<16xi32>
          %select_n3A_459 = arith.select %lt3A_455, %add3A_458, %and3A_452 : vector<16xi1>, vector<16xi32>
          %broadcast_in_dim3A_460 = vector.shape_cast %select_n3A_459 : vector<16xi32> to vector<16x1xi32>
          %gather3A_461 = vector.shape_cast %broadcast_in_dim3A_460 : vector<16x1xi32> to vector<16xi32>
          %gather3A_462 = tpu.dynamic_gather %min3A_446[%gather3A_461] in [0] : vector<16xi32>, vector<16xi32> -> vector<16xi32>
          %min3A_463 = arith.minsi %min3A_446, %gather3A_462 : vector<16xi32>
          %add3A_464 = arith.constant 1 : i32
          %add3A_465 = vector.broadcast %add3A_464 : i32 to vector<16xi32>
          %add3A_466 = arith.addi %iota3A, %add3A_465 : vector<16xi32>
          %and3A_467 = arith.constant 15 : i32
          %and3A_468 = vector.broadcast %and3A_467 : i32 to vector<16xi32>
          %and3A_469 = arith.andi %add3A_466, %and3A_468 : vector<16xi32>
          %lt3A_470 = arith.constant 0 : i32
          %lt3A_471 = vector.broadcast %lt3A_470 : i32 to vector<16xi32>
          %lt3A_472 = arith.cmpi slt, %and3A_469, %lt3A_471 : vector<16xi32>
          %add3A_473 = arith.constant 16 : i32
          %add3A_474 = vector.broadcast %add3A_473 : i32 to vector<16xi32>
          %add3A_475 = arith.addi %and3A_469, %add3A_474 : vector<16xi32>
          %select_n3A_476 = arith.select %lt3A_472, %add3A_475, %and3A_469 : vector<16xi1>, vector<16xi32>
          %broadcast_in_dim3A_477 = vector.shape_cast %select_n3A_476 : vector<16xi32> to vector<16x1xi32>
          %gather3A_478 = vector.shape_cast %broadcast_in_dim3A_477 : vector<16x1xi32> to vector<16xi32>
          %gather3A_479 = tpu.dynamic_gather %min3A_463[%gather3A_478] in [0] : vector<16xi32>, vector<16xi32> -> vector<16xi32>
          %min3A_480 = arith.minsi %min3A_463, %gather3A_479 : vector<16xi32>
          %broadcast_in_dim3A_481 = arith.constant 0 : i32
          %broadcast_in_dim3A_482 = vector.broadcast %broadcast_in_dim3A_481 : i32 to vector<16xi32>
          %add3A_483 = arith.constant 0 : i32
          %add3A_484 = vector.broadcast %add3A_483 : i32 to vector<16xi32>
          %add3A_485 = arith.addi %add3A_484, %iota3A : vector<16xi32>
          %eq3A_486 = arith.cmpi eq, %add3A_485, %min3A_480 : vector<16xi32>
          %select_n3A_487 = arith.select %eq3A_486, %get3A_277, %broadcast_in_dim3A_482 : vector<16xi1>, vector<16xi32>
          %add3A_488 = arith.constant 16 : i32
          %add3A_489 = vector.broadcast %add3A_488 : i32 to vector<16xi32>
          %add3A_490 = arith.addi %add3A_489, %iota3A : vector<16xi32>
          %eq3A_491 = arith.cmpi eq, %add3A_490, %min3A_480 : vector<16xi32>
          %select_n3A_492 = arith.select %eq3A_491, %get3A_279, %select_n3A_487 : vector<16xi1>, vector<16xi32>
          %add3A_493 = arith.constant 32 : i32
          %add3A_494 = vector.broadcast %add3A_493 : i32 to vector<16xi32>
          %add3A_495 = arith.addi %add3A_494, %iota3A : vector<16xi32>
          %eq3A_496 = arith.cmpi eq, %add3A_495, %min3A_480 : vector<16xi32>
          %select_n3A_497 = arith.select %eq3A_496, %get3A_281, %select_n3A_492 : vector<16xi1>, vector<16xi32>
          %add3A_498 = arith.constant 48 : i32
          %add3A_499 = vector.broadcast %add3A_498 : i32 to vector<16xi32>
          %add3A_500 = arith.addi %add3A_499, %iota3A : vector<16xi32>
          %eq3A_501 = arith.cmpi eq, %add3A_500, %min3A_480 : vector<16xi32>
          %select_n3A_502 = arith.select %eq3A_501, %get3A_283, %select_n3A_497 : vector<16xi1>, vector<16xi32>
          %add3A_503 = arith.constant 8 : i32
          %add3A_504 = vector.broadcast %add3A_503 : i32 to vector<16xi32>
          %add3A_505 = arith.addi %iota3A, %add3A_504 : vector<16xi32>
          %and3A_506 = arith.constant 15 : i32
          %and3A_507 = vector.broadcast %and3A_506 : i32 to vector<16xi32>
          %and3A_508 = arith.andi %add3A_505, %and3A_507 : vector<16xi32>
          %lt3A_509 = arith.constant 0 : i32
          %lt3A_510 = vector.broadcast %lt3A_509 : i32 to vector<16xi32>
          %lt3A_511 = arith.cmpi slt, %and3A_508, %lt3A_510 : vector<16xi32>
          %add3A_512 = arith.constant 16 : i32
          %add3A_513 = vector.broadcast %add3A_512 : i32 to vector<16xi32>
          %add3A_514 = arith.addi %and3A_508, %add3A_513 : vector<16xi32>
          %select_n3A_515 = arith.select %lt3A_511, %add3A_514, %and3A_508 : vector<16xi1>, vector<16xi32>
          %broadcast_in_dim3A_516 = vector.shape_cast %select_n3A_515 : vector<16xi32> to vector<16x1xi32>
          %gather3A_517 = vector.shape_cast %broadcast_in_dim3A_516 : vector<16x1xi32> to vector<16xi32>
          %gather3A_518 = tpu.dynamic_gather %select_n3A_502[%gather3A_517] in [0] : vector<16xi32>, vector<16xi32> -> vector<16xi32>
          %max3A = arith.maxsi %select_n3A_502, %gather3A_518 : vector<16xi32>
          %add3A_519 = arith.constant 4 : i32
          %add3A_520 = vector.broadcast %add3A_519 : i32 to vector<16xi32>
          %add3A_521 = arith.addi %iota3A, %add3A_520 : vector<16xi32>
          %and3A_522 = arith.constant 15 : i32
          %and3A_523 = vector.broadcast %and3A_522 : i32 to vector<16xi32>
          %and3A_524 = arith.andi %add3A_521, %and3A_523 : vector<16xi32>
          %lt3A_525 = arith.constant 0 : i32
          %lt3A_526 = vector.broadcast %lt3A_525 : i32 to vector<16xi32>
          %lt3A_527 = arith.cmpi slt, %and3A_524, %lt3A_526 : vector<16xi32>
          %add3A_528 = arith.constant 16 : i32
          %add3A_529 = vector.broadcast %add3A_528 : i32 to vector<16xi32>
          %add3A_530 = arith.addi %and3A_524, %add3A_529 : vector<16xi32>
          %select_n3A_531 = arith.select %lt3A_527, %add3A_530, %and3A_524 : vector<16xi1>, vector<16xi32>
          %broadcast_in_dim3A_532 = vector.shape_cast %select_n3A_531 : vector<16xi32> to vector<16x1xi32>
          %gather3A_533 = vector.shape_cast %broadcast_in_dim3A_532 : vector<16x1xi32> to vector<16xi32>
          %gather3A_534 = tpu.dynamic_gather %max3A[%gather3A_533] in [0] : vector<16xi32>, vector<16xi32> -> vector<16xi32>
          %max3A_535 = arith.maxsi %max3A, %gather3A_534 : vector<16xi32>
          %add3A_536 = arith.constant 2 : i32
          %add3A_537 = vector.broadcast %add3A_536 : i32 to vector<16xi32>
          %add3A_538 = arith.addi %iota3A, %add3A_537 : vector<16xi32>
          %and3A_539 = arith.constant 15 : i32
          %and3A_540 = vector.broadcast %and3A_539 : i32 to vector<16xi32>
          %and3A_541 = arith.andi %add3A_538, %and3A_540 : vector<16xi32>
          %lt3A_542 = arith.constant 0 : i32
          %lt3A_543 = vector.broadcast %lt3A_542 : i32 to vector<16xi32>
          %lt3A_544 = arith.cmpi slt, %and3A_541, %lt3A_543 : vector<16xi32>
          %add3A_545 = arith.constant 16 : i32
          %add3A_546 = vector.broadcast %add3A_545 : i32 to vector<16xi32>
          %add3A_547 = arith.addi %and3A_541, %add3A_546 : vector<16xi32>
          %select_n3A_548 = arith.select %lt3A_544, %add3A_547, %and3A_541 : vector<16xi1>, vector<16xi32>
          %broadcast_in_dim3A_549 = vector.shape_cast %select_n3A_548 : vector<16xi32> to vector<16x1xi32>
          %gather3A_550 = vector.shape_cast %broadcast_in_dim3A_549 : vector<16x1xi32> to vector<16xi32>
          %gather3A_551 = tpu.dynamic_gather %max3A_535[%gather3A_550] in [0] : vector<16xi32>, vector<16xi32> -> vector<16xi32>
          %max3A_552 = arith.maxsi %max3A_535, %gather3A_551 : vector<16xi32>
          %add3A_553 = arith.constant 1 : i32
          %add3A_554 = vector.broadcast %add3A_553 : i32 to vector<16xi32>
          %add3A_555 = arith.addi %iota3A, %add3A_554 : vector<16xi32>
          %and3A_556 = arith.constant 15 : i32
          %and3A_557 = vector.broadcast %and3A_556 : i32 to vector<16xi32>
          %and3A_558 = arith.andi %add3A_555, %and3A_557 : vector<16xi32>
          %lt3A_559 = arith.constant 0 : i32
          %lt3A_560 = vector.broadcast %lt3A_559 : i32 to vector<16xi32>
          %lt3A_561 = arith.cmpi slt, %and3A_558, %lt3A_560 : vector<16xi32>
          %add3A_562 = arith.constant 16 : i32
          %add3A_563 = vector.broadcast %add3A_562 : i32 to vector<16xi32>
          %add3A_564 = arith.addi %and3A_558, %add3A_563 : vector<16xi32>
          %select_n3A_565 = arith.select %lt3A_561, %add3A_564, %and3A_558 : vector<16xi1>, vector<16xi32>
          %broadcast_in_dim3A_566 = vector.shape_cast %select_n3A_565 : vector<16xi32> to vector<16x1xi32>
          %gather3A_567 = vector.shape_cast %broadcast_in_dim3A_566 : vector<16x1xi32> to vector<16xi32>
          %gather3A_568 = tpu.dynamic_gather %max3A_552[%gather3A_567] in [0] : vector<16xi32>, vector<16xi32> -> vector<16xi32>
          %max3A_569 = arith.maxsi %max3A_552, %gather3A_568 : vector<16xi32>
          %jit3A_570 = arith.constant 16 : i32
          %eq3A_571 = arith.constant 0 : i32
          %eq3A_572 = arith.cmpi eq, %jit3A_570, %eq3A_571 : i32
          %jit3A_573 = arith.constant 1 : i32
          %select_n3A_574 = arith.select %eq3A_572, %jit3A_573, %jit3A_570 : i32
          %rem3A_575 = arith.remsi %scan3A_302, %select_n3A_574 : i32
          %ne3A_576 = arith.constant 0 : i32
          %ne3A_577 = arith.cmpi ne, %rem3A_575, %ne3A_576 : i32
          %lt3A_578 = arith.constant 0 : i32
          %lt3A_579 = arith.cmpi slt, %rem3A_575, %lt3A_578 : i32
          %lt3A_580 = arith.constant 0 : i32
          %lt3A_581 = arith.cmpi slt, %select_n3A_574, %lt3A_580 : i32
          %ne3A_582 = arith.xori %lt3A_579, %lt3A_581 : i1
          %and3A_583 = arith.andi %ne3A_582, %ne3A_577 : i1
          %add3A_584 = arith.addi %rem3A_575, %select_n3A_574 : i32
          %select_n3A_585 = arith.select %and3A_583, %add3A_584, %rem3A_575 : i32
          %eq3A_586 = vector.broadcast %select_n3A_585 : i32 to vector<16xi32>
          %eq3A_587 = arith.cmpi eq, %iota3A, %eq3A_586 : vector<16xi32>
          %lt3A_588 = arith.constant 16 : i32
          %lt3A_589 = arith.cmpi slt, %scan3A_302, %lt3A_588 : i32
          %and3A_590 = vector.broadcast %lt3A_589 : i1 to vector<16xi1>
          %and3A_591 = arith.andi %eq3A_587, %and3A_590 : vector<16xi1>
          %select_n3A_592 = arith.select %and3A_591, %min3A_380, %scan3A_307 : vector<16xi1>, vector<16xf32>
          %not3A = arith.constant true
          %not3A_593 = arith.xori %lt3A_589, %not3A : i1
          %and3A_594 = vector.broadcast %not3A_593 : i1 to vector<16xi1>
          %and3A_595 = arith.andi %eq3A_587, %and3A_594 : vector<16xi1>
          %select_n3A_596 = arith.select %and3A_595, %min3A_380, %scan3A_308 : vector<16xi1>, vector<16xf32>
          %and3A_597 = vector.broadcast %lt3A_589 : i1 to vector<16xi1>
          %and3A_598 = arith.andi %eq3A_587, %and3A_597 : vector<16xi1>
          %select_n3A_599 = arith.select %and3A_598, %max3A_569, %scan3A_309 : vector<16xi1>, vector<16xi32>
          %not3A_600 = arith.constant true
          %not3A_601 = arith.xori %lt3A_589, %not3A_600 : i1
          %and3A_602 = vector.broadcast %not3A_601 : i1 to vector<16xi1>
          %and3A_603 = arith.andi %eq3A_587, %and3A_602 : vector<16xi1>
          %select_n3A_604 = arith.select %and3A_603, %max3A_569, %scan3A_310 : vector<16xi1>, vector<16xi32>
          %eq3A_605 = arith.cmpi eq, %iota3A, %min3A_480 : vector<16xi32>
          %jit3A_606 = arith.constant 0x7F800000 : f32
          %broadcast_in_dim3A_607 = vector.broadcast %jit3A_606 : f32 to vector<16xf32>
          %select_n3A_608 = arith.select %eq3A_605, %broadcast_in_dim3A_607, %scan3A_303 : vector<16xi1>, vector<16xf32>
          %add3A_609 = arith.constant 16 : i32
          %add3A_610 = vector.broadcast %add3A_609 : i32 to vector<16xi32>
          %add3A_611 = arith.addi %add3A_610, %iota3A : vector<16xi32>
          %eq3A_612 = arith.cmpi eq, %add3A_611, %min3A_480 : vector<16xi32>
          %jit3A_613 = arith.constant 0x7F800000 : f32
          %broadcast_in_dim3A_614 = vector.broadcast %jit3A_613 : f32 to vector<16xf32>
          %select_n3A_615 = arith.select %eq3A_612, %broadcast_in_dim3A_614, %scan3A_304 : vector<16xi1>, vector<16xf32>
          %add3A_616 = arith.constant 32 : i32
          %add3A_617 = vector.broadcast %add3A_616 : i32 to vector<16xi32>
          %add3A_618 = arith.addi %add3A_617, %iota3A : vector<16xi32>
          %eq3A_619 = arith.cmpi eq, %add3A_618, %min3A_480 : vector<16xi32>
          %jit3A_620 = arith.constant 0x7F800000 : f32
          %broadcast_in_dim3A_621 = vector.broadcast %jit3A_620 : f32 to vector<16xf32>
          %select_n3A_622 = arith.select %eq3A_619, %broadcast_in_dim3A_621, %scan3A_305 : vector<16xi1>, vector<16xf32>
          %add3A_623 = arith.constant 48 : i32
          %add3A_624 = vector.broadcast %add3A_623 : i32 to vector<16xi32>
          %add3A_625 = arith.addi %add3A_624, %iota3A : vector<16xi32>
          %eq3A_626 = arith.cmpi eq, %add3A_625, %min3A_480 : vector<16xi32>
          %jit3A_627 = arith.constant 0x7F800000 : f32
          %broadcast_in_dim3A_628 = vector.broadcast %jit3A_627 : f32 to vector<16xf32>
          %select_n3A_629 = arith.select %eq3A_626, %broadcast_in_dim3A_628, %scan3A_306 : vector<16xi1>, vector<16xf32>
          scf.yield %select_n3A_608, %select_n3A_615, %select_n3A_622, %select_n3A_629, %select_n3A_592, %select_n3A_596, %select_n3A_599, %select_n3A_604 : vector<16xf32>, vector<16xf32>, vector<16xf32>, vector<16xf32>, vector<16xf32>, vector<16xf32>, vector<16xi32>, vector<16xi32>
        }
        %scan3A_301 = arith.constant 32 : i32
        scf.yield %scan3A_300#4, %scan3A_300#5, %scan3A_300#6, %scan3A_300#7 : vector<16xf32>, vector<16xf32>, vector<16xi32>, vector<16xi32>
      } else {
        %broadcast_in_dim3A_276 = arith.constant 0 : i32
        %broadcast_in_dim3A_277 = vector.broadcast %broadcast_in_dim3A_276 : i32 to vector<16xi32>
        %scan3A_278 = arith.constant 0 : i32
        %scan3A_279 = arith.constant 32 : i32
        %scan3A_280 = arith.addi %scan3A_278, %scan3A_279 : i32
        %scan3A_281 = arith.constant 1 : i32
        %scan3A_282:4 = scf.for %scan3A_284 = %scan3A_278 to %scan3A_280 step %scan3A_281 iter_args(%scan3A_285 = %broadcast_in_dim3A_3, %scan3A_286 = %broadcast_in_dim3A_3, %scan3A_287 = %broadcast_in_dim3A_277, %scan3A_288 = %broadcast_in_dim3A_277) -> (vector<16xf32>, vector<16xf32>, vector<16xi32>, vector<16xi32>)  : i32 {
          %while3A = arith.constant 0 : i32
          %while3A_289 = arith.subi %select_n3A_122, %while3A : i32
          %while3A_290 = arith.addi %while3A, %while3A_289 : i32
          %while3A_291 = arith.constant 1 : i32
          %while3A_292 = arith.divsi %while3A_289, %while3A_291 : i32
          %while3A_293 = arith.muli %while3A_292, %while3A_291 : i32
          %while3A_294 = arith.addi %while3A, %while3A_293 : i32
          %while3A_295 = arith.constant 1 : i32
          %while3A_296 = scf.for %while3A_520 = %while3A to %while3A_294 step %while3A_295 iter_args(%while3A_521 = %broadcast_in_dim3A_3) -> (vector<16xf32>)  : i32 {
            %mul3A_522 = arith.constant 16 : i32
            %mul3A_523 = arith.muli %while3A_520, %mul3A_522 : i32
            %get3A_524 = arith.index_cast %mul3A_523 : i32 to index
            %get3A_525 = tpu.vector_load %arg9[%get3A_524] {strides = array<i32>} : memref<4112xf32, #tpu.memory_space<vmem>>, vector<16xf32>,
            %min3A_526 = arith.minimumf %while3A_521, %get3A_525 : vector<16xf32>
            scf.yield %min3A_526 : vector<16xf32>
          }
          %while3A_297 = arith.constant 1 : i32
          %while3A_298 = scf.for %while3A_520 = %while3A_294 to %while3A_290 step %while3A_297 iter_args(%while3A_521 = %while3A_296) -> (vector<16xf32>)  : i32 {
            %mul3A_522 = arith.constant 16 : i32
            %mul3A_523 = arith.muli %while3A_520, %mul3A_522 : i32
            %get3A_524 = arith.index_cast %mul3A_523 : i32 to index
            %get3A_525 = tpu.vector_load %arg9[%get3A_524] {strides = array<i32>} : memref<4112xf32, #tpu.memory_space<vmem>>, vector<16xf32>,
            %min3A_526 = arith.minimumf %while3A_521, %get3A_525 : vector<16xf32>
            scf.yield %min3A_526 : vector<16xf32>
          }
          %add3A_299 = arith.constant 8 : i32
          %add3A_300 = vector.broadcast %add3A_299 : i32 to vector<16xi32>
          %add3A_301 = arith.addi %iota3A, %add3A_300 : vector<16xi32>
          %and3A_302 = arith.constant 15 : i32
          %and3A_303 = vector.broadcast %and3A_302 : i32 to vector<16xi32>
          %and3A_304 = arith.andi %add3A_301, %and3A_303 : vector<16xi32>
          %lt3A_305 = arith.constant 0 : i32
          %lt3A_306 = vector.broadcast %lt3A_305 : i32 to vector<16xi32>
          %lt3A_307 = arith.cmpi slt, %and3A_304, %lt3A_306 : vector<16xi32>
          %add3A_308 = arith.constant 16 : i32
          %add3A_309 = vector.broadcast %add3A_308 : i32 to vector<16xi32>
          %add3A_310 = arith.addi %and3A_304, %add3A_309 : vector<16xi32>
          %select_n3A_311 = arith.select %lt3A_307, %add3A_310, %and3A_304 : vector<16xi1>, vector<16xi32>
          %broadcast_in_dim3A_312 = vector.shape_cast %select_n3A_311 : vector<16xi32> to vector<16x1xi32>
          %gather3A_313 = vector.shape_cast %broadcast_in_dim3A_312 : vector<16x1xi32> to vector<16xi32>
          %gather3A_314 = tpu.dynamic_gather %while3A_298[%gather3A_313] in [0] : vector<16xf32>, vector<16xi32> -> vector<16xf32>
          %min3A = arith.minimumf %while3A_298, %gather3A_314 : vector<16xf32>
          %add3A_315 = arith.constant 4 : i32
          %add3A_316 = vector.broadcast %add3A_315 : i32 to vector<16xi32>
          %add3A_317 = arith.addi %iota3A, %add3A_316 : vector<16xi32>
          %and3A_318 = arith.constant 15 : i32
          %and3A_319 = vector.broadcast %and3A_318 : i32 to vector<16xi32>
          %and3A_320 = arith.andi %add3A_317, %and3A_319 : vector<16xi32>
          %lt3A_321 = arith.constant 0 : i32
          %lt3A_322 = vector.broadcast %lt3A_321 : i32 to vector<16xi32>
          %lt3A_323 = arith.cmpi slt, %and3A_320, %lt3A_322 : vector<16xi32>
          %add3A_324 = arith.constant 16 : i32
          %add3A_325 = vector.broadcast %add3A_324 : i32 to vector<16xi32>
          %add3A_326 = arith.addi %and3A_320, %add3A_325 : vector<16xi32>
          %select_n3A_327 = arith.select %lt3A_323, %add3A_326, %and3A_320 : vector<16xi1>, vector<16xi32>
          %broadcast_in_dim3A_328 = vector.shape_cast %select_n3A_327 : vector<16xi32> to vector<16x1xi32>
          %gather3A_329 = vector.shape_cast %broadcast_in_dim3A_328 : vector<16x1xi32> to vector<16xi32>
          %gather3A_330 = tpu.dynamic_gather %min3A[%gather3A_329] in [0] : vector<16xf32>, vector<16xi32> -> vector<16xf32>
          %min3A_331 = arith.minimumf %min3A, %gather3A_330 : vector<16xf32>
          %add3A_332 = arith.constant 2 : i32
          %add3A_333 = vector.broadcast %add3A_332 : i32 to vector<16xi32>
          %add3A_334 = arith.addi %iota3A, %add3A_333 : vector<16xi32>
          %and3A_335 = arith.constant 15 : i32
          %and3A_336 = vector.broadcast %and3A_335 : i32 to vector<16xi32>
          %and3A_337 = arith.andi %add3A_334, %and3A_336 : vector<16xi32>
          %lt3A_338 = arith.constant 0 : i32
          %lt3A_339 = vector.broadcast %lt3A_338 : i32 to vector<16xi32>
          %lt3A_340 = arith.cmpi slt, %and3A_337, %lt3A_339 : vector<16xi32>
          %add3A_341 = arith.constant 16 : i32
          %add3A_342 = vector.broadcast %add3A_341 : i32 to vector<16xi32>
          %add3A_343 = arith.addi %and3A_337, %add3A_342 : vector<16xi32>
          %select_n3A_344 = arith.select %lt3A_340, %add3A_343, %and3A_337 : vector<16xi1>, vector<16xi32>
          %broadcast_in_dim3A_345 = vector.shape_cast %select_n3A_344 : vector<16xi32> to vector<16x1xi32>
          %gather3A_346 = vector.shape_cast %broadcast_in_dim3A_345 : vector<16x1xi32> to vector<16xi32>
          %gather3A_347 = tpu.dynamic_gather %min3A_331[%gather3A_346] in [0] : vector<16xf32>, vector<16xi32> -> vector<16xf32>
          %min3A_348 = arith.minimumf %min3A_331, %gather3A_347 : vector<16xf32>
          %add3A_349 = arith.constant 1 : i32
          %add3A_350 = vector.broadcast %add3A_349 : i32 to vector<16xi32>
          %add3A_351 = arith.addi %iota3A, %add3A_350 : vector<16xi32>
          %and3A_352 = arith.constant 15 : i32
          %and3A_353 = vector.broadcast %and3A_352 : i32 to vector<16xi32>
          %and3A_354 = arith.andi %add3A_351, %and3A_353 : vector<16xi32>
          %lt3A_355 = arith.constant 0 : i32
          %lt3A_356 = vector.broadcast %lt3A_355 : i32 to vector<16xi32>
          %lt3A_357 = arith.cmpi slt, %and3A_354, %lt3A_356 : vector<16xi32>
          %add3A_358 = arith.constant 16 : i32
          %add3A_359 = vector.broadcast %add3A_358 : i32 to vector<16xi32>
          %add3A_360 = arith.addi %and3A_354, %add3A_359 : vector<16xi32>
          %select_n3A_361 = arith.select %lt3A_357, %add3A_360, %and3A_354 : vector<16xi1>, vector<16xi32>
          %broadcast_in_dim3A_362 = vector.shape_cast %select_n3A_361 : vector<16xi32> to vector<16x1xi32>
          %gather3A_363 = vector.shape_cast %broadcast_in_dim3A_362 : vector<16x1xi32> to vector<16xi32>
          %gather3A_364 = tpu.dynamic_gather %min3A_348[%gather3A_363] in [0] : vector<16xf32>, vector<16xi32> -> vector<16xf32>
          %min3A_365 = arith.minimumf %min3A_348, %gather3A_364 : vector<16xf32>
          %broadcast_in_dim3A_366 = arith.constant 4112 : i32
          %broadcast_in_dim3A_367 = vector.broadcast %broadcast_in_dim3A_366 : i32 to vector<16xi32>
          %while3A_368 = arith.constant 0 : i32
          %while3A_369 = arith.subi %select_n3A_122, %while3A_368 : i32
          %while3A_370 = arith.addi %while3A_368, %while3A_369 : i32
          %while3A_371 = arith.constant 1 : i32
          %while3A_372 = arith.divsi %while3A_369, %while3A_371 : i32
          %while3A_373 = arith.muli %while3A_372, %while3A_371 : i32
          %while3A_374 = arith.addi %while3A_368, %while3A_373 : i32
          %while3A_375 = arith.constant 1 : i32
          %while3A_376 = scf.for %while3A_520 = %while3A_368 to %while3A_374 step %while3A_375 iter_args(%while3A_521 = %broadcast_in_dim3A_367) -> (vector<16xi32>)  : i32 {
            %mul3A_522 = arith.constant 16 : i32
            %mul3A_523 = arith.muli %while3A_520, %mul3A_522 : i32
            %get3A_524 = arith.index_cast %mul3A_523 : i32 to index
            %get3A_525 = tpu.vector_load %arg9[%get3A_524] {strides = array<i32>} : memref<4112xf32, #tpu.memory_space<vmem>>, vector<16xf32>,
            %eq3A_526 = arith.cmpf oeq, %get3A_525, %min3A_365 : vector<16xf32>
            %mul3A_527 = arith.constant 16 : i32
            %mul3A_528 = arith.muli %while3A_520, %mul3A_527 : i32
            %add3A_529 = vector.broadcast %mul3A_528 : i32 to vector<16xi32>
            %add3A_530 = arith.addi %add3A_529, %iota3A : vector<16xi32>
            %jit3A_531 = arith.constant 4112 : i32
            %broadcast_in_dim3A_532 = vector.broadcast %jit3A_531 : i32 to vector<16xi32>
            %select_n3A_533 = arith.select %eq3A_526, %add3A_530, %broadcast_in_dim3A_532 : vector<16xi1>, vector<16xi32>
            %min3A_534 = arith.minsi %while3A_521, %select_n3A_533 : vector<16xi32>
            scf.yield %min3A_534 : vector<16xi32>
          }
          %while3A_377 = arith.constant 1 : i32
          %while3A_378 = scf.for %while3A_520 = %while3A_374 to %while3A_370 step %while3A_377 iter_args(%while3A_521 = %while3A_376) -> (vector<16xi32>)  : i32 {
            %mul3A_522 = arith.constant 16 : i32
            %mul3A_523 = arith.muli %while3A_520, %mul3A_522 : i32
            %get3A_524 = arith.index_cast %mul3A_523 : i32 to index
            %get3A_525 = tpu.vector_load %arg9[%get3A_524] {strides = array<i32>} : memref<4112xf32, #tpu.memory_space<vmem>>, vector<16xf32>,
            %eq3A_526 = arith.cmpf oeq, %get3A_525, %min3A_365 : vector<16xf32>
            %mul3A_527 = arith.constant 16 : i32
            %mul3A_528 = arith.muli %while3A_520, %mul3A_527 : i32
            %add3A_529 = vector.broadcast %mul3A_528 : i32 to vector<16xi32>
            %add3A_530 = arith.addi %add3A_529, %iota3A : vector<16xi32>
            %jit3A_531 = arith.constant 4112 : i32
            %broadcast_in_dim3A_532 = vector.broadcast %jit3A_531 : i32 to vector<16xi32>
            %select_n3A_533 = arith.select %eq3A_526, %add3A_530, %broadcast_in_dim3A_532 : vector<16xi1>, vector<16xi32>
            %min3A_534 = arith.minsi %while3A_521, %select_n3A_533 : vector<16xi32>
            scf.yield %min3A_534 : vector<16xi32>
          }
          %xor3A = arith.constant 8 : i32
          %xor3A_379 = vector.broadcast %xor3A : i32 to vector<16xi32>
          %xor3A_380 = arith.xori %iota3A, %xor3A_379 : vector<16xi32>
          %lt3A_381 = arith.constant 0 : i32
          %lt3A_382 = vector.broadcast %lt3A_381 : i32 to vector<16xi32>
          %lt3A_383 = arith.cmpi slt, %xor3A_380, %lt3A_382 : vector<16xi32>
          %add3A_384 = arith.constant 16 : i32
          %add3A_385 = vector.broadcast %add3A_384 : i32 to vector<16xi32>
          %add3A_386 = arith.addi %xor3A_380, %add3A_385 : vector<16xi32>
          %select_n3A_387 = arith.select %lt3A_383, %add3A_386, %xor3A_380 : vector<16xi1>, vector<16xi32>
          %broadcast_in_dim3A_388 = vector.shape_cast %select_n3A_387 : vector<16xi32> to vector<16x1xi32>
          %gather3A_389 = vector.shape_cast %broadcast_in_dim3A_388 : vector<16x1xi32> to vector<16xi32>
          %gather3A_390 = tpu.dynamic_gather %while3A_378[%gather3A_389] in [0] : vector<16xi32>, vector<16xi32> -> vector<16xi32>
          %min3A_391 = arith.minsi %while3A_378, %gather3A_390 : vector<16xi32>
          %xor3A_392 = arith.constant 4 : i32
          %xor3A_393 = vector.broadcast %xor3A_392 : i32 to vector<16xi32>
          %xor3A_394 = arith.xori %iota3A, %xor3A_393 : vector<16xi32>
          %lt3A_395 = arith.constant 0 : i32
          %lt3A_396 = vector.broadcast %lt3A_395 : i32 to vector<16xi32>
          %lt3A_397 = arith.cmpi slt, %xor3A_394, %lt3A_396 : vector<16xi32>
          %add3A_398 = arith.constant 16 : i32
          %add3A_399 = vector.broadcast %add3A_398 : i32 to vector<16xi32>
          %add3A_400 = arith.addi %xor3A_394, %add3A_399 : vector<16xi32>
          %select_n3A_401 = arith.select %lt3A_397, %add3A_400, %xor3A_394 : vector<16xi1>, vector<16xi32>
          %broadcast_in_dim3A_402 = vector.shape_cast %select_n3A_401 : vector<16xi32> to vector<16x1xi32>
          %gather3A_403 = vector.shape_cast %broadcast_in_dim3A_402 : vector<16x1xi32> to vector<16xi32>
          %gather3A_404 = tpu.dynamic_gather %min3A_391[%gather3A_403] in [0] : vector<16xi32>, vector<16xi32> -> vector<16xi32>
          %min3A_405 = arith.minsi %min3A_391, %gather3A_404 : vector<16xi32>
          %xor3A_406 = arith.constant 2 : i32
          %xor3A_407 = vector.broadcast %xor3A_406 : i32 to vector<16xi32>
          %xor3A_408 = arith.xori %iota3A, %xor3A_407 : vector<16xi32>
          %lt3A_409 = arith.constant 0 : i32
          %lt3A_410 = vector.broadcast %lt3A_409 : i32 to vector<16xi32>
          %lt3A_411 = arith.cmpi slt, %xor3A_408, %lt3A_410 : vector<16xi32>
          %add3A_412 = arith.constant 16 : i32
          %add3A_413 = vector.broadcast %add3A_412 : i32 to vector<16xi32>
          %add3A_414 = arith.addi %xor3A_408, %add3A_413 : vector<16xi32>
          %select_n3A_415 = arith.select %lt3A_411, %add3A_414, %xor3A_408 : vector<16xi1>, vector<16xi32>
          %broadcast_in_dim3A_416 = vector.shape_cast %select_n3A_415 : vector<16xi32> to vector<16x1xi32>
          %gather3A_417 = vector.shape_cast %broadcast_in_dim3A_416 : vector<16x1xi32> to vector<16xi32>
          %gather3A_418 = tpu.dynamic_gather %min3A_405[%gather3A_417] in [0] : vector<16xi32>, vector<16xi32> -> vector<16xi32>
          %min3A_419 = arith.minsi %min3A_405, %gather3A_418 : vector<16xi32>
          %xor3A_420 = arith.constant 1 : i32
          %xor3A_421 = vector.broadcast %xor3A_420 : i32 to vector<16xi32>
          %xor3A_422 = arith.xori %iota3A, %xor3A_421 : vector<16xi32>
          %lt3A_423 = arith.constant 0 : i32
          %lt3A_424 = vector.broadcast %lt3A_423 : i32 to vector<16xi32>
          %lt3A_425 = arith.cmpi slt, %xor3A_422, %lt3A_424 : vector<16xi32>
          %add3A_426 = arith.constant 16 : i32
          %add3A_427 = vector.broadcast %add3A_426 : i32 to vector<16xi32>
          %add3A_428 = arith.addi %xor3A_422, %add3A_427 : vector<16xi32>
          %select_n3A_429 = arith.select %lt3A_425, %add3A_428, %xor3A_422 : vector<16xi1>, vector<16xi32>
          %broadcast_in_dim3A_430 = vector.shape_cast %select_n3A_429 : vector<16xi32> to vector<16x1xi32>
          %gather3A_431 = vector.shape_cast %broadcast_in_dim3A_430 : vector<16x1xi32> to vector<16xi32>
          %gather3A_432 = tpu.dynamic_gather %min3A_419[%gather3A_431] in [0] : vector<16xi32>, vector<16xi32> -> vector<16xi32>
          %min3A_433 = arith.minsi %min3A_419, %gather3A_432 : vector<16xi32>
          %slice3A = vector.extract_strided_slice %min3A_433 {offsets = [0], sizes = [1], strides = [1]} : vector<16xi32> to vector<1xi32>
          %squeeze3A = vector.extract %slice3A[0] : i32 from vector<1xi32>
          %jit3A_434 = arith.constant 16 : i32
          %div3A_435 = arith.divsi %squeeze3A, %jit3A_434 : i32
          %sign3A_436 = arith.constant 0 : i32
          %sign3A_437 = arith.cmpi sgt, %squeeze3A, %sign3A_436 : i32
          %sign3A_438 = arith.extui %sign3A_437 : i1 to i32
          %sign3A_439 = arith.constant 0 : i32
          %sign3A_440 = arith.cmpi slt, %squeeze3A, %sign3A_439 : i32
          %sign3A_441 = arith.extui %sign3A_440 : i1 to i32
          %sign3A_442 = arith.subi %sign3A_438, %sign3A_441 : i32
          %sign3A_443 = arith.constant 0 : i32
          %sign3A_444 = arith.cmpi sgt, %jit3A_434, %sign3A_443 : i32
          %sign3A_445 = arith.extui %sign3A_444 : i1 to i32
          %sign3A_446 = arith.constant 0 : i32
          %sign3A_447 = arith.cmpi slt, %jit3A_434, %sign3A_446 : i32
          %sign3A_448 = arith.extui %sign3A_447 : i1 to i32
          %sign3A_449 = arith.subi %sign3A_445, %sign3A_448 : i32
          %ne3A_450 = arith.cmpi ne, %sign3A_442, %sign3A_449 : i32
          %rem3A_451 = arith.remsi %squeeze3A, %jit3A_434 : i32
          %ne3A_452 = arith.constant 0 : i32
          %ne3A_453 = arith.cmpi ne, %rem3A_451, %ne3A_452 : i32
          %and3A_454 = arith.andi %ne3A_450, %ne3A_453 : i1
          %sub3A_455 = arith.constant 1 : i32
          %sub3A_456 = arith.subi %div3A_435, %sub3A_455 : i32
          %select_n3A_457 = arith.select %and3A_454, %sub3A_456, %div3A_435 : i32
          %mul3A_458 = arith.constant 16 : i32
          %mul3A_459 = arith.muli %select_n3A_457, %mul3A_458 : i32
          %get3A_460 = arith.index_cast %mul3A_459 : i32 to index
          %get3A_461 = tpu.vector_load %arg10[%get3A_460] {strides = array<i32>} : memref<4112xi32, #tpu.memory_space<vmem>>, vector<16xi32>,
          %and3A_462 = arith.constant 15 : i32
          %and3A_463 = vector.broadcast %and3A_462 : i32 to vector<16xi32>
          %and3A_464 = arith.andi %min3A_433, %and3A_463 : vector<16xi32>
          %lt3A_465 = arith.constant 0 : i32
          %lt3A_466 = vector.broadcast %lt3A_465 : i32 to vector<16xi32>
          %lt3A_467 = arith.cmpi slt, %and3A_464, %lt3A_466 : vector<16xi32>
          %add3A_468 = arith.constant 16 : i32
          %add3A_469 = vector.broadcast %add3A_468 : i32 to vector<16xi32>
          %add3A_470 = arith.addi %and3A_464, %add3A_469 : vector<16xi32>
          %select_n3A_471 = arith.select %lt3A_467, %add3A_470, %and3A_464 : vector<16xi1>, vector<16xi32>
          %broadcast_in_dim3A_472 = vector.shape_cast %select_n3A_471 : vector<16xi32> to vector<16x1xi32>
          %gather3A_473 = vector.shape_cast %broadcast_in_dim3A_472 : vector<16x1xi32> to vector<16xi32>
          %gather3A_474 = tpu.dynamic_gather %get3A_461[%gather3A_473] in [0] : vector<16xi32>, vector<16xi32> -> vector<16xi32>
          %jit3A_475 = arith.constant 16 : i32
          %eq3A_476 = arith.constant 0 : i32
          %eq3A_477 = arith.cmpi eq, %jit3A_475, %eq3A_476 : i32
          %jit3A_478 = arith.constant 1 : i32
          %select_n3A_479 = arith.select %eq3A_477, %jit3A_478, %jit3A_475 : i32
          %rem3A_480 = arith.remsi %scan3A_284, %select_n3A_479 : i32
          %ne3A_481 = arith.constant 0 : i32
          %ne3A_482 = arith.cmpi ne, %rem3A_480, %ne3A_481 : i32
          %lt3A_483 = arith.constant 0 : i32
          %lt3A_484 = arith.cmpi slt, %rem3A_480, %lt3A_483 : i32
          %lt3A_485 = arith.constant 0 : i32
          %lt3A_486 = arith.cmpi slt, %select_n3A_479, %lt3A_485 : i32
          %ne3A_487 = arith.xori %lt3A_484, %lt3A_486 : i1
          %and3A_488 = arith.andi %ne3A_487, %ne3A_482 : i1
          %add3A_489 = arith.addi %rem3A_480, %select_n3A_479 : i32
          %select_n3A_490 = arith.select %and3A_488, %add3A_489, %rem3A_480 : i32
          %eq3A_491 = vector.broadcast %select_n3A_490 : i32 to vector<16xi32>
          %eq3A_492 = arith.cmpi eq, %iota3A, %eq3A_491 : vector<16xi32>
          %lt3A_493 = arith.constant 16 : i32
          %lt3A_494 = arith.cmpi slt, %scan3A_284, %lt3A_493 : i32
          %and3A_495 = vector.broadcast %lt3A_494 : i1 to vector<16xi1>
          %and3A_496 = arith.andi %eq3A_492, %and3A_495 : vector<16xi1>
          %select_n3A_497 = arith.select %and3A_496, %min3A_365, %scan3A_285 : vector<16xi1>, vector<16xf32>
          %not3A = arith.constant true
          %not3A_498 = arith.xori %lt3A_494, %not3A : i1
          %and3A_499 = vector.broadcast %not3A_498 : i1 to vector<16xi1>
          %and3A_500 = arith.andi %eq3A_492, %and3A_499 : vector<16xi1>
          %select_n3A_501 = arith.select %and3A_500, %min3A_365, %scan3A_286 : vector<16xi1>, vector<16xf32>
          %and3A_502 = vector.broadcast %lt3A_494 : i1 to vector<16xi1>
          %and3A_503 = arith.andi %eq3A_492, %and3A_502 : vector<16xi1>
          %select_n3A_504 = arith.select %and3A_503, %gather3A_474, %scan3A_287 : vector<16xi1>, vector<16xi32>
          %not3A_505 = arith.constant true
          %not3A_506 = arith.xori %lt3A_494, %not3A_505 : i1
          %and3A_507 = vector.broadcast %not3A_506 : i1 to vector<16xi1>
          %and3A_508 = arith.andi %eq3A_492, %and3A_507 : vector<16xi1>
          %select_n3A_509 = arith.select %and3A_508, %gather3A_474, %scan3A_288 : vector<16xi1>, vector<16xi32>
          %get3A_510 = arith.index_cast %mul3A_459 : i32 to index
          %get3A_511 = tpu.vector_load %arg9[%get3A_510] {strides = array<i32>} : memref<4112xf32, #tpu.memory_space<vmem>>, vector<16xf32>,
          %add3A_512 = vector.broadcast %mul3A_459 : i32 to vector<16xi32>
          %add3A_513 = arith.addi %add3A_512, %iota3A : vector<16xi32>
          %eq3A_514 = arith.cmpi eq, %add3A_513, %min3A_433 : vector<16xi32>
          %jit3A_515 = arith.constant 0x7F800000 : f32
          %broadcast_in_dim3A_516 = vector.broadcast %jit3A_515 : f32 to vector<16xf32>
          %select_n3A_517 = arith.select %eq3A_514, %broadcast_in_dim3A_516, %get3A_511 : vector<16xi1>, vector<16xf32>
          %swap3A_518 = arith.index_cast %mul3A_459 : i32 to index
          %swap3A_519 = tpu.vector_load %arg9[%swap3A_518] {strides = array<i32>} : memref<4112xf32, #tpu.memory_space<vmem>>, vector<16xf32>,
          tpu.vector_store %arg9[%swap3A_518], %select_n3A_517 {strides = array<i32>} : memref<4112xf32, #tpu.memory_space<vmem>>, vector<16xf32>,
          scf.yield %select_n3A_497, %select_n3A_501, %select_n3A_504, %select_n3A_509 : vector<16xf32>, vector<16xf32>, vector<16xi32>, vector<16xi32>
        }
        %scan3A_283 = arith.constant 32 : i32
        scf.yield %scan3A_282#0, %scan3A_282#1, %scan3A_282#2, %scan3A_282#3 : vector<16xf32>, vector<16xf32>, vector<16xi32>, vector<16xi32>
      }
      %mul3A_127 = arith.constant 32 : i32
      %mul3A_128 = arith.muli %mul3A_22, %mul3A_127 : i32
      %swap3A_129 = arith.index_cast %mul3A_128 : i32 to index
      %swap3A_130 = tpu.vector_load %arg11[%swap3A_129] {strides = array<i32>} : memref<4096xf32, #tpu.memory_space<vmem>>, vector<16xf32>,
      tpu.vector_store %arg11[%swap3A_129], %cond3A_126#0 {strides = array<i32>} : memref<4096xf32, #tpu.memory_space<vmem>>, vector<16xf32>,
      %add3A_131 = arith.constant 16 : i32
      %add3A_132 = arith.addi %mul3A_128, %add3A_131 : i32
      %swap3A_133 = arith.index_cast %add3A_132 : i32 to index
      %swap3A_134 = tpu.vector_load %arg11[%swap3A_133] {strides = array<i32>} : memref<4096xf32, #tpu.memory_space<vmem>>, vector<16xf32>,
      tpu.vector_store %arg11[%swap3A_133], %cond3A_126#1 {strides = array<i32>} : memref<4096xf32, #tpu.memory_space<vmem>>, vector<16xf32>,
      %swap3A_135 = arith.index_cast %mul3A_128 : i32 to index
      %swap3A_136 = tpu.vector_load %arg12[%swap3A_135] {strides = array<i32>} : memref<4096xi32, #tpu.memory_space<vmem>>, vector<16xi32>,
      tpu.vector_store %arg12[%swap3A_135], %cond3A_126#2 {strides = array<i32>} : memref<4096xi32, #tpu.memory_space<vmem>>, vector<16xi32>,
      %add3A_137 = arith.constant 16 : i32
      %add3A_138 = arith.addi %mul3A_128, %add3A_137 : i32
      %swap3A_139 = arith.index_cast %add3A_138 : i32 to index
      %swap3A_140 = tpu.vector_load %arg12[%swap3A_139] {strides = array<i32>} : memref<4096xi32, #tpu.memory_space<vmem>>, vector<16xi32>,
      tpu.vector_store %arg12[%swap3A_139], %cond3A_126#3 {strides = array<i32>} : memref<4096xi32, #tpu.memory_space<vmem>>, vector<16xi32>,
      %add3A_141 = arith.constant 2 : i32
      %add3A_142 = arith.addi %mul3A_22, %add3A_141 : i32
      %lt3A_143 = arith.constant 128 : i32
      %lt3A_144 = arith.cmpi slt, %add3A_142, %lt3A_143 : i32
      %convert_element_type3A_145 = arith.extui %lt3A_144 : i1 to i32
      %cond3A_146 = arith.constant 0 : i32
      %cond3A_147 = arith.cmpi ne, %convert_element_type3A_145, %cond3A_146 : i32
      scf.if %cond3A_147 {
        %add3A_276 = arith.addi %mul3A_2, %mul3A_22 : i32
        %add3A_277 = arith.constant 2 : i32
        %add3A_278 = arith.addi %add3A_276, %add3A_277 : i32
        %dma_start3A_279 = arith.constant 0 : i32
        %dma_start3A_280 = tpu.memref_slice %arg2[%add3A_278, %dma_start3A_279] : memref<4096x4096xf32, #tpu.memory_space<hbm>> -> memref<1x4096xf32, #tpu.memory_space<hbm>>
        %dma_start3A_281 = tpu.memref_squeeze %dma_start3A_280 : memref<1x4096xf32, #tpu.memory_space<hbm>> -> memref<4096xf32, #tpu.memory_space<hbm>>
        %dma_start3A_282 = arith.constant 0 : i32
        %dma_start3A_283 = tpu.memref_slice %arg2[%add3A_278, %dma_start3A_282] : memref<4096x4096xf32, #tpu.memory_space<hbm>> -> memref<1x4096xf32, #tpu.memory_space<hbm>>
        %dma_start3A_284 = tpu.memref_squeeze %dma_start3A_283 : memref<1x4096xf32, #tpu.memory_space<hbm>> -> memref<4096xf32, #tpu.memory_space<hbm>>
        tpu.enqueue_dma source(%dma_start3A_284 : memref<4096xf32, #tpu.memory_space<hbm>>) target(%arg7 : memref<4096xf32, #tpu.memory_space<vmem>>) target_semaphore(%arg13 : memref<!tpu.dma_semaphore, #tpu.memory_space<semaphore_mem>>)
      } else {
      }
      %dma_wait3A_148 = arith.constant 0 : i32
      %dma_wait3A_149 = tpu.memref_slice %arg2[%add3A_25, %dma_wait3A_148] : memref<4096x4096xf32, #tpu.memory_space<hbm>> -> memref<1x4096xf32, #tpu.memory_space<hbm>>
      %dma_wait3A_150 = tpu.memref_squeeze %dma_wait3A_149 : memref<1x4096xf32, #tpu.memory_space<hbm>> -> memref<4096xf32, #tpu.memory_space<hbm>>
      %dma_wait3A_151 = arith.constant 0 : i32
      %dma_wait3A_152 = tpu.memref_slice %arg2[%add3A_25, %dma_wait3A_151] : memref<4096x4096xf32, #tpu.memory_space<hbm>> -> memref<1x4096xf32, #tpu.memory_space<hbm>>
      %dma_wait3A_153 = tpu.memref_squeeze %dma_wait3A_152 : memref<1x4096xf32, #tpu.memory_space<hbm>> -> memref<4096xf32, #tpu.memory_space<hbm>>
      tpu.wait_dma2 semaphore(%arg14 : memref<!tpu.dma_semaphore, #tpu.memory_space<semaphore_mem>>) src(%dma_wait3A_153 : memref<4096xf32, #tpu.memory_space<hbm>>) dst(%arg8 : memref<4096xf32, #tpu.memory_space<vmem>>)
      %add3A_154 = arith.constant 1 : i32
      %add3A_155 = arith.addi %mul3A_22, %add3A_154 : i32
      %jit3A_156 = arith.constant 16 : i32
      %div3A_157 = arith.divsi %add3A_155, %jit3A_156 : i32
      %sign3A_158 = arith.constant 0 : i32
      %sign3A_159 = arith.cmpi sgt, %add3A_155, %sign3A_158 : i32
      %sign3A_160 = arith.extui %sign3A_159 : i1 to i32
      %sign3A_161 = arith.constant 0 : i32
      %sign3A_162 = arith.cmpi slt, %add3A_155, %sign3A_161 : i32
      %sign3A_163 = arith.extui %sign3A_162 : i1 to i32
      %sign3A_164 = arith.subi %sign3A_160, %sign3A_163 : i32
      %sign3A_165 = arith.constant 0 : i32
      %sign3A_166 = arith.cmpi sgt, %jit3A_156, %sign3A_165 : i32
      %sign3A_167 = arith.extui %sign3A_166 : i1 to i32
      %sign3A_168 = arith.constant 0 : i32
      %sign3A_169 = arith.cmpi slt, %jit3A_156, %sign3A_168 : i32
      %sign3A_170 = arith.extui %sign3A_169 : i1 to i32
      %sign3A_171 = arith.subi %sign3A_167, %sign3A_170 : i32
      %ne3A_172 = arith.cmpi ne, %sign3A_164, %sign3A_171 : i32
      %rem3A_173 = arith.remsi %add3A_155, %jit3A_156 : i32
      %ne3A_174 = arith.constant 0 : i32
      %ne3A_175 = arith.cmpi ne, %rem3A_173, %ne3A_174 : i32
      %and3A_176 = arith.andi %ne3A_172, %ne3A_175 : i1
      %sub3A_177 = arith.constant 1 : i32
      %sub3A_178 = arith.subi %div3A_157, %sub3A_177 : i32
      %select_n3A_179 = arith.select %and3A_176, %sub3A_178, %div3A_157 : i32
      %mul3A_180 = arith.constant 16 : i32
      %mul3A_181 = arith.muli %select_n3A_179, %mul3A_180 : i32
      %get3A_182 = arith.index_cast %mul3A_181 : i32 to index
      %get3A_183 = tpu.vector_load %arg6[%get3A_182] {strides = array<i32>} : memref<128xf32, #tpu.memory_space<vmem>>, vector<16xf32>,
      %jit3A_184 = arith.constant 16 : i32
      %eq3A_185 = arith.constant 0 : i32
      %eq3A_186 = arith.cmpi eq, %jit3A_184, %eq3A_185 : i32
      %jit3A_187 = arith.constant 1 : i32
      %select_n3A_188 = arith.select %eq3A_186, %jit3A_187, %jit3A_184 : i32
      %rem3A_189 = arith.remsi %add3A_155, %select_n3A_188 : i32
      %ne3A_190 = arith.constant 0 : i32
      %ne3A_191 = arith.cmpi ne, %rem3A_189, %ne3A_190 : i32
      %lt3A_192 = arith.constant 0 : i32
      %lt3A_193 = arith.cmpi slt, %rem3A_189, %lt3A_192 : i32
      %lt3A_194 = arith.constant 0 : i32
      %lt3A_195 = arith.cmpi slt, %select_n3A_188, %lt3A_194 : i32
      %ne3A_196 = arith.xori %lt3A_193, %lt3A_195 : i1
      %and3A_197 = arith.andi %ne3A_196, %ne3A_191 : i1
      %add3A_198 = arith.addi %rem3A_189, %select_n3A_188 : i32
      %select_n3A_199 = arith.select %and3A_197, %add3A_198, %rem3A_189 : i32
      %broadcast_in_dim3A_200 = vector.broadcast %select_n3A_199 : i32 to vector<16xi32>
      %lt3A_201 = arith.constant 0 : i32
      %lt3A_202 = vector.broadcast %lt3A_201 : i32 to vector<16xi32>
      %lt3A_203 = arith.cmpi slt, %broadcast_in_dim3A_200, %lt3A_202 : vector<16xi32>
      %add3A_204 = arith.constant 16 : i32
      %add3A_205 = vector.broadcast %add3A_204 : i32 to vector<16xi32>
      %add3A_206 = arith.addi %broadcast_in_dim3A_200, %add3A_205 : vector<16xi32>
      %select_n3A_207 = arith.select %lt3A_203, %add3A_206, %broadcast_in_dim3A_200 : vector<16xi1>, vector<16xi32>
      %broadcast_in_dim3A_208 = vector.shape_cast %select_n3A_207 : vector<16xi32> to vector<16x1xi32>
      %gather3A_209 = vector.shape_cast %broadcast_in_dim3A_208 : vector<16x1xi32> to vector<16xi32>
      %gather3A_210 = tpu.dynamic_gather %get3A_183[%gather3A_209] in [0] : vector<16xf32>, vector<16xi32> -> vector<16xf32>
      %swap3A_211 = arith.constant 0 : index
      %swap3A_212 = tpu.vector_load %arg9[%swap3A_211] {strides = array<i32>} : memref<4112xf32, #tpu.memory_space<vmem>>, vector<16xf32>,
      tpu.vector_store %arg9[%swap3A_211], %broadcast_in_dim3A_3 {strides = array<i32>} : memref<4112xf32, #tpu.memory_space<vmem>>, vector<16xf32>,
      %swap3A_213 = arith.constant 16 : index
      %swap3A_214 = tpu.vector_load %arg9[%swap3A_213] {strides = array<i32>} : memref<4112xf32, #tpu.memory_space<vmem>>, vector<16xf32>,
      tpu.vector_store %arg9[%swap3A_213], %broadcast_in_dim3A_3 {strides = array<i32>} : memref<4112xf32, #tpu.memory_space<vmem>>, vector<16xf32>,
      %swap3A_215 = arith.constant 32 : index
      %swap3A_216 = tpu.vector_load %arg9[%swap3A_215] {strides = array<i32>} : memref<4112xf32, #tpu.memory_space<vmem>>, vector<16xf32>,
      tpu.vector_store %arg9[%swap3A_215], %broadcast_in_dim3A_3 {strides = array<i32>} : memref<4112xf32, #tpu.memory_space<vmem>>, vector<16xf32>,
      %swap3A_217 = arith.constant 48 : index
      %swap3A_218 = tpu.vector_load %arg9[%swap3A_217] {strides = array<i32>} : memref<4112xf32, #tpu.memory_space<vmem>>, vector<16xf32>,
      tpu.vector_store %arg9[%swap3A_217], %broadcast_in_dim3A_3 {strides = array<i32>} : memref<4112xf32, #tpu.memory_space<vmem>>, vector<16xf32>,
      %scan3A_219 = arith.constant 0 : i32
      %scan3A_220 = arith.constant 0 : i32
      %scan3A_221 = arith.constant 8 : i32
      %scan3A_222 = arith.addi %scan3A_220, %scan3A_221 : i32
      %scan3A_223 = arith.constant 1 : i32
      %scan3A_224 = scf.for %scan3A_276 = %scan3A_220 to %scan3A_222 step %scan3A_223 iter_args(%scan3A_277 = %scan3A_219) -> (i32)  : i32 {
        %mul3A_278 = arith.constant 32 : i32
        %mul3A_279 = arith.muli %scan3A_276, %mul3A_278 : i32
        %add3A_280 = arith.constant 0 : i32
        %add3A_281 = arith.addi %mul3A_279, %add3A_280 : i32
        %mul3A_282 = arith.constant 16 : i32
        %mul3A_283 = arith.muli %add3A_281, %mul3A_282 : i32
        %get3A_284 = arith.index_cast %mul3A_283 : i32 to index
        %get3A_285 = tpu.vector_load %arg8[%get3A_284] {strides = array<i32>} : memref<4096xf32, #tpu.memory_space<vmem>>, vector<16xf32>,
        %mul3A_286 = arith.constant 32 : i32
        %mul3A_287 = arith.muli %scan3A_276, %mul3A_286 : i32
        %add3A_288 = arith.constant 1 : i32
        %add3A_289 = arith.addi %mul3A_287, %add3A_288 : i32
        %mul3A_290 = arith.constant 16 : i32
        %mul3A_291 = arith.muli %add3A_289, %mul3A_290 : i32
        %get3A_292 = arith.index_cast %mul3A_291 : i32 to index
        %get3A_293 = tpu.vector_load %arg8[%get3A_292] {strides = array<i32>} : memref<4096xf32, #tpu.memory_space<vmem>>, vector<16xf32>,
        %mul3A_294 = arith.constant 32 : i32
        %mul3A_295 = arith.muli %scan3A_276, %mul3A_294 : i32
        %add3A_296 = arith.constant 2 : i32
        %add3A_297 = arith.addi %mul3A_295, %add3A_296 : i32
        %mul3A_298 = arith.constant 16 : i32
        %mul3A_299 = arith.muli %add3A_297, %mul3A_298 : i32
        %get3A_300 = arith.index_cast %mul3A_299 : i32 to index
        %get3A_301 = tpu.vector_load %arg8[%get3A_300] {strides = array<i32>} : memref<4096xf32, #tpu.memory_space<vmem>>, vector<16xf32>,
        %mul3A_302 = arith.constant 32 : i32
        %mul3A_303 = arith.muli %scan3A_276, %mul3A_302 : i32
        %add3A_304 = arith.constant 3 : i32
        %add3A_305 = arith.addi %mul3A_303, %add3A_304 : i32
        %mul3A_306 = arith.constant 16 : i32
        %mul3A_307 = arith.muli %add3A_305, %mul3A_306 : i32
        %get3A_308 = arith.index_cast %mul3A_307 : i32 to index
        %get3A_309 = tpu.vector_load %arg8[%get3A_308] {strides = array<i32>} : memref<4096xf32, #tpu.memory_space<vmem>>, vector<16xf32>,
        %mul3A_310 = arith.constant 32 : i32
        %mul3A_311 = arith.muli %scan3A_276, %mul3A_310 : i32
        %add3A_312 = arith.constant 4 : i32
        %add3A_313 = arith.addi %mul3A_311, %add3A_312 : i32
        %mul3A_314 = arith.constant 16 : i32
        %mul3A_315 = arith.muli %add3A_313, %mul3A_314 : i32
        %get3A_316 = arith.index_cast %mul3A_315 : i32 to index
        %get3A_317 = tpu.vector_load %arg8[%get3A_316] {strides = array<i32>} : memref<4096xf32, #tpu.memory_space<vmem>>, vector<16xf32>,
        %mul3A_318 = arith.constant 32 : i32
        %mul3A_319 = arith.muli %scan3A_276, %mul3A_318 : i32
        %add3A_320 = arith.constant 5 : i32
        %add3A_321 = arith.addi %mul3A_319, %add3A_320 : i32
        %mul3A_322 = arith.constant 16 : i32
        %mul3A_323 = arith.muli %add3A_321, %mul3A_322 : i32
        %get3A_324 = arith.index_cast %mul3A_323 : i32 to index
        %get3A_325 = tpu.vector_load %arg8[%get3A_324] {strides = array<i32>} : memref<4096xf32, #tpu.memory_space<vmem>>, vector<16xf32>,
        %mul3A_326 = arith.constant 32 : i32
        %mul3A_327 = arith.muli %scan3A_276, %mul3A_326 : i32
        %add3A_328 = arith.constant 6 : i32
        %add3A_329 = arith.addi %mul3A_327, %add3A_328 : i32
        %mul3A_330 = arith.constant 16 : i32
        %mul3A_331 = arith.muli %add3A_329, %mul3A_330 : i32
        %get3A_332 = arith.index_cast %mul3A_331 : i32 to index
        %get3A_333 = tpu.vector_load %arg8[%get3A_332] {strides = array<i32>} : memref<4096xf32, #tpu.memory_space<vmem>>, vector<16xf32>,
        %mul3A_334 = arith.constant 32 : i32
        %mul3A_335 = arith.muli %scan3A_276, %mul3A_334 : i32
        %add3A_336 = arith.constant 7 : i32
        %add3A_337 = arith.addi %mul3A_335, %add3A_336 : i32
        %mul3A_338 = arith.constant 16 : i32
        %mul3A_339 = arith.muli %add3A_337, %mul3A_338 : i32
        %get3A_340 = arith.index_cast %mul3A_339 : i32 to index
        %get3A_341 = tpu.vector_load %arg8[%get3A_340] {strides = array<i32>} : memref<4096xf32, #tpu.memory_space<vmem>>, vector<16xf32>,
        %mul3A_342 = arith.constant 32 : i32
        %mul3A_343 = arith.muli %scan3A_276, %mul3A_342 : i32
        %add3A_344 = arith.constant 8 : i32
        %add3A_345 = arith.addi %mul3A_343, %add3A_344 : i32
        %mul3A_346 = arith.constant 16 : i32
        %mul3A_347 = arith.muli %add3A_345, %mul3A_346 : i32
        %get3A_348 = arith.index_cast %mul3A_347 : i32 to index
        %get3A_349 = tpu.vector_load %arg8[%get3A_348] {strides = array<i32>} : memref<4096xf32, #tpu.memory_space<vmem>>, vector<16xf32>,
        %mul3A_350 = arith.constant 32 : i32
        %mul3A_351 = arith.muli %scan3A_276, %mul3A_350 : i32
        %add3A_352 = arith.constant 9 : i32
        %add3A_353 = arith.addi %mul3A_351, %add3A_352 : i32
        %mul3A_354 = arith.constant 16 : i32
        %mul3A_355 = arith.muli %add3A_353, %mul3A_354 : i32
        %get3A_356 = arith.index_cast %mul3A_355 : i32 to index
        %get3A_357 = tpu.vector_load %arg8[%get3A_356] {strides = array<i32>} : memref<4096xf32, #tpu.memory_space<vmem>>, vector<16xf32>,
        %mul3A_358 = arith.constant 32 : i32
        %mul3A_359 = arith.muli %scan3A_276, %mul3A_358 : i32
        %add3A_360 = arith.constant 10 : i32
        %add3A_361 = arith.addi %mul3A_359, %add3A_360 : i32
        %mul3A_362 = arith.constant 16 : i32
        %mul3A_363 = arith.muli %add3A_361, %mul3A_362 : i32
        %get3A_364 = arith.index_cast %mul3A_363 : i32 to index
        %get3A_365 = tpu.vector_load %arg8[%get3A_364] {strides = array<i32>} : memref<4096xf32, #tpu.memory_space<vmem>>, vector<16xf32>,
        %mul3A_366 = arith.constant 32 : i32
        %mul3A_367 = arith.muli %scan3A_276, %mul3A_366 : i32
        %add3A_368 = arith.constant 11 : i32
        %add3A_369 = arith.addi %mul3A_367, %add3A_368 : i32
        %mul3A_370 = arith.constant 16 : i32
        %mul3A_371 = arith.muli %add3A_369, %mul3A_370 : i32
        %get3A_372 = arith.index_cast %mul3A_371 : i32 to index
        %get3A_373 = tpu.vector_load %arg8[%get3A_372] {strides = array<i32>} : memref<4096xf32, #tpu.memory_space<vmem>>, vector<16xf32>,
        %mul3A_374 = arith.constant 32 : i32
        %mul3A_375 = arith.muli %scan3A_276, %mul3A_374 : i32
        %add3A_376 = arith.constant 12 : i32
        %add3A_377 = arith.addi %mul3A_375, %add3A_376 : i32
        %mul3A_378 = arith.constant 16 : i32
        %mul3A_379 = arith.muli %add3A_377, %mul3A_378 : i32
        %get3A_380 = arith.index_cast %mul3A_379 : i32 to index
        %get3A_381 = tpu.vector_load %arg8[%get3A_380] {strides = array<i32>} : memref<4096xf32, #tpu.memory_space<vmem>>, vector<16xf32>,
        %mul3A_382 = arith.constant 32 : i32
        %mul3A_383 = arith.muli %scan3A_276, %mul3A_382 : i32
        %add3A_384 = arith.constant 13 : i32
        %add3A_385 = arith.addi %mul3A_383, %add3A_384 : i32
        %mul3A_386 = arith.constant 16 : i32
        %mul3A_387 = arith.muli %add3A_385, %mul3A_386 : i32
        %get3A_388 = arith.index_cast %mul3A_387 : i32 to index
        %get3A_389 = tpu.vector_load %arg8[%get3A_388] {strides = array<i32>} : memref<4096xf32, #tpu.memory_space<vmem>>, vector<16xf32>,
        %mul3A_390 = arith.constant 32 : i32
        %mul3A_391 = arith.muli %scan3A_276, %mul3A_390 : i32
        %add3A_392 = arith.constant 14 : i32
        %add3A_393 = arith.addi %mul3A_391, %add3A_392 : i32
        %mul3A_394 = arith.constant 16 : i32
        %mul3A_395 = arith.muli %add3A_393, %mul3A_394 : i32
        %get3A_396 = arith.index_cast %mul3A_395 : i32 to index
        %get3A_397 = tpu.vector_load %arg8[%get3A_396] {strides = array<i32>} : memref<4096xf32, #tpu.memory_space<vmem>>, vector<16xf32>,
        %mul3A_398 = arith.constant 32 : i32
        %mul3A_399 = arith.muli %scan3A_276, %mul3A_398 : i32
        %add3A_400 = arith.constant 15 : i32
        %add3A_401 = arith.addi %mul3A_399, %add3A_400 : i32
        %mul3A_402 = arith.constant 16 : i32
        %mul3A_403 = arith.muli %add3A_401, %mul3A_402 : i32
        %get3A_404 = arith.index_cast %mul3A_403 : i32 to index
        %get3A_405 = tpu.vector_load %arg8[%get3A_404] {strides = array<i32>} : memref<4096xf32, #tpu.memory_space<vmem>>, vector<16xf32>,
        %mul3A_406 = arith.constant 32 : i32
        %mul3A_407 = arith.muli %scan3A_276, %mul3A_406 : i32
        %add3A_408 = arith.constant 16 : i32
        %add3A_409 = arith.addi %mul3A_407, %add3A_408 : i32
        %mul3A_410 = arith.constant 16 : i32
        %mul3A_411 = arith.muli %add3A_409, %mul3A_410 : i32
        %get3A_412 = arith.index_cast %mul3A_411 : i32 to index
        %get3A_413 = tpu.vector_load %arg8[%get3A_412] {strides = array<i32>} : memref<4096xf32, #tpu.memory_space<vmem>>, vector<16xf32>,
        %mul3A_414 = arith.constant 32 : i32
        %mul3A_415 = arith.muli %scan3A_276, %mul3A_414 : i32
        %add3A_416 = arith.constant 17 : i32
        %add3A_417 = arith.addi %mul3A_415, %add3A_416 : i32
        %mul3A_418 = arith.constant 16 : i32
        %mul3A_419 = arith.muli %add3A_417, %mul3A_418 : i32
        %get3A_420 = arith.index_cast %mul3A_419 : i32 to index
        %get3A_421 = tpu.vector_load %arg8[%get3A_420] {strides = array<i32>} : memref<4096xf32, #tpu.memory_space<vmem>>, vector<16xf32>,
        %mul3A_422 = arith.constant 32 : i32
        %mul3A_423 = arith.muli %scan3A_276, %mul3A_422 : i32
        %add3A_424 = arith.constant 18 : i32
        %add3A_425 = arith.addi %mul3A_423, %add3A_424 : i32
        %mul3A_426 = arith.constant 16 : i32
        %mul3A_427 = arith.muli %add3A_425, %mul3A_426 : i32
        %get3A_428 = arith.index_cast %mul3A_427 : i32 to index
        %get3A_429 = tpu.vector_load %arg8[%get3A_428] {strides = array<i32>} : memref<4096xf32, #tpu.memory_space<vmem>>, vector<16xf32>,
        %mul3A_430 = arith.constant 32 : i32
        %mul3A_431 = arith.muli %scan3A_276, %mul3A_430 : i32
        %add3A_432 = arith.constant 19 : i32
        %add3A_433 = arith.addi %mul3A_431, %add3A_432 : i32
        %mul3A_434 = arith.constant 16 : i32
        %mul3A_435 = arith.muli %add3A_433, %mul3A_434 : i32
        %get3A_436 = arith.index_cast %mul3A_435 : i32 to index
        %get3A_437 = tpu.vector_load %arg8[%get3A_436] {strides = array<i32>} : memref<4096xf32, #tpu.memory_space<vmem>>, vector<16xf32>,
        %mul3A_438 = arith.constant 32 : i32
        %mul3A_439 = arith.muli %scan3A_276, %mul3A_438 : i32
        %add3A_440 = arith.constant 20 : i32
        %add3A_441 = arith.addi %mul3A_439, %add3A_440 : i32
        %mul3A_442 = arith.constant 16 : i32
        %mul3A_443 = arith.muli %add3A_441, %mul3A_442 : i32
        %get3A_444 = arith.index_cast %mul3A_443 : i32 to index
        %get3A_445 = tpu.vector_load %arg8[%get3A_444] {strides = array<i32>} : memref<4096xf32, #tpu.memory_space<vmem>>, vector<16xf32>,
        %mul3A_446 = arith.constant 32 : i32
        %mul3A_447 = arith.muli %scan3A_276, %mul3A_446 : i32
        %add3A_448 = arith.constant 21 : i32
        %add3A_449 = arith.addi %mul3A_447, %add3A_448 : i32
        %mul3A_450 = arith.constant 16 : i32
        %mul3A_451 = arith.muli %add3A_449, %mul3A_450 : i32
        %get3A_452 = arith.index_cast %mul3A_451 : i32 to index
        %get3A_453 = tpu.vector_load %arg8[%get3A_452] {strides = array<i32>} : memref<4096xf32, #tpu.memory_space<vmem>>, vector<16xf32>,
        %mul3A_454 = arith.constant 32 : i32
        %mul3A_455 = arith.muli %scan3A_276, %mul3A_454 : i32
        %add3A_456 = arith.constant 22 : i32
        %add3A_457 = arith.addi %mul3A_455, %add3A_456 : i32
        %mul3A_458 = arith.constant 16 : i32
        %mul3A_459 = arith.muli %add3A_457, %mul3A_458 : i32
        %get3A_460 = arith.index_cast %mul3A_459 : i32 to index
        %get3A_461 = tpu.vector_load %arg8[%get3A_460] {strides = array<i32>} : memref<4096xf32, #tpu.memory_space<vmem>>, vector<16xf32>,
        %mul3A_462 = arith.constant 32 : i32
        %mul3A_463 = arith.muli %scan3A_276, %mul3A_462 : i32
        %add3A_464 = arith.constant 23 : i32
        %add3A_465 = arith.addi %mul3A_463, %add3A_464 : i32
        %mul3A_466 = arith.constant 16 : i32
        %mul3A_467 = arith.muli %add3A_465, %mul3A_466 : i32
        %get3A_468 = arith.index_cast %mul3A_467 : i32 to index
        %get3A_469 = tpu.vector_load %arg8[%get3A_468] {strides = array<i32>} : memref<4096xf32, #tpu.memory_space<vmem>>, vector<16xf32>,
        %mul3A_470 = arith.constant 32 : i32
        %mul3A_471 = arith.muli %scan3A_276, %mul3A_470 : i32
        %add3A_472 = arith.constant 24 : i32
        %add3A_473 = arith.addi %mul3A_471, %add3A_472 : i32
        %mul3A_474 = arith.constant 16 : i32
        %mul3A_475 = arith.muli %add3A_473, %mul3A_474 : i32
        %get3A_476 = arith.index_cast %mul3A_475 : i32 to index
        %get3A_477 = tpu.vector_load %arg8[%get3A_476] {strides = array<i32>} : memref<4096xf32, #tpu.memory_space<vmem>>, vector<16xf32>,
        %mul3A_478 = arith.constant 32 : i32
        %mul3A_479 = arith.muli %scan3A_276, %mul3A_478 : i32
        %add3A_480 = arith.constant 25 : i32
        %add3A_481 = arith.addi %mul3A_479, %add3A_480 : i32
        %mul3A_482 = arith.constant 16 : i32
        %mul3A_483 = arith.muli %add3A_481, %mul3A_482 : i32
        %get3A_484 = arith.index_cast %mul3A_483 : i32 to index
        %get3A_485 = tpu.vector_load %arg8[%get3A_484] {strides = array<i32>} : memref<4096xf32, #tpu.memory_space<vmem>>, vector<16xf32>,
        %mul3A_486 = arith.constant 32 : i32
        %mul3A_487 = arith.muli %scan3A_276, %mul3A_486 : i32
        %add3A_488 = arith.constant 26 : i32
        %add3A_489 = arith.addi %mul3A_487, %add3A_488 : i32
        %mul3A_490 = arith.constant 16 : i32
        %mul3A_491 = arith.muli %add3A_489, %mul3A_490 : i32
        %get3A_492 = arith.index_cast %mul3A_491 : i32 to index
        %get3A_493 = tpu.vector_load %arg8[%get3A_492] {strides = array<i32>} : memref<4096xf32, #tpu.memory_space<vmem>>, vector<16xf32>,
        %mul3A_494 = arith.constant 32 : i32
        %mul3A_495 = arith.muli %scan3A_276, %mul3A_494 : i32
        %add3A_496 = arith.constant 27 : i32
        %add3A_497 = arith.addi %mul3A_495, %add3A_496 : i32
        %mul3A_498 = arith.constant 16 : i32
        %mul3A_499 = arith.muli %add3A_497, %mul3A_498 : i32
        %get3A_500 = arith.index_cast %mul3A_499 : i32 to index
        %get3A_501 = tpu.vector_load %arg8[%get3A_500] {strides = array<i32>} : memref<4096xf32, #tpu.memory_space<vmem>>, vector<16xf32>,
        %mul3A_502 = arith.constant 32 : i32
        %mul3A_503 = arith.muli %scan3A_276, %mul3A_502 : i32
        %add3A_504 = arith.constant 28 : i32
        %add3A_505 = arith.addi %mul3A_503, %add3A_504 : i32
        %mul3A_506 = arith.constant 16 : i32
        %mul3A_507 = arith.muli %add3A_505, %mul3A_506 : i32
        %get3A_508 = arith.index_cast %mul3A_507 : i32 to index
        %get3A_509 = tpu.vector_load %arg8[%get3A_508] {strides = array<i32>} : memref<4096xf32, #tpu.memory_space<vmem>>, vector<16xf32>,
        %mul3A_510 = arith.constant 32 : i32
        %mul3A_511 = arith.muli %scan3A_276, %mul3A_510 : i32
        %add3A_512 = arith.constant 29 : i32
        %add3A_513 = arith.addi %mul3A_511, %add3A_512 : i32
        %mul3A_514 = arith.constant 16 : i32
        %mul3A_515 = arith.muli %add3A_513, %mul3A_514 : i32
        %get3A_516 = arith.index_cast %mul3A_515 : i32 to index
        %get3A_517 = tpu.vector_load %arg8[%get3A_516] {strides = array<i32>} : memref<4096xf32, #tpu.memory_space<vmem>>, vector<16xf32>,
        %mul3A_518 = arith.constant 32 : i32
        %mul3A_519 = arith.muli %scan3A_276, %mul3A_518 : i32
        %add3A_520 = arith.constant 30 : i32
        %add3A_521 = arith.addi %mul3A_519, %add3A_520 : i32
        %mul3A_522 = arith.constant 16 : i32
        %mul3A_523 = arith.muli %add3A_521, %mul3A_522 : i32
        %get3A_524 = arith.index_cast %mul3A_523 : i32 to index
        %get3A_525 = tpu.vector_load %arg8[%get3A_524] {strides = array<i32>} : memref<4096xf32, #tpu.memory_space<vmem>>, vector<16xf32>,
        %mul3A_526 = arith.constant 32 : i32
        %mul3A_527 = arith.muli %scan3A_276, %mul3A_526 : i32
        %add3A_528 = arith.constant 31 : i32
        %add3A_529 = arith.addi %mul3A_527, %add3A_528 : i32
        %mul3A_530 = arith.constant 16 : i32
        %mul3A_531 = arith.muli %add3A_529, %mul3A_530 : i32
        %get3A_532 = arith.index_cast %mul3A_531 : i32 to index
        %get3A_533 = tpu.vector_load %arg8[%get3A_532] {strides = array<i32>} : memref<4096xf32, #tpu.memory_space<vmem>>, vector<16xf32>,
        %le3A_534 = arith.cmpf ole, %get3A_285, %gather3A_210 : vector<16xf32>
        %le3A_535 = arith.cmpf ole, %get3A_293, %gather3A_210 : vector<16xf32>
        %le3A_536 = arith.cmpf ole, %get3A_301, %gather3A_210 : vector<16xf32>
        %le3A_537 = arith.cmpf ole, %get3A_309, %gather3A_210 : vector<16xf32>
        %le3A_538 = arith.cmpf ole, %get3A_317, %gather3A_210 : vector<16xf32>
        %le3A_539 = arith.cmpf ole, %get3A_325, %gather3A_210 : vector<16xf32>
        %le3A_540 = arith.cmpf ole, %get3A_333, %gather3A_210 : vector<16xf32>
        %le3A_541 = arith.cmpf ole, %get3A_341, %gather3A_210 : vector<16xf32>
        %le3A_542 = arith.cmpf ole, %get3A_349, %gather3A_210 : vector<16xf32>
        %le3A_543 = arith.cmpf ole, %get3A_357, %gather3A_210 : vector<16xf32>
        %le3A_544 = arith.cmpf ole, %get3A_365, %gather3A_210 : vector<16xf32>
        %le3A_545 = arith.cmpf ole, %get3A_373, %gather3A_210 : vector<16xf32>
        %le3A_546 = arith.cmpf ole, %get3A_381, %gather3A_210 : vector<16xf32>
        %le3A_547 = arith.cmpf ole, %get3A_389, %gather3A_210 : vector<16xf32>
        %le3A_548 = arith.cmpf ole, %get3A_397, %gather3A_210 : vector<16xf32>
        %le3A_549 = arith.cmpf ole, %get3A_405, %gather3A_210 : vector<16xf32>
        %le3A_550 = arith.cmpf ole, %get3A_413, %gather3A_210 : vector<16xf32>
        %le3A_551 = arith.cmpf ole, %get3A_421, %gather3A_210 : vector<16xf32>
        %le3A_552 = arith.cmpf ole, %get3A_429, %gather3A_210 : vector<16xf32>
        %le3A_553 = arith.cmpf ole, %get3A_437, %gather3A_210 : vector<16xf32>
        %le3A_554 = arith.cmpf ole, %get3A_445, %gather3A_210 : vector<16xf32>
        %le3A_555 = arith.cmpf ole, %get3A_453, %gather3A_210 : vector<16xf32>
        %le3A_556 = arith.cmpf ole, %get3A_461, %gather3A_210 : vector<16xf32>
        %le3A_557 = arith.cmpf ole, %get3A_469, %gather3A_210 : vector<16xf32>
        %le3A_558 = arith.cmpf ole, %get3A_477, %gather3A_210 : vector<16xf32>
        %le3A_559 = arith.cmpf ole, %get3A_485, %gather3A_210 : vector<16xf32>
        %le3A_560 = arith.cmpf ole, %get3A_493, %gather3A_210 : vector<16xf32>
        %le3A_561 = arith.cmpf ole, %get3A_501, %gather3A_210 : vector<16xf32>
        %le3A_562 = arith.cmpf ole, %get3A_509, %gather3A_210 : vector<16xf32>
        %le3A_563 = arith.cmpf ole, %get3A_517, %gather3A_210 : vector<16xf32>
        %le3A_564 = arith.cmpf ole, %get3A_525, %gather3A_210 : vector<16xf32>
        %le3A_565 = arith.cmpf ole, %get3A_533, %gather3A_210 : vector<16xf32>
        %all_reduce_population_count3A = tpu.all_reduce %le3A_534 {dim = 0 : i64, kind = #tpu.reduction_kind<sum>} : vector<16xi1> -> vector<16xi32>
        %slice3A = vector.extract_strided_slice %all_reduce_population_count3A {offsets = [0], sizes = [1], strides = [1]} : vector<16xi32> to vector<1xi32>
        %squeeze3A = vector.extract %slice3A[0] : i32 from vector<1xi32>
        %all_reduce_population_count3A_566 = tpu.all_reduce %le3A_535 {dim = 0 : i64, kind = #tpu.reduction_kind<sum>} : vector<16xi1> -> vector<16xi32>
        %slice3A_567 = vector.extract_strided_slice %all_reduce_population_count3A_566 {offsets = [0], sizes = [1], strides = [1]} : vector<16xi32> to vector<1xi32>
        %squeeze3A_568 = vector.extract %slice3A_567[0] : i32 from vector<1xi32>
        %all_reduce_population_count3A_569 = tpu.all_reduce %le3A_536 {dim = 0 : i64, kind = #tpu.reduction_kind<sum>} : vector<16xi1> -> vector<16xi32>
        %slice3A_570 = vector.extract_strided_slice %all_reduce_population_count3A_569 {offsets = [0], sizes = [1], strides = [1]} : vector<16xi32> to vector<1xi32>
        %squeeze3A_571 = vector.extract %slice3A_570[0] : i32 from vector<1xi32>
        %all_reduce_population_count3A_572 = tpu.all_reduce %le3A_537 {dim = 0 : i64, kind = #tpu.reduction_kind<sum>} : vector<16xi1> -> vector<16xi32>
        %slice3A_573 = vector.extract_strided_slice %all_reduce_population_count3A_572 {offsets = [0], sizes = [1], strides = [1]} : vector<16xi32> to vector<1xi32>
        %squeeze3A_574 = vector.extract %slice3A_573[0] : i32 from vector<1xi32>
        %all_reduce_population_count3A_575 = tpu.all_reduce %le3A_538 {dim = 0 : i64, kind = #tpu.reduction_kind<sum>} : vector<16xi1> -> vector<16xi32>
        %slice3A_576 = vector.extract_strided_slice %all_reduce_population_count3A_575 {offsets = [0], sizes = [1], strides = [1]} : vector<16xi32> to vector<1xi32>
        %squeeze3A_577 = vector.extract %slice3A_576[0] : i32 from vector<1xi32>
        %all_reduce_population_count3A_578 = tpu.all_reduce %le3A_539 {dim = 0 : i64, kind = #tpu.reduction_kind<sum>} : vector<16xi1> -> vector<16xi32>
        %slice3A_579 = vector.extract_strided_slice %all_reduce_population_count3A_578 {offsets = [0], sizes = [1], strides = [1]} : vector<16xi32> to vector<1xi32>
        %squeeze3A_580 = vector.extract %slice3A_579[0] : i32 from vector<1xi32>
        %all_reduce_population_count3A_581 = tpu.all_reduce %le3A_540 {dim = 0 : i64, kind = #tpu.reduction_kind<sum>} : vector<16xi1> -> vector<16xi32>
        %slice3A_582 = vector.extract_strided_slice %all_reduce_population_count3A_581 {offsets = [0], sizes = [1], strides = [1]} : vector<16xi32> to vector<1xi32>
        %squeeze3A_583 = vector.extract %slice3A_582[0] : i32 from vector<1xi32>
        %all_reduce_population_count3A_584 = tpu.all_reduce %le3A_541 {dim = 0 : i64, kind = #tpu.reduction_kind<sum>} : vector<16xi1> -> vector<16xi32>
        %slice3A_585 = vector.extract_strided_slice %all_reduce_population_count3A_584 {offsets = [0], sizes = [1], strides = [1]} : vector<16xi32> to vector<1xi32>
        %squeeze3A_586 = vector.extract %slice3A_585[0] : i32 from vector<1xi32>
        %all_reduce_population_count3A_587 = tpu.all_reduce %le3A_542 {dim = 0 : i64, kind = #tpu.reduction_kind<sum>} : vector<16xi1> -> vector<16xi32>
        %slice3A_588 = vector.extract_strided_slice %all_reduce_population_count3A_587 {offsets = [0], sizes = [1], strides = [1]} : vector<16xi32> to vector<1xi32>
        %squeeze3A_589 = vector.extract %slice3A_588[0] : i32 from vector<1xi32>
        %all_reduce_population_count3A_590 = tpu.all_reduce %le3A_543 {dim = 0 : i64, kind = #tpu.reduction_kind<sum>} : vector<16xi1> -> vector<16xi32>
        %slice3A_591 = vector.extract_strided_slice %all_reduce_population_count3A_590 {offsets = [0], sizes = [1], strides = [1]} : vector<16xi32> to vector<1xi32>
        %squeeze3A_592 = vector.extract %slice3A_591[0] : i32 from vector<1xi32>
        %all_reduce_population_count3A_593 = tpu.all_reduce %le3A_544 {dim = 0 : i64, kind = #tpu.reduction_kind<sum>} : vector<16xi1> -> vector<16xi32>
        %slice3A_594 = vector.extract_strided_slice %all_reduce_population_count3A_593 {offsets = [0], sizes = [1], strides = [1]} : vector<16xi32> to vector<1xi32>
        %squeeze3A_595 = vector.extract %slice3A_594[0] : i32 from vector<1xi32>
        %all_reduce_population_count3A_596 = tpu.all_reduce %le3A_545 {dim = 0 : i64, kind = #tpu.reduction_kind<sum>} : vector<16xi1> -> vector<16xi32>
        %slice3A_597 = vector.extract_strided_slice %all_reduce_population_count3A_596 {offsets = [0], sizes = [1], strides = [1]} : vector<16xi32> to vector<1xi32>
        %squeeze3A_598 = vector.extract %slice3A_597[0] : i32 from vector<1xi32>
        %all_reduce_population_count3A_599 = tpu.all_reduce %le3A_546 {dim = 0 : i64, kind = #tpu.reduction_kind<sum>} : vector<16xi1> -> vector<16xi32>
        %slice3A_600 = vector.extract_strided_slice %all_reduce_population_count3A_599 {offsets = [0], sizes = [1], strides = [1]} : vector<16xi32> to vector<1xi32>
        %squeeze3A_601 = vector.extract %slice3A_600[0] : i32 from vector<1xi32>
        %all_reduce_population_count3A_602 = tpu.all_reduce %le3A_547 {dim = 0 : i64, kind = #tpu.reduction_kind<sum>} : vector<16xi1> -> vector<16xi32>
        %slice3A_603 = vector.extract_strided_slice %all_reduce_population_count3A_602 {offsets = [0], sizes = [1], strides = [1]} : vector<16xi32> to vector<1xi32>
        %squeeze3A_604 = vector.extract %slice3A_603[0] : i32 from vector<1xi32>
        %all_reduce_population_count3A_605 = tpu.all_reduce %le3A_548 {dim = 0 : i64, kind = #tpu.reduction_kind<sum>} : vector<16xi1> -> vector<16xi32>
        %slice3A_606 = vector.extract_strided_slice %all_reduce_population_count3A_605 {offsets = [0], sizes = [1], strides = [1]} : vector<16xi32> to vector<1xi32>
        %squeeze3A_607 = vector.extract %slice3A_606[0] : i32 from vector<1xi32>
        %all_reduce_population_count3A_608 = tpu.all_reduce %le3A_549 {dim = 0 : i64, kind = #tpu.reduction_kind<sum>} : vector<16xi1> -> vector<16xi32>
        %slice3A_609 = vector.extract_strided_slice %all_reduce_population_count3A_608 {offsets = [0], sizes = [1], strides = [1]} : vector<16xi32> to vector<1xi32>
        %squeeze3A_610 = vector.extract %slice3A_609[0] : i32 from vector<1xi32>
        %all_reduce_population_count3A_611 = tpu.all_reduce %le3A_550 {dim = 0 : i64, kind = #tpu.reduction_kind<sum>} : vector<16xi1> -> vector<16xi32>
        %slice3A_612 = vector.extract_strided_slice %all_reduce_population_count3A_611 {offsets = [0], sizes = [1], strides = [1]} : vector<16xi32> to vector<1xi32>
        %squeeze3A_613 = vector.extract %slice3A_612[0] : i32 from vector<1xi32>
        %all_reduce_population_count3A_614 = tpu.all_reduce %le3A_551 {dim = 0 : i64, kind = #tpu.reduction_kind<sum>} : vector<16xi1> -> vector<16xi32>
        %slice3A_615 = vector.extract_strided_slice %all_reduce_population_count3A_614 {offsets = [0], sizes = [1], strides = [1]} : vector<16xi32> to vector<1xi32>
        %squeeze3A_616 = vector.extract %slice3A_615[0] : i32 from vector<1xi32>
        %all_reduce_population_count3A_617 = tpu.all_reduce %le3A_552 {dim = 0 : i64, kind = #tpu.reduction_kind<sum>} : vector<16xi1> -> vector<16xi32>
        %slice3A_618 = vector.extract_strided_slice %all_reduce_population_count3A_617 {offsets = [0], sizes = [1], strides = [1]} : vector<16xi32> to vector<1xi32>
        %squeeze3A_619 = vector.extract %slice3A_618[0] : i32 from vector<1xi32>
        %all_reduce_population_count3A_620 = tpu.all_reduce %le3A_553 {dim = 0 : i64, kind = #tpu.reduction_kind<sum>} : vector<16xi1> -> vector<16xi32>
        %slice3A_621 = vector.extract_strided_slice %all_reduce_population_count3A_620 {offsets = [0], sizes = [1], strides = [1]} : vector<16xi32> to vector<1xi32>
        %squeeze3A_622 = vector.extract %slice3A_621[0] : i32 from vector<1xi32>
        %all_reduce_population_count3A_623 = tpu.all_reduce %le3A_554 {dim = 0 : i64, kind = #tpu.reduction_kind<sum>} : vector<16xi1> -> vector<16xi32>
        %slice3A_624 = vector.extract_strided_slice %all_reduce_population_count3A_623 {offsets = [0], sizes = [1], strides = [1]} : vector<16xi32> to vector<1xi32>
        %squeeze3A_625 = vector.extract %slice3A_624[0] : i32 from vector<1xi32>
        %all_reduce_population_count3A_626 = tpu.all_reduce %le3A_555 {dim = 0 : i64, kind = #tpu.reduction_kind<sum>} : vector<16xi1> -> vector<16xi32>
        %slice3A_627 = vector.extract_strided_slice %all_reduce_population_count3A_626 {offsets = [0], sizes = [1], strides = [1]} : vector<16xi32> to vector<1xi32>
        %squeeze3A_628 = vector.extract %slice3A_627[0] : i32 from vector<1xi32>
        %all_reduce_population_count3A_629 = tpu.all_reduce %le3A_556 {dim = 0 : i64, kind = #tpu.reduction_kind<sum>} : vector<16xi1> -> vector<16xi32>
        %slice3A_630 = vector.extract_strided_slice %all_reduce_population_count3A_629 {offsets = [0], sizes = [1], strides = [1]} : vector<16xi32> to vector<1xi32>
        %squeeze3A_631 = vector.extract %slice3A_630[0] : i32 from vector<1xi32>
        %all_reduce_population_count3A_632 = tpu.all_reduce %le3A_557 {dim = 0 : i64, kind = #tpu.reduction_kind<sum>} : vector<16xi1> -> vector<16xi32>
        %slice3A_633 = vector.extract_strided_slice %all_reduce_population_count3A_632 {offsets = [0], sizes = [1], strides = [1]} : vector<16xi32> to vector<1xi32>
        %squeeze3A_634 = vector.extract %slice3A_633[0] : i32 from vector<1xi32>
        %all_reduce_population_count3A_635 = tpu.all_reduce %le3A_558 {dim = 0 : i64, kind = #tpu.reduction_kind<sum>} : vector<16xi1> -> vector<16xi32>
        %slice3A_636 = vector.extract_strided_slice %all_reduce_population_count3A_635 {offsets = [0], sizes = [1], strides = [1]} : vector<16xi32> to vector<1xi32>
        %squeeze3A_637 = vector.extract %slice3A_636[0] : i32 from vector<1xi32>
        %all_reduce_population_count3A_638 = tpu.all_reduce %le3A_559 {dim = 0 : i64, kind = #tpu.reduction_kind<sum>} : vector<16xi1> -> vector<16xi32>
        %slice3A_639 = vector.extract_strided_slice %all_reduce_population_count3A_638 {offsets = [0], sizes = [1], strides = [1]} : vector<16xi32> to vector<1xi32>
        %squeeze3A_640 = vector.extract %slice3A_639[0] : i32 from vector<1xi32>
        %all_reduce_population_count3A_641 = tpu.all_reduce %le3A_560 {dim = 0 : i64, kind = #tpu.reduction_kind<sum>} : vector<16xi1> -> vector<16xi32>
        %slice3A_642 = vector.extract_strided_slice %all_reduce_population_count3A_641 {offsets = [0], sizes = [1], strides = [1]} : vector<16xi32> to vector<1xi32>
        %squeeze3A_643 = vector.extract %slice3A_642[0] : i32 from vector<1xi32>
        %all_reduce_population_count3A_644 = tpu.all_reduce %le3A_561 {dim = 0 : i64, kind = #tpu.reduction_kind<sum>} : vector<16xi1> -> vector<16xi32>
        %slice3A_645 = vector.extract_strided_slice %all_reduce_population_count3A_644 {offsets = [0], sizes = [1], strides = [1]} : vector<16xi32> to vector<1xi32>
        %squeeze3A_646 = vector.extract %slice3A_645[0] : i32 from vector<1xi32>
        %all_reduce_population_count3A_647 = tpu.all_reduce %le3A_562 {dim = 0 : i64, kind = #tpu.reduction_kind<sum>} : vector<16xi1> -> vector<16xi32>
        %slice3A_648 = vector.extract_strided_slice %all_reduce_population_count3A_647 {offsets = [0], sizes = [1], strides = [1]} : vector<16xi32> to vector<1xi32>
        %squeeze3A_649 = vector.extract %slice3A_648[0] : i32 from vector<1xi32>
        %all_reduce_population_count3A_650 = tpu.all_reduce %le3A_563 {dim = 0 : i64, kind = #tpu.reduction_kind<sum>} : vector<16xi1> -> vector<16xi32>
        %slice3A_651 = vector.extract_strided_slice %all_reduce_population_count3A_650 {offsets = [0], sizes = [1], strides = [1]} : vector<16xi32> to vector<1xi32>
        %squeeze3A_652 = vector.extract %slice3A_651[0] : i32 from vector<1xi32>
        %all_reduce_population_count3A_653 = tpu.all_reduce %le3A_564 {dim = 0 : i64, kind = #tpu.reduction_kind<sum>} : vector<16xi1> -> vector<16xi32>
        %slice3A_654 = vector.extract_strided_slice %all_reduce_population_count3A_653 {offsets = [0], sizes = [1], strides = [1]} : vector<16xi32> to vector<1xi32>
        %squeeze3A_655 = vector.extract %slice3A_654[0] : i32 from vector<1xi32>
        %all_reduce_population_count3A_656 = tpu.all_reduce %le3A_565 {dim = 0 : i64, kind = #tpu.reduction_kind<sum>} : vector<16xi1> -> vector<16xi32>
        %slice3A_657 = vector.extract_strided_slice %all_reduce_population_count3A_656 {offsets = [0], sizes = [1], strides = [1]} : vector<16xi32> to vector<1xi32>
        %squeeze3A_658 = vector.extract %slice3A_657[0] : i32 from vector<1xi32>
        %mul3A_659 = arith.constant 32 : i32
        %mul3A_660 = arith.muli %scan3A_276, %mul3A_659 : i32
        %add3A_661 = arith.constant 0 : i32
        %add3A_662 = arith.addi %mul3A_660, %add3A_661 : i32
        %mul3A_663 = arith.constant 16 : i32
        %mul3A_664 = arith.muli %add3A_662, %mul3A_663 : i32
        %add3A_665 = vector.broadcast %mul3A_664 : i32 to vector<16xi32>
        %add3A_666 = arith.addi %add3A_665, %iota3A : vector<16xi32>
        %swap3A_667 = arith.index_cast %scan3A_277 : i32 to index
        %swap3A_668 = tpu.vector_load %arg9[%swap3A_667] masked %le3A_534 {strides = array<i32>} : memref<4112xf32, #tpu.memory_space<vmem>>, vector<16xf32>, vector<16xi1>
        tpu.vector_store %arg9[%swap3A_667], %get3A_285 masked %le3A_534 {strides = array<i32>} : memref<4112xf32, #tpu.memory_space<vmem>>, vector<16xf32>, vector<16xi1>
        %swap3A_669 = arith.index_cast %scan3A_277 : i32 to index
        %swap3A_670 = tpu.vector_load %arg10[%swap3A_669] masked %le3A_534 {strides = array<i32>} : memref<4112xi32, #tpu.memory_space<vmem>>, vector<16xi32>, vector<16xi1>
        tpu.vector_store %arg10[%swap3A_669], %add3A_666 masked %le3A_534 {strides = array<i32>} : memref<4112xi32, #tpu.memory_space<vmem>>, vector<16xi32>, vector<16xi1>
        %add3A_671 = arith.addi %scan3A_277, %squeeze3A : i32
        %mul3A_672 = arith.constant 32 : i32
        %mul3A_673 = arith.muli %scan3A_276, %mul3A_672 : i32
        %add3A_674 = arith.constant 1 : i32
        %add3A_675 = arith.addi %mul3A_673, %add3A_674 : i32
        %mul3A_676 = arith.constant 16 : i32
        %mul3A_677 = arith.muli %add3A_675, %mul3A_676 : i32
        %add3A_678 = vector.broadcast %mul3A_677 : i32 to vector<16xi32>
        %add3A_679 = arith.addi %add3A_678, %iota3A : vector<16xi32>
        %swap3A_680 = arith.index_cast %add3A_671 : i32 to index
        %swap3A_681 = tpu.vector_load %arg9[%swap3A_680] masked %le3A_535 {strides = array<i32>} : memref<4112xf32, #tpu.memory_space<vmem>>, vector<16xf32>, vector<16xi1>
        tpu.vector_store %arg9[%swap3A_680], %get3A_293 masked %le3A_535 {strides = array<i32>} : memref<4112xf32, #tpu.memory_space<vmem>>, vector<16xf32>, vector<16xi1>
        %swap3A_682 = arith.index_cast %add3A_671 : i32 to index
        %swap3A_683 = tpu.vector_load %arg10[%swap3A_682] masked %le3A_535 {strides = array<i32>} : memref<4112xi32, #tpu.memory_space<vmem>>, vector<16xi32>, vector<16xi1>
        tpu.vector_store %arg10[%swap3A_682], %add3A_679 masked %le3A_535 {strides = array<i32>} : memref<4112xi32, #tpu.memory_space<vmem>>, vector<16xi32>, vector<16xi1>
        %add3A_684 = arith.addi %add3A_671, %squeeze3A_568 : i32
        %mul3A_685 = arith.constant 32 : i32
        %mul3A_686 = arith.muli %scan3A_276, %mul3A_685 : i32
        %add3A_687 = arith.constant 2 : i32
        %add3A_688 = arith.addi %mul3A_686, %add3A_687 : i32
        %mul3A_689 = arith.constant 16 : i32
        %mul3A_690 = arith.muli %add3A_688, %mul3A_689 : i32
        %add3A_691 = vector.broadcast %mul3A_690 : i32 to vector<16xi32>
        %add3A_692 = arith.addi %add3A_691, %iota3A : vector<16xi32>
        %swap3A_693 = arith.index_cast %add3A_684 : i32 to index
        %swap3A_694 = tpu.vector_load %arg9[%swap3A_693] masked %le3A_536 {strides = array<i32>} : memref<4112xf32, #tpu.memory_space<vmem>>, vector<16xf32>, vector<16xi1>
        tpu.vector_store %arg9[%swap3A_693], %get3A_301 masked %le3A_536 {strides = array<i32>} : memref<4112xf32, #tpu.memory_space<vmem>>, vector<16xf32>, vector<16xi1>
        %swap3A_695 = arith.index_cast %add3A_684 : i32 to index
        %swap3A_696 = tpu.vector_load %arg10[%swap3A_695] masked %le3A_536 {strides = array<i32>} : memref<4112xi32, #tpu.memory_space<vmem>>, vector<16xi32>, vector<16xi1>
        tpu.vector_store %arg10[%swap3A_695], %add3A_692 masked %le3A_536 {strides = array<i32>} : memref<4112xi32, #tpu.memory_space<vmem>>, vector<16xi32>, vector<16xi1>
        %add3A_697 = arith.addi %add3A_684, %squeeze3A_571 : i32
        %mul3A_698 = arith.constant 32 : i32
        %mul3A_699 = arith.muli %scan3A_276, %mul3A_698 : i32
        %add3A_700 = arith.constant 3 : i32
        %add3A_701 = arith.addi %mul3A_699, %add3A_700 : i32
        %mul3A_702 = arith.constant 16 : i32
        %mul3A_703 = arith.muli %add3A_701, %mul3A_702 : i32
        %add3A_704 = vector.broadcast %mul3A_703 : i32 to vector<16xi32>
        %add3A_705 = arith.addi %add3A_704, %iota3A : vector<16xi32>
        %swap3A_706 = arith.index_cast %add3A_697 : i32 to index
        %swap3A_707 = tpu.vector_load %arg9[%swap3A_706] masked %le3A_537 {strides = array<i32>} : memref<4112xf32, #tpu.memory_space<vmem>>, vector<16xf32>, vector<16xi1>
        tpu.vector_store %arg9[%swap3A_706], %get3A_309 masked %le3A_537 {strides = array<i32>} : memref<4112xf32, #tpu.memory_space<vmem>>, vector<16xf32>, vector<16xi1>
        %swap3A_708 = arith.index_cast %add3A_697 : i32 to index
        %swap3A_709 = tpu.vector_load %arg10[%swap3A_708] masked %le3A_537 {strides = array<i32>} : memref<4112xi32, #tpu.memory_space<vmem>>, vector<16xi32>, vector<16xi1>
        tpu.vector_store %arg10[%swap3A_708], %add3A_705 masked %le3A_537 {strides = array<i32>} : memref<4112xi32, #tpu.memory_space<vmem>>, vector<16xi32>, vector<16xi1>
        %add3A_710 = arith.addi %add3A_697, %squeeze3A_574 : i32
        %mul3A_711 = arith.constant 32 : i32
        %mul3A_712 = arith.muli %scan3A_276, %mul3A_711 : i32
        %add3A_713 = arith.constant 4 : i32
        %add3A_714 = arith.addi %mul3A_712, %add3A_713 : i32
        %mul3A_715 = arith.constant 16 : i32
        %mul3A_716 = arith.muli %add3A_714, %mul3A_715 : i32
        %add3A_717 = vector.broadcast %mul3A_716 : i32 to vector<16xi32>
        %add3A_718 = arith.addi %add3A_717, %iota3A : vector<16xi32>
        %swap3A_719 = arith.index_cast %add3A_710 : i32 to index
        %swap3A_720 = tpu.vector_load %arg9[%swap3A_719] masked %le3A_538 {strides = array<i32>} : memref<4112xf32, #tpu.memory_space<vmem>>, vector<16xf32>, vector<16xi1>
        tpu.vector_store %arg9[%swap3A_719], %get3A_317 masked %le3A_538 {strides = array<i32>} : memref<4112xf32, #tpu.memory_space<vmem>>, vector<16xf32>, vector<16xi1>
        %swap3A_721 = arith.index_cast %add3A_710 : i32 to index
        %swap3A_722 = tpu.vector_load %arg10[%swap3A_721] masked %le3A_538 {strides = array<i32>} : memref<4112xi32, #tpu.memory_space<vmem>>, vector<16xi32>, vector<16xi1>
        tpu.vector_store %arg10[%swap3A_721], %add3A_718 masked %le3A_538 {strides = array<i32>} : memref<4112xi32, #tpu.memory_space<vmem>>, vector<16xi32>, vector<16xi1>
        %add3A_723 = arith.addi %add3A_710, %squeeze3A_577 : i32
        %mul3A_724 = arith.constant 32 : i32
        %mul3A_725 = arith.muli %scan3A_276, %mul3A_724 : i32
        %add3A_726 = arith.constant 5 : i32
        %add3A_727 = arith.addi %mul3A_725, %add3A_726 : i32
        %mul3A_728 = arith.constant 16 : i32
        %mul3A_729 = arith.muli %add3A_727, %mul3A_728 : i32
        %add3A_730 = vector.broadcast %mul3A_729 : i32 to vector<16xi32>
        %add3A_731 = arith.addi %add3A_730, %iota3A : vector<16xi32>
        %swap3A_732 = arith.index_cast %add3A_723 : i32 to index
        %swap3A_733 = tpu.vector_load %arg9[%swap3A_732] masked %le3A_539 {strides = array<i32>} : memref<4112xf32, #tpu.memory_space<vmem>>, vector<16xf32>, vector<16xi1>
        tpu.vector_store %arg9[%swap3A_732], %get3A_325 masked %le3A_539 {strides = array<i32>} : memref<4112xf32, #tpu.memory_space<vmem>>, vector<16xf32>, vector<16xi1>
        %swap3A_734 = arith.index_cast %add3A_723 : i32 to index
        %swap3A_735 = tpu.vector_load %arg10[%swap3A_734] masked %le3A_539 {strides = array<i32>} : memref<4112xi32, #tpu.memory_space<vmem>>, vector<16xi32>, vector<16xi1>
        tpu.vector_store %arg10[%swap3A_734], %add3A_731 masked %le3A_539 {strides = array<i32>} : memref<4112xi32, #tpu.memory_space<vmem>>, vector<16xi32>, vector<16xi1>
        %add3A_736 = arith.addi %add3A_723, %squeeze3A_580 : i32
        %mul3A_737 = arith.constant 32 : i32
        %mul3A_738 = arith.muli %scan3A_276, %mul3A_737 : i32
        %add3A_739 = arith.constant 6 : i32
        %add3A_740 = arith.addi %mul3A_738, %add3A_739 : i32
        %mul3A_741 = arith.constant 16 : i32
        %mul3A_742 = arith.muli %add3A_740, %mul3A_741 : i32
        %add3A_743 = vector.broadcast %mul3A_742 : i32 to vector<16xi32>
        %add3A_744 = arith.addi %add3A_743, %iota3A : vector<16xi32>
        %swap3A_745 = arith.index_cast %add3A_736 : i32 to index
        %swap3A_746 = tpu.vector_load %arg9[%swap3A_745] masked %le3A_540 {strides = array<i32>} : memref<4112xf32, #tpu.memory_space<vmem>>, vector<16xf32>, vector<16xi1>
        tpu.vector_store %arg9[%swap3A_745], %get3A_333 masked %le3A_540 {strides = array<i32>} : memref<4112xf32, #tpu.memory_space<vmem>>, vector<16xf32>, vector<16xi1>
        %swap3A_747 = arith.index_cast %add3A_736 : i32 to index
        %swap3A_748 = tpu.vector_load %arg10[%swap3A_747] masked %le3A_540 {strides = array<i32>} : memref<4112xi32, #tpu.memory_space<vmem>>, vector<16xi32>, vector<16xi1>
        tpu.vector_store %arg10[%swap3A_747], %add3A_744 masked %le3A_540 {strides = array<i32>} : memref<4112xi32, #tpu.memory_space<vmem>>, vector<16xi32>, vector<16xi1>
        %add3A_749 = arith.addi %add3A_736, %squeeze3A_583 : i32
        %mul3A_750 = arith.constant 32 : i32
        %mul3A_751 = arith.muli %scan3A_276, %mul3A_750 : i32
        %add3A_752 = arith.constant 7 : i32
        %add3A_753 = arith.addi %mul3A_751, %add3A_752 : i32
        %mul3A_754 = arith.constant 16 : i32
        %mul3A_755 = arith.muli %add3A_753, %mul3A_754 : i32
        %add3A_756 = vector.broadcast %mul3A_755 : i32 to vector<16xi32>
        %add3A_757 = arith.addi %add3A_756, %iota3A : vector<16xi32>
        %swap3A_758 = arith.index_cast %add3A_749 : i32 to index
        %swap3A_759 = tpu.vector_load %arg9[%swap3A_758] masked %le3A_541 {strides = array<i32>} : memref<4112xf32, #tpu.memory_space<vmem>>, vector<16xf32>, vector<16xi1>
        tpu.vector_store %arg9[%swap3A_758], %get3A_341 masked %le3A_541 {strides = array<i32>} : memref<4112xf32, #tpu.memory_space<vmem>>, vector<16xf32>, vector<16xi1>
        %swap3A_760 = arith.index_cast %add3A_749 : i32 to index
        %swap3A_761 = tpu.vector_load %arg10[%swap3A_760] masked %le3A_541 {strides = array<i32>} : memref<4112xi32, #tpu.memory_space<vmem>>, vector<16xi32>, vector<16xi1>
        tpu.vector_store %arg10[%swap3A_760], %add3A_757 masked %le3A_541 {strides = array<i32>} : memref<4112xi32, #tpu.memory_space<vmem>>, vector<16xi32>, vector<16xi1>
        %add3A_762 = arith.addi %add3A_749, %squeeze3A_586 : i32
        %mul3A_763 = arith.constant 32 : i32
        %mul3A_764 = arith.muli %scan3A_276, %mul3A_763 : i32
        %add3A_765 = arith.constant 8 : i32
        %add3A_766 = arith.addi %mul3A_764, %add3A_765 : i32
        %mul3A_767 = arith.constant 16 : i32
        %mul3A_768 = arith.muli %add3A_766, %mul3A_767 : i32
        %add3A_769 = vector.broadcast %mul3A_768 : i32 to vector<16xi32>
        %add3A_770 = arith.addi %add3A_769, %iota3A : vector<16xi32>
        %swap3A_771 = arith.index_cast %add3A_762 : i32 to index
        %swap3A_772 = tpu.vector_load %arg9[%swap3A_771] masked %le3A_542 {strides = array<i32>} : memref<4112xf32, #tpu.memory_space<vmem>>, vector<16xf32>, vector<16xi1>
        tpu.vector_store %arg9[%swap3A_771], %get3A_349 masked %le3A_542 {strides = array<i32>} : memref<4112xf32, #tpu.memory_space<vmem>>, vector<16xf32>, vector<16xi1>
        %swap3A_773 = arith.index_cast %add3A_762 : i32 to index
        %swap3A_774 = tpu.vector_load %arg10[%swap3A_773] masked %le3A_542 {strides = array<i32>} : memref<4112xi32, #tpu.memory_space<vmem>>, vector<16xi32>, vector<16xi1>
        tpu.vector_store %arg10[%swap3A_773], %add3A_770 masked %le3A_542 {strides = array<i32>} : memref<4112xi32, #tpu.memory_space<vmem>>, vector<16xi32>, vector<16xi1>
        %add3A_775 = arith.addi %add3A_762, %squeeze3A_589 : i32
        %mul3A_776 = arith.constant 32 : i32
        %mul3A_777 = arith.muli %scan3A_276, %mul3A_776 : i32
        %add3A_778 = arith.constant 9 : i32
        %add3A_779 = arith.addi %mul3A_777, %add3A_778 : i32
        %mul3A_780 = arith.constant 16 : i32
        %mul3A_781 = arith.muli %add3A_779, %mul3A_780 : i32
        %add3A_782 = vector.broadcast %mul3A_781 : i32 to vector<16xi32>
        %add3A_783 = arith.addi %add3A_782, %iota3A : vector<16xi32>
        %swap3A_784 = arith.index_cast %add3A_775 : i32 to index
        %swap3A_785 = tpu.vector_load %arg9[%swap3A_784] masked %le3A_543 {strides = array<i32>} : memref<4112xf32, #tpu.memory_space<vmem>>, vector<16xf32>, vector<16xi1>
        tpu.vector_store %arg9[%swap3A_784], %get3A_357 masked %le3A_543 {strides = array<i32>} : memref<4112xf32, #tpu.memory_space<vmem>>, vector<16xf32>, vector<16xi1>
        %swap3A_786 = arith.index_cast %add3A_775 : i32 to index
        %swap3A_787 = tpu.vector_load %arg10[%swap3A_786] masked %le3A_543 {strides = array<i32>} : memref<4112xi32, #tpu.memory_space<vmem>>, vector<16xi32>, vector<16xi1>
        tpu.vector_store %arg10[%swap3A_786], %add3A_783 masked %le3A_543 {strides = array<i32>} : memref<4112xi32, #tpu.memory_space<vmem>>, vector<16xi32>, vector<16xi1>
        %add3A_788 = arith.addi %add3A_775, %squeeze3A_592 : i32
        %mul3A_789 = arith.constant 32 : i32
        %mul3A_790 = arith.muli %scan3A_276, %mul3A_789 : i32
        %add3A_791 = arith.constant 10 : i32
        %add3A_792 = arith.addi %mul3A_790, %add3A_791 : i32
        %mul3A_793 = arith.constant 16 : i32
        %mul3A_794 = arith.muli %add3A_792, %mul3A_793 : i32
        %add3A_795 = vector.broadcast %mul3A_794 : i32 to vector<16xi32>
        %add3A_796 = arith.addi %add3A_795, %iota3A : vector<16xi32>
        %swap3A_797 = arith.index_cast %add3A_788 : i32 to index
        %swap3A_798 = tpu.vector_load %arg9[%swap3A_797] masked %le3A_544 {strides = array<i32>} : memref<4112xf32, #tpu.memory_space<vmem>>, vector<16xf32>, vector<16xi1>
        tpu.vector_store %arg9[%swap3A_797], %get3A_365 masked %le3A_544 {strides = array<i32>} : memref<4112xf32, #tpu.memory_space<vmem>>, vector<16xf32>, vector<16xi1>
        %swap3A_799 = arith.index_cast %add3A_788 : i32 to index
        %swap3A_800 = tpu.vector_load %arg10[%swap3A_799] masked %le3A_544 {strides = array<i32>} : memref<4112xi32, #tpu.memory_space<vmem>>, vector<16xi32>, vector<16xi1>
        tpu.vector_store %arg10[%swap3A_799], %add3A_796 masked %le3A_544 {strides = array<i32>} : memref<4112xi32, #tpu.memory_space<vmem>>, vector<16xi32>, vector<16xi1>
        %add3A_801 = arith.addi %add3A_788, %squeeze3A_595 : i32
        %mul3A_802 = arith.constant 32 : i32
        %mul3A_803 = arith.muli %scan3A_276, %mul3A_802 : i32
        %add3A_804 = arith.constant 11 : i32
        %add3A_805 = arith.addi %mul3A_803, %add3A_804 : i32
        %mul3A_806 = arith.constant 16 : i32
        %mul3A_807 = arith.muli %add3A_805, %mul3A_806 : i32
        %add3A_808 = vector.broadcast %mul3A_807 : i32 to vector<16xi32>
        %add3A_809 = arith.addi %add3A_808, %iota3A : vector<16xi32>
        %swap3A_810 = arith.index_cast %add3A_801 : i32 to index
        %swap3A_811 = tpu.vector_load %arg9[%swap3A_810] masked %le3A_545 {strides = array<i32>} : memref<4112xf32, #tpu.memory_space<vmem>>, vector<16xf32>, vector<16xi1>
        tpu.vector_store %arg9[%swap3A_810], %get3A_373 masked %le3A_545 {strides = array<i32>} : memref<4112xf32, #tpu.memory_space<vmem>>, vector<16xf32>, vector<16xi1>
        %swap3A_812 = arith.index_cast %add3A_801 : i32 to index
        %swap3A_813 = tpu.vector_load %arg10[%swap3A_812] masked %le3A_545 {strides = array<i32>} : memref<4112xi32, #tpu.memory_space<vmem>>, vector<16xi32>, vector<16xi1>
        tpu.vector_store %arg10[%swap3A_812], %add3A_809 masked %le3A_545 {strides = array<i32>} : memref<4112xi32, #tpu.memory_space<vmem>>, vector<16xi32>, vector<16xi1>
        %add3A_814 = arith.addi %add3A_801, %squeeze3A_598 : i32
        %mul3A_815 = arith.constant 32 : i32
        %mul3A_816 = arith.muli %scan3A_276, %mul3A_815 : i32
        %add3A_817 = arith.constant 12 : i32
        %add3A_818 = arith.addi %mul3A_816, %add3A_817 : i32
        %mul3A_819 = arith.constant 16 : i32
        %mul3A_820 = arith.muli %add3A_818, %mul3A_819 : i32
        %add3A_821 = vector.broadcast %mul3A_820 : i32 to vector<16xi32>
        %add3A_822 = arith.addi %add3A_821, %iota3A : vector<16xi32>
        %swap3A_823 = arith.index_cast %add3A_814 : i32 to index
        %swap3A_824 = tpu.vector_load %arg9[%swap3A_823] masked %le3A_546 {strides = array<i32>} : memref<4112xf32, #tpu.memory_space<vmem>>, vector<16xf32>, vector<16xi1>
        tpu.vector_store %arg9[%swap3A_823], %get3A_381 masked %le3A_546 {strides = array<i32>} : memref<4112xf32, #tpu.memory_space<vmem>>, vector<16xf32>, vector<16xi1>
        %swap3A_825 = arith.index_cast %add3A_814 : i32 to index
        %swap3A_826 = tpu.vector_load %arg10[%swap3A_825] masked %le3A_546 {strides = array<i32>} : memref<4112xi32, #tpu.memory_space<vmem>>, vector<16xi32>, vector<16xi1>
        tpu.vector_store %arg10[%swap3A_825], %add3A_822 masked %le3A_546 {strides = array<i32>} : memref<4112xi32, #tpu.memory_space<vmem>>, vector<16xi32>, vector<16xi1>
        %add3A_827 = arith.addi %add3A_814, %squeeze3A_601 : i32
        %mul3A_828 = arith.constant 32 : i32
        %mul3A_829 = arith.muli %scan3A_276, %mul3A_828 : i32
        %add3A_830 = arith.constant 13 : i32
        %add3A_831 = arith.addi %mul3A_829, %add3A_830 : i32
        %mul3A_832 = arith.constant 16 : i32
        %mul3A_833 = arith.muli %add3A_831, %mul3A_832 : i32
        %add3A_834 = vector.broadcast %mul3A_833 : i32 to vector<16xi32>
        %add3A_835 = arith.addi %add3A_834, %iota3A : vector<16xi32>
        %swap3A_836 = arith.index_cast %add3A_827 : i32 to index
        %swap3A_837 = tpu.vector_load %arg9[%swap3A_836] masked %le3A_547 {strides = array<i32>} : memref<4112xf32, #tpu.memory_space<vmem>>, vector<16xf32>, vector<16xi1>
        tpu.vector_store %arg9[%swap3A_836], %get3A_389 masked %le3A_547 {strides = array<i32>} : memref<4112xf32, #tpu.memory_space<vmem>>, vector<16xf32>, vector<16xi1>
        %swap3A_838 = arith.index_cast %add3A_827 : i32 to index
        %swap3A_839 = tpu.vector_load %arg10[%swap3A_838] masked %le3A_547 {strides = array<i32>} : memref<4112xi32, #tpu.memory_space<vmem>>, vector<16xi32>, vector<16xi1>
        tpu.vector_store %arg10[%swap3A_838], %add3A_835 masked %le3A_547 {strides = array<i32>} : memref<4112xi32, #tpu.memory_space<vmem>>, vector<16xi32>, vector<16xi1>
        %add3A_840 = arith.addi %add3A_827, %squeeze3A_604 : i32
        %mul3A_841 = arith.constant 32 : i32
        %mul3A_842 = arith.muli %scan3A_276, %mul3A_841 : i32
        %add3A_843 = arith.constant 14 : i32
        %add3A_844 = arith.addi %mul3A_842, %add3A_843 : i32
        %mul3A_845 = arith.constant 16 : i32
        %mul3A_846 = arith.muli %add3A_844, %mul3A_845 : i32
        %add3A_847 = vector.broadcast %mul3A_846 : i32 to vector<16xi32>
        %add3A_848 = arith.addi %add3A_847, %iota3A : vector<16xi32>
        %swap3A_849 = arith.index_cast %add3A_840 : i32 to index
        %swap3A_850 = tpu.vector_load %arg9[%swap3A_849] masked %le3A_548 {strides = array<i32>} : memref<4112xf32, #tpu.memory_space<vmem>>, vector<16xf32>, vector<16xi1>
        tpu.vector_store %arg9[%swap3A_849], %get3A_397 masked %le3A_548 {strides = array<i32>} : memref<4112xf32, #tpu.memory_space<vmem>>, vector<16xf32>, vector<16xi1>
        %swap3A_851 = arith.index_cast %add3A_840 : i32 to index
        %swap3A_852 = tpu.vector_load %arg10[%swap3A_851] masked %le3A_548 {strides = array<i32>} : memref<4112xi32, #tpu.memory_space<vmem>>, vector<16xi32>, vector<16xi1>
        tpu.vector_store %arg10[%swap3A_851], %add3A_848 masked %le3A_548 {strides = array<i32>} : memref<4112xi32, #tpu.memory_space<vmem>>, vector<16xi32>, vector<16xi1>
        %add3A_853 = arith.addi %add3A_840, %squeeze3A_607 : i32
        %mul3A_854 = arith.constant 32 : i32
        %mul3A_855 = arith.muli %scan3A_276, %mul3A_854 : i32
        %add3A_856 = arith.constant 15 : i32
        %add3A_857 = arith.addi %mul3A_855, %add3A_856 : i32
        %mul3A_858 = arith.constant 16 : i32
        %mul3A_859 = arith.muli %add3A_857, %mul3A_858 : i32
        %add3A_860 = vector.broadcast %mul3A_859 : i32 to vector<16xi32>
        %add3A_861 = arith.addi %add3A_860, %iota3A : vector<16xi32>
        %swap3A_862 = arith.index_cast %add3A_853 : i32 to index
        %swap3A_863 = tpu.vector_load %arg9[%swap3A_862] masked %le3A_549 {strides = array<i32>} : memref<4112xf32, #tpu.memory_space<vmem>>, vector<16xf32>, vector<16xi1>
        tpu.vector_store %arg9[%swap3A_862], %get3A_405 masked %le3A_549 {strides = array<i32>} : memref<4112xf32, #tpu.memory_space<vmem>>, vector<16xf32>, vector<16xi1>
        %swap3A_864 = arith.index_cast %add3A_853 : i32 to index
        %swap3A_865 = tpu.vector_load %arg10[%swap3A_864] masked %le3A_549 {strides = array<i32>} : memref<4112xi32, #tpu.memory_space<vmem>>, vector<16xi32>, vector<16xi1>
        tpu.vector_store %arg10[%swap3A_864], %add3A_861 masked %le3A_549 {strides = array<i32>} : memref<4112xi32, #tpu.memory_space<vmem>>, vector<16xi32>, vector<16xi1>
        %add3A_866 = arith.addi %add3A_853, %squeeze3A_610 : i32
        %mul3A_867 = arith.constant 32 : i32
        %mul3A_868 = arith.muli %scan3A_276, %mul3A_867 : i32
        %add3A_869 = arith.constant 16 : i32
        %add3A_870 = arith.addi %mul3A_868, %add3A_869 : i32
        %mul3A_871 = arith.constant 16 : i32
        %mul3A_872 = arith.muli %add3A_870, %mul3A_871 : i32
        %add3A_873 = vector.broadcast %mul3A_872 : i32 to vector<16xi32>
        %add3A_874 = arith.addi %add3A_873, %iota3A : vector<16xi32>
        %swap3A_875 = arith.index_cast %add3A_866 : i32 to index
        %swap3A_876 = tpu.vector_load %arg9[%swap3A_875] masked %le3A_550 {strides = array<i32>} : memref<4112xf32, #tpu.memory_space<vmem>>, vector<16xf32>, vector<16xi1>
        tpu.vector_store %arg9[%swap3A_875], %get3A_413 masked %le3A_550 {strides = array<i32>} : memref<4112xf32, #tpu.memory_space<vmem>>, vector<16xf32>, vector<16xi1>
        %swap3A_877 = arith.index_cast %add3A_866 : i32 to index
        %swap3A_878 = tpu.vector_load %arg10[%swap3A_877] masked %le3A_550 {strides = array<i32>} : memref<4112xi32, #tpu.memory_space<vmem>>, vector<16xi32>, vector<16xi1>
        tpu.vector_store %arg10[%swap3A_877], %add3A_874 masked %le3A_550 {strides = array<i32>} : memref<4112xi32, #tpu.memory_space<vmem>>, vector<16xi32>, vector<16xi1>
        %add3A_879 = arith.addi %add3A_866, %squeeze3A_613 : i32
        %mul3A_880 = arith.constant 32 : i32
        %mul3A_881 = arith.muli %scan3A_276, %mul3A_880 : i32
        %add3A_882 = arith.constant 17 : i32
        %add3A_883 = arith.addi %mul3A_881, %add3A_882 : i32
        %mul3A_884 = arith.constant 16 : i32
        %mul3A_885 = arith.muli %add3A_883, %mul3A_884 : i32
        %add3A_886 = vector.broadcast %mul3A_885 : i32 to vector<16xi32>
        %add3A_887 = arith.addi %add3A_886, %iota3A : vector<16xi32>
        %swap3A_888 = arith.index_cast %add3A_879 : i32 to index
        %swap3A_889 = tpu.vector_load %arg9[%swap3A_888] masked %le3A_551 {strides = array<i32>} : memref<4112xf32, #tpu.memory_space<vmem>>, vector<16xf32>, vector<16xi1>
        tpu.vector_store %arg9[%swap3A_888], %get3A_421 masked %le3A_551 {strides = array<i32>} : memref<4112xf32, #tpu.memory_space<vmem>>, vector<16xf32>, vector<16xi1>
        %swap3A_890 = arith.index_cast %add3A_879 : i32 to index
        %swap3A_891 = tpu.vector_load %arg10[%swap3A_890] masked %le3A_551 {strides = array<i32>} : memref<4112xi32, #tpu.memory_space<vmem>>, vector<16xi32>, vector<16xi1>
        tpu.vector_store %arg10[%swap3A_890], %add3A_887 masked %le3A_551 {strides = array<i32>} : memref<4112xi32, #tpu.memory_space<vmem>>, vector<16xi32>, vector<16xi1>
        %add3A_892 = arith.addi %add3A_879, %squeeze3A_616 : i32
        %mul3A_893 = arith.constant 32 : i32
        %mul3A_894 = arith.muli %scan3A_276, %mul3A_893 : i32
        %add3A_895 = arith.constant 18 : i32
        %add3A_896 = arith.addi %mul3A_894, %add3A_895 : i32
        %mul3A_897 = arith.constant 16 : i32
        %mul3A_898 = arith.muli %add3A_896, %mul3A_897 : i32
        %add3A_899 = vector.broadcast %mul3A_898 : i32 to vector<16xi32>
        %add3A_900 = arith.addi %add3A_899, %iota3A : vector<16xi32>
        %swap3A_901 = arith.index_cast %add3A_892 : i32 to index
        %swap3A_902 = tpu.vector_load %arg9[%swap3A_901] masked %le3A_552 {strides = array<i32>} : memref<4112xf32, #tpu.memory_space<vmem>>, vector<16xf32>, vector<16xi1>
        tpu.vector_store %arg9[%swap3A_901], %get3A_429 masked %le3A_552 {strides = array<i32>} : memref<4112xf32, #tpu.memory_space<vmem>>, vector<16xf32>, vector<16xi1>
        %swap3A_903 = arith.index_cast %add3A_892 : i32 to index
        %swap3A_904 = tpu.vector_load %arg10[%swap3A_903] masked %le3A_552 {strides = array<i32>} : memref<4112xi32, #tpu.memory_space<vmem>>, vector<16xi32>, vector<16xi1>
        tpu.vector_store %arg10[%swap3A_903], %add3A_900 masked %le3A_552 {strides = array<i32>} : memref<4112xi32, #tpu.memory_space<vmem>>, vector<16xi32>, vector<16xi1>
        %add3A_905 = arith.addi %add3A_892, %squeeze3A_619 : i32
        %mul3A_906 = arith.constant 32 : i32
        %mul3A_907 = arith.muli %scan3A_276, %mul3A_906 : i32
        %add3A_908 = arith.constant 19 : i32
        %add3A_909 = arith.addi %mul3A_907, %add3A_908 : i32
        %mul3A_910 = arith.constant 16 : i32
        %mul3A_911 = arith.muli %add3A_909, %mul3A_910 : i32
        %add3A_912 = vector.broadcast %mul3A_911 : i32 to vector<16xi32>
        %add3A_913 = arith.addi %add3A_912, %iota3A : vector<16xi32>
        %swap3A_914 = arith.index_cast %add3A_905 : i32 to index
        %swap3A_915 = tpu.vector_load %arg9[%swap3A_914] masked %le3A_553 {strides = array<i32>} : memref<4112xf32, #tpu.memory_space<vmem>>, vector<16xf32>, vector<16xi1>
        tpu.vector_store %arg9[%swap3A_914], %get3A_437 masked %le3A_553 {strides = array<i32>} : memref<4112xf32, #tpu.memory_space<vmem>>, vector<16xf32>, vector<16xi1>
        %swap3A_916 = arith.index_cast %add3A_905 : i32 to index
        %swap3A_917 = tpu.vector_load %arg10[%swap3A_916] masked %le3A_553 {strides = array<i32>} : memref<4112xi32, #tpu.memory_space<vmem>>, vector<16xi32>, vector<16xi1>
        tpu.vector_store %arg10[%swap3A_916], %add3A_913 masked %le3A_553 {strides = array<i32>} : memref<4112xi32, #tpu.memory_space<vmem>>, vector<16xi32>, vector<16xi1>
        %add3A_918 = arith.addi %add3A_905, %squeeze3A_622 : i32
        %mul3A_919 = arith.constant 32 : i32
        %mul3A_920 = arith.muli %scan3A_276, %mul3A_919 : i32
        %add3A_921 = arith.constant 20 : i32
        %add3A_922 = arith.addi %mul3A_920, %add3A_921 : i32
        %mul3A_923 = arith.constant 16 : i32
        %mul3A_924 = arith.muli %add3A_922, %mul3A_923 : i32
        %add3A_925 = vector.broadcast %mul3A_924 : i32 to vector<16xi32>
        %add3A_926 = arith.addi %add3A_925, %iota3A : vector<16xi32>
        %swap3A_927 = arith.index_cast %add3A_918 : i32 to index
        %swap3A_928 = tpu.vector_load %arg9[%swap3A_927] masked %le3A_554 {strides = array<i32>} : memref<4112xf32, #tpu.memory_space<vmem>>, vector<16xf32>, vector<16xi1>
        tpu.vector_store %arg9[%swap3A_927], %get3A_445 masked %le3A_554 {strides = array<i32>} : memref<4112xf32, #tpu.memory_space<vmem>>, vector<16xf32>, vector<16xi1>
        %swap3A_929 = arith.index_cast %add3A_918 : i32 to index
        %swap3A_930 = tpu.vector_load %arg10[%swap3A_929] masked %le3A_554 {strides = array<i32>} : memref<4112xi32, #tpu.memory_space<vmem>>, vector<16xi32>, vector<16xi1>
        tpu.vector_store %arg10[%swap3A_929], %add3A_926 masked %le3A_554 {strides = array<i32>} : memref<4112xi32, #tpu.memory_space<vmem>>, vector<16xi32>, vector<16xi1>
        %add3A_931 = arith.addi %add3A_918, %squeeze3A_625 : i32
        %mul3A_932 = arith.constant 32 : i32
        %mul3A_933 = arith.muli %scan3A_276, %mul3A_932 : i32
        %add3A_934 = arith.constant 21 : i32
        %add3A_935 = arith.addi %mul3A_933, %add3A_934 : i32
        %mul3A_936 = arith.constant 16 : i32
        %mul3A_937 = arith.muli %add3A_935, %mul3A_936 : i32
        %add3A_938 = vector.broadcast %mul3A_937 : i32 to vector<16xi32>
        %add3A_939 = arith.addi %add3A_938, %iota3A : vector<16xi32>
        %swap3A_940 = arith.index_cast %add3A_931 : i32 to index
        %swap3A_941 = tpu.vector_load %arg9[%swap3A_940] masked %le3A_555 {strides = array<i32>} : memref<4112xf32, #tpu.memory_space<vmem>>, vector<16xf32>, vector<16xi1>
        tpu.vector_store %arg9[%swap3A_940], %get3A_453 masked %le3A_555 {strides = array<i32>} : memref<4112xf32, #tpu.memory_space<vmem>>, vector<16xf32>, vector<16xi1>
        %swap3A_942 = arith.index_cast %add3A_931 : i32 to index
        %swap3A_943 = tpu.vector_load %arg10[%swap3A_942] masked %le3A_555 {strides = array<i32>} : memref<4112xi32, #tpu.memory_space<vmem>>, vector<16xi32>, vector<16xi1>
        tpu.vector_store %arg10[%swap3A_942], %add3A_939 masked %le3A_555 {strides = array<i32>} : memref<4112xi32, #tpu.memory_space<vmem>>, vector<16xi32>, vector<16xi1>
        %add3A_944 = arith.addi %add3A_931, %squeeze3A_628 : i32
        %mul3A_945 = arith.constant 32 : i32
        %mul3A_946 = arith.muli %scan3A_276, %mul3A_945 : i32
        %add3A_947 = arith.constant 22 : i32
        %add3A_948 = arith.addi %mul3A_946, %add3A_947 : i32
        %mul3A_949 = arith.constant 16 : i32
        %mul3A_950 = arith.muli %add3A_948, %mul3A_949 : i32
        %add3A_951 = vector.broadcast %mul3A_950 : i32 to vector<16xi32>
        %add3A_952 = arith.addi %add3A_951, %iota3A : vector<16xi32>
        %swap3A_953 = arith.index_cast %add3A_944 : i32 to index
        %swap3A_954 = tpu.vector_load %arg9[%swap3A_953] masked %le3A_556 {strides = array<i32>} : memref<4112xf32, #tpu.memory_space<vmem>>, vector<16xf32>, vector<16xi1>
        tpu.vector_store %arg9[%swap3A_953], %get3A_461 masked %le3A_556 {strides = array<i32>} : memref<4112xf32, #tpu.memory_space<vmem>>, vector<16xf32>, vector<16xi1>
        %swap3A_955 = arith.index_cast %add3A_944 : i32 to index
        %swap3A_956 = tpu.vector_load %arg10[%swap3A_955] masked %le3A_556 {strides = array<i32>} : memref<4112xi32, #tpu.memory_space<vmem>>, vector<16xi32>, vector<16xi1>
        tpu.vector_store %arg10[%swap3A_955], %add3A_952 masked %le3A_556 {strides = array<i32>} : memref<4112xi32, #tpu.memory_space<vmem>>, vector<16xi32>, vector<16xi1>
        %add3A_957 = arith.addi %add3A_944, %squeeze3A_631 : i32
        %mul3A_958 = arith.constant 32 : i32
        %mul3A_959 = arith.muli %scan3A_276, %mul3A_958 : i32
        %add3A_960 = arith.constant 23 : i32
        %add3A_961 = arith.addi %mul3A_959, %add3A_960 : i32
        %mul3A_962 = arith.constant 16 : i32
        %mul3A_963 = arith.muli %add3A_961, %mul3A_962 : i32
        %add3A_964 = vector.broadcast %mul3A_963 : i32 to vector<16xi32>
        %add3A_965 = arith.addi %add3A_964, %iota3A : vector<16xi32>
        %swap3A_966 = arith.index_cast %add3A_957 : i32 to index
        %swap3A_967 = tpu.vector_load %arg9[%swap3A_966] masked %le3A_557 {strides = array<i32>} : memref<4112xf32, #tpu.memory_space<vmem>>, vector<16xf32>, vector<16xi1>
        tpu.vector_store %arg9[%swap3A_966], %get3A_469 masked %le3A_557 {strides = array<i32>} : memref<4112xf32, #tpu.memory_space<vmem>>, vector<16xf32>, vector<16xi1>
        %swap3A_968 = arith.index_cast %add3A_957 : i32 to index
        %swap3A_969 = tpu.vector_load %arg10[%swap3A_968] masked %le3A_557 {strides = array<i32>} : memref<4112xi32, #tpu.memory_space<vmem>>, vector<16xi32>, vector<16xi1>
        tpu.vector_store %arg10[%swap3A_968], %add3A_965 masked %le3A_557 {strides = array<i32>} : memref<4112xi32, #tpu.memory_space<vmem>>, vector<16xi32>, vector<16xi1>
        %add3A_970 = arith.addi %add3A_957, %squeeze3A_634 : i32
        %mul3A_971 = arith.constant 32 : i32
        %mul3A_972 = arith.muli %scan3A_276, %mul3A_971 : i32
        %add3A_973 = arith.constant 24 : i32
        %add3A_974 = arith.addi %mul3A_972, %add3A_973 : i32
        %mul3A_975 = arith.constant 16 : i32
        %mul3A_976 = arith.muli %add3A_974, %mul3A_975 : i32
        %add3A_977 = vector.broadcast %mul3A_976 : i32 to vector<16xi32>
        %add3A_978 = arith.addi %add3A_977, %iota3A : vector<16xi32>
        %swap3A_979 = arith.index_cast %add3A_970 : i32 to index
        %swap3A_980 = tpu.vector_load %arg9[%swap3A_979] masked %le3A_558 {strides = array<i32>} : memref<4112xf32, #tpu.memory_space<vmem>>, vector<16xf32>, vector<16xi1>
        tpu.vector_store %arg9[%swap3A_979], %get3A_477 masked %le3A_558 {strides = array<i32>} : memref<4112xf32, #tpu.memory_space<vmem>>, vector<16xf32>, vector<16xi1>
        %swap3A_981 = arith.index_cast %add3A_970 : i32 to index
        %swap3A_982 = tpu.vector_load %arg10[%swap3A_981] masked %le3A_558 {strides = array<i32>} : memref<4112xi32, #tpu.memory_space<vmem>>, vector<16xi32>, vector<16xi1>
        tpu.vector_store %arg10[%swap3A_981], %add3A_978 masked %le3A_558 {strides = array<i32>} : memref<4112xi32, #tpu.memory_space<vmem>>, vector<16xi32>, vector<16xi1>
        %add3A_983 = arith.addi %add3A_970, %squeeze3A_637 : i32
        %mul3A_984 = arith.constant 32 : i32
        %mul3A_985 = arith.muli %scan3A_276, %mul3A_984 : i32
        %add3A_986 = arith.constant 25 : i32
        %add3A_987 = arith.addi %mul3A_985, %add3A_986 : i32
        %mul3A_988 = arith.constant 16 : i32
        %mul3A_989 = arith.muli %add3A_987, %mul3A_988 : i32
        %add3A_990 = vector.broadcast %mul3A_989 : i32 to vector<16xi32>
        %add3A_991 = arith.addi %add3A_990, %iota3A : vector<16xi32>
        %swap3A_992 = arith.index_cast %add3A_983 : i32 to index
        %swap3A_993 = tpu.vector_load %arg9[%swap3A_992] masked %le3A_559 {strides = array<i32>} : memref<4112xf32, #tpu.memory_space<vmem>>, vector<16xf32>, vector<16xi1>
        tpu.vector_store %arg9[%swap3A_992], %get3A_485 masked %le3A_559 {strides = array<i32>} : memref<4112xf32, #tpu.memory_space<vmem>>, vector<16xf32>, vector<16xi1>
        %swap3A_994 = arith.index_cast %add3A_983 : i32 to index
        %swap3A_995 = tpu.vector_load %arg10[%swap3A_994] masked %le3A_559 {strides = array<i32>} : memref<4112xi32, #tpu.memory_space<vmem>>, vector<16xi32>, vector<16xi1>
        tpu.vector_store %arg10[%swap3A_994], %add3A_991 masked %le3A_559 {strides = array<i32>} : memref<4112xi32, #tpu.memory_space<vmem>>, vector<16xi32>, vector<16xi1>
        %add3A_996 = arith.addi %add3A_983, %squeeze3A_640 : i32
        %mul3A_997 = arith.constant 32 : i32
        %mul3A_998 = arith.muli %scan3A_276, %mul3A_997 : i32
        %add3A_999 = arith.constant 26 : i32
        %add3A_1000 = arith.addi %mul3A_998, %add3A_999 : i32
        %mul3A_1001 = arith.constant 16 : i32
        %mul3A_1002 = arith.muli %add3A_1000, %mul3A_1001 : i32
        %add3A_1003 = vector.broadcast %mul3A_1002 : i32 to vector<16xi32>
        %add3A_1004 = arith.addi %add3A_1003, %iota3A : vector<16xi32>
        %swap3A_1005 = arith.index_cast %add3A_996 : i32 to index
        %swap3A_1006 = tpu.vector_load %arg9[%swap3A_1005] masked %le3A_560 {strides = array<i32>} : memref<4112xf32, #tpu.memory_space<vmem>>, vector<16xf32>, vector<16xi1>
        tpu.vector_store %arg9[%swap3A_1005], %get3A_493 masked %le3A_560 {strides = array<i32>} : memref<4112xf32, #tpu.memory_space<vmem>>, vector<16xf32>, vector<16xi1>
        %swap3A_1007 = arith.index_cast %add3A_996 : i32 to index
        %swap3A_1008 = tpu.vector_load %arg10[%swap3A_1007] masked %le3A_560 {strides = array<i32>} : memref<4112xi32, #tpu.memory_space<vmem>>, vector<16xi32>, vector<16xi1>
        tpu.vector_store %arg10[%swap3A_1007], %add3A_1004 masked %le3A_560 {strides = array<i32>} : memref<4112xi32, #tpu.memory_space<vmem>>, vector<16xi32>, vector<16xi1>
        %add3A_1009 = arith.addi %add3A_996, %squeeze3A_643 : i32
        %mul3A_1010 = arith.constant 32 : i32
        %mul3A_1011 = arith.muli %scan3A_276, %mul3A_1010 : i32
        %add3A_1012 = arith.constant 27 : i32
        %add3A_1013 = arith.addi %mul3A_1011, %add3A_1012 : i32
        %mul3A_1014 = arith.constant 16 : i32
        %mul3A_1015 = arith.muli %add3A_1013, %mul3A_1014 : i32
        %add3A_1016 = vector.broadcast %mul3A_1015 : i32 to vector<16xi32>
        %add3A_1017 = arith.addi %add3A_1016, %iota3A : vector<16xi32>
        %swap3A_1018 = arith.index_cast %add3A_1009 : i32 to index
        %swap3A_1019 = tpu.vector_load %arg9[%swap3A_1018] masked %le3A_561 {strides = array<i32>} : memref<4112xf32, #tpu.memory_space<vmem>>, vector<16xf32>, vector<16xi1>
        tpu.vector_store %arg9[%swap3A_1018], %get3A_501 masked %le3A_561 {strides = array<i32>} : memref<4112xf32, #tpu.memory_space<vmem>>, vector<16xf32>, vector<16xi1>
        %swap3A_1020 = arith.index_cast %add3A_1009 : i32 to index
        %swap3A_1021 = tpu.vector_load %arg10[%swap3A_1020] masked %le3A_561 {strides = array<i32>} : memref<4112xi32, #tpu.memory_space<vmem>>, vector<16xi32>, vector<16xi1>
        tpu.vector_store %arg10[%swap3A_1020], %add3A_1017 masked %le3A_561 {strides = array<i32>} : memref<4112xi32, #tpu.memory_space<vmem>>, vector<16xi32>, vector<16xi1>
        %add3A_1022 = arith.addi %add3A_1009, %squeeze3A_646 : i32
        %mul3A_1023 = arith.constant 32 : i32
        %mul3A_1024 = arith.muli %scan3A_276, %mul3A_1023 : i32
        %add3A_1025 = arith.constant 28 : i32
        %add3A_1026 = arith.addi %mul3A_1024, %add3A_1025 : i32
        %mul3A_1027 = arith.constant 16 : i32
        %mul3A_1028 = arith.muli %add3A_1026, %mul3A_1027 : i32
        %add3A_1029 = vector.broadcast %mul3A_1028 : i32 to vector<16xi32>
        %add3A_1030 = arith.addi %add3A_1029, %iota3A : vector<16xi32>
        %swap3A_1031 = arith.index_cast %add3A_1022 : i32 to index
        %swap3A_1032 = tpu.vector_load %arg9[%swap3A_1031] masked %le3A_562 {strides = array<i32>} : memref<4112xf32, #tpu.memory_space<vmem>>, vector<16xf32>, vector<16xi1>
        tpu.vector_store %arg9[%swap3A_1031], %get3A_509 masked %le3A_562 {strides = array<i32>} : memref<4112xf32, #tpu.memory_space<vmem>>, vector<16xf32>, vector<16xi1>
        %swap3A_1033 = arith.index_cast %add3A_1022 : i32 to index
        %swap3A_1034 = tpu.vector_load %arg10[%swap3A_1033] masked %le3A_562 {strides = array<i32>} : memref<4112xi32, #tpu.memory_space<vmem>>, vector<16xi32>, vector<16xi1>
        tpu.vector_store %arg10[%swap3A_1033], %add3A_1030 masked %le3A_562 {strides = array<i32>} : memref<4112xi32, #tpu.memory_space<vmem>>, vector<16xi32>, vector<16xi1>
        %add3A_1035 = arith.addi %add3A_1022, %squeeze3A_649 : i32
        %mul3A_1036 = arith.constant 32 : i32
        %mul3A_1037 = arith.muli %scan3A_276, %mul3A_1036 : i32
        %add3A_1038 = arith.constant 29 : i32
        %add3A_1039 = arith.addi %mul3A_1037, %add3A_1038 : i32
        %mul3A_1040 = arith.constant 16 : i32
        %mul3A_1041 = arith.muli %add3A_1039, %mul3A_1040 : i32
        %add3A_1042 = vector.broadcast %mul3A_1041 : i32 to vector<16xi32>
        %add3A_1043 = arith.addi %add3A_1042, %iota3A : vector<16xi32>
        %swap3A_1044 = arith.index_cast %add3A_1035 : i32 to index
        %swap3A_1045 = tpu.vector_load %arg9[%swap3A_1044] masked %le3A_563 {strides = array<i32>} : memref<4112xf32, #tpu.memory_space<vmem>>, vector<16xf32>, vector<16xi1>
        tpu.vector_store %arg9[%swap3A_1044], %get3A_517 masked %le3A_563 {strides = array<i32>} : memref<4112xf32, #tpu.memory_space<vmem>>, vector<16xf32>, vector<16xi1>
        %swap3A_1046 = arith.index_cast %add3A_1035 : i32 to index
        %swap3A_1047 = tpu.vector_load %arg10[%swap3A_1046] masked %le3A_563 {strides = array<i32>} : memref<4112xi32, #tpu.memory_space<vmem>>, vector<16xi32>, vector<16xi1>
        tpu.vector_store %arg10[%swap3A_1046], %add3A_1043 masked %le3A_563 {strides = array<i32>} : memref<4112xi32, #tpu.memory_space<vmem>>, vector<16xi32>, vector<16xi1>
        %add3A_1048 = arith.addi %add3A_1035, %squeeze3A_652 : i32
        %mul3A_1049 = arith.constant 32 : i32
        %mul3A_1050 = arith.muli %scan3A_276, %mul3A_1049 : i32
        %add3A_1051 = arith.constant 30 : i32
        %add3A_1052 = arith.addi %mul3A_1050, %add3A_1051 : i32
        %mul3A_1053 = arith.constant 16 : i32
        %mul3A_1054 = arith.muli %add3A_1052, %mul3A_1053 : i32
        %add3A_1055 = vector.broadcast %mul3A_1054 : i32 to vector<16xi32>
        %add3A_1056 = arith.addi %add3A_1055, %iota3A : vector<16xi32>
        %swap3A_1057 = arith.index_cast %add3A_1048 : i32 to index
        %swap3A_1058 = tpu.vector_load %arg9[%swap3A_1057] masked %le3A_564 {strides = array<i32>} : memref<4112xf32, #tpu.memory_space<vmem>>, vector<16xf32>, vector<16xi1>
        tpu.vector_store %arg9[%swap3A_1057], %get3A_525 masked %le3A_564 {strides = array<i32>} : memref<4112xf32, #tpu.memory_space<vmem>>, vector<16xf32>, vector<16xi1>
        %swap3A_1059 = arith.index_cast %add3A_1048 : i32 to index
        %swap3A_1060 = tpu.vector_load %arg10[%swap3A_1059] masked %le3A_564 {strides = array<i32>} : memref<4112xi32, #tpu.memory_space<vmem>>, vector<16xi32>, vector<16xi1>
        tpu.vector_store %arg10[%swap3A_1059], %add3A_1056 masked %le3A_564 {strides = array<i32>} : memref<4112xi32, #tpu.memory_space<vmem>>, vector<16xi32>, vector<16xi1>
        %add3A_1061 = arith.addi %add3A_1048, %squeeze3A_655 : i32
        %mul3A_1062 = arith.constant 32 : i32
        %mul3A_1063 = arith.muli %scan3A_276, %mul3A_1062 : i32
        %add3A_1064 = arith.constant 31 : i32
        %add3A_1065 = arith.addi %mul3A_1063, %add3A_1064 : i32
        %mul3A_1066 = arith.constant 16 : i32
        %mul3A_1067 = arith.muli %add3A_1065, %mul3A_1066 : i32
        %add3A_1068 = vector.broadcast %mul3A_1067 : i32 to vector<16xi32>
        %add3A_1069 = arith.addi %add3A_1068, %iota3A : vector<16xi32>
        %swap3A_1070 = arith.index_cast %add3A_1061 : i32 to index
        %swap3A_1071 = tpu.vector_load %arg9[%swap3A_1070] masked %le3A_565 {strides = array<i32>} : memref<4112xf32, #tpu.memory_space<vmem>>, vector<16xf32>, vector<16xi1>
        tpu.vector_store %arg9[%swap3A_1070], %get3A_533 masked %le3A_565 {strides = array<i32>} : memref<4112xf32, #tpu.memory_space<vmem>>, vector<16xf32>, vector<16xi1>
        %swap3A_1072 = arith.index_cast %add3A_1061 : i32 to index
        %swap3A_1073 = tpu.vector_load %arg10[%swap3A_1072] masked %le3A_565 {strides = array<i32>} : memref<4112xi32, #tpu.memory_space<vmem>>, vector<16xi32>, vector<16xi1>
        tpu.vector_store %arg10[%swap3A_1072], %add3A_1069 masked %le3A_565 {strides = array<i32>} : memref<4112xi32, #tpu.memory_space<vmem>>, vector<16xi32>, vector<16xi1>
        %add3A_1074 = arith.addi %add3A_1061, %squeeze3A_658 : i32
        scf.yield %add3A_1074 : i32
      }
      %scan3A_225 = arith.constant 8 : i32
      %swap3A_226 = arith.index_cast %scan3A_224 : i32 to index
      %swap3A_227 = tpu.vector_load %arg9[%swap3A_226] {strides = array<i32>} : memref<4112xf32, #tpu.memory_space<vmem>>, vector<16xf32>,
      tpu.vector_store %arg9[%swap3A_226], %broadcast_in_dim3A_3 {strides = array<i32>} : memref<4112xf32, #tpu.memory_space<vmem>>, vector<16xf32>,
      %add3A_228 = arith.constant 15 : i32
      %add3A_229 = arith.addi %scan3A_224, %add3A_228 : i32
      %jit3A_230 = arith.constant 16 : i32
      %div3A_231 = arith.divsi %add3A_229, %jit3A_230 : i32
      %sign3A_232 = arith.constant 0 : i32
      %sign3A_233 = arith.cmpi sgt, %add3A_229, %sign3A_232 : i32
      %sign3A_234 = arith.extui %sign3A_233 : i1 to i32
      %sign3A_235 = arith.constant 0 : i32
      %sign3A_236 = arith.cmpi slt, %add3A_229, %sign3A_235 : i32
      %sign3A_237 = arith.extui %sign3A_236 : i1 to i32
      %sign3A_238 = arith.subi %sign3A_234, %sign3A_237 : i32
      %sign3A_239 = arith.constant 0 : i32
      %sign3A_240 = arith.cmpi sgt, %jit3A_230, %sign3A_239 : i32
      %sign3A_241 = arith.extui %sign3A_240 : i1 to i32
      %sign3A_242 = arith.constant 0 : i32
      %sign3A_243 = arith.cmpi slt, %jit3A_230, %sign3A_242 : i32
      %sign3A_244 = arith.extui %sign3A_243 : i1 to i32
      %sign3A_245 = arith.subi %sign3A_241, %sign3A_244 : i32
      %ne3A_246 = arith.cmpi ne, %sign3A_238, %sign3A_245 : i32
      %rem3A_247 = arith.remsi %add3A_229, %jit3A_230 : i32
      %ne3A_248 = arith.constant 0 : i32
      %ne3A_249 = arith.cmpi ne, %rem3A_247, %ne3A_248 : i32
      %and3A_250 = arith.andi %ne3A_246, %ne3A_249 : i1
      %sub3A_251 = arith.constant 1 : i32
      %sub3A_252 = arith.subi %div3A_231, %sub3A_251 : i32
      %select_n3A_253 = arith.select %and3A_250, %sub3A_252, %div3A_231 : i32
      %le3A_254 = arith.constant 64 : i32
      %le3A_255 = arith.cmpi sle, %scan3A_224, %le3A_254 : i32
      %convert_element_type3A_256 = arith.extui %le3A_255 : i1 to i32
      %cond3A_257 = arith.constant 0 : i32
      %cond3A_258 = arith.constant 0 : i32
      %cond3A_259 = arith.cmpi ne, %convert_element_type3A_256, %cond3A_258 : i32
      %cond3A_260:4 = scf.if %cond3A_259 -> (vector<16xf32>, vector<16xf32>, vector<16xi32>, vector<16xi32>) {
        %get3A_276 = arith.constant 0 : index
        %get3A_277 = tpu.vector_load %arg10[%get3A_276] {strides = array<i32>} : memref<4112xi32, #tpu.memory_space<vmem>>, vector<16xi32>,
        %get3A_278 = arith.constant 16 : index
        %get3A_279 = tpu.vector_load %arg10[%get3A_278] {strides = array<i32>} : memref<4112xi32, #tpu.memory_space<vmem>>, vector<16xi32>,
        %get3A_280 = arith.constant 32 : index
        %get3A_281 = tpu.vector_load %arg10[%get3A_280] {strides = array<i32>} : memref<4112xi32, #tpu.memory_space<vmem>>, vector<16xi32>,
        %get3A_282 = arith.constant 48 : index
        %get3A_283 = tpu.vector_load %arg10[%get3A_282] {strides = array<i32>} : memref<4112xi32, #tpu.memory_space<vmem>>, vector<16xi32>,
        %broadcast_in_dim3A_284 = arith.constant 4112 : i32
        %broadcast_in_dim3A_285 = vector.broadcast %broadcast_in_dim3A_284 : i32 to vector<16xi32>
        %broadcast_in_dim3A_286 = arith.constant 0 : i32
        %broadcast_in_dim3A_287 = vector.broadcast %broadcast_in_dim3A_286 : i32 to vector<16xi32>
        %get3A_288 = arith.constant 0 : index
        %get3A_289 = tpu.vector_load %arg9[%get3A_288] {strides = array<i32>} : memref<4112xf32, #tpu.memory_space<vmem>>, vector<16xf32>,
        %get3A_290 = arith.constant 16 : index
        %get3A_291 = tpu.vector_load %arg9[%get3A_290] {strides = array<i32>} : memref<4112xf32, #tpu.memory_space<vmem>>, vector<16xf32>,
        %get3A_292 = arith.constant 32 : index
        %get3A_293 = tpu.vector_load %arg9[%get3A_292] {strides = array<i32>} : memref<4112xf32, #tpu.memory_space<vmem>>, vector<16xf32>,
        %get3A_294 = arith.constant 48 : index
        %get3A_295 = tpu.vector_load %arg9[%get3A_294] {strides = array<i32>} : memref<4112xf32, #tpu.memory_space<vmem>>, vector<16xf32>,
        %scan3A_296 = arith.constant 0 : i32
        %scan3A_297 = arith.constant 32 : i32
        %scan3A_298 = arith.addi %scan3A_296, %scan3A_297 : i32
        %scan3A_299 = arith.constant 1 : i32
        %scan3A_300:8 = scf.for %scan3A_302 = %scan3A_296 to %scan3A_298 step %scan3A_299 iter_args(%scan3A_303 = %get3A_289, %scan3A_304 = %get3A_291, %scan3A_305 = %get3A_293, %scan3A_306 = %get3A_295, %scan3A_307 = %broadcast_in_dim3A_3, %scan3A_308 = %broadcast_in_dim3A_3, %scan3A_309 = %broadcast_in_dim3A_287, %scan3A_310 = %broadcast_in_dim3A_287) -> (vector<16xf32>, vector<16xf32>, vector<16xf32>, vector<16xf32>, vector<16xf32>, vector<16xf32>, vector<16xi32>, vector<16xi32>)  : i32 {
          %min3A = arith.minimumf %scan3A_303, %scan3A_304 : vector<16xf32>
          %min3A_311 = arith.minimumf %scan3A_305, %scan3A_306 : vector<16xf32>
          %min3A_312 = arith.minimumf %min3A, %min3A_311 : vector<16xf32>
          %add3A_313 = arith.constant 8 : i32
          %add3A_314 = vector.broadcast %add3A_313 : i32 to vector<16xi32>
          %add3A_315 = arith.addi %iota3A, %add3A_314 : vector<16xi32>
          %and3A_316 = arith.constant 15 : i32
          %and3A_317 = vector.broadcast %and3A_316 : i32 to vector<16xi32>
          %and3A_318 = arith.andi %add3A_315, %and3A_317 : vector<16xi32>
          %lt3A_319 = arith.constant 0 : i32
          %lt3A_320 = vector.broadcast %lt3A_319 : i32 to vector<16xi32>
          %lt3A_321 = arith.cmpi slt, %and3A_318, %lt3A_320 : vector<16xi32>
          %add3A_322 = arith.constant 16 : i32
          %add3A_323 = vector.broadcast %add3A_322 : i32 to vector<16xi32>
          %add3A_324 = arith.addi %and3A_318, %add3A_323 : vector<16xi32>
          %select_n3A_325 = arith.select %lt3A_321, %add3A_324, %and3A_318 : vector<16xi1>, vector<16xi32>
          %broadcast_in_dim3A_326 = vector.shape_cast %select_n3A_325 : vector<16xi32> to vector<16x1xi32>
          %gather3A_327 = vector.shape_cast %broadcast_in_dim3A_326 : vector<16x1xi32> to vector<16xi32>
          %gather3A_328 = tpu.dynamic_gather %min3A_312[%gather3A_327] in [0] : vector<16xf32>, vector<16xi32> -> vector<16xf32>
          %min3A_329 = arith.minimumf %min3A_312, %gather3A_328 : vector<16xf32>
          %add3A_330 = arith.constant 4 : i32
          %add3A_331 = vector.broadcast %add3A_330 : i32 to vector<16xi32>
          %add3A_332 = arith.addi %iota3A, %add3A_331 : vector<16xi32>
          %and3A_333 = arith.constant 15 : i32
          %and3A_334 = vector.broadcast %and3A_333 : i32 to vector<16xi32>
          %and3A_335 = arith.andi %add3A_332, %and3A_334 : vector<16xi32>
          %lt3A_336 = arith.constant 0 : i32
          %lt3A_337 = vector.broadcast %lt3A_336 : i32 to vector<16xi32>
          %lt3A_338 = arith.cmpi slt, %and3A_335, %lt3A_337 : vector<16xi32>
          %add3A_339 = arith.constant 16 : i32
          %add3A_340 = vector.broadcast %add3A_339 : i32 to vector<16xi32>
          %add3A_341 = arith.addi %and3A_335, %add3A_340 : vector<16xi32>
          %select_n3A_342 = arith.select %lt3A_338, %add3A_341, %and3A_335 : vector<16xi1>, vector<16xi32>
          %broadcast_in_dim3A_343 = vector.shape_cast %select_n3A_342 : vector<16xi32> to vector<16x1xi32>
          %gather3A_344 = vector.shape_cast %broadcast_in_dim3A_343 : vector<16x1xi32> to vector<16xi32>
          %gather3A_345 = tpu.dynamic_gather %min3A_329[%gather3A_344] in [0] : vector<16xf32>, vector<16xi32> -> vector<16xf32>
          %min3A_346 = arith.minimumf %min3A_329, %gather3A_345 : vector<16xf32>
          %add3A_347 = arith.constant 2 : i32
          %add3A_348 = vector.broadcast %add3A_347 : i32 to vector<16xi32>
          %add3A_349 = arith.addi %iota3A, %add3A_348 : vector<16xi32>
          %and3A_350 = arith.constant 15 : i32
          %and3A_351 = vector.broadcast %and3A_350 : i32 to vector<16xi32>
          %and3A_352 = arith.andi %add3A_349, %and3A_351 : vector<16xi32>
          %lt3A_353 = arith.constant 0 : i32
          %lt3A_354 = vector.broadcast %lt3A_353 : i32 to vector<16xi32>
          %lt3A_355 = arith.cmpi slt, %and3A_352, %lt3A_354 : vector<16xi32>
          %add3A_356 = arith.constant 16 : i32
          %add3A_357 = vector.broadcast %add3A_356 : i32 to vector<16xi32>
          %add3A_358 = arith.addi %and3A_352, %add3A_357 : vector<16xi32>
          %select_n3A_359 = arith.select %lt3A_355, %add3A_358, %and3A_352 : vector<16xi1>, vector<16xi32>
          %broadcast_in_dim3A_360 = vector.shape_cast %select_n3A_359 : vector<16xi32> to vector<16x1xi32>
          %gather3A_361 = vector.shape_cast %broadcast_in_dim3A_360 : vector<16x1xi32> to vector<16xi32>
          %gather3A_362 = tpu.dynamic_gather %min3A_346[%gather3A_361] in [0] : vector<16xf32>, vector<16xi32> -> vector<16xf32>
          %min3A_363 = arith.minimumf %min3A_346, %gather3A_362 : vector<16xf32>
          %add3A_364 = arith.constant 1 : i32
          %add3A_365 = vector.broadcast %add3A_364 : i32 to vector<16xi32>
          %add3A_366 = arith.addi %iota3A, %add3A_365 : vector<16xi32>
          %and3A_367 = arith.constant 15 : i32
          %and3A_368 = vector.broadcast %and3A_367 : i32 to vector<16xi32>
          %and3A_369 = arith.andi %add3A_366, %and3A_368 : vector<16xi32>
          %lt3A_370 = arith.constant 0 : i32
          %lt3A_371 = vector.broadcast %lt3A_370 : i32 to vector<16xi32>
          %lt3A_372 = arith.cmpi slt, %and3A_369, %lt3A_371 : vector<16xi32>
          %add3A_373 = arith.constant 16 : i32
          %add3A_374 = vector.broadcast %add3A_373 : i32 to vector<16xi32>
          %add3A_375 = arith.addi %and3A_369, %add3A_374 : vector<16xi32>
          %select_n3A_376 = arith.select %lt3A_372, %add3A_375, %and3A_369 : vector<16xi1>, vector<16xi32>
          %broadcast_in_dim3A_377 = vector.shape_cast %select_n3A_376 : vector<16xi32> to vector<16x1xi32>
          %gather3A_378 = vector.shape_cast %broadcast_in_dim3A_377 : vector<16x1xi32> to vector<16xi32>
          %gather3A_379 = tpu.dynamic_gather %min3A_363[%gather3A_378] in [0] : vector<16xf32>, vector<16xi32> -> vector<16xf32>
          %min3A_380 = arith.minimumf %min3A_363, %gather3A_379 : vector<16xf32>
          %eq3A_381 = arith.cmpf oeq, %scan3A_303, %min3A_380 : vector<16xf32>
          %add3A_382 = arith.constant 0 : i32
          %add3A_383 = vector.broadcast %add3A_382 : i32 to vector<16xi32>
          %add3A_384 = arith.addi %add3A_383, %iota3A : vector<16xi32>
          %jit3A_385 = arith.constant 4112 : i32
          %broadcast_in_dim3A_386 = vector.broadcast %jit3A_385 : i32 to vector<16xi32>
          %select_n3A_387 = arith.select %eq3A_381, %add3A_384, %broadcast_in_dim3A_386 : vector<16xi1>, vector<16xi32>
          %min3A_388 = arith.minsi %broadcast_in_dim3A_285, %select_n3A_387 : vector<16xi32>
          %eq3A_389 = arith.cmpf oeq, %scan3A_304, %min3A_380 : vector<16xf32>
          %add3A_390 = arith.constant 16 : i32
          %add3A_391 = vector.broadcast %add3A_390 : i32 to vector<16xi32>
          %add3A_392 = arith.addi %add3A_391, %iota3A : vector<16xi32>
          %jit3A_393 = arith.constant 4112 : i32
          %broadcast_in_dim3A_394 = vector.broadcast %jit3A_393 : i32 to vector<16xi32>
          %select_n3A_395 = arith.select %eq3A_389, %add3A_392, %broadcast_in_dim3A_394 : vector<16xi1>, vector<16xi32>
          %min3A_396 = arith.minsi %min3A_388, %select_n3A_395 : vector<16xi32>
          %eq3A_397 = arith.cmpf oeq, %scan3A_305, %min3A_380 : vector<16xf32>
          %add3A_398 = arith.constant 32 : i32
          %add3A_399 = vector.broadcast %add3A_398 : i32 to vector<16xi32>
          %add3A_400 = arith.addi %add3A_399, %iota3A : vector<16xi32>
          %jit3A_401 = arith.constant 4112 : i32
          %broadcast_in_dim3A_402 = vector.broadcast %jit3A_401 : i32 to vector<16xi32>
          %select_n3A_403 = arith.select %eq3A_397, %add3A_400, %broadcast_in_dim3A_402 : vector<16xi1>, vector<16xi32>
          %min3A_404 = arith.minsi %min3A_396, %select_n3A_403 : vector<16xi32>
          %eq3A_405 = arith.cmpf oeq, %scan3A_306, %min3A_380 : vector<16xf32>
          %add3A_406 = arith.constant 48 : i32
          %add3A_407 = vector.broadcast %add3A_406 : i32 to vector<16xi32>
          %add3A_408 = arith.addi %add3A_407, %iota3A : vector<16xi32>
          %jit3A_409 = arith.constant 4112 : i32
          %broadcast_in_dim3A_410 = vector.broadcast %jit3A_409 : i32 to vector<16xi32>
          %select_n3A_411 = arith.select %eq3A_405, %add3A_408, %broadcast_in_dim3A_410 : vector<16xi1>, vector<16xi32>
          %min3A_412 = arith.minsi %min3A_404, %select_n3A_411 : vector<16xi32>
          %add3A_413 = arith.constant 8 : i32
          %add3A_414 = vector.broadcast %add3A_413 : i32 to vector<16xi32>
          %add3A_415 = arith.addi %iota3A, %add3A_414 : vector<16xi32>
          %and3A_416 = arith.constant 15 : i32
          %and3A_417 = vector.broadcast %and3A_416 : i32 to vector<16xi32>
          %and3A_418 = arith.andi %add3A_415, %and3A_417 : vector<16xi32>
          %lt3A_419 = arith.constant 0 : i32
          %lt3A_420 = vector.broadcast %lt3A_419 : i32 to vector<16xi32>
          %lt3A_421 = arith.cmpi slt, %and3A_418, %lt3A_420 : vector<16xi32>
          %add3A_422 = arith.constant 16 : i32
          %add3A_423 = vector.broadcast %add3A_422 : i32 to vector<16xi32>
          %add3A_424 = arith.addi %and3A_418, %add3A_423 : vector<16xi32>
          %select_n3A_425 = arith.select %lt3A_421, %add3A_424, %and3A_418 : vector<16xi1>, vector<16xi32>
          %broadcast_in_dim3A_426 = vector.shape_cast %select_n3A_425 : vector<16xi32> to vector<16x1xi32>
          %gather3A_427 = vector.shape_cast %broadcast_in_dim3A_426 : vector<16x1xi32> to vector<16xi32>
          %gather3A_428 = tpu.dynamic_gather %min3A_412[%gather3A_427] in [0] : vector<16xi32>, vector<16xi32> -> vector<16xi32>
          %min3A_429 = arith.minsi %min3A_412, %gather3A_428 : vector<16xi32>
          %add3A_430 = arith.constant 4 : i32
          %add3A_431 = vector.broadcast %add3A_430 : i32 to vector<16xi32>
          %add3A_432 = arith.addi %iota3A, %add3A_431 : vector<16xi32>
          %and3A_433 = arith.constant 15 : i32
          %and3A_434 = vector.broadcast %and3A_433 : i32 to vector<16xi32>
          %and3A_435 = arith.andi %add3A_432, %and3A_434 : vector<16xi32>
          %lt3A_436 = arith.constant 0 : i32
          %lt3A_437 = vector.broadcast %lt3A_436 : i32 to vector<16xi32>
          %lt3A_438 = arith.cmpi slt, %and3A_435, %lt3A_437 : vector<16xi32>
          %add3A_439 = arith.constant 16 : i32
          %add3A_440 = vector.broadcast %add3A_439 : i32 to vector<16xi32>
          %add3A_441 = arith.addi %and3A_435, %add3A_440 : vector<16xi32>
          %select_n3A_442 = arith.select %lt3A_438, %add3A_441, %and3A_435 : vector<16xi1>, vector<16xi32>
          %broadcast_in_dim3A_443 = vector.shape_cast %select_n3A_442 : vector<16xi32> to vector<16x1xi32>
          %gather3A_444 = vector.shape_cast %broadcast_in_dim3A_443 : vector<16x1xi32> to vector<16xi32>
          %gather3A_445 = tpu.dynamic_gather %min3A_429[%gather3A_444] in [0] : vector<16xi32>, vector<16xi32> -> vector<16xi32>
          %min3A_446 = arith.minsi %min3A_429, %gather3A_445 : vector<16xi32>
          %add3A_447 = arith.constant 2 : i32
          %add3A_448 = vector.broadcast %add3A_447 : i32 to vector<16xi32>
          %add3A_449 = arith.addi %iota3A, %add3A_448 : vector<16xi32>
          %and3A_450 = arith.constant 15 : i32
          %and3A_451 = vector.broadcast %and3A_450 : i32 to vector<16xi32>
          %and3A_452 = arith.andi %add3A_449, %and3A_451 : vector<16xi32>
          %lt3A_453 = arith.constant 0 : i32
          %lt3A_454 = vector.broadcast %lt3A_453 : i32 to vector<16xi32>
          %lt3A_455 = arith.cmpi slt, %and3A_452, %lt3A_454 : vector<16xi32>
          %add3A_456 = arith.constant 16 : i32
          %add3A_457 = vector.broadcast %add3A_456 : i32 to vector<16xi32>
          %add3A_458 = arith.addi %and3A_452, %add3A_457 : vector<16xi32>
          %select_n3A_459 = arith.select %lt3A_455, %add3A_458, %and3A_452 : vector<16xi1>, vector<16xi32>
          %broadcast_in_dim3A_460 = vector.shape_cast %select_n3A_459 : vector<16xi32> to vector<16x1xi32>
          %gather3A_461 = vector.shape_cast %broadcast_in_dim3A_460 : vector<16x1xi32> to vector<16xi32>
          %gather3A_462 = tpu.dynamic_gather %min3A_446[%gather3A_461] in [0] : vector<16xi32>, vector<16xi32> -> vector<16xi32>
          %min3A_463 = arith.minsi %min3A_446, %gather3A_462 : vector<16xi32>
          %add3A_464 = arith.constant 1 : i32
          %add3A_465 = vector.broadcast %add3A_464 : i32 to vector<16xi32>
          %add3A_466 = arith.addi %iota3A, %add3A_465 : vector<16xi32>
          %and3A_467 = arith.constant 15 : i32
          %and3A_468 = vector.broadcast %and3A_467 : i32 to vector<16xi32>
          %and3A_469 = arith.andi %add3A_466, %and3A_468 : vector<16xi32>
          %lt3A_470 = arith.constant 0 : i32
          %lt3A_471 = vector.broadcast %lt3A_470 : i32 to vector<16xi32>
          %lt3A_472 = arith.cmpi slt, %and3A_469, %lt3A_471 : vector<16xi32>
          %add3A_473 = arith.constant 16 : i32
          %add3A_474 = vector.broadcast %add3A_473 : i32 to vector<16xi32>
          %add3A_475 = arith.addi %and3A_469, %add3A_474 : vector<16xi32>
          %select_n3A_476 = arith.select %lt3A_472, %add3A_475, %and3A_469 : vector<16xi1>, vector<16xi32>
          %broadcast_in_dim3A_477 = vector.shape_cast %select_n3A_476 : vector<16xi32> to vector<16x1xi32>
          %gather3A_478 = vector.shape_cast %broadcast_in_dim3A_477 : vector<16x1xi32> to vector<16xi32>
          %gather3A_479 = tpu.dynamic_gather %min3A_463[%gather3A_478] in [0] : vector<16xi32>, vector<16xi32> -> vector<16xi32>
          %min3A_480 = arith.minsi %min3A_463, %gather3A_479 : vector<16xi32>
          %broadcast_in_dim3A_481 = arith.constant 0 : i32
          %broadcast_in_dim3A_482 = vector.broadcast %broadcast_in_dim3A_481 : i32 to vector<16xi32>
          %add3A_483 = arith.constant 0 : i32
          %add3A_484 = vector.broadcast %add3A_483 : i32 to vector<16xi32>
          %add3A_485 = arith.addi %add3A_484, %iota3A : vector<16xi32>
          %eq3A_486 = arith.cmpi eq, %add3A_485, %min3A_480 : vector<16xi32>
          %select_n3A_487 = arith.select %eq3A_486, %get3A_277, %broadcast_in_dim3A_482 : vector<16xi1>, vector<16xi32>
          %add3A_488 = arith.constant 16 : i32
          %add3A_489 = vector.broadcast %add3A_488 : i32 to vector<16xi32>
          %add3A_490 = arith.addi %add3A_489, %iota3A : vector<16xi32>
          %eq3A_491 = arith.cmpi eq, %add3A_490, %min3A_480 : vector<16xi32>
          %select_n3A_492 = arith.select %eq3A_491, %get3A_279, %select_n3A_487 : vector<16xi1>, vector<16xi32>
          %add3A_493 = arith.constant 32 : i32
          %add3A_494 = vector.broadcast %add3A_493 : i32 to vector<16xi32>
          %add3A_495 = arith.addi %add3A_494, %iota3A : vector<16xi32>
          %eq3A_496 = arith.cmpi eq, %add3A_495, %min3A_480 : vector<16xi32>
          %select_n3A_497 = arith.select %eq3A_496, %get3A_281, %select_n3A_492 : vector<16xi1>, vector<16xi32>
          %add3A_498 = arith.constant 48 : i32
          %add3A_499 = vector.broadcast %add3A_498 : i32 to vector<16xi32>
          %add3A_500 = arith.addi %add3A_499, %iota3A : vector<16xi32>
          %eq3A_501 = arith.cmpi eq, %add3A_500, %min3A_480 : vector<16xi32>
          %select_n3A_502 = arith.select %eq3A_501, %get3A_283, %select_n3A_497 : vector<16xi1>, vector<16xi32>
          %add3A_503 = arith.constant 8 : i32
          %add3A_504 = vector.broadcast %add3A_503 : i32 to vector<16xi32>
          %add3A_505 = arith.addi %iota3A, %add3A_504 : vector<16xi32>
          %and3A_506 = arith.constant 15 : i32
          %and3A_507 = vector.broadcast %and3A_506 : i32 to vector<16xi32>
          %and3A_508 = arith.andi %add3A_505, %and3A_507 : vector<16xi32>
          %lt3A_509 = arith.constant 0 : i32
          %lt3A_510 = vector.broadcast %lt3A_509 : i32 to vector<16xi32>
          %lt3A_511 = arith.cmpi slt, %and3A_508, %lt3A_510 : vector<16xi32>
          %add3A_512 = arith.constant 16 : i32
          %add3A_513 = vector.broadcast %add3A_512 : i32 to vector<16xi32>
          %add3A_514 = arith.addi %and3A_508, %add3A_513 : vector<16xi32>
          %select_n3A_515 = arith.select %lt3A_511, %add3A_514, %and3A_508 : vector<16xi1>, vector<16xi32>
          %broadcast_in_dim3A_516 = vector.shape_cast %select_n3A_515 : vector<16xi32> to vector<16x1xi32>
          %gather3A_517 = vector.shape_cast %broadcast_in_dim3A_516 : vector<16x1xi32> to vector<16xi32>
          %gather3A_518 = tpu.dynamic_gather %select_n3A_502[%gather3A_517] in [0] : vector<16xi32>, vector<16xi32> -> vector<16xi32>
          %max3A = arith.maxsi %select_n3A_502, %gather3A_518 : vector<16xi32>
          %add3A_519 = arith.constant 4 : i32
          %add3A_520 = vector.broadcast %add3A_519 : i32 to vector<16xi32>
          %add3A_521 = arith.addi %iota3A, %add3A_520 : vector<16xi32>
          %and3A_522 = arith.constant 15 : i32
          %and3A_523 = vector.broadcast %and3A_522 : i32 to vector<16xi32>
          %and3A_524 = arith.andi %add3A_521, %and3A_523 : vector<16xi32>
          %lt3A_525 = arith.constant 0 : i32
          %lt3A_526 = vector.broadcast %lt3A_525 : i32 to vector<16xi32>
          %lt3A_527 = arith.cmpi slt, %and3A_524, %lt3A_526 : vector<16xi32>
          %add3A_528 = arith.constant 16 : i32
          %add3A_529 = vector.broadcast %add3A_528 : i32 to vector<16xi32>
          %add3A_530 = arith.addi %and3A_524, %add3A_529 : vector<16xi32>
          %select_n3A_531 = arith.select %lt3A_527, %add3A_530, %and3A_524 : vector<16xi1>, vector<16xi32>
          %broadcast_in_dim3A_532 = vector.shape_cast %select_n3A_531 : vector<16xi32> to vector<16x1xi32>
          %gather3A_533 = vector.shape_cast %broadcast_in_dim3A_532 : vector<16x1xi32> to vector<16xi32>
          %gather3A_534 = tpu.dynamic_gather %max3A[%gather3A_533] in [0] : vector<16xi32>, vector<16xi32> -> vector<16xi32>
          %max3A_535 = arith.maxsi %max3A, %gather3A_534 : vector<16xi32>
          %add3A_536 = arith.constant 2 : i32
          %add3A_537 = vector.broadcast %add3A_536 : i32 to vector<16xi32>
          %add3A_538 = arith.addi %iota3A, %add3A_537 : vector<16xi32>
          %and3A_539 = arith.constant 15 : i32
          %and3A_540 = vector.broadcast %and3A_539 : i32 to vector<16xi32>
          %and3A_541 = arith.andi %add3A_538, %and3A_540 : vector<16xi32>
          %lt3A_542 = arith.constant 0 : i32
          %lt3A_543 = vector.broadcast %lt3A_542 : i32 to vector<16xi32>
          %lt3A_544 = arith.cmpi slt, %and3A_541, %lt3A_543 : vector<16xi32>
          %add3A_545 = arith.constant 16 : i32
          %add3A_546 = vector.broadcast %add3A_545 : i32 to vector<16xi32>
          %add3A_547 = arith.addi %and3A_541, %add3A_546 : vector<16xi32>
          %select_n3A_548 = arith.select %lt3A_544, %add3A_547, %and3A_541 : vector<16xi1>, vector<16xi32>
          %broadcast_in_dim3A_549 = vector.shape_cast %select_n3A_548 : vector<16xi32> to vector<16x1xi32>
          %gather3A_550 = vector.shape_cast %broadcast_in_dim3A_549 : vector<16x1xi32> to vector<16xi32>
          %gather3A_551 = tpu.dynamic_gather %max3A_535[%gather3A_550] in [0] : vector<16xi32>, vector<16xi32> -> vector<16xi32>
          %max3A_552 = arith.maxsi %max3A_535, %gather3A_551 : vector<16xi32>
          %add3A_553 = arith.constant 1 : i32
          %add3A_554 = vector.broadcast %add3A_553 : i32 to vector<16xi32>
          %add3A_555 = arith.addi %iota3A, %add3A_554 : vector<16xi32>
          %and3A_556 = arith.constant 15 : i32
          %and3A_557 = vector.broadcast %and3A_556 : i32 to vector<16xi32>
          %and3A_558 = arith.andi %add3A_555, %and3A_557 : vector<16xi32>
          %lt3A_559 = arith.constant 0 : i32
          %lt3A_560 = vector.broadcast %lt3A_559 : i32 to vector<16xi32>
          %lt3A_561 = arith.cmpi slt, %and3A_558, %lt3A_560 : vector<16xi32>
          %add3A_562 = arith.constant 16 : i32
          %add3A_563 = vector.broadcast %add3A_562 : i32 to vector<16xi32>
          %add3A_564 = arith.addi %and3A_558, %add3A_563 : vector<16xi32>
          %select_n3A_565 = arith.select %lt3A_561, %add3A_564, %and3A_558 : vector<16xi1>, vector<16xi32>
          %broadcast_in_dim3A_566 = vector.shape_cast %select_n3A_565 : vector<16xi32> to vector<16x1xi32>
          %gather3A_567 = vector.shape_cast %broadcast_in_dim3A_566 : vector<16x1xi32> to vector<16xi32>
          %gather3A_568 = tpu.dynamic_gather %max3A_552[%gather3A_567] in [0] : vector<16xi32>, vector<16xi32> -> vector<16xi32>
          %max3A_569 = arith.maxsi %max3A_552, %gather3A_568 : vector<16xi32>
          %jit3A_570 = arith.constant 16 : i32
          %eq3A_571 = arith.constant 0 : i32
          %eq3A_572 = arith.cmpi eq, %jit3A_570, %eq3A_571 : i32
          %jit3A_573 = arith.constant 1 : i32
          %select_n3A_574 = arith.select %eq3A_572, %jit3A_573, %jit3A_570 : i32
          %rem3A_575 = arith.remsi %scan3A_302, %select_n3A_574 : i32
          %ne3A_576 = arith.constant 0 : i32
          %ne3A_577 = arith.cmpi ne, %rem3A_575, %ne3A_576 : i32
          %lt3A_578 = arith.constant 0 : i32
          %lt3A_579 = arith.cmpi slt, %rem3A_575, %lt3A_578 : i32
          %lt3A_580 = arith.constant 0 : i32
          %lt3A_581 = arith.cmpi slt, %select_n3A_574, %lt3A_580 : i32
          %ne3A_582 = arith.xori %lt3A_579, %lt3A_581 : i1
          %and3A_583 = arith.andi %ne3A_582, %ne3A_577 : i1
          %add3A_584 = arith.addi %rem3A_575, %select_n3A_574 : i32
          %select_n3A_585 = arith.select %and3A_583, %add3A_584, %rem3A_575 : i32
          %eq3A_586 = vector.broadcast %select_n3A_585 : i32 to vector<16xi32>
          %eq3A_587 = arith.cmpi eq, %iota3A, %eq3A_586 : vector<16xi32>
          %lt3A_588 = arith.constant 16 : i32
          %lt3A_589 = arith.cmpi slt, %scan3A_302, %lt3A_588 : i32
          %and3A_590 = vector.broadcast %lt3A_589 : i1 to vector<16xi1>
          %and3A_591 = arith.andi %eq3A_587, %and3A_590 : vector<16xi1>
          %select_n3A_592 = arith.select %and3A_591, %min3A_380, %scan3A_307 : vector<16xi1>, vector<16xf32>
          %not3A = arith.constant true
          %not3A_593 = arith.xori %lt3A_589, %not3A : i1
          %and3A_594 = vector.broadcast %not3A_593 : i1 to vector<16xi1>
          %and3A_595 = arith.andi %eq3A_587, %and3A_594 : vector<16xi1>
          %select_n3A_596 = arith.select %and3A_595, %min3A_380, %scan3A_308 : vector<16xi1>, vector<16xf32>
          %and3A_597 = vector.broadcast %lt3A_589 : i1 to vector<16xi1>
          %and3A_598 = arith.andi %eq3A_587, %and3A_597 : vector<16xi1>
          %select_n3A_599 = arith.select %and3A_598, %max3A_569, %scan3A_309 : vector<16xi1>, vector<16xi32>
          %not3A_600 = arith.constant true
          %not3A_601 = arith.xori %lt3A_589, %not3A_600 : i1
          %and3A_602 = vector.broadcast %not3A_601 : i1 to vector<16xi1>
          %and3A_603 = arith.andi %eq3A_587, %and3A_602 : vector<16xi1>
          %select_n3A_604 = arith.select %and3A_603, %max3A_569, %scan3A_310 : vector<16xi1>, vector<16xi32>
          %eq3A_605 = arith.cmpi eq, %iota3A, %min3A_480 : vector<16xi32>
          %jit3A_606 = arith.constant 0x7F800000 : f32
          %broadcast_in_dim3A_607 = vector.broadcast %jit3A_606 : f32 to vector<16xf32>
          %select_n3A_608 = arith.select %eq3A_605, %broadcast_in_dim3A_607, %scan3A_303 : vector<16xi1>, vector<16xf32>
          %add3A_609 = arith.constant 16 : i32
          %add3A_610 = vector.broadcast %add3A_609 : i32 to vector<16xi32>
          %add3A_611 = arith.addi %add3A_610, %iota3A : vector<16xi32>
          %eq3A_612 = arith.cmpi eq, %add3A_611, %min3A_480 : vector<16xi32>
          %jit3A_613 = arith.constant 0x7F800000 : f32
          %broadcast_in_dim3A_614 = vector.broadcast %jit3A_613 : f32 to vector<16xf32>
          %select_n3A_615 = arith.select %eq3A_612, %broadcast_in_dim3A_614, %scan3A_304 : vector<16xi1>, vector<16xf32>
          %add3A_616 = arith.constant 32 : i32
          %add3A_617 = vector.broadcast %add3A_616 : i32 to vector<16xi32>
          %add3A_618 = arith.addi %add3A_617, %iota3A : vector<16xi32>
          %eq3A_619 = arith.cmpi eq, %add3A_618, %min3A_480 : vector<16xi32>
          %jit3A_620 = arith.constant 0x7F800000 : f32
          %broadcast_in_dim3A_621 = vector.broadcast %jit3A_620 : f32 to vector<16xf32>
          %select_n3A_622 = arith.select %eq3A_619, %broadcast_in_dim3A_621, %scan3A_305 : vector<16xi1>, vector<16xf32>
          %add3A_623 = arith.constant 48 : i32
          %add3A_624 = vector.broadcast %add3A_623 : i32 to vector<16xi32>
          %add3A_625 = arith.addi %add3A_624, %iota3A : vector<16xi32>
          %eq3A_626 = arith.cmpi eq, %add3A_625, %min3A_480 : vector<16xi32>
          %jit3A_627 = arith.constant 0x7F800000 : f32
          %broadcast_in_dim3A_628 = vector.broadcast %jit3A_627 : f32 to vector<16xf32>
          %select_n3A_629 = arith.select %eq3A_626, %broadcast_in_dim3A_628, %scan3A_306 : vector<16xi1>, vector<16xf32>
          scf.yield %select_n3A_608, %select_n3A_615, %select_n3A_622, %select_n3A_629, %select_n3A_592, %select_n3A_596, %select_n3A_599, %select_n3A_604 : vector<16xf32>, vector<16xf32>, vector<16xf32>, vector<16xf32>, vector<16xf32>, vector<16xf32>, vector<16xi32>, vector<16xi32>
        }
        %scan3A_301 = arith.constant 32 : i32
        scf.yield %scan3A_300#4, %scan3A_300#5, %scan3A_300#6, %scan3A_300#7 : vector<16xf32>, vector<16xf32>, vector<16xi32>, vector<16xi32>
      } else {
        %broadcast_in_dim3A_276 = arith.constant 0 : i32
        %broadcast_in_dim3A_277 = vector.broadcast %broadcast_in_dim3A_276 : i32 to vector<16xi32>
        %scan3A_278 = arith.constant 0 : i32
        %scan3A_279 = arith.constant 32 : i32
        %scan3A_280 = arith.addi %scan3A_278, %scan3A_279 : i32
        %scan3A_281 = arith.constant 1 : i32
        %scan3A_282:4 = scf.for %scan3A_284 = %scan3A_278 to %scan3A_280 step %scan3A_281 iter_args(%scan3A_285 = %broadcast_in_dim3A_3, %scan3A_286 = %broadcast_in_dim3A_3, %scan3A_287 = %broadcast_in_dim3A_277, %scan3A_288 = %broadcast_in_dim3A_277) -> (vector<16xf32>, vector<16xf32>, vector<16xi32>, vector<16xi32>)  : i32 {
          %while3A = arith.constant 0 : i32
          %while3A_289 = arith.subi %select_n3A_253, %while3A : i32
          %while3A_290 = arith.addi %while3A, %while3A_289 : i32
          %while3A_291 = arith.constant 1 : i32
          %while3A_292 = arith.divsi %while3A_289, %while3A_291 : i32
          %while3A_293 = arith.muli %while3A_292, %while3A_291 : i32
          %while3A_294 = arith.addi %while3A, %while3A_293 : i32
          %while3A_295 = arith.constant 1 : i32
          %while3A_296 = scf.for %while3A_520 = %while3A to %while3A_294 step %while3A_295 iter_args(%while3A_521 = %broadcast_in_dim3A_3) -> (vector<16xf32>)  : i32 {
            %mul3A_522 = arith.constant 16 : i32
            %mul3A_523 = arith.muli %while3A_520, %mul3A_522 : i32
            %get3A_524 = arith.index_cast %mul3A_523 : i32 to index
            %get3A_525 = tpu.vector_load %arg9[%get3A_524] {strides = array<i32>} : memref<4112xf32, #tpu.memory_space<vmem>>, vector<16xf32>,
            %min3A_526 = arith.minimumf %while3A_521, %get3A_525 : vector<16xf32>
            scf.yield %min3A_526 : vector<16xf32>
          }
          %while3A_297 = arith.constant 1 : i32
          %while3A_298 = scf.for %while3A_520 = %while3A_294 to %while3A_290 step %while3A_297 iter_args(%while3A_521 = %while3A_296) -> (vector<16xf32>)  : i32 {
            %mul3A_522 = arith.constant 16 : i32
            %mul3A_523 = arith.muli %while3A_520, %mul3A_522 : i32
            %get3A_524 = arith.index_cast %mul3A_523 : i32 to index
            %get3A_525 = tpu.vector_load %arg9[%get3A_524] {strides = array<i32>} : memref<4112xf32, #tpu.memory_space<vmem>>, vector<16xf32>,
            %min3A_526 = arith.minimumf %while3A_521, %get3A_525 : vector<16xf32>
            scf.yield %min3A_526 : vector<16xf32>
          }
          %add3A_299 = arith.constant 8 : i32
          %add3A_300 = vector.broadcast %add3A_299 : i32 to vector<16xi32>
          %add3A_301 = arith.addi %iota3A, %add3A_300 : vector<16xi32>
          %and3A_302 = arith.constant 15 : i32
          %and3A_303 = vector.broadcast %and3A_302 : i32 to vector<16xi32>
          %and3A_304 = arith.andi %add3A_301, %and3A_303 : vector<16xi32>
          %lt3A_305 = arith.constant 0 : i32
          %lt3A_306 = vector.broadcast %lt3A_305 : i32 to vector<16xi32>
          %lt3A_307 = arith.cmpi slt, %and3A_304, %lt3A_306 : vector<16xi32>
          %add3A_308 = arith.constant 16 : i32
          %add3A_309 = vector.broadcast %add3A_308 : i32 to vector<16xi32>
          %add3A_310 = arith.addi %and3A_304, %add3A_309 : vector<16xi32>
          %select_n3A_311 = arith.select %lt3A_307, %add3A_310, %and3A_304 : vector<16xi1>, vector<16xi32>
          %broadcast_in_dim3A_312 = vector.shape_cast %select_n3A_311 : vector<16xi32> to vector<16x1xi32>
          %gather3A_313 = vector.shape_cast %broadcast_in_dim3A_312 : vector<16x1xi32> to vector<16xi32>
          %gather3A_314 = tpu.dynamic_gather %while3A_298[%gather3A_313] in [0] : vector<16xf32>, vector<16xi32> -> vector<16xf32>
          %min3A = arith.minimumf %while3A_298, %gather3A_314 : vector<16xf32>
          %add3A_315 = arith.constant 4 : i32
          %add3A_316 = vector.broadcast %add3A_315 : i32 to vector<16xi32>
          %add3A_317 = arith.addi %iota3A, %add3A_316 : vector<16xi32>
          %and3A_318 = arith.constant 15 : i32
          %and3A_319 = vector.broadcast %and3A_318 : i32 to vector<16xi32>
          %and3A_320 = arith.andi %add3A_317, %and3A_319 : vector<16xi32>
          %lt3A_321 = arith.constant 0 : i32
          %lt3A_322 = vector.broadcast %lt3A_321 : i32 to vector<16xi32>
          %lt3A_323 = arith.cmpi slt, %and3A_320, %lt3A_322 : vector<16xi32>
          %add3A_324 = arith.constant 16 : i32
          %add3A_325 = vector.broadcast %add3A_324 : i32 to vector<16xi32>
          %add3A_326 = arith.addi %and3A_320, %add3A_325 : vector<16xi32>
          %select_n3A_327 = arith.select %lt3A_323, %add3A_326, %and3A_320 : vector<16xi1>, vector<16xi32>
          %broadcast_in_dim3A_328 = vector.shape_cast %select_n3A_327 : vector<16xi32> to vector<16x1xi32>
          %gather3A_329 = vector.shape_cast %broadcast_in_dim3A_328 : vector<16x1xi32> to vector<16xi32>
          %gather3A_330 = tpu.dynamic_gather %min3A[%gather3A_329] in [0] : vector<16xf32>, vector<16xi32> -> vector<16xf32>
          %min3A_331 = arith.minimumf %min3A, %gather3A_330 : vector<16xf32>
          %add3A_332 = arith.constant 2 : i32
          %add3A_333 = vector.broadcast %add3A_332 : i32 to vector<16xi32>
          %add3A_334 = arith.addi %iota3A, %add3A_333 : vector<16xi32>
          %and3A_335 = arith.constant 15 : i32
          %and3A_336 = vector.broadcast %and3A_335 : i32 to vector<16xi32>
          %and3A_337 = arith.andi %add3A_334, %and3A_336 : vector<16xi32>
          %lt3A_338 = arith.constant 0 : i32
          %lt3A_339 = vector.broadcast %lt3A_338 : i32 to vector<16xi32>
          %lt3A_340 = arith.cmpi slt, %and3A_337, %lt3A_339 : vector<16xi32>
          %add3A_341 = arith.constant 16 : i32
          %add3A_342 = vector.broadcast %add3A_341 : i32 to vector<16xi32>
          %add3A_343 = arith.addi %and3A_337, %add3A_342 : vector<16xi32>
          %select_n3A_344 = arith.select %lt3A_340, %add3A_343, %and3A_337 : vector<16xi1>, vector<16xi32>
          %broadcast_in_dim3A_345 = vector.shape_cast %select_n3A_344 : vector<16xi32> to vector<16x1xi32>
          %gather3A_346 = vector.shape_cast %broadcast_in_dim3A_345 : vector<16x1xi32> to vector<16xi32>
          %gather3A_347 = tpu.dynamic_gather %min3A_331[%gather3A_346] in [0] : vector<16xf32>, vector<16xi32> -> vector<16xf32>
          %min3A_348 = arith.minimumf %min3A_331, %gather3A_347 : vector<16xf32>
          %add3A_349 = arith.constant 1 : i32
          %add3A_350 = vector.broadcast %add3A_349 : i32 to vector<16xi32>
          %add3A_351 = arith.addi %iota3A, %add3A_350 : vector<16xi32>
          %and3A_352 = arith.constant 15 : i32
          %and3A_353 = vector.broadcast %and3A_352 : i32 to vector<16xi32>
          %and3A_354 = arith.andi %add3A_351, %and3A_353 : vector<16xi32>
          %lt3A_355 = arith.constant 0 : i32
          %lt3A_356 = vector.broadcast %lt3A_355 : i32 to vector<16xi32>
          %lt3A_357 = arith.cmpi slt, %and3A_354, %lt3A_356 : vector<16xi32>
          %add3A_358 = arith.constant 16 : i32
          %add3A_359 = vector.broadcast %add3A_358 : i32 to vector<16xi32>
          %add3A_360 = arith.addi %and3A_354, %add3A_359 : vector<16xi32>
          %select_n3A_361 = arith.select %lt3A_357, %add3A_360, %and3A_354 : vector<16xi1>, vector<16xi32>
          %broadcast_in_dim3A_362 = vector.shape_cast %select_n3A_361 : vector<16xi32> to vector<16x1xi32>
          %gather3A_363 = vector.shape_cast %broadcast_in_dim3A_362 : vector<16x1xi32> to vector<16xi32>
          %gather3A_364 = tpu.dynamic_gather %min3A_348[%gather3A_363] in [0] : vector<16xf32>, vector<16xi32> -> vector<16xf32>
          %min3A_365 = arith.minimumf %min3A_348, %gather3A_364 : vector<16xf32>
          %broadcast_in_dim3A_366 = arith.constant 4112 : i32
          %broadcast_in_dim3A_367 = vector.broadcast %broadcast_in_dim3A_366 : i32 to vector<16xi32>
          %while3A_368 = arith.constant 0 : i32
          %while3A_369 = arith.subi %select_n3A_253, %while3A_368 : i32
          %while3A_370 = arith.addi %while3A_368, %while3A_369 : i32
          %while3A_371 = arith.constant 1 : i32
          %while3A_372 = arith.divsi %while3A_369, %while3A_371 : i32
          %while3A_373 = arith.muli %while3A_372, %while3A_371 : i32
          %while3A_374 = arith.addi %while3A_368, %while3A_373 : i32
          %while3A_375 = arith.constant 1 : i32
          %while3A_376 = scf.for %while3A_520 = %while3A_368 to %while3A_374 step %while3A_375 iter_args(%while3A_521 = %broadcast_in_dim3A_367) -> (vector<16xi32>)  : i32 {
            %mul3A_522 = arith.constant 16 : i32
            %mul3A_523 = arith.muli %while3A_520, %mul3A_522 : i32
            %get3A_524 = arith.index_cast %mul3A_523 : i32 to index
            %get3A_525 = tpu.vector_load %arg9[%get3A_524] {strides = array<i32>} : memref<4112xf32, #tpu.memory_space<vmem>>, vector<16xf32>,
            %eq3A_526 = arith.cmpf oeq, %get3A_525, %min3A_365 : vector<16xf32>
            %mul3A_527 = arith.constant 16 : i32
            %mul3A_528 = arith.muli %while3A_520, %mul3A_527 : i32
            %add3A_529 = vector.broadcast %mul3A_528 : i32 to vector<16xi32>
            %add3A_530 = arith.addi %add3A_529, %iota3A : vector<16xi32>
            %jit3A_531 = arith.constant 4112 : i32
            %broadcast_in_dim3A_532 = vector.broadcast %jit3A_531 : i32 to vector<16xi32>
            %select_n3A_533 = arith.select %eq3A_526, %add3A_530, %broadcast_in_dim3A_532 : vector<16xi1>, vector<16xi32>
            %min3A_534 = arith.minsi %while3A_521, %select_n3A_533 : vector<16xi32>
            scf.yield %min3A_534 : vector<16xi32>
          }
          %while3A_377 = arith.constant 1 : i32
          %while3A_378 = scf.for %while3A_520 = %while3A_374 to %while3A_370 step %while3A_377 iter_args(%while3A_521 = %while3A_376) -> (vector<16xi32>)  : i32 {
            %mul3A_522 = arith.constant 16 : i32
            %mul3A_523 = arith.muli %while3A_520, %mul3A_522 : i32
            %get3A_524 = arith.index_cast %mul3A_523 : i32 to index
            %get3A_525 = tpu.vector_load %arg9[%get3A_524] {strides = array<i32>} : memref<4112xf32, #tpu.memory_space<vmem>>, vector<16xf32>,
            %eq3A_526 = arith.cmpf oeq, %get3A_525, %min3A_365 : vector<16xf32>
            %mul3A_527 = arith.constant 16 : i32
            %mul3A_528 = arith.muli %while3A_520, %mul3A_527 : i32
            %add3A_529 = vector.broadcast %mul3A_528 : i32 to vector<16xi32>
            %add3A_530 = arith.addi %add3A_529, %iota3A : vector<16xi32>
            %jit3A_531 = arith.constant 4112 : i32
            %broadcast_in_dim3A_532 = vector.broadcast %jit3A_531 : i32 to vector<16xi32>
            %select_n3A_533 = arith.select %eq3A_526, %add3A_530, %broadcast_in_dim3A_532 : vector<16xi1>, vector<16xi32>
            %min3A_534 = arith.minsi %while3A_521, %select_n3A_533 : vector<16xi32>
            scf.yield %min3A_534 : vector<16xi32>
          }
          %xor3A = arith.constant 8 : i32
          %xor3A_379 = vector.broadcast %xor3A : i32 to vector<16xi32>
          %xor3A_380 = arith.xori %iota3A, %xor3A_379 : vector<16xi32>
          %lt3A_381 = arith.constant 0 : i32
          %lt3A_382 = vector.broadcast %lt3A_381 : i32 to vector<16xi32>
          %lt3A_383 = arith.cmpi slt, %xor3A_380, %lt3A_382 : vector<16xi32>
          %add3A_384 = arith.constant 16 : i32
          %add3A_385 = vector.broadcast %add3A_384 : i32 to vector<16xi32>
          %add3A_386 = arith.addi %xor3A_380, %add3A_385 : vector<16xi32>
          %select_n3A_387 = arith.select %lt3A_383, %add3A_386, %xor3A_380 : vector<16xi1>, vector<16xi32>
          %broadcast_in_dim3A_388 = vector.shape_cast %select_n3A_387 : vector<16xi32> to vector<16x1xi32>
          %gather3A_389 = vector.shape_cast %broadcast_in_dim3A_388 : vector<16x1xi32> to vector<16xi32>
          %gather3A_390 = tpu.dynamic_gather %while3A_378[%gather3A_389] in [0] : vector<16xi32>, vector<16xi32> -> vector<16xi32>
          %min3A_391 = arith.minsi %while3A_378, %gather3A_390 : vector<16xi32>
          %xor3A_392 = arith.constant 4 : i32
          %xor3A_393 = vector.broadcast %xor3A_392 : i32 to vector<16xi32>
          %xor3A_394 = arith.xori %iota3A, %xor3A_393 : vector<16xi32>
          %lt3A_395 = arith.constant 0 : i32
          %lt3A_396 = vector.broadcast %lt3A_395 : i32 to vector<16xi32>
          %lt3A_397 = arith.cmpi slt, %xor3A_394, %lt3A_396 : vector<16xi32>
          %add3A_398 = arith.constant 16 : i32
          %add3A_399 = vector.broadcast %add3A_398 : i32 to vector<16xi32>
          %add3A_400 = arith.addi %xor3A_394, %add3A_399 : vector<16xi32>
          %select_n3A_401 = arith.select %lt3A_397, %add3A_400, %xor3A_394 : vector<16xi1>, vector<16xi32>
          %broadcast_in_dim3A_402 = vector.shape_cast %select_n3A_401 : vector<16xi32> to vector<16x1xi32>
          %gather3A_403 = vector.shape_cast %broadcast_in_dim3A_402 : vector<16x1xi32> to vector<16xi32>
          %gather3A_404 = tpu.dynamic_gather %min3A_391[%gather3A_403] in [0] : vector<16xi32>, vector<16xi32> -> vector<16xi32>
          %min3A_405 = arith.minsi %min3A_391, %gather3A_404 : vector<16xi32>
          %xor3A_406 = arith.constant 2 : i32
          %xor3A_407 = vector.broadcast %xor3A_406 : i32 to vector<16xi32>
          %xor3A_408 = arith.xori %iota3A, %xor3A_407 : vector<16xi32>
          %lt3A_409 = arith.constant 0 : i32
          %lt3A_410 = vector.broadcast %lt3A_409 : i32 to vector<16xi32>
          %lt3A_411 = arith.cmpi slt, %xor3A_408, %lt3A_410 : vector<16xi32>
          %add3A_412 = arith.constant 16 : i32
          %add3A_413 = vector.broadcast %add3A_412 : i32 to vector<16xi32>
          %add3A_414 = arith.addi %xor3A_408, %add3A_413 : vector<16xi32>
          %select_n3A_415 = arith.select %lt3A_411, %add3A_414, %xor3A_408 : vector<16xi1>, vector<16xi32>
          %broadcast_in_dim3A_416 = vector.shape_cast %select_n3A_415 : vector<16xi32> to vector<16x1xi32>
          %gather3A_417 = vector.shape_cast %broadcast_in_dim3A_416 : vector<16x1xi32> to vector<16xi32>
          %gather3A_418 = tpu.dynamic_gather %min3A_405[%gather3A_417] in [0] : vector<16xi32>, vector<16xi32> -> vector<16xi32>
          %min3A_419 = arith.minsi %min3A_405, %gather3A_418 : vector<16xi32>
          %xor3A_420 = arith.constant 1 : i32
          %xor3A_421 = vector.broadcast %xor3A_420 : i32 to vector<16xi32>
          %xor3A_422 = arith.xori %iota3A, %xor3A_421 : vector<16xi32>
          %lt3A_423 = arith.constant 0 : i32
          %lt3A_424 = vector.broadcast %lt3A_423 : i32 to vector<16xi32>
          %lt3A_425 = arith.cmpi slt, %xor3A_422, %lt3A_424 : vector<16xi32>
          %add3A_426 = arith.constant 16 : i32
          %add3A_427 = vector.broadcast %add3A_426 : i32 to vector<16xi32>
          %add3A_428 = arith.addi %xor3A_422, %add3A_427 : vector<16xi32>
          %select_n3A_429 = arith.select %lt3A_425, %add3A_428, %xor3A_422 : vector<16xi1>, vector<16xi32>
          %broadcast_in_dim3A_430 = vector.shape_cast %select_n3A_429 : vector<16xi32> to vector<16x1xi32>
          %gather3A_431 = vector.shape_cast %broadcast_in_dim3A_430 : vector<16x1xi32> to vector<16xi32>
          %gather3A_432 = tpu.dynamic_gather %min3A_419[%gather3A_431] in [0] : vector<16xi32>, vector<16xi32> -> vector<16xi32>
          %min3A_433 = arith.minsi %min3A_419, %gather3A_432 : vector<16xi32>
          %slice3A = vector.extract_strided_slice %min3A_433 {offsets = [0], sizes = [1], strides = [1]} : vector<16xi32> to vector<1xi32>
          %squeeze3A = vector.extract %slice3A[0] : i32 from vector<1xi32>
          %jit3A_434 = arith.constant 16 : i32
          %div3A_435 = arith.divsi %squeeze3A, %jit3A_434 : i32
          %sign3A_436 = arith.constant 0 : i32
          %sign3A_437 = arith.cmpi sgt, %squeeze3A, %sign3A_436 : i32
          %sign3A_438 = arith.extui %sign3A_437 : i1 to i32
          %sign3A_439 = arith.constant 0 : i32
          %sign3A_440 = arith.cmpi slt, %squeeze3A, %sign3A_439 : i32
          %sign3A_441 = arith.extui %sign3A_440 : i1 to i32
          %sign3A_442 = arith.subi %sign3A_438, %sign3A_441 : i32
          %sign3A_443 = arith.constant 0 : i32
          %sign3A_444 = arith.cmpi sgt, %jit3A_434, %sign3A_443 : i32
          %sign3A_445 = arith.extui %sign3A_444 : i1 to i32
          %sign3A_446 = arith.constant 0 : i32
          %sign3A_447 = arith.cmpi slt, %jit3A_434, %sign3A_446 : i32
          %sign3A_448 = arith.extui %sign3A_447 : i1 to i32
          %sign3A_449 = arith.subi %sign3A_445, %sign3A_448 : i32
          %ne3A_450 = arith.cmpi ne, %sign3A_442, %sign3A_449 : i32
          %rem3A_451 = arith.remsi %squeeze3A, %jit3A_434 : i32
          %ne3A_452 = arith.constant 0 : i32
          %ne3A_453 = arith.cmpi ne, %rem3A_451, %ne3A_452 : i32
          %and3A_454 = arith.andi %ne3A_450, %ne3A_453 : i1
          %sub3A_455 = arith.constant 1 : i32
          %sub3A_456 = arith.subi %div3A_435, %sub3A_455 : i32
          %select_n3A_457 = arith.select %and3A_454, %sub3A_456, %div3A_435 : i32
          %mul3A_458 = arith.constant 16 : i32
          %mul3A_459 = arith.muli %select_n3A_457, %mul3A_458 : i32
          %get3A_460 = arith.index_cast %mul3A_459 : i32 to index
          %get3A_461 = tpu.vector_load %arg10[%get3A_460] {strides = array<i32>} : memref<4112xi32, #tpu.memory_space<vmem>>, vector<16xi32>,
          %and3A_462 = arith.constant 15 : i32
          %and3A_463 = vector.broadcast %and3A_462 : i32 to vector<16xi32>
          %and3A_464 = arith.andi %min3A_433, %and3A_463 : vector<16xi32>
          %lt3A_465 = arith.constant 0 : i32
          %lt3A_466 = vector.broadcast %lt3A_465 : i32 to vector<16xi32>
          %lt3A_467 = arith.cmpi slt, %and3A_464, %lt3A_466 : vector<16xi32>
          %add3A_468 = arith.constant 16 : i32
          %add3A_469 = vector.broadcast %add3A_468 : i32 to vector<16xi32>
          %add3A_470 = arith.addi %and3A_464, %add3A_469 : vector<16xi32>
          %select_n3A_471 = arith.select %lt3A_467, %add3A_470, %and3A_464 : vector<16xi1>, vector<16xi32>
          %broadcast_in_dim3A_472 = vector.shape_cast %select_n3A_471 : vector<16xi32> to vector<16x1xi32>
          %gather3A_473 = vector.shape_cast %broadcast_in_dim3A_472 : vector<16x1xi32> to vector<16xi32>
          %gather3A_474 = tpu.dynamic_gather %get3A_461[%gather3A_473] in [0] : vector<16xi32>, vector<16xi32> -> vector<16xi32>
          %jit3A_475 = arith.constant 16 : i32
          %eq3A_476 = arith.constant 0 : i32
          %eq3A_477 = arith.cmpi eq, %jit3A_475, %eq3A_476 : i32
          %jit3A_478 = arith.constant 1 : i32
          %select_n3A_479 = arith.select %eq3A_477, %jit3A_478, %jit3A_475 : i32
          %rem3A_480 = arith.remsi %scan3A_284, %select_n3A_479 : i32
          %ne3A_481 = arith.constant 0 : i32
          %ne3A_482 = arith.cmpi ne, %rem3A_480, %ne3A_481 : i32
          %lt3A_483 = arith.constant 0 : i32
          %lt3A_484 = arith.cmpi slt, %rem3A_480, %lt3A_483 : i32
          %lt3A_485 = arith.constant 0 : i32
          %lt3A_486 = arith.cmpi slt, %select_n3A_479, %lt3A_485 : i32
          %ne3A_487 = arith.xori %lt3A_484, %lt3A_486 : i1
          %and3A_488 = arith.andi %ne3A_487, %ne3A_482 : i1
          %add3A_489 = arith.addi %rem3A_480, %select_n3A_479 : i32
          %select_n3A_490 = arith.select %and3A_488, %add3A_489, %rem3A_480 : i32
          %eq3A_491 = vector.broadcast %select_n3A_490 : i32 to vector<16xi32>
          %eq3A_492 = arith.cmpi eq, %iota3A, %eq3A_491 : vector<16xi32>
          %lt3A_493 = arith.constant 16 : i32
          %lt3A_494 = arith.cmpi slt, %scan3A_284, %lt3A_493 : i32
          %and3A_495 = vector.broadcast %lt3A_494 : i1 to vector<16xi1>
          %and3A_496 = arith.andi %eq3A_492, %and3A_495 : vector<16xi1>
          %select_n3A_497 = arith.select %and3A_496, %min3A_365, %scan3A_285 : vector<16xi1>, vector<16xf32>
          %not3A = arith.constant true
          %not3A_498 = arith.xori %lt3A_494, %not3A : i1
          %and3A_499 = vector.broadcast %not3A_498 : i1 to vector<16xi1>
          %and3A_500 = arith.andi %eq3A_492, %and3A_499 : vector<16xi1>
          %select_n3A_501 = arith.select %and3A_500, %min3A_365, %scan3A_286 : vector<16xi1>, vector<16xf32>
          %and3A_502 = vector.broadcast %lt3A_494 : i1 to vector<16xi1>
          %and3A_503 = arith.andi %eq3A_492, %and3A_502 : vector<16xi1>
          %select_n3A_504 = arith.select %and3A_503, %gather3A_474, %scan3A_287 : vector<16xi1>, vector<16xi32>
          %not3A_505 = arith.constant true
          %not3A_506 = arith.xori %lt3A_494, %not3A_505 : i1
          %and3A_507 = vector.broadcast %not3A_506 : i1 to vector<16xi1>
          %and3A_508 = arith.andi %eq3A_492, %and3A_507 : vector<16xi1>
          %select_n3A_509 = arith.select %and3A_508, %gather3A_474, %scan3A_288 : vector<16xi1>, vector<16xi32>
          %get3A_510 = arith.index_cast %mul3A_459 : i32 to index
          %get3A_511 = tpu.vector_load %arg9[%get3A_510] {strides = array<i32>} : memref<4112xf32, #tpu.memory_space<vmem>>, vector<16xf32>,
          %add3A_512 = vector.broadcast %mul3A_459 : i32 to vector<16xi32>
          %add3A_513 = arith.addi %add3A_512, %iota3A : vector<16xi32>
          %eq3A_514 = arith.cmpi eq, %add3A_513, %min3A_433 : vector<16xi32>
          %jit3A_515 = arith.constant 0x7F800000 : f32
          %broadcast_in_dim3A_516 = vector.broadcast %jit3A_515 : f32 to vector<16xf32>
          %select_n3A_517 = arith.select %eq3A_514, %broadcast_in_dim3A_516, %get3A_511 : vector<16xi1>, vector<16xf32>
          %swap3A_518 = arith.index_cast %mul3A_459 : i32 to index
          %swap3A_519 = tpu.vector_load %arg9[%swap3A_518] {strides = array<i32>} : memref<4112xf32, #tpu.memory_space<vmem>>, vector<16xf32>,
          tpu.vector_store %arg9[%swap3A_518], %select_n3A_517 {strides = array<i32>} : memref<4112xf32, #tpu.memory_space<vmem>>, vector<16xf32>,
          scf.yield %select_n3A_497, %select_n3A_501, %select_n3A_504, %select_n3A_509 : vector<16xf32>, vector<16xf32>, vector<16xi32>, vector<16xi32>
        }
        %scan3A_283 = arith.constant 32 : i32
        scf.yield %scan3A_282#0, %scan3A_282#1, %scan3A_282#2, %scan3A_282#3 : vector<16xf32>, vector<16xf32>, vector<16xi32>, vector<16xi32>
      }
      %mul3A_261 = arith.constant 32 : i32
      %mul3A_262 = arith.muli %add3A_155, %mul3A_261 : i32
      %swap3A_263 = arith.index_cast %mul3A_262 : i32 to index
      %swap3A_264 = tpu.vector_load %arg11[%swap3A_263] {strides = array<i32>} : memref<4096xf32, #tpu.memory_space<vmem>>, vector<16xf32>,
      tpu.vector_store %arg11[%swap3A_263], %cond3A_260#0 {strides = array<i32>} : memref<4096xf32, #tpu.memory_space<vmem>>, vector<16xf32>,
      %add3A_265 = arith.constant 16 : i32
      %add3A_266 = arith.addi %mul3A_262, %add3A_265 : i32
      %swap3A_267 = arith.index_cast %add3A_266 : i32 to index
      %swap3A_268 = tpu.vector_load %arg11[%swap3A_267] {strides = array<i32>} : memref<4096xf32, #tpu.memory_space<vmem>>, vector<16xf32>,
      tpu.vector_store %arg11[%swap3A_267], %cond3A_260#1 {strides = array<i32>} : memref<4096xf32, #tpu.memory_space<vmem>>, vector<16xf32>,
      %swap3A_269 = arith.index_cast %mul3A_262 : i32 to index
      %swap3A_270 = tpu.vector_load %arg12[%swap3A_269] {strides = array<i32>} : memref<4096xi32, #tpu.memory_space<vmem>>, vector<16xi32>,
      tpu.vector_store %arg12[%swap3A_269], %cond3A_260#2 {strides = array<i32>} : memref<4096xi32, #tpu.memory_space<vmem>>, vector<16xi32>,
      %add3A_271 = arith.constant 16 : i32
      %add3A_272 = arith.addi %mul3A_262, %add3A_271 : i32
      %swap3A_273 = arith.index_cast %add3A_272 : i32 to index
      %swap3A_274 = tpu.vector_load %arg12[%swap3A_273] {strides = array<i32>} : memref<4096xi32, #tpu.memory_space<vmem>>, vector<16xi32>,
      tpu.vector_store %arg12[%swap3A_273], %cond3A_260#3 {strides = array<i32>} : memref<4096xi32, #tpu.memory_space<vmem>>, vector<16xi32>,
      %scan3A_275 = arith.constant 0 : i32
      scf.yield %scan3A_275 : i32
    }
    %scan3A_14 = arith.constant 64 : i32
    %mul3A_15 = arith.constant 32 : i32
    %mul3A_16 = arith.muli %mul3A_2, %mul3A_15 : i32
    "tpu.region"() ({
      %run_scoped3A = tpu.sem_alloc : memref<!tpu.dma_semaphore, #tpu.memory_space<semaphore_mem>>
      %dma_start3A_19 = tpu.memref_slice %arg4[%mul3A_16] : memref<131072xf32, #tpu.memory_space<hbm>> -> memref<4096xf32, #tpu.memory_space<hbm>>
      %dma_start3A_20 = tpu.memref_slice %arg4[%mul3A_16] : memref<131072xf32, #tpu.memory_space<hbm>> -> memref<4096xf32, #tpu.memory_space<hbm>>
      tpu.enqueue_dma source(%arg11 : memref<4096xf32, #tpu.memory_space<vmem>>) target(%dma_start3A_20 : memref<4096xf32, #tpu.memory_space<hbm>>) target_semaphore(%run_scoped3A : memref<!tpu.dma_semaphore, #tpu.memory_space<semaphore_mem>>)
      %dma_wait3A = tpu.memref_slice %arg4[%mul3A_16] : memref<131072xf32, #tpu.memory_space<hbm>> -> memref<4096xf32, #tpu.memory_space<hbm>>
      %dma_wait3A_21 = tpu.memref_slice %arg4[%mul3A_16] : memref<131072xf32, #tpu.memory_space<hbm>> -> memref<4096xf32, #tpu.memory_space<hbm>>
      tpu.wait_dma2 semaphore(%run_scoped3A : memref<!tpu.dma_semaphore, #tpu.memory_space<semaphore_mem>>) src(%arg11 : memref<4096xf32, #tpu.memory_space<vmem>>) dst(%dma_wait3A_21 : memref<4096xf32, #tpu.memory_space<hbm>>)
      tpu.yield
    }) : () -> ()
    %mul3A_17 = arith.constant 32 : i32
    %mul3A_18 = arith.muli %mul3A_2, %mul3A_17 : i32
    "tpu.region"() ({
      %run_scoped3A = tpu.sem_alloc : memref<!tpu.dma_semaphore, #tpu.memory_space<semaphore_mem>>
      %dma_start3A_19 = tpu.memref_slice %arg5[%mul3A_18] : memref<131072xi32, #tpu.memory_space<hbm>> -> memref<4096xi32, #tpu.memory_space<hbm>>
      %dma_start3A_20 = tpu.memref_slice %arg5[%mul3A_18] : memref<131072xi32, #tpu.memory_space<hbm>> -> memref<4096xi32, #tpu.memory_space<hbm>>
      tpu.enqueue_dma source(%arg12 : memref<4096xi32, #tpu.memory_space<vmem>>) target(%dma_start3A_20 : memref<4096xi32, #tpu.memory_space<hbm>>) target_semaphore(%run_scoped3A : memref<!tpu.dma_semaphore, #tpu.memory_space<semaphore_mem>>)
      %dma_wait3A = tpu.memref_slice %arg5[%mul3A_18] : memref<131072xi32, #tpu.memory_space<hbm>> -> memref<4096xi32, #tpu.memory_space<hbm>>
      %dma_wait3A_21 = tpu.memref_slice %arg5[%mul3A_18] : memref<131072xi32, #tpu.memory_space<hbm>> -> memref<4096xi32, #tpu.memory_space<hbm>>
      tpu.wait_dma2 semaphore(%run_scoped3A : memref<!tpu.dma_semaphore, #tpu.memory_space<semaphore_mem>>) src(%arg12 : memref<4096xi32, #tpu.memory_space<vmem>>) dst(%dma_wait3A_21 : memref<4096xi32, #tpu.memory_space<hbm>>)
      tpu.yield
    }) : () -> ()
    return
  }
}

module attributes {stable_mosaic.version = 14 : i64} {
  func.func @_dist_tau_kernel(%arg0: i32, %arg1: memref<256x256xf32, #tpu.memory_space<vmem>>, %arg2: memref<4096x256xf32, #tpu.memory_space<vmem>>, %arg3: memref<1x4096xf32, #tpu.memory_space<vmem>>, %arg4: memref<1x256xf32, #tpu.memory_space<vmem>>, %arg5: memref<256x4096xf32, #tpu.memory_space<vmem>>, %arg6: memref<1x256xf32, #tpu.memory_space<vmem>>) attributes {dimension_semantics = [#tpu.dimension_semantics<arbitrary>], iteration_bounds = array<i64: 16>, scalar_prefetch = 0 : i64, scratch_operands = 0 : i64, tpu.core_type = #tpu.core_type<tc>, window_params = [{transform_indices = @transform_0, window_bounds = array<i64: 256, 256>}, {pipeline_mode = #tpu.pipeline_mode<synchronous>, transform_indices = @transform_1, window_bounds = array<i64: 4096, 256>}, {pipeline_mode = #tpu.pipeline_mode<synchronous>, transform_indices = @transform_2, window_bounds = array<i64: 1, 4096>}, {transform_indices = @transform_3, window_bounds = array<i64: 1, 256>}, {transform_indices = @transform_4, window_bounds = array<i64: 256, 4096>}, {transform_indices = @transform_5, window_bounds = array<i64: 1, 256>}]} {
    %get3A = arith.constant 0 : index
    %get3A_0 = arith.constant 0 : index
    %get3A_1 = vector.load %arg1[%get3A, %get3A_0] : memref<256x256xf32, #tpu.memory_space<vmem>>, vector<256x256xf32>
    %get3A_2 = arith.constant 0 : index
    %get3A_3 = arith.constant 0 : index
    %get3A_4 = vector.load %arg2[%get3A_2, %get3A_3] : memref<4096x256xf32, #tpu.memory_space<vmem>>, vector<4096x256xf32>
    %get3A_5 = arith.constant 0 : index
    %get3A_6 = arith.constant 0 : index
    %get3A_7 = vector.load %arg3[%get3A_5, %get3A_6] : memref<1x4096xf32, #tpu.memory_space<vmem>>, vector<1x4096xf32>
    %dot_general3A = arith.constant dense<0.000000e+00> : vector<256x4096xf32>
    %dot_general3A_8 = tpu.matmul %get3A_1, %get3A_4, %dot_general3A {dimension_numbers = #tpu.dot_dimension_numbers<[1], [1], [0], [0], [0, 0, 1, 0], [], []>, transpose_lhs_hint = false} : vector<256x256xf32>, vector<4096x256xf32>, vector<256x4096xf32> -> vector<256x4096xf32>
    %get3A_9 = arith.constant 0 : index
    %get3A_10 = arith.constant 0 : index
    %get3A_11 = vector.load %arg4[%get3A_9, %get3A_10] : memref<1x256xf32, #tpu.memory_space<vmem>>, vector<1x256xf32>
    %get3A_12 = vector.shape_cast %get3A_11 : vector<1x256xf32> to vector<256xf32>
    %broadcast_in_dim3A = vector.shape_cast %get3A_12 : vector<256xf32> to vector<256x1xf32>
    %add3A = vector.broadcast %broadcast_in_dim3A : vector<256x1xf32> to vector<256x4096xf32>
    %add3A_13 = vector.broadcast %get3A_7 : vector<1x4096xf32> to vector<256x4096xf32>
    %add3A_14 = arith.addf %add3A, %add3A_13 : vector<256x4096xf32>
    %mul3A = arith.constant 2.000000e+00 : f32
    %mul3A_15 = vector.broadcast %mul3A : f32 to vector<256x4096xf32>
    %mul3A_16 = arith.mulf %mul3A_15, %dot_general3A_8 : vector<256x4096xf32>
    %sub3A = arith.subf %add3A_14, %mul3A_16 : vector<256x4096xf32>
    %max3A = arith.constant 0.000000e+00 : f32
    %max3A_17 = vector.broadcast %max3A : f32 to vector<256x4096xf32>
    %max3A_18 = arith.maximumf %sub3A, %max3A_17 : vector<256x4096xf32>
    %iota3A = tpu.iota {dimensions = array<i32: 1>} : vector<256x4096xi32>
    %mul3A_19 = arith.constant 256 : i32
    %mul3A_20 = arith.muli %arg0, %mul3A_19 : i32
    %iota3A_21 = tpu.iota {dimensions = array<i32: 0>} : vector<256x4096xi32>
    %add3A_22 = vector.broadcast %mul3A_20 : i32 to vector<256x4096xi32>
    %add3A_23 = arith.addi %add3A_22, %iota3A_21 : vector<256x4096xi32>
    %eq3A = arith.cmpi eq, %iota3A, %add3A_23 : vector<256x4096xi32>
    %jit3A = arith.constant 0x7F800000 : f32
    %broadcast_in_dim3A_24 = vector.broadcast %jit3A : f32 to vector<256x4096xf32>
    %select_n3A = arith.select %eq3A, %broadcast_in_dim3A_24, %max3A_18 : vector<256x4096xi1>, vector<256x4096xf32>
    %swap3A = arith.constant 0 : index
    %swap3A_25 = arith.constant 0 : index
    %swap3A_26 = vector.load %arg5[%swap3A, %swap3A_25] : memref<256x4096xf32, #tpu.memory_space<vmem>>, vector<256x4096xf32>
    tpu.vector_store %arg5[%swap3A, %swap3A_25], %select_n3A {strides = array<i32>} : memref<256x4096xf32, #tpu.memory_space<vmem>>, vector<256x4096xf32>,
    %reshape3A = vector.shape_cast %select_n3A : vector<256x4096xf32> to vector<256x64x64xf32>
    %reduce_min3A = arith.constant dense<0x7F800000> : vector<256x64xf32>
    %reduce_min3A_27 = vector.multi_reduction <minimumf>, %reshape3A, %reduce_min3A [2] : vector<256x64x64xf32> to vector<256x64xf32>
    %iota3A_28 = tpu.iota {dimensions = array<i32: 1>} : vector<256x64xi32>
    %scan3A = arith.constant 0 : i32
    %scan3A_29 = arith.constant 31 : i32
    %scan3A_30 = arith.addi %scan3A, %scan3A_29 : i32
    %scan3A_31 = arith.constant 1 : i32
    %scan3A_32 = scf.for %scan3A_39 = %scan3A to %scan3A_30 step %scan3A_31 iter_args(%scan3A_40 = %reduce_min3A_27) -> (vector<256x64xf32>)  : i32 {
      %reduce_min3A_41 = arith.constant dense<0x7F800000> : vector<256xf32>
      %reduce_min3A_42 = vector.multi_reduction <minimumf>, %scan3A_40, %reduce_min3A_41 [1] : vector<256x64xf32> to vector<256xf32>
      %broadcast_in_dim3A_43 = vector.shape_cast %reduce_min3A_42 : vector<256xf32> to vector<256x1xf32>
      %eq3A_44 = vector.broadcast %broadcast_in_dim3A_43 : vector<256x1xf32> to vector<256x64xf32>
      %eq3A_45 = arith.cmpf oeq, %scan3A_40, %eq3A_44 : vector<256x64xf32>
      %jit3A_46 = arith.constant 64 : i32
      %broadcast_in_dim3A_47 = vector.broadcast %jit3A_46 : i32 to vector<256x64xi32>
      %select_n3A_48 = arith.select %eq3A_45, %iota3A_28, %broadcast_in_dim3A_47 : vector<256x64xi1>, vector<256x64xi32>
      %reduce_min3A_49 = arith.constant dense<2147483647> : vector<256xi32>
      %reduce_min3A_50 = vector.multi_reduction <minsi>, %select_n3A_48, %reduce_min3A_49 [1] : vector<256x64xi32> to vector<256xi32>
      %broadcast_in_dim3A_51 = vector.shape_cast %reduce_min3A_50 : vector<256xi32> to vector<256x1xi32>
      %eq3A_52 = vector.broadcast %broadcast_in_dim3A_51 : vector<256x1xi32> to vector<256x64xi32>
      %eq3A_53 = arith.cmpi eq, %iota3A_28, %eq3A_52 : vector<256x64xi32>
      %jit3A_54 = arith.constant 0x7F800000 : f32
      %broadcast_in_dim3A_55 = vector.broadcast %jit3A_54 : f32 to vector<256x64xf32>
      %select_n3A_56 = arith.select %eq3A_53, %broadcast_in_dim3A_55, %scan3A_40 : vector<256x64xi1>, vector<256x64xf32>
      scf.yield %select_n3A_56 : vector<256x64xf32>
    }
    %reduce_min3A_33 = arith.constant dense<0x7F800000> : vector<256xf32>
    %reduce_min3A_34 = vector.multi_reduction <minimumf>, %scan3A_32, %reduce_min3A_33 [1] : vector<256x64xf32> to vector<256xf32>
    %broadcast_in_dim3A_35 = vector.shape_cast %reduce_min3A_34 : vector<256xf32> to vector<1x256xf32>
    %swap3A_36 = arith.constant 0 : index
    %swap3A_37 = arith.constant 0 : index
    %swap3A_38 = vector.load %arg6[%swap3A_36, %swap3A_37] : memref<1x256xf32, #tpu.memory_space<vmem>>, vector<1x256xf32>
    tpu.vector_store %arg6[%swap3A_36, %swap3A_37], %broadcast_in_dim3A_35 {strides = array<i32>} : memref<1x256xf32, #tpu.memory_space<vmem>>, vector<1x256xf32>,
    return
  }
  func.func @transform_0(%arg0: i32) -> (i32, i32) {
    %c0_i32 = arith.constant 0 : i32
    %c0_i32_0 = arith.constant 0 : i32
    return %arg0, %c0_i32 : i32, i32
  }
  func.func @transform_1(%arg0: i32) -> (i32, i32) {
    %c0_i32 = arith.constant 0 : i32
    %c0_i32_0 = arith.constant 0 : i32
    %c0_i32_1 = arith.constant 0 : i32
    return %c0_i32, %c0_i32_0 : i32, i32
  }
  func.func @transform_2(%arg0: i32) -> (i32, i32) {
    %c0_i32 = arith.constant 0 : i32
    %c0_i32_0 = arith.constant 0 : i32
    %c0_i32_1 = arith.constant 0 : i32
    return %c0_i32, %c0_i32_0 : i32, i32
  }
  func.func @transform_3(%arg0: i32) -> (i32, i32) {
    %c0_i32 = arith.constant 0 : i32
    %c0_i32_0 = arith.constant 0 : i32
    return %c0_i32, %arg0 : i32, i32
  }
  func.func @transform_4(%arg0: i32) -> (i32, i32) {
    %c0_i32 = arith.constant 0 : i32
    %c0_i32_0 = arith.constant 0 : i32
    return %arg0, %c0_i32 : i32, i32
  }
  func.func @transform_5(%arg0: i32) -> (i32, i32) {
    %c0_i32 = arith.constant 0 : i32
    %c0_i32_0 = arith.constant 0 : i32
    return %c0_i32, %arg0 : i32, i32
  }
}

</mosaic_0001>

<sc_bundles>
// kernel: kernel.4.cloned.1.call-start
scs
__scs_entry_jumppad:
0x0: {  	(pc) =	sbr.rel $0x88, $3  }
0x1: {  	(tag) =	ssettag $0x0;
	lr =	simm.s32 $0x1  }
0x2: {  	[smem:$0x3FA0] =	sst lr;
	_ =	strace $0xD0000000  }
0x3: {  	_ = 	snop  }
0x4: {  	_ = 	snop  }
0x5: {  	_ = 	snop  }
0x6: {  	_ = 	snop  }
0x7: {  	_ = 	snop  }
__scs_overlays_trampoline_lowered:
0x8: {  	[smem:$0x3FAF] =	sst s0  }
0x9: {  	[smem:$0x3FB0] =	sst s1  }
0xa: {  	[smem:$0x3FB1] =	sst s2  }
0xb: {  	[smem:$0x3FB2] =	sst s3  }
0xc: {  	[smem:$0x3FB3] =	sst s4  }
0xd: {  	[smem:$0x3FB4] =	sst s5  }
0xe: {  	[smem:$0x3FB5] =	sst s6  }
0xf: {  	[smem:$0x3FB6] =	sst s7  }
0x10: {  	[smem:$0x3FB7] =	sst s8  }
0x11: {  	[smem:$0x3FB8] =	sst s9;
	s0 =	simm.s32 @!p0 $0x0  }
0x12: {  	s1 =	sld [smem:$0x3F9E];
	s0 =	simm.s32 @p0 $0x1  }
0x13: {  	[smem:$0x3FB9] =	sst s0;
	s0 =	simm.s32 @!p1 $0x0  }
0x14: {  	s2 =	sld [smem:$0x3F9D];
	s0 =	simm.s32 @p1 $0x1  }
0x15: {  	[smem:$0x3FBA] =	sst s0;
	s0 =	simm.s32 @!p2 $0x0  }
0x16: {  	s3 =	sld [smem:$0x3FDB];
	s0 =	simm.s32 @p2 $0x1  }
0x17: {  	s4 =	simm.s32 $0x1BF5;
	[smem:$0x3FBC] =	sst s0  }
0x18: {  	s0 =	sld [smem:$0x3F9F];
	_ =	swait.ge [sflag:s4], $0x0  }
0x19: {  	s7 =	sld [smem:$0x3FA0]  }
0x1a: {  	s8 =	sadd.s32 $0xFFFFE003, lr  }
0x1b: {  	s9 =	sadd.s32 $0xFFFFFEF7, lr;
	s5 =	simm.s32 $0xFFFFFFFF;
	p2 =	slt.u32 s8, $0xFFFFF086  }
0x1c: {  	p1 =	slt.u32 s9, $0xF7A;
	s5 =	simm.s32 @!p2 $0x0  }
0x1d: {  	s5 =	simm.s32 @p1 $0x1;
	p0 =	seq.s32 s7, s2  }
0x1e: {  	s7 =	smul.u32 @!p0 $0xF7A, s2;
	p2 =	seq.s32 @!p0 s5, $0x0  }
0x1f: {  	s9 =	smul.u32 $0xF7A, s1;
	s8 =	simm.s32 @!p0 $0x1BF5;
	p2 =	por !p2, p0  }
0x20: {  	[sflag:s8] =	ssyncset.s32 @!p0 $0xFFFFF086;
	s6 =	sadd.s32 @!p0 s3, s7;
	s7 =	simm.s32 @!p0 $0x108  }
0x21: {  	s3 =	sadd.s32 s3, s9;
	s6 =	sadd.s32 @!p0 $0x88, s6;
	s7 =	simm.s32 @p2 $0x1082  }
0x22: {  	[simem:s7], [sflag:s8] =	dma.local @!p0 [hbm:s6], $0xF7A  }
0x23: {  	s9 =	sor.u32 $0xD0000000, s2;
	s6 =	simm.s32 $0x108;
	_ =	swait.ge @!p0 [sflag:s8], $0x0  }
0x24: {  	s3 =	sadd.s32 $0x88, s3;
	s6 =	simm.s32 @!p1 $0x1082;
	[sflag:s4] =	ssyncset.s32 $0xFFFFF086  }
0x25: {  	[simem:s6], [sflag:s4] =	dma.local [hbm:s3], $0xF7A  }
0x26: {  	[smem:$0x3FA0] =	sst s1;
	(tag) =	ssettag s2;
	_ =	strace s9  }
0x27: {  	s1 =	sld [smem:$0x3FB0]  }
0x28: {  	s2 =	sld [smem:$0x3FB1]  }
0x29: {  	s4 =	sld [smem:$0x3FB3]  }
0x2a: {  	p0 =	seq.s32 s5, $0x0;
	s5 =	sld [smem:$0x3FB4]  }
0x2b: {  	s6 =	sld [smem:$0x3FB5]  }
0x2c: {  	s7 =	sld [smem:$0x3FB6]  }
0x2d: {  	s3 =	simm.s32 $0x108;
	s8 =	sld [smem:$0x3FB7]  }
0x2e: {  	s3 =	simm.s32 @!p0 $0x1082;
	s9 =	sld [smem:$0x3FB8]  }
0x2f: {  	lr =	sadd.s32 s0, s3;
	s0 =	sld [smem:$0x3FAF]  }
0x30: {  	s3 =	sld [smem:$0x3FB2]  }
0x31: {  	[smem:$0x3FBB] =	sst s10  }
0x32: {  	s10 =	sld [smem:$0x3FB9];
	_ =	sdelay $0x3  }
0x33: {  	p0 =	seq.s32 s10, $0x1;
	s10 =	sld [smem:$0x3FBB];
	_ =	sdelay $0x3  }
0x34: {  	[smem:$0x3FBB] =	sst s10  }
0x35: {  	s10 =	sld [smem:$0x3FBA];
	_ =	sdelay $0x3  }
0x36: {  	p1 =	seq.s32 s10, $0x1;
	s10 =	sld [smem:$0x3FBB];
	_ =	sdelay $0x3  }
0x37: {  	[smem:$0x3FBB] =	sst s10  }
0x38: {  	s10 =	sld [smem:$0x3FBC]  }
0x39: {  	_ = 	snop;
	(pc) =	sbr.ind lr, $3  }
0x3a: {  	_ = 	snop  }
0x3b: {  	_ = 	snop  }
0x3c: {  	p2 =	seq.s32 s10, $0x1;
	s10 =	sld [smem:$0x3FBB]  }
0x3d: {  	_ =	shalt  }
0x3e: {  	_ =	shalt  }
0x3f: {  	_ =	shalt  }
0x40: {  	_ =	shalt  }
0x41: {  	_ =	shalt  }
0x42: {  	_ =	shalt  }
0x43: {  	_ =	shalt  }
0x44: {  	_ =	shalt  }
0x45: {  	_ =	shalt  }
0x46: {  	_ =	shalt  }
0x47: {  	_ =	shalt  }
0x48: {  	_ =	shalt  }
0x49: {  	_ =	shalt  }
0x4a: {  	_ =	shalt  }
0x4b: {  	_ =	shalt  }
0x4c: {  	_ =	shalt  }
0x4d: {  	_ =	shalt  }
0x4e: {  	_ =	shalt  }
0x4f: {  	_ =	shalt  }
0x50: {  	_ =	shalt  }
0x51: {  	_ =	shalt  }
0x52: {  	_ =	shalt  }
0x53: {  	_ =	shalt  }
0x54: {  	_ =	shalt  }
0x55: {  	_ =	shalt  }
0x56: {  	_ =	shalt  }
0x57: {  	_ =	shalt  }
0x58: {  	_ =	shalt  }
0x59: {  	_ =	shalt  }
0x5a: {  	_ =	shalt  }
0x5b: {  	_ =	shalt  }
0x5c: {  	_ =	shalt  }
0x5d: {  	_ =	shalt  }
0x5e: {  	_ =	shalt  }
0x5f: {  	_ =	shalt  }
0x60: {  	_ =	shalt  }
0x61: {  	_ =	shalt  }
0x62: {  	_ =	shalt  }
0x63: {  	_ =	shalt  }
0x64: {  	_ =	shalt  }
0x65: {  	_ =	shalt  }
0x66: {  	_ =	shalt  }
0x67: {  	_ =	shalt  }
0x68: {  	_ =	shalt  }
0x69: {  	_ =	shalt  }
0x6a: {  	_ =	shalt  }
0x6b: {  	_ =	shalt  }
0x6c: {  	_ =	shalt  }
0x6d: {  	_ =	shalt  }
0x6e: {  	_ =	shalt  }
0x6f: {  	_ =	shalt  }
0x70: {  	_ =	shalt  }
0x71: {  	_ =	shalt  }
0x72: {  	_ =	shalt  }
0x73: {  	_ =	shalt  }
0x74: {  	_ =	shalt  }
0x75: {  	_ =	shalt  }
0x76: {  	_ =	shalt  }
0x77: {  	_ =	shalt  }
0x78: {  	_ =	shalt  }
0x79: {  	_ =	shalt  }
0x7a: {  	_ =	shalt  }
0x7b: {  	_ =	shalt  }
0x7c: {  	_ =	shalt  }
0x7d: {  	_ =	shalt  }
0x7e: {  	_ =	shalt  }
0x7f: {  	_ =	shalt  }
0x80: {  	_ =	shalt  }
0x81: {  	_ =	shalt  }
0x82: {  	_ =	shalt  }
0x83: {  	_ =	shalt  }
0x84: {  	_ =	shalt  }
0x85: {  	_ =	shalt  }
0x86: {  	_ =	shalt  }
0x87: {  	_ =	shalt  }
.Lfunc_end0:
.L_simem_size_0:
called_computation_lowered:
.L_overlay_start_0:
0x88: {  	s2 =	sld [smem:$0x3FD9]  }
0x89: {  	s3 =	sld [smem:$0x3FFE];
	_ =	sdelay $0x1  }
0x8a: {  	s1 =	srdreg.scid  }
0x8b: {  	s0 =	sand.u32 $0x1, s1  }
0x8c: {  	s14 =	sshll.u32 s0, $0xA;
	s2 =	sadd.s32 s3, s2  }
0x8d: {  	s2 =	sadd.s32 s2, s14  }
0x8e: {  	[smem:$0x3FC7] =	sst s2  }
0x8f: {  	_ = 	snop  }
0x90: {  	s2 =	sld [smem:$0x3FD0];
	_ =	sdelay $0x2  }
0x91: {  	s15 =	simm.s32 $0xA;
	s4 =	simm.s32 $0x10  }
0x92: {  	[smem:s4], [sflag:s15] =	dma.local [hbm:s2], $0x1  }
0x93: {  	_ =	swait.eq [sflag:s15], $0x1  }
0x94: {  	[sflag:s15] =	ssyncset.done $0x0  }
0x95: {  	s16 =	sld [smem:$0x10];
	[sflag:s15] =	ssyncadd.s32 $0xFFFFFFFF  }
0x96: {  	s17 =	sld [smem:$0x11];
	(tm) =	ssettm $0x1  }
0x97: {  	s18 =	sld [smem:$0x3FFB];
	_ =	sdelay $0x3  }
0x98: {  	_ =	strace s18  }
0x99: {  	s4 =	sld [smem:$0x3FFC];
	_ =	sdelay $0x3  }
0x9a: {  	_ =	strace s4  }
0x9b: {  	s4 =	sld [smem:$0x3FFD];
	_ =	sdelay $0x3  }
0x9c: {  	_ =	strace s4  }
0x9d: {  	_ =	strace $0x8FFFFFFF  }
0x9e: {  	s19 =	sld [smem:$0x3FDB];
	_ =	sdelay $0x1  }
0x9f: {  	s5 =	simm.s32 $_scs_section_size  }
0xa0: {  	s6 =	simm.s32 $_size__tile_overlayer_lowered;
	s7 =	simm.s32 $_tile_overlayer_lowered  }
0xa1: {  	s22 =	simm.s32 $0x1BFF;
	s21 =	sshll.u32 s7, $0x1;
	s4 =	sadd.s32 s5, s19  }
0xa2: {  	s8 =	simm.s32 $0x0;
	s20 =	sshll.u32 s6, $0x1;
	s6 =	sadd.s32 s21, s4  }
0xa3: {  	[timem:s8], [sflag:s22] =	dma.local [hbm:s6], s20  }
0xa4: {  	_ =	swait.ge [sflag:s22], s20  }
0xa5: {  	s5 =	ssub.s32 $0x0, s20;
	[sflag:s22] =	ssyncset.done $0x0  }
0xa6: {  	[sflag:s22] =	ssyncadd.s32 s5;
	_ =	sdelay $0x1  }
0xa7: {  	s23 =	simm.s32 $0x1B8B  }
0xa8: {  	_ =	swait.ge [sflag:s23], $0x1  }
0xa9: {  	[sflag:s23] =	ssyncset.done $0x0  }
0xaa: {  	s25 =	simm.s32 $0x1B8E;
	s24 =	sld [smem:$0x3FFE];
	[sflag:s23] =	ssyncadd.s32 $0xFFFFFFFF  }
0xab: {  	s26 =	simm.s32 $execute0_lowered;
	[smem:$0x3FD2] =	sst s25  }
0xac: {  	s6 =	sshll.u32 s26, $0x1;
	_ =	strace $0x80000046;
	[dreg:$0x1] =	wrdreg $0xFFFFFFFF  }
0xad: {  	s28 =	simm.s32 $_size_execute0_lowered;
	s4 =	sadd.s32 s4, s6;
	[dreg:$0x0] =	wrdreg $0x0  }
0xae: {  	s6 =	sshll.u32 s28, $0x1;
	[dreg:$0x2] =	wrdreg s4  }
0xaf: {  	[dreg:$0x3] =	wrdreg s6  }
0xb0: {  	[dreg:$0x4] =	wrdreg $0xC0  }
0xb1: {  	_ =	task [dreg:s8], $0x5FFFF  }
0xb2: {  	[dreg:$0x1] =	wrdreg $0xFFFFFFFF  }
0xb3: {  	[dreg:$0x0] =	wrdreg $0x60  }
0xb4: {  	[dreg:$0x2] =	wrdreg s24  }
0xb5: {  	[dreg:$0x3] =	wrdreg s16  }
0xb6: {  	[dreg:$0x4] =	wrdreg s17  }
0xb7: {  	[dreg:$0x5] =	wrdreg $0x9  }
0xb8: {  	_ =	task.clear_ibuf [dreg:s8], $0x6FFFF;
	_ =	strace $0x90000046  }
0xb9: {  	s29 =	simm.s32 $0x9;
	_ =	strace $0x80000048  }
0xba: {  	_ =	swait.ge [sflag:s29], $0x1  }
0xbb: {  	[sflag:s29] =	ssyncadd.s32 $0xFFFFFFFF  }
0xbc: {  	_ =	strace $0x90000048  }
0xbd: {  	_ =	sfence  }
0xbe: {  	s30 =	sld [smem:$0x0];
	_ =	sdelay $0x2  }
0xbf: {  	s31 =	sshll.u32 s1, $0xD;
	s1 =	sshrl.u32 s1, $0x2  }
0xc0: {  	s3 =	sand.u32 $0x4000, s31;
	s1 =	sadd.s32 s1, s30  }
0xc1: {  	s0 =	sor.u32 s3, s0;
	s1 =	sshll.u32 s1, $0x11  }
0xc2: {  	s0 =	sor.u32 s1, s0  }
0xc3: {  	s0 =	sadd.s32 $0x8F2B, s0  }
0xc4: {  	[sflag:s0] =	ssyncadd.remote.s32 $0x1  }
0xc5: {  	_ =	sfence.sel $0xFFFF  }
0xc6: {  	[dreg:$0x0] =	wrdreg $0xFFFFFFFF;
	(pc) =	sbr.abs _section_cstart, $3  }
0xc7: {  	[dreg:$0x1] =	wrdreg $0xFFFFFFFF  }
0xc8: {  	_ =	task.clear_ibuf [dreg:s8], $0x2FFFF;
	_ =	strace $0x9FFFFFFF  }
0xc9: {  	(tm) =	ssettm $0x7FFFFFFF  }
tec
execute0_lowered:
.L_overlay_start_1:
0x0: {  	(tag) =	ssettag $0x1  }
0x1: {  	v0 =	vimm.s32 $0xFEDCBA98;
	v1 =	vimm.s32 $0x76543210  }
0x2: {  	v3 =	vimm.s32 $0xBA987654;
	v4 =	vimm.s32 $0x10FEDCBA;
	v5 =	vimm.s32 $0x98765432  }
0x3: {  	v6 =	vimm.s32 $0xFEDCBA9;
	v7 =	vimm.s32 $0x87654321;
	v10 =	vimm.s32 $0x32107654  }
0x4: {  	v11 =	vimm.s32 $0xDCFE98BA;
	v12 =	vimm.s32 $0x54761032;
	v13 =	vimm.s32 $0xEFCDAB89  }
0x5: {  	v14 =	vimm.s32 $0x67452301;
	vm0 =	vmxor vm0, vm0;
	v0 =	vunpack.c.l.s4.s8 v0  }
0x6: {  	v1 =	vunpack.c.l.s4.s8 v1;
	v3 =	vunpack.c.l.s4.s8 v3;
	v4 =	vunpack.c.l.s4.s8 v4  }
0x7: {  	s4 =	rddreg [dreg:$0x0];
	v5 =	vunpack.c.l.s4.s8 v5;
	v6 =	vunpack.c.l.s4.s8 v6;
	v7 =	vunpack.c.l.s4.s8 v7  }
0x8: {  	s5 =	rddreg [dreg:$0x1];
	v10 =	vunpack.c.l.s4.s8 v10;
	v11 =	vunpack.c.l.s4.s8 v11;
	v12 =	vunpack.c.l.s4.s8 v12  }
0x9: {  	s7 =	rddreg [dreg:$0x2];
	v13 =	vunpack.c.l.s4.s8 v13;
	v2 =	vunpack.c.0.s8.s32 v0;
	v0 =	vimm.s32 $0x3210FEDC  }
0xa: {  	s0 =	rddreg [dreg:$0x3];
	s2 =	simm.s32 $0x0;
	s3 =	srdreg.scid;
	v14 =	vunpack.c.l.s4.s8 v14;
	v3 =	vunpack.c.0.s8.s32 v3;
	v0 =	vunpack.c.l.s4.s8 v0  }
0xb: {  	s1 =	stileid.u32;
	s13 =	simm.s32 $0x1080;
	s14 =	simm.s32 $0x1;
	v4 =	vunpack.c.0.s8.s32 v4;
	v5 =	vunpack.c.0.s8.s32 v5;
	v6 =	vunpack.c.0.s8.s32 v6  }
0xc: {  	s15 =	simm.s32 $0x2;
	s16 =	simm.s32 $0x4180;
	s17 =	simm.s32 $0x5180;
	v7 =	vunpack.c.0.s8.s32 v7;
	v9 =	vunpack.c.0.s8.s32 v1;
	v8 =	vunpack.c.0.s8.s32 v0  }
0xd: {  	[smem:$0x7FF] =	sst s2;
	s3 =	sand.u32 $0x1, s3;
	s6 =	sshll.u32 s1, $0x1;
	v16 =	vunpack.c.0.s8.s32 v11;
	v12 =	vunpack.c.0.s8.s32 v12;
	v17 =	vunpack.c.0.s8.s32 v13  }
0xe: {  	s18 =	simm.s32 $0x0;
	_ =	strace $0x80000047;
	s6 =	sor.u32 s3, s6;
	v14 =	vunpack.c.0.s8.s32 v14;
	v1 =	vcombine.low v3, v8;
	v8 =	vand.u32 $0xF, v2  }
0xf: {  	s9 =	ssub.s32 $0x2, s3;
	s3 =	sadd.s32 $0xC00, s4;
	s8 =	sshll.u32 s6, $0x9;
	v2 =	vcombine.low v5, v4;
	v5 =	vcombine.low v8, v9;
	v9 =	vimm.s32 $0xBA98FEDC  }
.Ltmp0:
0x10: {  	s31 =	sshrl.u32 s9, $0x1;
	s11 =	sshll.u32 s6, $0x4;
	v10 =	vunpack.c.0.s8.s32 v10;
	v12 =	vcombine.low v12, v16;
	v9 =	vunpack.c.l.s4.s8 v9;
	(pc) =	sbr.rel .LBB2_1-.Ltmp0, $4  }
0x11: {  	s12 =	sshll.u32 s6, $0x10;
	s10 =	sadd.s32 s8, s4;
	s9 =	ssub.s32 s9, s31;
	v14 =	vcombine.low v14, v17;
	v0 =	vimm.f32 $+Inf;
	v4 =	vlaneseq.u32  }
0x12: {  	s4 =	sshll.u32 s6, $0x7;
	s5 =	sadd.s32 s5, s11;
	s6 =	sadd.s32 s3, s12;
	v3 =	vcombine.low v7, v6;
	v11 =	vor.u32 $0x20, v4;
	v15 =	vunpack.c.0.s8.s32 v9  }
0x13: {  	s7 =	sadd.s32 s7, s8;
	s11 =	simm.s32 $0x400;
	s12 =	simm.s32 $0x80;
	v13 =	vor.u32 $0x10, v4;
	v6 =	vand.u32 $0xF, v1;
	v7 =	vand.u32 $0xF, v2  }
0x14: {  	s8 =	sadd.s32 $0x200C00, s10;
	s9 =	smax.u32 s9, $0x1;
	s10 =	simm.s32 $0x3;
	v8 =	vand.u32 $0xF, v3;
	v9 =	vor.u32 $0x30, v4;
	v10 =	vcombine.low v10, v15  }
.LBB2_35:
0x15: {  	[hbm4b:s7+s2] =	stream.linear.scatter [tilespmem:s16], [sflag:$0x3], $0x1000, $0x38;
	[tilespmem:$0x6180] =	vst v63  }
0x16: {  	s18 =	sadd.s32 $0x1, s18;
	_ =	swait.ge [sflag:s10], $0x1000  }
0x17: {  	p0 =	sne.s32 s18, s9;
	[sflag:s10] =	ssyncset.done $0x0  }
.Ltmp1:
0x18: {  	[sflag:s10] =	ssyncadd.s32 $0xFFFFF000;
	(pc) =	sbr.rel @!p0 .LBB2_36-.Ltmp1, $4  }
0x19: {  	[hbm4b:s8+s2] =	stream.linear.scatter [tilespmem:s17], [sflag:$0x3], $0x1000, $0x38;
	[tilespmem:$0x6180] =	vst v63  }
0x1a: {  	_ =	swait.ge [sflag:s10], $0x1000  }
0x1b: {  	[sflag:s10] =	ssyncset.done $0x0  }
0x1c: {  	[sflag:s10] =	ssyncadd.s32 $0xFFFFF000  }
.LBB2_1:
0x1d: {  	[tilespmem:s2], [sflag:$0x3] =	stream.linear.gather [hbm4b:s5+s2], $0x80, $0x38;
	[tilespmem:$0x6180] =	vst v63  }
.Ltmp2:
0x1e: {  	_ = 	snop;
	(pc) =	sbr.rel .LBB2_2-.Ltmp2, $4  }
0x1f: {  	_ =	swait.ge [sflag:s10], $0x80  }
0x20: {  	[sflag:s10] =	ssyncset.done $0x0  }
0x21: {  	s19 =	simm.s32 $0x0;
	[sflag:s10] =	ssyncadd.s32 $0xFFFFFF80  }
0x22: {  	[tilespmem:s12], [sflag:$0x1] =	stream.strided.gather [hbm4b:s6+s12], $0x1000, s11, s12, $0x38;
	[tilespmem:$0x6180] =	vst v63  }
.LBB2_34:
0x23: {  	s19 =	sadd.s32 $0x1, s19  }
0x24: {  	p0 =	sne.s32 s19, $0x40  }
.Ltmp3:
0x25: {  	s20 =	sshll.u32 s20, $0x5;
	(pc) =	sbr.rel @!p0 .LBB2_35-.Ltmp3, $4  }
0x26: {  	[tilespmem:s20+$0x4180] =	vst v18  }
0x27: {  	[tilespmem:s20+$0x4190] =	vst v15  }
0x28: {  	[tilespmem:s20+$0x5180] =	vst v17  }
0x29: {  	[tilespmem:s20+$0x5190] =	vst v16  }
.LBB2_2:
0x2a: {  	s20 =	sshll.u32 s19, $0x1  }
0x2b: {  	s21 =	sshll.u32 s19, $0x5;
	s22 =	sadd.s32 s4, s20  }
0x2c: {  	s21 =	sand.u32 $0x60, s21;
	s23 =	sshll.u32 s22, $0x9  }
0x2d: {  	s21 =	sadd.s32 s21, s3;
	s23 =	sand.u32 $0xFFFF000, s23  }
0x2e: {  	s21 =	sadd.s32 s23, s21  }
0x2f: {  	s21 =	sadd.s32 $0x10, s21  }
0x30: {  	[tilespmem:s13], [sflag:$0x2] =	stream.strided.gather [hbm4b:s21+s12], $0x1000, s11, s12, $0x38;
	[tilespmem:$0x6180] =	vst v63  }
0x31: {  	s30 =	sshll.u32 s19, $0x3;
	_ =	swait.ge [sflag:s14], $0x1000  }
0x32: {  	s21 =	sand.u32 $0x1C0, s30;
	[sflag:s14] =	ssyncset.done $0x0  }
0x33: {  	s21 =	sshrl.u32 s21, $0x2;
	[sflag:s14] =	ssyncadd.s32 $0xFFFFF000  }
0x34: {  	v15 =	vld [tilespmem:s21+$0x0];
	[tilespmem:$0x2080] =	vst v0  }
0x35: {  	[tilespmem:$0x2090] =	vst v0  }
0x36: {  	[tilespmem:$0x20A0] =	vst v0  }
0x37: {  	s23 =	simm.s32 $0x180;
	[tilespmem:$0x20B0] =	vst v0  }
0x38: {  	v16 =	vld [tilespmem:s23+$0xF0]  }
0x39: {  	v17 =	vld [tilespmem:s23+$0xE0]  }
0x3a: {  	v18 =	vld [tilespmem:s23+$0xD0]  }
0x3b: {  	v19 =	vld [tilespmem:s23+$0xC0]  }
0x3c: {  	v20 =	vld [tilespmem:s23+$0xB0]  }
0x3d: {  	v21 =	vld [tilespmem:s23+$0xA0]  }
0x3e: {  	v22 =	vld [tilespmem:s23+$0x90]  }
0x3f: {  	v23 =	vld [tilespmem:s23+$0x80]  }
0x40: {  	v35 =	vld [tilespmem:s23+$0xFFFFFF00]  }
0x41: {  	v24 =	vld [tilespmem:s23+$0x70]  }
0x42: {  	v26 =	vmov s20;
	v36 =	vld [tilespmem:s23+$0xFFFFFF10]  }
0x43: {  	v25 =	vld [tilespmem:s23+$0x60];
	v15 =	vperm.xlane v15, v26  }
0x44: {  	v37 =	vld [tilespmem:s23+$0xFFFFFF20]  }
0x45: {  	v27 =	vld [tilespmem:s23+$0x40];
	vm5 =	vle.f32 v35, v15  }
0x46: {  	v38 =	vld [tilespmem:s23+$0xFFFFFF30];
	v29 =	vmpcnt.ones.xlane vm5  }
0x47: {  	v28 =	vld [tilespmem:s23+$0x30];
	vm6 =	vle.f32 v36, v15  }
0x48: {  	v39 =	vld [tilespmem:s23+$0xFFFFFF40];
	v30 =	vmpcnt.ones.xlane vm6;
	(v2sf) =	vpush v29, $0x0  }
0x49: {  	v40 =	vld [tilespmem:s23+$0xFFFFFF50];
	vm7 =	vle.f32 v37, v15  }
0x4a: {  	v41 =	vld [tilespmem:s23+$0xFFFFFF60];
	v31 =	vmpcnt.ones.xlane vm7;
	(v2sf) =	vpush v30, $0x0  }
0x4b: {  	v42 =	vld [tilespmem:s23+$0xFFFFFF70];
	vm8 =	vle.f32 v38, v15  }
0x4c: {  	v43 =	vld [tilespmem:s23+$0xFFFFFF80];
	v32 =	vmpcnt.ones.xlane vm8;
	(v2sf) =	vpush v31, $0x0  }
0x4d: {  	v44 =	vld [tilespmem:s23+$0xFFFFFF90];
	vm9 =	vle.f32 v39, v15  }
0x4e: {  	v46 =	vld [tilespmem:s23+$0xFFFFFFA0];
	v33 =	vmpcnt.ones.xlane vm9;
	(v2sf) =	vpush v32, $0x0  }
0x4f: {  	v48 =	vld [tilespmem:s23+$0xFFFFFFB0];
	vm10 =	vle.f32 v40, v15  }
0x50: {  	v26 =	vld [tilespmem:s23+$0x50];
	v34 =	vmpcnt.ones.xlane vm10;
	(v2sf) =	vpush v33, $0x0  }
0x51: {  	vm4 =	vle.f32 v41, v15;
	v29 =	vld [tilespmem:s23+$0x20]  }
0x52: {  	v45 =	vmpcnt.ones.xlane vm4;
	v30 =	vld [tilespmem:s23+$0x10];
	(v2sf) =	vpush v34, $0x0  }
0x53: {  	vm3 =	vle.f32 v42, v15;
	v31 =	vld [tilespmem:s23+$0x0]  }
0x54: {  	v47 =	vmpcnt.ones.xlane vm3;
	v32 =	vld [tilespmem:s23+$0xFFFFFFF0];
	(v2sf) =	vpush v45, $0x0  }
0x55: {  	vm2 =	vle.f32 v43, v15;
	v33 =	vld [tilespmem:s23+$0xFFFFFFE0]  }
0x56: {  	s24 =	simm.s32 $0x0;
	s25 =	simm.s32 $0x0;
	v49 =	vmpcnt.ones.xlane vm2;
	v34 =	vld [tilespmem:s23+$0xFFFFFFD0];
	(v2sf) =	vpush v47, $0x0  }
0x57: {  	v54 =	vor.u32 s25, v4;
	vm1 =	vle.f32 v44, v15;
	v45 =	vld [tilespmem:s23+$0xFFFFFFC0];
	[tilespmem:s24+$0x2080] =	vst.msk vm5, v35;
	s31 =	spop (v2sf)  }
0x58: {  	s26 =	simm.s32 $0x10;
	v55 =	vmpcnt.ones.xlane vm1;
	[tilespmem:s24+$0x3100] =	vst.msk vm5, v54;
	(v2sf) =	vpush v49, $0x0;
	s29 =	sadd.s32 $0x0, s31  }
0x59: {  	v56 =	vor.u32 s26, v4;
	vm15 =	vle.f32 v46, v15;
	s30 =	spop (v2sf);
	[tilespmem:s29+$0x2080] =	vst.msk vm6, v36  }
0x5a: {  	v57 =	vmpcnt.ones.xlane vm15;
	s31 =	simm.s32 $0x20;
	(v2sf) =	vpush v55, $0x0;
	s24 =	sadd.s32 s30, s29;
	[tilespmem:s29+$0x3100] =	vst.msk vm6, v56  }
0x5b: {  	v58 =	vor.u32 s31, v4;
	s26 =	spop (v2sf);
	vm6 =	vle.f32 v48, v15;
	[tilespmem:s24+$0x2080] =	vst.msk vm7, v37  }
0x5c: {  	(v2sf) =	vpush v57, $0x0;
	s29 =	simm.s32 $0x30;
	v59 =	vmpcnt.ones.xlane vm6;
	[tilespmem:s24+$0x3100] =	vst.msk vm7, v58;
	s24 =	sadd.s32 s26, s24  }
0x5d: {  	s30 =	spop (v2sf);
	v60 =	vor.u32 s29, v4;
	vm7 =	vle.f32 v45, v15;
	[tilespmem:s24+$0x2080] =	vst.msk vm8, v38  }
0x5e: {  	s31 =	simm.s32 $0x40;
	v61 =	vmpcnt.ones.xlane vm7;
	(v2sf) =	vpush v59, $0x0;
	[tilespmem:s24+$0x3100] =	vst.msk vm8, v60;
	s24 =	sadd.s32 s30, s24  }
0x5f: {  	v62 =	vor.u32 s31, v4;
	s26 =	spop (v2sf);
	vm8 =	vle.f32 v34, v15;
	[tilespmem:s24+$0x2080] =	vst.msk vm9, v39  }
0x60: {  	s29 =	simm.s32 $0x50;
	v63 =	vmpcnt.ones.xlane vm8;
	(v2sf) =	vpush v61, $0x0;
	[tilespmem:s24+$0x3100] =	vst.msk vm9, v62;
	s24 =	sadd.s32 s26, s24  }
0x61: {  	vm12 =	vle.f32 v33, v15;
	v47 =	vor.u32 s29, v4;
	s30 =	spop (v2sf);
	[tilespmem:s24+$0x2080] =	vst.msk vm10, v40  }
0x62: {  	v49 =	vmpcnt.ones.xlane vm12;
	s31 =	simm.s32 $0x60;
	(v2sf) =	vpush v63, $0x0;
	[tilespmem:s24+$0x3100] =	vst.msk vm10, v47;
	s24 =	sadd.s32 s30, s24  }
0x63: {  	vm13 =	vle.f32 v32, v15;
	v50 =	vor.u32 s31, v4;
	s26 =	spop (v2sf);
	[tilespmem:s24+$0x2080] =	vst.msk vm4, v41  }
0x64: {  	v51 =	vmpcnt.ones.xlane vm13;
	s29 =	simm.s32 $0x70;
	(v2sf) =	vpush v49, $0x0;
	[tilespmem:s24+$0x3100] =	vst.msk vm4, v50;
	s24 =	sadd.s32 s26, s24  }
0x65: {  	vm14 =	vle.f32 v31, v15;
	v52 =	vor.u32 s29, v4;
	s30 =	spop (v2sf);
	[tilespmem:s24+$0x2080] =	vst.msk vm3, v42  }
0x66: {  	v53 =	vmpcnt.ones.xlane vm14;
	s31 =	simm.s32 $0x80;
	(v2sf) =	vpush v51, $0x0;
	[tilespmem:s24+$0x3100] =	vst.msk vm3, v52;
	s24 =	sadd.s32 s30, s24  }
0x67: {  	v54 =	vor.u32 s31, v4;
	vm3 =	vle.f32 v30, v15;
	s26 =	spop (v2sf);
	[tilespmem:s24+$0x2080] =	vst.msk vm2, v43  }
0x68: {  	s29 =	simm.s32 $0x90;
	(v2sf) =	vpush v53, $0x0;
	v55 =	vmpcnt.ones.xlane vm3;
	[tilespmem:s24+$0x3100] =	vst.msk vm2, v54;
	s24 =	sadd.s32 s26, s24  }
0x69: {  	v56 =	vor.u32 s29, v4;
	s30 =	spop (v2sf);
	vm2 =	vle.f32 v29, v15;
	[tilespmem:s24+$0x2080] =	vst.msk vm1, v44  }
0x6a: {  	s31 =	simm.s32 $0xA0;
	v57 =	vmpcnt.ones.xlane vm2;
	(v2sf) =	vpush v55, $0x0;
	[tilespmem:s24+$0x3100] =	vst.msk vm1, v56;
	s24 =	sadd.s32 s30, s24  }
0x6b: {  	vm11 =	vle.f32 v28, v15;
	v58 =	vor.u32 s31, v4;
	s26 =	spop (v2sf);
	[tilespmem:s24+$0x2080] =	vst.msk vm15, v46  }
0x6c: {  	v59 =	vmpcnt.ones.xlane vm11;
	s29 =	simm.s32 $0xB0;
	(v2sf) =	vpush v57, $0x0;
	[tilespmem:s24+$0x3100] =	vst.msk vm15, v58;
	s24 =	sadd.s32 s26, s24  }
0x6d: {  	v60 =	vor.u32 s29, v4;
	vm15 =	vle.f32 v27, v15;
	s30 =	spop (v2sf);
	[tilespmem:s24+$0x2080] =	vst.msk vm6, v48  }
0x6e: {  	s31 =	simm.s32 $0xC0;
	(v2sf) =	vpush v59, $0x0;
	v61 =	vmpcnt.ones.xlane vm15;
	[tilespmem:s24+$0x3100] =	vst.msk vm6, v60;
	s24 =	sadd.s32 s30, s24  }
0x6f: {  	v62 =	vor.u32 s31, v4;
	vm1 =	vle.f32 v26, v15;
	s26 =	spop (v2sf);
	[tilespmem:s24+$0x2080] =	vst.msk vm7, v45  }
0x70: {  	s29 =	simm.s32 $0xD0;
	v63 =	vmpcnt.ones.xlane vm1;
	(v2sf) =	vpush v61, $0x0;
	[tilespmem:s24+$0x3100] =	vst.msk vm7, v62;
	s24 =	sadd.s32 s26, s24  }
0x71: {  	v38 =	vor.u32 s29, v4;
	vm6 =	vle.f32 v25, v15;
	s30 =	spop (v2sf);
	[tilespmem:s24+$0x2080] =	vst.msk vm8, v34  }
0x72: {  	s31 =	simm.s32 $0xE0;
	v39 =	vmpcnt.ones.xlane vm6;
	(v2sf) =	vpush v63, $0x0;
	[tilespmem:s24+$0x3100] =	vst.msk vm8, v38;
	s24 =	sadd.s32 s30, s24  }
0x73: {  	v40 =	vor.u32 s31, v4;
	vm7 =	vle.f32 v24, v15;
	s26 =	spop (v2sf);
	[tilespmem:s24+$0x2080] =	vst.msk vm12, v33  }
0x74: {  	s29 =	simm.s32 $0xF0;
	v41 =	vmpcnt.ones.xlane vm7;
	(v2sf) =	vpush v39, $0x0;
	[tilespmem:s24+$0x3100] =	vst.msk vm12, v40;
	s24 =	sadd.s32 s26, s24  }
0x75: {  	v42 =	vor.u32 s29, v4;
	vm8 =	vle.f32 v23, v15;
	s30 =	spop (v2sf);
	[tilespmem:s24+$0x2080] =	vst.msk vm13, v32  }
0x76: {  	s31 =	simm.s32 $0x100;
	v43 =	vmpcnt.ones.xlane vm8;
	(v2sf) =	vpush v41, $0x0;
	[tilespmem:s24+$0x3100] =	vst.msk vm13, v42;
	s24 =	sadd.s32 s30, s24  }
0x77: {  	vm9 =	vle.f32 v22, v15;
	v44 =	vor.u32 s31, v4;
	s26 =	spop (v2sf);
	[tilespmem:s24+$0x2080] =	vst.msk vm14, v31  }
0x78: {  	s29 =	simm.s32 $0x110;
	v45 =	vmpcnt.ones.xlane vm9;
	(v2sf) =	vpush v43, $0x0;
	[tilespmem:s24+$0x3100] =	vst.msk vm14, v44;
	s24 =	sadd.s32 s26, s24  }
0x79: {  	v46 =	vor.u32 s29, v4;
	vm12 =	vle.f32 v21, v15;
	s30 =	spop (v2sf);
	[tilespmem:s24+$0x2080] =	vst.msk vm3, v30  }
0x7a: {  	s31 =	simm.s32 $0x120;
	v47 =	vmpcnt.ones.xlane vm12;
	(v2sf) =	vpush v45, $0x0;
	[tilespmem:s24+$0x3100] =	vst.msk vm3, v46;
	s24 =	sadd.s32 s30, s24  }
0x7b: {  	v48 =	vor.u32 s31, v4;
	vm3 =	vle.f32 v20, v15;
	s26 =	spop (v2sf);
	[tilespmem:s24+$0x2080] =	vst.msk vm2, v29  }
0x7c: {  	s29 =	simm.s32 $0x130;
	(v2sf) =	vpush v47, $0x0;
	v49 =	vmpcnt.ones.xlane vm3;
	[tilespmem:s24+$0x3100] =	vst.msk vm2, v48;
	s24 =	sadd.s32 s26, s24  }
0x7d: {  	v50 =	vor.u32 s29, v4;
	vm13 =	vle.f32 v19, v15;
	s30 =	spop (v2sf);
	[tilespmem:s24+$0x2080] =	vst.msk vm11, v28  }
0x7e: {  	s31 =	simm.s32 $0x140;
	v51 =	vmpcnt.ones.xlane vm13;
	(v2sf) =	vpush v49, $0x0;
	[tilespmem:s24+$0x3100] =	vst.msk vm11, v50;
	s24 =	sadd.s32 s30, s24  }
0x7f: {  	v52 =	vor.u32 s31, v4;
	vm14 =	vle.f32 v18, v15;
	s26 =	spop (v2sf);
	[tilespmem:s24+$0x2080] =	vst.msk vm15, v27  }
0x80: {  	s29 =	simm.s32 $0x150;
	v53 =	vmpcnt.ones.xlane vm14;
	(v2sf) =	vpush v51, $0x0;
	[tilespmem:s24+$0x3100] =	vst.msk vm15, v52;
	s24 =	sadd.s32 s26, s24  }
0x81: {  	v54 =	vor.u32 s29, v4;
	s30 =	spop (v2sf);
	vm15 =	vle.f32 v17, v15;
	[tilespmem:s24+$0x2080] =	vst.msk vm1, v26  }
0x82: {  	s31 =	simm.s32 $0x160;
	vm2 =	vle.f32 v16, v15;
	(v2sf) =	vpush v53, $0x0;
	v55 =	vmpcnt.ones.xlane vm15;
	[tilespmem:s24+$0x3100] =	vst.msk vm1, v54;
	s24 =	sadd.s32 s30, s24  }
0x83: {  	v57 =	vor.u32 s31, v4;
	v56 =	vmpcnt.ones.xlane vm2;
	s26 =	spop (v2sf);
	[tilespmem:s24+$0x2080] =	vst.msk vm6, v25  }
0x84: {  	s29 =	simm.s32 $0x170;
	(v2sf) =	vpush v55, $0x0;
	[tilespmem:s24+$0x3100] =	vst.msk vm6, v57;
	s24 =	sadd.s32 s26, s24  }
0x85: {  	v58 =	vor.u32 s29, v4;
	s30 =	spop (v2sf);
	(v2sf) =	vpush v56, $0x0;
	[tilespmem:s24+$0x2080] =	vst.msk vm7, v24  }
0x86: {  	s31 =	simm.s32 $0x180;
	[tilespmem:s24+$0x3100] =	vst.msk vm7, v58;
	s24 =	sadd.s32 s30, s24  }
0x87: {  	v59 =	vor.u32 s31, v4;
	s26 =	spop (v2sf);
	[tilespmem:s24+$0x2080] =	vst.msk vm8, v23  }
0x88: {  	s29 =	simm.s32 $0x190;
	[tilespmem:s24+$0x3100] =	vst.msk vm8, v59;
	s24 =	sadd.s32 s26, s24  }
0x89: {  	v60 =	vor.u32 s29, v4;
	s30 =	spop (v2sf);
	[tilespmem:s24+$0x2080] =	vst.msk vm9, v22  }
0x8a: {  	s31 =	simm.s32 $0x1A0;
	[tilespmem:s24+$0x3100] =	vst.msk vm9, v60;
	s24 =	sadd.s32 s30, s24  }
0x8b: {  	v61 =	vor.u32 s31, v4;
	s26 =	spop (v2sf);
	[tilespmem:s24+$0x2080] =	vst.msk vm12, v21  }
0x8c: {  	s29 =	simm.s32 $0x1B0;
	[tilespmem:s24+$0x3100] =	vst.msk vm12, v61;
	s24 =	sadd.s32 s26, s24  }
0x8d: {  	v62 =	vor.u32 s29, v4;
	s30 =	spop (v2sf);
	[tilespmem:s24+$0x2080] =	vst.msk vm3, v20  }
0x8e: {  	s31 =	simm.s32 $0x1C0;
	[tilespmem:s24+$0x3100] =	vst.msk vm3, v62;
	s24 =	sadd.s32 s30, s24  }
0x8f: {  	v63 =	vor.u32 s31, v4;
	s26 =	spop (v2sf);
	[tilespmem:s24+$0x2080] =	vst.msk vm13, v19  }
0x90: {  	s29 =	simm.s32 $0x1D0;
	[tilespmem:s24+$0x3100] =	vst.msk vm13, v63;
	s24 =	sadd.s32 s26, s24  }
0x91: {  	s30 =	spop (v2sf);
	v19 =	vor.u32 s29, v4;
	[tilespmem:s24+$0x2080] =	vst.msk vm14, v18  }
0x92: {  	s31 =	simm.s32 $0x1E0;
	[tilespmem:s24+$0x3100] =	vst.msk vm14, v19;
	s24 =	sadd.s32 s30, s24  }
0x93: {  	v18 =	vor.u32 s31, v4;
	s29 =	spop (v2sf);
	[tilespmem:s24+$0x2080] =	vst.msk vm15, v17  }
0x94: {  	s30 =	simm.s32 $0x1F0;
	s28 =	sadd.s32 s29, s24;
	s31 =	spop (v2sf);
	[tilespmem:s24+$0x3100] =	vst.msk vm15, v18  }
0x95: {  	v17 =	vor.u32 s30, v4;
	s24 =	simm.s32 $0x3F0;
	s26 =	sadd.s32 s31, s28;
	[tilespmem:s28+$0x2080] =	vst.msk vm2, v16  }
.LBB2_3:
0x96: {  	p0 =	sne.s32 s24, $0xFF0  }
0x97: {  	[tilespmem:s28+$0x3100] =	vst.msk vm2, v17;
	s23 =	sadd.s32 $0x200, s23;
	s25 =	smov.u32 s24;
	s24 =	sadd.s32 $0x200, s24  }
0x98: {  	v16 =	vld [tilespmem:s23+$0xF0]  }
0x99: {  	v17 =	vld [tilespmem:s23+$0xE0]  }
0x9a: {  	v18 =	vld [tilespmem:s23+$0xD0]  }
0x9b: {  	v19 =	vld [tilespmem:s23+$0xC0]  }
0x9c: {  	v20 =	vld [tilespmem:s23+$0xB0]  }
0x9d: {  	v21 =	vld [tilespmem:s23+$0xA0]  }
0x9e: {  	v22 =	vld [tilespmem:s23+$0x90]  }
0x9f: {  	v23 =	vld [tilespmem:s23+$0x80]  }
0xa0: {  	v24 =	vld [tilespmem:s23+$0x70]  }
0xa1: {  	v38 =	vld [tilespmem:s23+$0xFFFFFF00]  }
0xa2: {  	v25 =	vld [tilespmem:s23+$0x60]  }
0xa3: {  	v39 =	vld [tilespmem:s23+$0xFFFFFF10]  }
0xa4: {  	v26 =	vld [tilespmem:s23+$0x50]  }
0xa5: {  	v40 =	vld [tilespmem:s23+$0xFFFFFF20]  }
0xa6: {  	v27 =	vld [tilespmem:s23+$0x40];
	vm6 =	vle.f32 v38, v15  }
0xa7: {  	v41 =	vld [tilespmem:s23+$0xFFFFFF30];
	v29 =	vmpcnt.ones.xlane vm6  }
0xa8: {  	v28 =	vld [tilespmem:s23+$0x30];
	vm9 =	vle.f32 v39, v15  }
0xa9: {  	v42 =	vld [tilespmem:s23+$0xFFFFFF40];
	vm1 =	vle.f32 v26, v15;
	v30 =	vmpcnt.ones.xlane vm9;
	(v2sf) =	vpush v29, $0x0  }
0xaa: {  	v29 =	vld [tilespmem:s23+$0x20];
	vm10 =	vle.f32 v40, v15;
	v32 =	vmpcnt.ones.xlane vm1  }
0xab: {  	v43 =	vld [tilespmem:s23+$0xFFFFFF50];
	v31 =	vmpcnt.ones.xlane vm10;
	(v2sf) =	vpush v30, $0x0  }
0xac: {  	v30 =	vld [tilespmem:s23+$0x10];
	vm11 =	vle.f32 v41, v15  }
0xad: {  	v44 =	vld [tilespmem:s23+$0xFFFFFF60];
	v33 =	vmpcnt.ones.xlane vm11;
	(v2sf) =	vpush v31, $0x0  }
0xae: {  	v31 =	vld [tilespmem:s23+$0x0];
	vm12 =	vle.f32 v42, v15  }
0xaf: {  	v45 =	vld [tilespmem:s23+$0xFFFFFF70];
	vm2 =	vle.f32 v29, v15;
	v34 =	vmpcnt.ones.xlane vm12;
	(v2sf) =	vpush v33, $0x0  }
0xb0: {  	v33 =	vld [tilespmem:s23+$0xFFFFFFF0];
	vm13 =	vle.f32 v43, v15;
	v36 =	vmpcnt.ones.xlane vm2  }
0xb1: {  	v46 =	vld [tilespmem:s23+$0xFFFFFF80];
	vm3 =	vle.f32 v30, v15;
	v35 =	vmpcnt.ones.xlane vm13;
	(v2sf) =	vpush v34, $0x0  }
0xb2: {  	v34 =	vld [tilespmem:s23+$0xFFFFFFE0];
	vm8 =	vle.f32 v44, v15;
	v47 =	vmpcnt.ones.xlane vm3  }
0xb3: {  	v48 =	vld [tilespmem:s23+$0xFFFFFF90];
	vm4 =	vle.f32 v31, v15;
	v37 =	vmpcnt.ones.xlane vm8;
	(v2sf) =	vpush v35, $0x0  }
0xb4: {  	v35 =	vld [tilespmem:s23+$0xFFFFFFD0];
	vm14 =	vle.f32 v45, v15;
	v49 =	vmpcnt.ones.xlane vm4  }
0xb5: {  	v50 =	vld [tilespmem:s23+$0xFFFFFFA0];
	v51 =	vmpcnt.ones.xlane vm14;
	(v2sf) =	vpush v37, $0x0  }
0xb6: {  	v37 =	vld [tilespmem:s23+$0xFFFFFFC0];
	vm7 =	vle.f32 v46, v15  }
0xb7: {  	s28 =	sadd.s32 $0xFFFFFE10, s25;
	v52 =	vld [tilespmem:s23+$0xFFFFFFB0];
	v53 =	vmpcnt.ones.xlane vm7;
	(v2sf) =	vpush v51, $0x0  }
0xb8: {  	v51 =	vor.u32 s28, v4;
	vm5 =	vle.f32 v48, v15;
	[tilespmem:s26+$0x2080] =	vst.msk vm6, v38;
	s28 =	spop (v2sf)  }
0xb9: {  	s29 =	sadd.s32 $0xFFFFFE20, s25;
	v38 =	vmpcnt.ones.xlane vm5;
	[tilespmem:s26+$0x3100] =	vst.msk vm6, v51;
	s26 =	sadd.s32 s26, s28;
	(v2sf) =	vpush v53, $0x0  }
0xba: {  	v51 =	vor.u32 s29, v4;
	vm6 =	vle.f32 v50, v15;
	[tilespmem:s26+$0x2080] =	vst.msk vm9, v39;
	s28 =	spop (v2sf)  }
0xbb: {  	s29 =	sadd.s32 $0xFFFFFE30, s25;
	v39 =	vmpcnt.ones.xlane vm6;
	[tilespmem:s26+$0x3100] =	vst.msk vm9, v51;
	s26 =	sadd.s32 s28, s26;
	(v2sf) =	vpush v38, $0x0  }
0xbc: {  	v38 =	vor.u32 s29, v4;
	vm9 =	vle.f32 v52, v15;
	[tilespmem:s26+$0x2080] =	vst.msk vm10, v40;
	s28 =	spop (v2sf)  }
0xbd: {  	s29 =	sadd.s32 $0xFFFFFE40, s25;
	v40 =	vmpcnt.ones.xlane vm9;
	[tilespmem:s26+$0x3100] =	vst.msk vm10, v38;
	s26 =	sadd.s32 s28, s26;
	(v2sf) =	vpush v39, $0x0  }
0xbe: {  	vm10 =	vle.f32 v37, v15;
	v38 =	vor.u32 s29, v4;
	[tilespmem:s26+$0x2080] =	vst.msk vm11, v41;
	s28 =	spop (v2sf)  }
0xbf: {  	s29 =	sadd.s32 $0xFFFFFE50, s25;
	v39 =	vmpcnt.ones.xlane vm10;
	[tilespmem:s26+$0x3100] =	vst.msk vm11, v38;
	s26 =	sadd.s32 s28, s26;
	(v2sf) =	vpush v40, $0x0  }
0xc0: {  	vm11 =	vle.f32 v35, v15;
	v38 =	vor.u32 s29, v4;
	[tilespmem:s26+$0x2080] =	vst.msk vm12, v42;
	s28 =	spop (v2sf)  }
0xc1: {  	s29 =	sadd.s32 $0xFFFFFE60, s25;
	v40 =	vmpcnt.ones.xlane vm11;
	[tilespmem:s26+$0x3100] =	vst.msk vm12, v38;
	s26 =	sadd.s32 s28, s26;
	(v2sf) =	vpush v39, $0x0  }
0xc2: {  	vm12 =	vle.f32 v34, v15;
	v38 =	vor.u32 s29, v4;
	[tilespmem:s26+$0x2080] =	vst.msk vm13, v43;
	s28 =	spop (v2sf)  }
0xc3: {  	s29 =	sadd.s32 $0xFFFFFE70, s25;
	v39 =	vmpcnt.ones.xlane vm12;
	[tilespmem:s26+$0x3100] =	vst.msk vm13, v38;
	s26 =	sadd.s32 s28, s26;
	(v2sf) =	vpush v40, $0x0  }
0xc4: {  	vm13 =	vle.f32 v33, v15;
	v38 =	vor.u32 s29, v4;
	[tilespmem:s26+$0x2080] =	vst.msk vm8, v44;
	s28 =	spop (v2sf)  }
0xc5: {  	s29 =	sadd.s32 $0xFFFFFE80, s25;
	v40 =	vmpcnt.ones.xlane vm13;
	[tilespmem:s26+$0x3100] =	vst.msk vm8, v38;
	s26 =	sadd.s32 s28, s26;
	(v2sf) =	vpush v39, $0x0  }
0xc6: {  	v38 =	vor.u32 s29, v4;
	[tilespmem:s26+$0x2080] =	vst.msk vm14, v45;
	s28 =	spop (v2sf)  }
0xc7: {  	s29 =	sadd.s32 $0xFFFFFE90, s25;
	[tilespmem:s26+$0x3100] =	vst.msk vm14, v38;
	s26 =	sadd.s32 s28, s26;
	(v2sf) =	vpush v40, $0x0  }
0xc8: {  	v38 =	vor.u32 s29, v4;
	[tilespmem:s26+$0x2080] =	vst.msk vm7, v46;
	s28 =	spop (v2sf)  }
0xc9: {  	s29 =	sadd.s32 $0xFFFFFEA0, s25;
	[tilespmem:s26+$0x3100] =	vst.msk vm7, v38;
	s26 =	sadd.s32 s28, s26;
	(v2sf) =	vpush v49, $0x0  }
0xca: {  	v38 =	vor.u32 s29, v4;
	[tilespmem:s26+$0x2080] =	vst.msk vm5, v48;
	s28 =	spop (v2sf)  }
0xcb: {  	s29 =	sadd.s32 $0xFFFFFEB0, s25;
	[tilespmem:s26+$0x3100] =	vst.msk vm5, v38;
	s26 =	sadd.s32 s28, s26;
	(v2sf) =	vpush v47, $0x0  }
0xcc: {  	vm7 =	vle.f32 v28, v15;
	v38 =	vor.u32 s29, v4;
	[tilespmem:s26+$0x2080] =	vst.msk vm6, v50;
	s28 =	spop (v2sf)  }
0xcd: {  	v39 =	vmpcnt.ones.xlane vm7;
	s29 =	sadd.s32 $0xFFFFFEC0, s25;
	[tilespmem:s26+$0x3100] =	vst.msk vm6, v38;
	s26 =	sadd.s32 s28, s26;
	(v2sf) =	vpush v36, $0x0  }
0xce: {  	vm8 =	vle.f32 v27, v15;
	v36 =	vor.u32 s29, v4;
	[tilespmem:s26+$0x2080] =	vst.msk vm9, v52;
	s28 =	spop (v2sf)  }
0xcf: {  	s29 =	sadd.s32 $0xFFFFFED0, s25;
	v38 =	vmpcnt.ones.xlane vm8;
	[tilespmem:s26+$0x3100] =	vst.msk vm9, v36;
	s26 =	sadd.s32 s28, s26;
	(v2sf) =	vpush v39, $0x0  }
0xd0: {  	v36 =	vor.u32 s29, v4;
	[tilespmem:s26+$0x2080] =	vst.msk vm10, v37;
	s28 =	spop (v2sf)  }
0xd1: {  	s29 =	sadd.s32 $0xFFFFFEE0, s25;
	[tilespmem:s26+$0x3100] =	vst.msk vm10, v36;
	s26 =	sadd.s32 s28, s26;
	(v2sf) =	vpush v38, $0x0  }
0xd2: {  	vm5 =	vle.f32 v25, v15;
	v36 =	vor.u32 s29, v4;
	[tilespmem:s26+$0x2080] =	vst.msk vm11, v35;
	s28 =	spop (v2sf)  }
0xd3: {  	s29 =	sadd.s32 $0xFFFFFEF0, s25;
	v35 =	vmpcnt.ones.xlane vm5;
	[tilespmem:s26+$0x3100] =	vst.msk vm11, v36;
	s26 =	sadd.s32 s28, s26;
	(v2sf) =	vpush v32, $0x0  }
0xd4: {  	vm6 =	vle.f32 v24, v15;
	v32 =	vor.u32 s29, v4;
	[tilespmem:s26+$0x2080] =	vst.msk vm12, v34;
	s28 =	spop (v2sf)  }
0xd5: {  	s29 =	sadd.s32 $0xFFFFFF00, s25;
	v34 =	vmpcnt.ones.xlane vm6;
	[tilespmem:s26+$0x3100] =	vst.msk vm12, v32;
	s26 =	sadd.s32 s28, s26;
	(v2sf) =	vpush v35, $0x0  }
0xd6: {  	vm9 =	vle.f32 v23, v15;
	v32 =	vor.u32 s29, v4;
	[tilespmem:s26+$0x2080] =	vst.msk vm13, v33;
	s28 =	spop (v2sf)  }
0xd7: {  	s29 =	sadd.s32 $0xFFFFFF10, s25;
	v33 =	vmpcnt.ones.xlane vm9;
	[tilespmem:s26+$0x3100] =	vst.msk vm13, v32;
	s26 =	sadd.s32 s28, s26;
	(v2sf) =	vpush v34, $0x0  }
0xd8: {  	vm10 =	vle.f32 v22, v15;
	v32 =	vor.u32 s29, v4;
	[tilespmem:s26+$0x2080] =	vst.msk vm4, v31;
	s28 =	spop (v2sf)  }
0xd9: {  	s29 =	sadd.s32 $0xFFFFFF20, s25;
	v31 =	vmpcnt.ones.xlane vm10;
	[tilespmem:s26+$0x3100] =	vst.msk vm4, v32;
	s26 =	sadd.s32 s28, s26;
	(v2sf) =	vpush v33, $0x0  }
0xda: {  	vm4 =	vle.f32 v21, v15;
	v32 =	vor.u32 s29, v4;
	[tilespmem:s26+$0x2080] =	vst.msk vm3, v30;
	s28 =	spop (v2sf)  }
0xdb: {  	s29 =	sadd.s32 $0xFFFFFF30, s25;
	v30 =	vmpcnt.ones.xlane vm4;
	[tilespmem:s26+$0x3100] =	vst.msk vm3, v32;
	s26 =	sadd.s32 s28, s26;
	(v2sf) =	vpush v31, $0x0  }
0xdc: {  	vm3 =	vle.f32 v20, v15;
	v31 =	vor.u32 s29, v4;
	[tilespmem:s26+$0x2080] =	vst.msk vm2, v29;
	s28 =	spop (v2sf)  }
0xdd: {  	s29 =	sadd.s32 $0xFFFFFF40, s25;
	v29 =	vmpcnt.ones.xlane vm3;
	[tilespmem:s26+$0x3100] =	vst.msk vm2, v31;
	s26 =	sadd.s32 s28, s26;
	(v2sf) =	vpush v30, $0x0  }
0xde: {  	vm11 =	vle.f32 v19, v15;
	v30 =	vor.u32 s29, v4;
	[tilespmem:s26+$0x2080] =	vst.msk vm7, v28;
	s28 =	spop (v2sf)  }
0xdf: {  	s29 =	sadd.s32 $0xFFFFFF50, s25;
	v28 =	vmpcnt.ones.xlane vm11;
	[tilespmem:s26+$0x3100] =	vst.msk vm7, v30;
	s26 =	sadd.s32 s28, s26;
	(v2sf) =	vpush v29, $0x0  }
0xe0: {  	vm7 =	vle.f32 v18, v15;
	v29 =	vor.u32 s29, v4;
	[tilespmem:s26+$0x2080] =	vst.msk vm8, v27;
	s28 =	spop (v2sf)  }
0xe1: {  	s29 =	sadd.s32 $0xFFFFFF60, s25;
	v27 =	vmpcnt.ones.xlane vm7;
	[tilespmem:s26+$0x3100] =	vst.msk vm8, v29;
	s26 =	sadd.s32 s28, s26;
	(v2sf) =	vpush v28, $0x0  }
0xe2: {  	vm8 =	vle.f32 v17, v15;
	v28 =	vor.u32 s29, v4;
	[tilespmem:s26+$0x2080] =	vst.msk vm1, v26;
	s28 =	spop (v2sf)  }
0xe3: {  	vm2 =	vle.f32 v16, v15;
	s29 =	sadd.s32 $0xFFFFFF70, s25;
	v26 =	vmpcnt.ones.xlane vm8;
	[tilespmem:s26+$0x3100] =	vst.msk vm1, v28;
	s26 =	sadd.s32 s28, s26;
	(v2sf) =	vpush v27, $0x0  }
0xe4: {  	v27 =	vmpcnt.ones.xlane vm2;
	v28 =	vor.u32 s29, v4;
	[tilespmem:s26+$0x2080] =	vst.msk vm5, v25;
	s28 =	spop (v2sf)  }
0xe5: {  	s29 =	sadd.s32 $0xFFFFFF80, s25;
	[tilespmem:s26+$0x3100] =	vst.msk vm5, v28;
	s26 =	sadd.s32 s28, s26;
	(v2sf) =	vpush v26, $0x0  }
0xe6: {  	v25 =	vor.u32 s29, v4;
	[tilespmem:s26+$0x2080] =	vst.msk vm6, v24;
	s28 =	spop (v2sf);
	(v2sf) =	vpush v27, $0x0  }
0xe7: {  	s29 =	sadd.s32 $0xFFFFFF90, s25;
	[tilespmem:s26+$0x3100] =	vst.msk vm6, v25;
	s26 =	sadd.s32 s28, s26  }
0xe8: {  	v24 =	vor.u32 s29, v4;
	[tilespmem:s26+$0x2080] =	vst.msk vm9, v23;
	s28 =	spop (v2sf)  }
0xe9: {  	s29 =	sadd.s32 $0xFFFFFFA0, s25;
	[tilespmem:s26+$0x3100] =	vst.msk vm9, v24;
	s26 =	sadd.s32 s28, s26  }
0xea: {  	v23 =	vor.u32 s29, v4;
	[tilespmem:s26+$0x2080] =	vst.msk vm10, v22;
	s28 =	spop (v2sf)  }
0xeb: {  	s29 =	sadd.s32 $0xFFFFFFB0, s25;
	[tilespmem:s26+$0x3100] =	vst.msk vm10, v23;
	s26 =	sadd.s32 s28, s26  }
0xec: {  	v22 =	vor.u32 s29, v4;
	[tilespmem:s26+$0x2080] =	vst.msk vm4, v21;
	s28 =	spop (v2sf)  }
0xed: {  	s29 =	sadd.s32 $0xFFFFFFC0, s25;
	[tilespmem:s26+$0x3100] =	vst.msk vm4, v22;
	s26 =	sadd.s32 s28, s26  }
0xee: {  	v21 =	vor.u32 s29, v4;
	[tilespmem:s26+$0x2080] =	vst.msk vm3, v20;
	s28 =	spop (v2sf)  }
0xef: {  	s29 =	sadd.s32 $0xFFFFFFD0, s25;
	[tilespmem:s26+$0x3100] =	vst.msk vm3, v21;
	s26 =	sadd.s32 s28, s26  }
0xf0: {  	v20 =	vor.u32 s29, v4;
	[tilespmem:s26+$0x2080] =	vst.msk vm11, v19;
	s28 =	spop (v2sf)  }
0xf1: {  	s29 =	sadd.s32 $0xFFFFFFE0, s25;
	[tilespmem:s26+$0x3100] =	vst.msk vm11, v20;
	s26 =	sadd.s32 s28, s26  }
.Ltmp4:
0xf2: {  	v19 =	vor.u32 s29, v4;
	[tilespmem:s26+$0x2080] =	vst.msk vm7, v18;
	s28 =	spop (v2sf);
	(pc) =	sbr.rel @p0 .LBB2_3-.Ltmp4, $4  }
0xf3: {  	s29 =	sadd.s32 $0xFFFFFFF0, s25;
	[tilespmem:s26+$0x3100] =	vst.msk vm7, v19;
	s26 =	sadd.s32 s28, s26  }
0xf4: {  	v18 =	vor.u32 s29, v4;
	[tilespmem:s26+$0x2080] =	vst.msk vm8, v17;
	s28 =	spop (v2sf)  }
0xf5: {  	[tilespmem:s26+$0x3100] =	vst.msk vm8, v18;
	s28 =	sadd.s32 s28, s26;
	s26 =	spop (v2sf)  }
0xf6: {  	v17 =	vor.u32 s25, v4;
	[tilespmem:s28+$0x2080] =	vst.msk vm2, v16;
	s26 =	sadd.s32 s26, s28  }
0xf7: {  	p0 =	sgt.s32 s26, $0x40  }
.Ltmp5:
0xf8: {  	_ = 	snop;
	(pc) =	sbr.rel @p0 .LBB2_5-.Ltmp5, $3  }
0xf9: {  	_ =	sdelay $0x1  }
0xfa: {  	[tilespmem:s28+$0x3100] =	vst.msk vm2, v17;
	v15 =	vimm.f32 $+Inf  }
0xfb: {  	[tilespmem:s26+$0x2080] =	vst v15  }
0xfc: {  	v20 =	vld [tilespmem:$0x2080]  }
0xfd: {  	v21 =	vld [tilespmem:$0x2090]  }
0xfe: {  	v22 =	vld [tilespmem:$0x20A0]  }
0xff: {  	v23 =	vld [tilespmem:$0x20B0];
	_ =	sdelay $0x4  }
0x100: {  	v15 =	vmin.f32 v20, v21;
	v16 =	vmin.f32 v22, v23  }
0x101: {  	v15 =	vmin.f32 v15, v16  }
0x102: {  	v16 =	vperm.xlane v15, v5;
	_ =	sdelay $0x1  }
0x103: {  	v15 =	vmin.f32 v15, v16  }
0x104: {  	v16 =	vperm.xlane v15, v6;
	_ =	sdelay $0x1  }
0x105: {  	v15 =	vmin.f32 v15, v16  }
0x106: {  	v16 =	vperm.xlane v15, v7;
	_ =	sdelay $0x1  }
0x107: {  	v15 =	vmin.f32 v15, v16  }
0x108: {  	v16 =	vperm.xlane v15, v8;
	_ =	sdelay $0x1  }
0x109: {  	v15 =	vmin.f32 v15, v16  }
0x10a: {  	vm1 =	veq.f32 v23, v15  }
0x10b: {  	vm2 =	veq.f32 v22, v15;
	v16 =	vnsel vm1, $0x1010, v9  }
0x10c: {  	vm1 =	veq.f32 v21, v15;
	v16 =	vsel vm2, v11, v16  }
0x10d: {  	vm2 =	veq.f32 v20, v15;
	v16 =	vsel vm1, v13, v16  }
0x10e: {  	v16 =	vsel vm2, v4, v16  }
0x10f: {  	v17 =	vperm.xlane v16, v5;
	_ =	sdelay $0x1  }
0x110: {  	vm1 =	vlt.s32 v16, v17  }
0x111: {  	v16 =	vsel vm1, v16, v17  }
0x112: {  	v17 =	vperm.xlane v16, v6;
	_ =	sdelay $0x1  }
0x113: {  	vm1 =	vlt.s32 v16, v17  }
0x114: {  	v16 =	vsel vm1, v16, v17  }
0x115: {  	v17 =	vperm.xlane v16, v7;
	_ =	sdelay $0x1  }
0x116: {  	vm1 =	vlt.s32 v16, v17  }
0x117: {  	v18 =	vsel vm1, v16, v17  }
0x118: {  	v19 =	vperm.xlane v18, v8;
	_ =	sdelay $0x1  }
0x119: {  	v16 =	vld [tilespmem:$0x3100];
	vm1 =	vlt.s32 v18, v19  }
0x11a: {  	v17 =	vld [tilespmem:$0x3110];
	v24 =	vsel vm1, v18, v19  }
0x11b: {  	v18 =	vld [tilespmem:$0x3120];
	vm1 =	veq.s32 v24, v4;
	vm2 =	veq.s32 v24, v13  }
0x11c: {  	v19 =	vld [tilespmem:$0x3130];
	vm3 =	veq.s32 v24, v9;
	vm4 =	veq.s32 v24, v11;
	v24 =	vsel vm2, $0x7F800000, v21  }
0x11d: {  	v25 =	vsel vm3, $0x7F800000, v23;
	v23 =	vsel vm1, $0x7F800000, v20;
	v27 =	vsel vm4, $0x7F800000, v22  }
0x11e: {  	v20 =	vnsel vm1, $0x0, v16;
	v21 =	vmin.f32 v23, v24;
	v22 =	vmin.f32 v27, v25  }
0x11f: {  	v20 =	vsel vm2, v17, v20;
	v21 =	vmin.f32 v21, v22  }
0x120: {  	v20 =	vsel vm4, v18, v20;
	v22 =	vperm.xlane v21, v5  }
0x121: {  	v20 =	vsel vm3, v19, v20  }
0x122: {  	v26 =	vperm.xlane v20, v5;
	v21 =	vmin.f32 v21, v22  }
0x123: {  	v22 =	vperm.xlane v21, v6  }
0x124: {  	vm1 =	vgt.s32 v20, v26  }
0x125: {  	s24 =	simm.s32 $0x0;
	v26 =	vsel vm1, v20, v26;
	v21 =	vmin.f32 v21, v22  }
0x126: {  	s23 =	simm.s32 $0x1;
	s25 =	sand.u32 $0xF, s24;
	v22 =	vperm.xlane v26, v6;
	v28 =	vperm.xlane v21, v7  }
0x127: {  	s31 =	sand.u32 $0xF, s23;
	v29 =	vmov s25  }
0x128: {  	v30 =	vmov s31;
	vm1 =	vgt.s32 v26, v22;
	v28 =	vmin.f32 v21, v28  }
0x129: {  	v20 =	vimm.f32 $+Inf;
	v22 =	vsel vm1, v26, v22;
	v26 =	vperm.xlane v28, v8  }
0x12a: {  	v21 =	vimm.s32 $0x0;
	vm1 =	veq.s32 v29, v4;
	v29 =	vperm.xlane v22, v7  }
0x12b: {  	vm1 =	vmmov vm1;
	v28 =	vmin.f32 v28, v26;
	v26 =	vimm.f32 $+Inf  }
0x12c: {  	vm2 =	vgt.s32 v22, v29;
	vm3 =	veq.f32 v24, v28;
	vm5 =	veq.f32 v25, v28  }
0x12d: {  	p0 =	por $0x0, $0x0;
	vm4 =	veq.f32 v27, v28;
	v29 =	vsel vm2, v22, v29;
	vm2 =	vmmov vm0  }
0x12e: {  	s25 =	simm.s32 $0x2;
	v31 =	vnsel vm5, $0x1010, v9;
	v22 =	vimm.s32 $0x0;
	vm2 =	vmneg @p0 vm2  }
.LBB2_16:
0x12f: {  	p0 =	seq.s32 s25, $0x1F;
	v31 =	vsel vm4, v11, v31;
	vm4 =	veq.s32 v30, v4;
	v30 =	vperm.xlane v29, v8;
	p1 =	slt.u32 s24, $0x10  }
0x130: {  	s24 =	smov.u32 s23;
	s23 =	smov.u32 s25;
	s25 =	sadd.s32 $0x1, s25;
	vm5 =	veq.f32 v23, v28;
	v31 =	vsel vm3, v13, v31;
	vm3 =	vmmov vm0  }
0x131: {  	vm3 =	vmneg @p1 vm3;
	v31 =	vsel vm5, v4, v31  }
0x132: {  	vm5 =	vgt.s32 v29, v30;
	vm3 =	vmand vm3, vm1;
	v32 =	vperm.xlane v31, v5  }
0x133: {  	v29 =	vsel vm5, v29, v30;
	vm1 =	vmand vm2, vm1;
	v20 =	vsel vm3, v15, v20  }
0x134: {  	v26 =	vsel vm1, v15, v26;
	v21 =	vsel vm3, v29, v21;
	v15 =	vmovc v28;
	vm2 =	vlt.s32 v31, v32  }
0x135: {  	v22 =	vsel vm1, v29, v22;
	vm1 =	vmmov vm4;
	v28 =	vsel vm2, v31, v32  }
0x136: {  	v29 =	vperm.xlane v28, v6;
	_ =	sdelay $0x1  }
0x137: {  	vm2 =	vlt.s32 v28, v29  }
0x138: {  	v28 =	vsel vm2, v28, v29  }
0x139: {  	v29 =	vperm.xlane v28, v7;
	_ =	sdelay $0x1  }
0x13a: {  	vm2 =	vlt.s32 v28, v29  }
0x13b: {  	v28 =	vsel vm2, v28, v29  }
0x13c: {  	v29 =	vperm.xlane v28, v8;
	_ =	sdelay $0x1  }
0x13d: {  	vm2 =	vlt.s32 v28, v29  }
0x13e: {  	v28 =	vsel vm2, v28, v29  }
0x13f: {  	vm2 =	veq.s32 v28, v4;
	vm3 =	veq.s32 v28, v13  }
0x140: {  	vm4 =	veq.s32 v28, v9;
	vm5 =	veq.s32 v28, v11;
	v24 =	vsel vm3, $0x7F800000, v24  }
0x141: {  	v25 =	vsel vm4, $0x7F800000, v25;
	v23 =	vsel vm2, $0x7F800000, v23;
	v27 =	vsel vm5, $0x7F800000, v27  }
0x142: {  	v28 =	vnsel vm2, $0x0, v16;
	v29 =	vmin.f32 v23, v24;
	v30 =	vmin.f32 v27, v25  }
0x143: {  	v28 =	vsel vm3, v17, v28;
	v29 =	vmin.f32 v29, v30  }
0x144: {  	v28 =	vsel vm5, v18, v28;
	v30 =	vperm.xlane v29, v5  }
0x145: {  	v28 =	vsel vm4, v19, v28  }
0x146: {  	v31 =	vperm.xlane v28, v5;
	v29 =	vmin.f32 v29, v30  }
0x147: {  	v30 =	vperm.xlane v29, v6  }
0x148: {  	vm2 =	vgt.s32 v28, v31  }
0x149: {  	v28 =	vsel vm2, v28, v31;
	v29 =	vmin.f32 v29, v30  }
0x14a: {  	v30 =	vperm.xlane v28, v6;
	v31 =	vperm.xlane v29, v7;
	_ =	sdelay $0x1  }
0x14b: {  	vm2 =	vgt.s32 v28, v30;
	v29 =	vmin.f32 v29, v31  }
0x14c: {  	v31 =	vsel vm2, v28, v30;
	v28 =	vperm.xlane v29, v8  }
.Ltmp6:
0x14d: {  	v32 =	vperm.xlane v31, v7;
	(pc) =	sbr.rel @!p0 .LBB2_16-.Ltmp6, $4  }
0x14e: {  	s26 =	sand.u32 $0xF, s23;
	v28 =	vmin.f32 v29, v28  }
0x14f: {  	v30 =	vmov s26;
	vm2 =	vgt.s32 v31, v32;
	vm3 =	veq.f32 v24, v28  }
0x150: {  	p1 =	sgt.u32 s24, $0xF;
	vm5 =	veq.f32 v25, v28;
	v29 =	vsel vm2, v31, v32;
	vm2 =	vmmov vm0  }
0x151: {  	vm4 =	veq.f32 v27, v28;
	v31 =	vnsel vm5, $0x1010, v9;
	vm2 =	vmneg @p1 vm2  }
0x152: {  	v24 =	vsel vm4, v11, v31  }
0x153: {  	vm10 =	veq.f32 v23, v28;
	v61 =	vsel vm3, v13, v24  }
0x154: {  	v23 =	vsel vm10, v4, v61  }
0x155: {  	v62 =	vperm.xlane v23, v5;
	_ =	sdelay $0x1  }
0x156: {  	vm3 =	vlt.s32 v23, v62  }
0x157: {  	v23 =	vsel vm3, v23, v62  }
0x158: {  	v24 =	vperm.xlane v23, v6;
	_ =	sdelay $0x1  }
0x159: {  	vm3 =	vlt.s32 v23, v24  }
0x15a: {  	v23 =	vsel vm3, v23, v24  }
0x15b: {  	v24 =	vperm.xlane v23, v7;
	_ =	sdelay $0x1  }
0x15c: {  	vm3 =	vlt.s32 v23, v24  }
0x15d: {  	v23 =	vsel vm3, v23, v24  }
0x15e: {  	v24 =	vperm.xlane v23, v8;
	_ =	sdelay $0x1  }
0x15f: {  	vm3 =	vlt.s32 v23, v24  }
0x160: {  	v23 =	vsel vm3, v23, v24  }
0x161: {  	vm3 =	veq.s32 v23, v4  }
0x162: {  	vm11 =	veq.s32 v23, v13;
	v16 =	vnsel vm3, $0x0, v16  }
0x163: {  	vm3 =	veq.s32 v23, v11;
	v16 =	vsel vm11, v17, v16  }
0x164: {  	vm12 =	veq.s32 v23, v9;
	v16 =	vsel vm3, v18, v16  }
0x165: {  	v16 =	vsel vm12, v19, v16  }
0x166: {  	v17 =	vperm.xlane v16, v5;
	_ =	sdelay $0x1  }
0x167: {  	vm3 =	vgt.s32 v16, v17  }
0x168: {  	v16 =	vsel vm3, v16, v17  }
0x169: {  	v17 =	vperm.xlane v16, v6;
	_ =	sdelay $0x1  }
0x16a: {  	v18 =	vperm.xlane v29, v8;
	vm3 =	vgt.s32 v16, v17  }
0x16b: {  	p0 =	slt.u32 s24, $0x10;
	v16 =	vsel vm3, v16, v17;
	vm3 =	vmmov vm0  }
0x16c: {  	vm5 =	vgt.s32 v29, v18;
	v17 =	vperm.xlane v16, v7;
	vm3 =	vmneg @p0 vm3  }
0x16d: {  	vm13 =	veq.s32 v30, v4;
	v18 =	vsel vm5, v29, v18;
	vm3 =	vmand vm3, vm1  }
0x16e: {  	vm1 =	vmand vm2, vm1;
	vm2 =	vmmov vm0;
	vm14 =	vgt.s32 v16, v17  }
0x16f: {  	v19 =	vsel vm3, v15, v20;
	v15 =	vsel vm1, v15, v26;
	v16 =	vsel vm14, v16, v17  }
0x170: {  	p0 =	slt.u32 s23, $0x10;
	v63 =	vsel vm1, v18, v22;
	vm1 =	vmmov vm13;
	v20 =	vperm.xlane v16, v8  }
0x171: {  	vm2 =	vmneg @p0 vm2;
	p0 =	sgt.u32 s23, $0xF;
	v17 =	vsel vm3, v18, v21;
	vm3 =	vmmov vm0  }
0x172: {  	vm2 =	vmand vm2, vm1;
	vm3 =	vmneg @p0 vm3;
	vm15 =	vgt.s32 v16, v20  }
0x173: {  	v18 =	vsel vm2, v28, v19;
	vm1 =	vmand vm3, vm1;
	v16 =	vsel vm15, v16, v20  }
0x174: {  	v15 =	vsel vm1, v28, v15;
	v17 =	vsel vm2, v16, v17;
	v16 =	vsel vm1, v16, v63  }
.LBB2_18:
0x175: {  	p0 =	seq.s32 s19, $0x3F  }
0x176: {  	s23 =	sshll.u32 s19, $0x6;
	s22 =	sadd.s32 @!p0 $0x2, s22  }
0x177: {  	[tilespmem:s23+$0x4180] =	vst v18;
	s24 =	sshll.u32 @!p0 s22, $0x4  }
0x178: {  	[tilespmem:s23+$0x4190] =	vst v15;
	s22 =	sshll.u32 @!p0 s22, $0x9;
	s24 =	sand.u32 @!p0 $0x60, s24  }
0x179: {  	[tilespmem:s23+$0x5180] =	vst v17;
	s22 =	sand.u32 @!p0 $0xFFFF000, s22;
	s24 =	sadd.s32 @!p0 s3, s24  }
0x17a: {  	[tilespmem:s23+$0x5190] =	vst v16;
	s23 =	simm.s32 @!p0 $0x400;
	s22 =	sadd.s32 @!p0 s22, s24;
	s24 =	simm.s32 @!p0 $0x80  }
0x17b: {  	[tilespmem:s24], [sflag:$0x1] =	stream.strided.gather @!p0 [hbm4b:s22+s24], $0x1000, s23, s24, $0x38;
	[tilespmem:$0x6180] =	vst v63  }
0x17c: {  	_ =	swait.ge [sflag:s15], $0x1000  }
0x17d: {  	[sflag:s15] =	ssyncset.done $0x0  }
0x17e: {  	[sflag:s15] =	ssyncadd.s32 $0xFFFFF000  }
0x17f: {  	v15 =	vld [tilespmem:s21+$0x0];
	[tilespmem:$0x2080] =	vst v0  }
0x180: {  	[tilespmem:$0x2090] =	vst v0  }
0x181: {  	[tilespmem:$0x20A0] =	vst v0  }
0x182: {  	[tilespmem:$0x20B0] =	vst v0;
	s21 =	simm.s32 $0x1180  }
0x183: {  	v16 =	vld [tilespmem:s21+$0xF0]  }
0x184: {  	v17 =	vld [tilespmem:s21+$0xE0]  }
0x185: {  	v18 =	vld [tilespmem:s21+$0xD0]  }
0x186: {  	v19 =	vld [tilespmem:s21+$0xC0]  }
0x187: {  	v20 =	vld [tilespmem:s21+$0xB0]  }
0x188: {  	v21 =	vld [tilespmem:s21+$0xA0]  }
0x189: {  	v22 =	vld [tilespmem:s21+$0x90]  }
0x18a: {  	v23 =	vld [tilespmem:s21+$0x80]  }
0x18b: {  	v35 =	vld [tilespmem:s21+$0xFFFFFF00]  }
0x18c: {  	s20 =	sor.u32 $0x1, s20;
	v24 =	vld [tilespmem:s21+$0x70]  }
0x18d: {  	v26 =	vmov s20;
	v36 =	vld [tilespmem:s21+$0xFFFFFF10]  }
0x18e: {  	v25 =	vld [tilespmem:s21+$0x60];
	v15 =	vperm.xlane v15, v26  }
0x18f: {  	v37 =	vld [tilespmem:s21+$0xFFFFFF20]  }
0x190: {  	v27 =	vld [tilespmem:s21+$0x40];
	vm5 =	vle.f32 v35, v15  }
0x191: {  	v38 =	vld [tilespmem:s21+$0xFFFFFF30];
	v29 =	vmpcnt.ones.xlane vm5  }
0x192: {  	v28 =	vld [tilespmem:s21+$0x30];
	vm6 =	vle.f32 v36, v15  }
0x193: {  	v39 =	vld [tilespmem:s21+$0xFFFFFF40];
	v30 =	vmpcnt.ones.xlane vm6;
	(v2sf) =	vpush v29, $0x0  }
0x194: {  	v40 =	vld [tilespmem:s21+$0xFFFFFF50];
	vm7 =	vle.f32 v37, v15  }
0x195: {  	v41 =	vld [tilespmem:s21+$0xFFFFFF60];
	v31 =	vmpcnt.ones.xlane vm7;
	(v2sf) =	vpush v30, $0x0  }
0x196: {  	v42 =	vld [tilespmem:s21+$0xFFFFFF70];
	vm8 =	vle.f32 v38, v15  }
0x197: {  	v43 =	vld [tilespmem:s21+$0xFFFFFF80];
	v32 =	vmpcnt.ones.xlane vm8;
	(v2sf) =	vpush v31, $0x0  }
0x198: {  	v44 =	vld [tilespmem:s21+$0xFFFFFF90];
	vm9 =	vle.f32 v39, v15  }
0x199: {  	v46 =	vld [tilespmem:s21+$0xFFFFFFA0];
	v33 =	vmpcnt.ones.xlane vm9;
	(v2sf) =	vpush v32, $0x0  }
0x19a: {  	v48 =	vld [tilespmem:s21+$0xFFFFFFB0];
	vm10 =	vle.f32 v40, v15  }
0x19b: {  	v26 =	vld [tilespmem:s21+$0x50];
	v34 =	vmpcnt.ones.xlane vm10;
	(v2sf) =	vpush v33, $0x0  }
0x19c: {  	vm4 =	vle.f32 v41, v15;
	v29 =	vld [tilespmem:s21+$0x20]  }
0x19d: {  	v45 =	vmpcnt.ones.xlane vm4;
	v30 =	vld [tilespmem:s21+$0x10];
	(v2sf) =	vpush v34, $0x0  }
0x19e: {  	vm3 =	vle.f32 v42, v15;
	v31 =	vld [tilespmem:s21+$0x0]  }
0x19f: {  	v47 =	vmpcnt.ones.xlane vm3;
	v32 =	vld [tilespmem:s21+$0xFFFFFFF0];
	(v2sf) =	vpush v45, $0x0  }
0x1a0: {  	vm2 =	vle.f32 v43, v15;
	v33 =	vld [tilespmem:s21+$0xFFFFFFE0]  }
0x1a1: {  	s28 =	simm.s32 $0x0;
	s29 =	simm.s32 $0x0;
	v49 =	vmpcnt.ones.xlane vm2;
	v34 =	vld [tilespmem:s21+$0xFFFFFFD0];
	(v2sf) =	vpush v47, $0x0  }
0x1a2: {  	v54 =	vor.u32 s29, v4;
	vm1 =	vle.f32 v44, v15;
	v45 =	vld [tilespmem:s21+$0xFFFFFFC0];
	[tilespmem:s28+$0x2080] =	vst.msk vm5, v35;
	s30 =	spop (v2sf)  }
0x1a3: {  	s31 =	simm.s32 $0x10;
	v55 =	vmpcnt.ones.xlane vm1;
	[tilespmem:s28+$0x3100] =	vst.msk vm5, v54;
	(v2sf) =	vpush v49, $0x0;
	s23 =	sadd.s32 $0x0, s30  }
0x1a4: {  	v56 =	vor.u32 s31, v4;
	vm15 =	vle.f32 v46, v15;
	s25 =	spop (v2sf);
	[tilespmem:s23+$0x2080] =	vst.msk vm6, v36  }
0x1a5: {  	s26 =	simm.s32 $0x20;
	v57 =	vmpcnt.ones.xlane vm15;
	(v2sf) =	vpush v55, $0x0;
	s22 =	sadd.s32 s25, s23;
	[tilespmem:s23+$0x3100] =	vst.msk vm6, v56  }
0x1a6: {  	v58 =	vor.u32 s26, v4;
	s28 =	spop (v2sf);
	vm6 =	vle.f32 v48, v15;
	[tilespmem:s22+$0x2080] =	vst.msk vm7, v37  }
0x1a7: {  	s29 =	simm.s32 $0x30;
	(v2sf) =	vpush v57, $0x0;
	v59 =	vmpcnt.ones.xlane vm6;
	[tilespmem:s22+$0x3100] =	vst.msk vm7, v58;
	s22 =	sadd.s32 s28, s22  }
0x1a8: {  	v60 =	vor.u32 s29, v4;
	s30 =	spop (v2sf);
	vm7 =	vle.f32 v45, v15;
	[tilespmem:s22+$0x2080] =	vst.msk vm8, v38  }
0x1a9: {  	s31 =	simm.s32 $0x40;
	v61 =	vmpcnt.ones.xlane vm7;
	(v2sf) =	vpush v59, $0x0;
	[tilespmem:s22+$0x3100] =	vst.msk vm8, v60;
	s22 =	sadd.s32 s30, s22  }
0x1aa: {  	v62 =	vor.u32 s31, v4;
	s25 =	spop (v2sf);
	vm8 =	vle.f32 v34, v15;
	[tilespmem:s22+$0x2080] =	vst.msk vm9, v39  }
0x1ab: {  	s26 =	simm.s32 $0x50;
	v63 =	vmpcnt.ones.xlane vm8;
	(v2sf) =	vpush v61, $0x0;
	[tilespmem:s22+$0x3100] =	vst.msk vm9, v62;
	s22 =	sadd.s32 s25, s22  }
0x1ac: {  	v47 =	vor.u32 s26, v4;
	vm12 =	vle.f32 v33, v15;
	s28 =	spop (v2sf);
	[tilespmem:s22+$0x2080] =	vst.msk vm10, v40  }
0x1ad: {  	s29 =	simm.s32 $0x60;
	v49 =	vmpcnt.ones.xlane vm12;
	(v2sf) =	vpush v63, $0x0;
	[tilespmem:s22+$0x3100] =	vst.msk vm10, v47;
	s22 =	sadd.s32 s28, s22  }
0x1ae: {  	v50 =	vor.u32 s29, v4;
	vm13 =	vle.f32 v32, v15;
	s30 =	spop (v2sf);
	[tilespmem:s22+$0x2080] =	vst.msk vm4, v41  }
0x1af: {  	s31 =	simm.s32 $0x70;
	v51 =	vmpcnt.ones.xlane vm13;
	(v2sf) =	vpush v49, $0x0;
	[tilespmem:s22+$0x3100] =	vst.msk vm4, v50;
	s22 =	sadd.s32 s30, s22  }
0x1b0: {  	v52 =	vor.u32 s31, v4;
	vm14 =	vle.f32 v31, v15;
	s25 =	spop (v2sf);
	[tilespmem:s22+$0x2080] =	vst.msk vm3, v42  }
0x1b1: {  	s26 =	simm.s32 $0x80;
	v53 =	vmpcnt.ones.xlane vm14;
	(v2sf) =	vpush v51, $0x0;
	[tilespmem:s22+$0x3100] =	vst.msk vm3, v52;
	s22 =	sadd.s32 s25, s22  }
0x1b2: {  	v54 =	vor.u32 s26, v4;
	vm3 =	vle.f32 v30, v15;
	s28 =	spop (v2sf);
	[tilespmem:s22+$0x2080] =	vst.msk vm2, v43  }
0x1b3: {  	s29 =	simm.s32 $0x90;
	(v2sf) =	vpush v53, $0x0;
	v55 =	vmpcnt.ones.xlane vm3;
	[tilespmem:s22+$0x3100] =	vst.msk vm2, v54;
	s22 =	sadd.s32 s28, s22  }
0x1b4: {  	v56 =	vor.u32 s29, v4;
	s30 =	spop (v2sf);
	vm2 =	vle.f32 v29, v15;
	[tilespmem:s22+$0x2080] =	vst.msk vm1, v44  }
0x1b5: {  	s31 =	simm.s32 $0xA0;
	v57 =	vmpcnt.ones.xlane vm2;
	(v2sf) =	vpush v55, $0x0;
	[tilespmem:s22+$0x3100] =	vst.msk vm1, v56;
	s22 =	sadd.s32 s30, s22  }
0x1b6: {  	vm11 =	vle.f32 v28, v15;
	v58 =	vor.u32 s31, v4;
	s25 =	spop (v2sf);
	[tilespmem:s22+$0x2080] =	vst.msk vm15, v46  }
0x1b7: {  	s26 =	simm.s32 $0xB0;
	v59 =	vmpcnt.ones.xlane vm11;
	(v2sf) =	vpush v57, $0x0;
	[tilespmem:s22+$0x3100] =	vst.msk vm15, v58;
	s22 =	sadd.s32 s25, s22  }
0x1b8: {  	v60 =	vor.u32 s26, v4;
	vm15 =	vle.f32 v27, v15;
	s28 =	spop (v2sf);
	[tilespmem:s22+$0x2080] =	vst.msk vm6, v48  }
0x1b9: {  	s29 =	simm.s32 $0xC0;
	(v2sf) =	vpush v59, $0x0;
	v61 =	vmpcnt.ones.xlane vm15;
	[tilespmem:s22+$0x3100] =	vst.msk vm6, v60;
	s22 =	sadd.s32 s28, s22  }
0x1ba: {  	v62 =	vor.u32 s29, v4;
	vm1 =	vle.f32 v26, v15;
	s30 =	spop (v2sf);
	[tilespmem:s22+$0x2080] =	vst.msk vm7, v45  }
0x1bb: {  	s31 =	simm.s32 $0xD0;
	v63 =	vmpcnt.ones.xlane vm1;
	(v2sf) =	vpush v61, $0x0;
	[tilespmem:s22+$0x3100] =	vst.msk vm7, v62;
	s22 =	sadd.s32 s30, s22  }
0x1bc: {  	v38 =	vor.u32 s31, v4;
	vm6 =	vle.f32 v25, v15;
	s25 =	spop (v2sf);
	[tilespmem:s22+$0x2080] =	vst.msk vm8, v34  }
0x1bd: {  	s26 =	simm.s32 $0xE0;
	v39 =	vmpcnt.ones.xlane vm6;
	(v2sf) =	vpush v63, $0x0;
	[tilespmem:s22+$0x3100] =	vst.msk vm8, v38;
	s22 =	sadd.s32 s25, s22  }
0x1be: {  	v40 =	vor.u32 s26, v4;
	vm7 =	vle.f32 v24, v15;
	s28 =	spop (v2sf);
	[tilespmem:s22+$0x2080] =	vst.msk vm12, v33  }
0x1bf: {  	s29 =	simm.s32 $0xF0;
	v41 =	vmpcnt.ones.xlane vm7;
	(v2sf) =	vpush v39, $0x0;
	[tilespmem:s22+$0x3100] =	vst.msk vm12, v40;
	s22 =	sadd.s32 s28, s22  }
0x1c0: {  	v42 =	vor.u32 s29, v4;
	vm8 =	vle.f32 v23, v15;
	s30 =	spop (v2sf);
	[tilespmem:s22+$0x2080] =	vst.msk vm13, v32  }
0x1c1: {  	s31 =	simm.s32 $0x100;
	v43 =	vmpcnt.ones.xlane vm8;
	(v2sf) =	vpush v41, $0x0;
	[tilespmem:s22+$0x3100] =	vst.msk vm13, v42;
	s22 =	sadd.s32 s30, s22  }
0x1c2: {  	vm9 =	vle.f32 v22, v15;
	v44 =	vor.u32 s31, v4;
	s25 =	spop (v2sf);
	[tilespmem:s22+$0x2080] =	vst.msk vm14, v31  }
0x1c3: {  	s26 =	simm.s32 $0x110;
	v45 =	vmpcnt.ones.xlane vm9;
	(v2sf) =	vpush v43, $0x0;
	[tilespmem:s22+$0x3100] =	vst.msk vm14, v44;
	s22 =	sadd.s32 s25, s22  }
0x1c4: {  	v46 =	vor.u32 s26, v4;
	vm12 =	vle.f32 v21, v15;
	s28 =	spop (v2sf);
	[tilespmem:s22+$0x2080] =	vst.msk vm3, v30  }
0x1c5: {  	s29 =	simm.s32 $0x120;
	v47 =	vmpcnt.ones.xlane vm12;
	(v2sf) =	vpush v45, $0x0;
	[tilespmem:s22+$0x3100] =	vst.msk vm3, v46;
	s22 =	sadd.s32 s28, s22  }
0x1c6: {  	v48 =	vor.u32 s29, v4;
	vm3 =	vle.f32 v20, v15;
	s30 =	spop (v2sf);
	[tilespmem:s22+$0x2080] =	vst.msk vm2, v29  }
0x1c7: {  	s31 =	simm.s32 $0x130;
	(v2sf) =	vpush v47, $0x0;
	v49 =	vmpcnt.ones.xlane vm3;
	[tilespmem:s22+$0x3100] =	vst.msk vm2, v48;
	s22 =	sadd.s32 s30, s22  }
0x1c8: {  	v50 =	vor.u32 s31, v4;
	vm13 =	vle.f32 v19, v15;
	s25 =	spop (v2sf);
	[tilespmem:s22+$0x2080] =	vst.msk vm11, v28  }
0x1c9: {  	s26 =	simm.s32 $0x140;
	v51 =	vmpcnt.ones.xlane vm13;
	(v2sf) =	vpush v49, $0x0;
	[tilespmem:s22+$0x3100] =	vst.msk vm11, v50;
	s22 =	sadd.s32 s25, s22  }
0x1ca: {  	v52 =	vor.u32 s26, v4;
	vm14 =	vle.f32 v18, v15;
	s28 =	spop (v2sf);
	[tilespmem:s22+$0x2080] =	vst.msk vm15, v27  }
0x1cb: {  	s29 =	simm.s32 $0x150;
	v53 =	vmpcnt.ones.xlane vm14;
	(v2sf) =	vpush v51, $0x0;
	[tilespmem:s22+$0x3100] =	vst.msk vm15, v52;
	s22 =	sadd.s32 s28, s22  }
0x1cc: {  	v54 =	vor.u32 s29, v4;
	s30 =	spop (v2sf);
	vm15 =	vle.f32 v17, v15;
	[tilespmem:s22+$0x2080] =	vst.msk vm1, v26  }
0x1cd: {  	s31 =	simm.s32 $0x160;
	vm2 =	vle.f32 v16, v15;
	(v2sf) =	vpush v53, $0x0;
	v55 =	vmpcnt.ones.xlane vm15;
	[tilespmem:s22+$0x3100] =	vst.msk vm1, v54;
	s22 =	sadd.s32 s30, s22  }
0x1ce: {  	v57 =	vor.u32 s31, v4;
	v56 =	vmpcnt.ones.xlane vm2;
	s25 =	spop (v2sf);
	[tilespmem:s22+$0x2080] =	vst.msk vm6, v25  }
0x1cf: {  	s26 =	simm.s32 $0x170;
	(v2sf) =	vpush v55, $0x0;
	[tilespmem:s22+$0x3100] =	vst.msk vm6, v57;
	s22 =	sadd.s32 s25, s22  }
0x1d0: {  	v58 =	vor.u32 s26, v4;
	s28 =	spop (v2sf);
	(v2sf) =	vpush v56, $0x0;
	[tilespmem:s22+$0x2080] =	vst.msk vm7, v24  }
0x1d1: {  	s29 =	simm.s32 $0x180;
	[tilespmem:s22+$0x3100] =	vst.msk vm7, v58;
	s22 =	sadd.s32 s28, s22  }
0x1d2: {  	v59 =	vor.u32 s29, v4;
	s30 =	spop (v2sf);
	[tilespmem:s22+$0x2080] =	vst.msk vm8, v23  }
0x1d3: {  	s31 =	simm.s32 $0x190;
	[tilespmem:s22+$0x3100] =	vst.msk vm8, v59;
	s22 =	sadd.s32 s30, s22  }
0x1d4: {  	v60 =	vor.u32 s31, v4;
	s25 =	spop (v2sf);
	[tilespmem:s22+$0x2080] =	vst.msk vm9, v22  }
0x1d5: {  	s26 =	simm.s32 $0x1A0;
	[tilespmem:s22+$0x3100] =	vst.msk vm9, v60;
	s22 =	sadd.s32 s25, s22  }
0x1d6: {  	v61 =	vor.u32 s26, v4;
	s28 =	spop (v2sf);
	[tilespmem:s22+$0x2080] =	vst.msk vm12, v21  }
0x1d7: {  	s29 =	simm.s32 $0x1B0;
	[tilespmem:s22+$0x3100] =	vst.msk vm12, v61;
	s22 =	sadd.s32 s28, s22  }
0x1d8: {  	v62 =	vor.u32 s29, v4;
	s30 =	spop (v2sf);
	[tilespmem:s22+$0x2080] =	vst.msk vm3, v20  }
0x1d9: {  	s31 =	simm.s32 $0x1C0;
	[tilespmem:s22+$0x3100] =	vst.msk vm3, v62;
	s22 =	sadd.s32 s30, s22  }
0x1da: {  	v63 =	vor.u32 s31, v4;
	s24 =	spop (v2sf);
	[tilespmem:s22+$0x2080] =	vst.msk vm13, v19  }
0x1db: {  	s25 =	simm.s32 $0x1D0;
	[tilespmem:s22+$0x3100] =	vst.msk vm13, v63;
	s22 =	sadd.s32 s24, s22  }
0x1dc: {  	s26 =	spop (v2sf);
	v19 =	vor.u32 s25, v4;
	[tilespmem:s22+$0x2080] =	vst.msk vm14, v18  }
0x1dd: {  	s28 =	simm.s32 $0x1E0;
	[tilespmem:s22+$0x3100] =	vst.msk vm14, v19;
	s22 =	sadd.s32 s26, s22  }
0x1de: {  	v18 =	vor.u32 s28, v4;
	s29 =	spop (v2sf);
	[tilespmem:s22+$0x2080] =	vst.msk vm15, v17  }
0x1df: {  	s30 =	simm.s32 $0x1F0;
	s25 =	sadd.s32 s29, s22;
	s31 =	spop (v2sf);
	[tilespmem:s22+$0x3100] =	vst.msk vm15, v18  }
0x1e0: {  	v17 =	vor.u32 s30, v4;
	s22 =	simm.s32 $0x3F0;
	s24 =	sadd.s32 s31, s25;
	[tilespmem:s25+$0x2080] =	vst.msk vm2, v16  }
.LBB2_19:
0x1e1: {  	p0 =	sne.s32 s22, $0xFF0  }
0x1e2: {  	[tilespmem:s25+$0x3100] =	vst.msk vm2, v17;
	s21 =	sadd.s32 $0x200, s21;
	s23 =	smov.u32 s22;
	s22 =	sadd.s32 $0x200, s22  }
0x1e3: {  	v16 =	vld [tilespmem:s21+$0xF0]  }
0x1e4: {  	v17 =	vld [tilespmem:s21+$0xE0]  }
0x1e5: {  	v18 =	vld [tilespmem:s21+$0xD0]  }
0x1e6: {  	v19 =	vld [tilespmem:s21+$0xC0]  }
0x1e7: {  	v20 =	vld [tilespmem:s21+$0xB0]  }
0x1e8: {  	v21 =	vld [tilespmem:s21+$0xA0]  }
0x1e9: {  	v22 =	vld [tilespmem:s21+$0x90]  }
0x1ea: {  	v23 =	vld [tilespmem:s21+$0x80]  }
0x1eb: {  	v24 =	vld [tilespmem:s21+$0x70]  }
0x1ec: {  	v38 =	vld [tilespmem:s21+$0xFFFFFF00]  }
0x1ed: {  	v25 =	vld [tilespmem:s21+$0x60]  }
0x1ee: {  	v39 =	vld [tilespmem:s21+$0xFFFFFF10]  }
0x1ef: {  	v26 =	vld [tilespmem:s21+$0x50]  }
0x1f0: {  	v40 =	vld [tilespmem:s21+$0xFFFFFF20]  }
0x1f1: {  	v27 =	vld [tilespmem:s21+$0x40];
	vm6 =	vle.f32 v38, v15  }
0x1f2: {  	v41 =	vld [tilespmem:s21+$0xFFFFFF30];
	v29 =	vmpcnt.ones.xlane vm6  }
0x1f3: {  	v28 =	vld [tilespmem:s21+$0x30];
	vm9 =	vle.f32 v39, v15  }
0x1f4: {  	v42 =	vld [tilespmem:s21+$0xFFFFFF40];
	vm1 =	vle.f32 v26, v15;
	v30 =	vmpcnt.ones.xlane vm9;
	(v2sf) =	vpush v29, $0x0  }
0x1f5: {  	v29 =	vld [tilespmem:s21+$0x20];
	vm10 =	vle.f32 v40, v15;
	v32 =	vmpcnt.ones.xlane vm1  }
0x1f6: {  	v43 =	vld [tilespmem:s21+$0xFFFFFF50];
	v31 =	vmpcnt.ones.xlane vm10;
	(v2sf) =	vpush v30, $0x0  }
0x1f7: {  	v30 =	vld [tilespmem:s21+$0x10];
	vm11 =	vle.f32 v41, v15  }
0x1f8: {  	v44 =	vld [tilespmem:s21+$0xFFFFFF60];
	v33 =	vmpcnt.ones.xlane vm11;
	(v2sf) =	vpush v31, $0x0  }
0x1f9: {  	v31 =	vld [tilespmem:s21+$0x0];
	vm12 =	vle.f32 v42, v15  }
0x1fa: {  	v45 =	vld [tilespmem:s21+$0xFFFFFF70];
	vm2 =	vle.f32 v29, v15;
	v34 =	vmpcnt.ones.xlane vm12;
	(v2sf) =	vpush v33, $0x0  }
0x1fb: {  	v33 =	vld [tilespmem:s21+$0xFFFFFFF0];
	vm13 =	vle.f32 v43, v15;
	v36 =	vmpcnt.ones.xlane vm2  }
0x1fc: {  	v46 =	vld [tilespmem:s21+$0xFFFFFF80];
	vm3 =	vle.f32 v30, v15;
	v35 =	vmpcnt.ones.xlane vm13;
	(v2sf) =	vpush v34, $0x0  }
0x1fd: {  	v34 =	vld [tilespmem:s21+$0xFFFFFFE0];
	vm8 =	vle.f32 v44, v15;
	v47 =	vmpcnt.ones.xlane vm3  }
0x1fe: {  	v48 =	vld [tilespmem:s21+$0xFFFFFF90];
	vm4 =	vle.f32 v31, v15;
	v37 =	vmpcnt.ones.xlane vm8;
	(v2sf) =	vpush v35, $0x0  }
0x1ff: {  	v35 =	vld [tilespmem:s21+$0xFFFFFFD0];
	vm14 =	vle.f32 v45, v15;
	v49 =	vmpcnt.ones.xlane vm4  }
0x200: {  	v50 =	vld [tilespmem:s21+$0xFFFFFFA0];
	v51 =	vmpcnt.ones.xlane vm14;
	(v2sf) =	vpush v37, $0x0  }
0x201: {  	v37 =	vld [tilespmem:s21+$0xFFFFFFC0];
	vm7 =	vle.f32 v46, v15  }
0x202: {  	s25 =	sadd.s32 $0xFFFFFE10, s23;
	v52 =	vld [tilespmem:s21+$0xFFFFFFB0];
	v53 =	vmpcnt.ones.xlane vm7;
	(v2sf) =	vpush v51, $0x0  }
0x203: {  	v51 =	vor.u32 s25, v4;
	vm5 =	vle.f32 v48, v15;
	[tilespmem:s24+$0x2080] =	vst.msk vm6, v38;
	s25 =	spop (v2sf)  }
0x204: {  	s26 =	sadd.s32 $0xFFFFFE20, s23;
	v38 =	vmpcnt.ones.xlane vm5;
	[tilespmem:s24+$0x3100] =	vst.msk vm6, v51;
	s24 =	sadd.s32 s24, s25;
	(v2sf) =	vpush v53, $0x0  }
0x205: {  	v51 =	vor.u32 s26, v4;
	vm6 =	vle.f32 v50, v15;
	[tilespmem:s24+$0x2080] =	vst.msk vm9, v39;
	s25 =	spop (v2sf)  }
0x206: {  	s26 =	sadd.s32 $0xFFFFFE30, s23;
	v39 =	vmpcnt.ones.xlane vm6;
	[tilespmem:s24+$0x3100] =	vst.msk vm9, v51;
	s24 =	sadd.s32 s25, s24;
	(v2sf) =	vpush v38, $0x0  }
0x207: {  	v38 =	vor.u32 s26, v4;
	vm9 =	vle.f32 v52, v15;
	[tilespmem:s24+$0x2080] =	vst.msk vm10, v40;
	s25 =	spop (v2sf)  }
0x208: {  	s26 =	sadd.s32 $0xFFFFFE40, s23;
	v40 =	vmpcnt.ones.xlane vm9;
	[tilespmem:s24+$0x3100] =	vst.msk vm10, v38;
	s24 =	sadd.s32 s25, s24;
	(v2sf) =	vpush v39, $0x0  }
0x209: {  	vm10 =	vle.f32 v37, v15;
	v38 =	vor.u32 s26, v4;
	[tilespmem:s24+$0x2080] =	vst.msk vm11, v41;
	s25 =	spop (v2sf)  }
0x20a: {  	s26 =	sadd.s32 $0xFFFFFE50, s23;
	v39 =	vmpcnt.ones.xlane vm10;
	[tilespmem:s24+$0x3100] =	vst.msk vm11, v38;
	s24 =	sadd.s32 s25, s24;
	(v2sf) =	vpush v40, $0x0  }
0x20b: {  	vm11 =	vle.f32 v35, v15;
	v38 =	vor.u32 s26, v4;
	[tilespmem:s24+$0x2080] =	vst.msk vm12, v42;
	s25 =	spop (v2sf)  }
0x20c: {  	s26 =	sadd.s32 $0xFFFFFE60, s23;
	v40 =	vmpcnt.ones.xlane vm11;
	[tilespmem:s24+$0x3100] =	vst.msk vm12, v38;
	s24 =	sadd.s32 s25, s24;
	(v2sf) =	vpush v39, $0x0  }
0x20d: {  	vm12 =	vle.f32 v34, v15;
	v38 =	vor.u32 s26, v4;
	[tilespmem:s24+$0x2080] =	vst.msk vm13, v43;
	s25 =	spop (v2sf)  }
0x20e: {  	s26 =	sadd.s32 $0xFFFFFE70, s23;
	v39 =	vmpcnt.ones.xlane vm12;
	[tilespmem:s24+$0x3100] =	vst.msk vm13, v38;
	s24 =	sadd.s32 s25, s24;
	(v2sf) =	vpush v40, $0x0  }
0x20f: {  	vm13 =	vle.f32 v33, v15;
	v38 =	vor.u32 s26, v4;
	[tilespmem:s24+$0x2080] =	vst.msk vm8, v44;
	s25 =	spop (v2sf)  }
0x210: {  	s26 =	sadd.s32 $0xFFFFFE80, s23;
	v40 =	vmpcnt.ones.xlane vm13;
	[tilespmem:s24+$0x3100] =	vst.msk vm8, v38;
	s24 =	sadd.s32 s25, s24;
	(v2sf) =	vpush v39, $0x0  }
0x211: {  	v38 =	vor.u32 s26, v4;
	[tilespmem:s24+$0x2080] =	vst.msk vm14, v45;
	s25 =	spop (v2sf)  }
0x212: {  	s26 =	sadd.s32 $0xFFFFFE90, s23;
	[tilespmem:s24+$0x3100] =	vst.msk vm14, v38;
	s24 =	sadd.s32 s25, s24;
	(v2sf) =	vpush v40, $0x0  }
0x213: {  	v38 =	vor.u32 s26, v4;
	[tilespmem:s24+$0x2080] =	vst.msk vm7, v46;
	s25 =	spop (v2sf)  }
0x214: {  	s26 =	sadd.s32 $0xFFFFFEA0, s23;
	[tilespmem:s24+$0x3100] =	vst.msk vm7, v38;
	s24 =	sadd.s32 s25, s24;
	(v2sf) =	vpush v49, $0x0  }
0x215: {  	v38 =	vor.u32 s26, v4;
	[tilespmem:s24+$0x2080] =	vst.msk vm5, v48;
	s25 =	spop (v2sf)  }
0x216: {  	s26 =	sadd.s32 $0xFFFFFEB0, s23;
	[tilespmem:s24+$0x3100] =	vst.msk vm5, v38;
	s24 =	sadd.s32 s25, s24;
	(v2sf) =	vpush v47, $0x0  }
0x217: {  	vm7 =	vle.f32 v28, v15;
	v38 =	vor.u32 s26, v4;
	[tilespmem:s24+$0x2080] =	vst.msk vm6, v50;
	s25 =	spop (v2sf)  }
0x218: {  	v39 =	vmpcnt.ones.xlane vm7;
	s26 =	sadd.s32 $0xFFFFFEC0, s23;
	[tilespmem:s24+$0x3100] =	vst.msk vm6, v38;
	s24 =	sadd.s32 s25, s24;
	(v2sf) =	vpush v36, $0x0  }
0x219: {  	vm8 =	vle.f32 v27, v15;
	v36 =	vor.u32 s26, v4;
	[tilespmem:s24+$0x2080] =	vst.msk vm9, v52;
	s25 =	spop (v2sf)  }
0x21a: {  	s26 =	sadd.s32 $0xFFFFFED0, s23;
	v38 =	vmpcnt.ones.xlane vm8;
	[tilespmem:s24+$0x3100] =	vst.msk vm9, v36;
	s24 =	sadd.s32 s25, s24;
	(v2sf) =	vpush v39, $0x0  }
0x21b: {  	v36 =	vor.u32 s26, v4;
	[tilespmem:s24+$0x2080] =	vst.msk vm10, v37;
	s25 =	spop (v2sf)  }
0x21c: {  	s26 =	sadd.s32 $0xFFFFFEE0, s23;
	[tilespmem:s24+$0x3100] =	vst.msk vm10, v36;
	s24 =	sadd.s32 s25, s24;
	(v2sf) =	vpush v38, $0x0  }
0x21d: {  	vm5 =	vle.f32 v25, v15;
	v36 =	vor.u32 s26, v4;
	[tilespmem:s24+$0x2080] =	vst.msk vm11, v35;
	s25 =	spop (v2sf)  }
0x21e: {  	s26 =	sadd.s32 $0xFFFFFEF0, s23;
	v35 =	vmpcnt.ones.xlane vm5;
	[tilespmem:s24+$0x3100] =	vst.msk vm11, v36;
	s24 =	sadd.s32 s25, s24;
	(v2sf) =	vpush v32, $0x0  }
0x21f: {  	vm6 =	vle.f32 v24, v15;
	v32 =	vor.u32 s26, v4;
	[tilespmem:s24+$0x2080] =	vst.msk vm12, v34;
	s25 =	spop (v2sf)  }
0x220: {  	s26 =	sadd.s32 $0xFFFFFF00, s23;
	v34 =	vmpcnt.ones.xlane vm6;
	[tilespmem:s24+$0x3100] =	vst.msk vm12, v32;
	s24 =	sadd.s32 s25, s24;
	(v2sf) =	vpush v35, $0x0  }
0x221: {  	vm9 =	vle.f32 v23, v15;
	v32 =	vor.u32 s26, v4;
	[tilespmem:s24+$0x2080] =	vst.msk vm13, v33;
	s25 =	spop (v2sf)  }
0x222: {  	s26 =	sadd.s32 $0xFFFFFF10, s23;
	v33 =	vmpcnt.ones.xlane vm9;
	[tilespmem:s24+$0x3100] =	vst.msk vm13, v32;
	s24 =	sadd.s32 s25, s24;
	(v2sf) =	vpush v34, $0x0  }
0x223: {  	vm10 =	vle.f32 v22, v15;
	v32 =	vor.u32 s26, v4;
	[tilespmem:s24+$0x2080] =	vst.msk vm4, v31;
	s25 =	spop (v2sf)  }
0x224: {  	s26 =	sadd.s32 $0xFFFFFF20, s23;
	v31 =	vmpcnt.ones.xlane vm10;
	[tilespmem:s24+$0x3100] =	vst.msk vm4, v32;
	s24 =	sadd.s32 s25, s24;
	(v2sf) =	vpush v33, $0x0  }
0x225: {  	vm4 =	vle.f32 v21, v15;
	v32 =	vor.u32 s26, v4;
	[tilespmem:s24+$0x2080] =	vst.msk vm3, v30;
	s25 =	spop (v2sf)  }
0x226: {  	s26 =	sadd.s32 $0xFFFFFF30, s23;
	v30 =	vmpcnt.ones.xlane vm4;
	[tilespmem:s24+$0x3100] =	vst.msk vm3, v32;
	s24 =	sadd.s32 s25, s24;
	(v2sf) =	vpush v31, $0x0  }
0x227: {  	vm3 =	vle.f32 v20, v15;
	v31 =	vor.u32 s26, v4;
	[tilespmem:s24+$0x2080] =	vst.msk vm2, v29;
	s25 =	spop (v2sf)  }
0x228: {  	s26 =	sadd.s32 $0xFFFFFF40, s23;
	v29 =	vmpcnt.ones.xlane vm3;
	[tilespmem:s24+$0x3100] =	vst.msk vm2, v31;
	s24 =	sadd.s32 s25, s24;
	(v2sf) =	vpush v30, $0x0  }
0x229: {  	vm11 =	vle.f32 v19, v15;
	v30 =	vor.u32 s26, v4;
	[tilespmem:s24+$0x2080] =	vst.msk vm7, v28;
	s25 =	spop (v2sf)  }
0x22a: {  	s26 =	sadd.s32 $0xFFFFFF50, s23;
	v28 =	vmpcnt.ones.xlane vm11;
	[tilespmem:s24+$0x3100] =	vst.msk vm7, v30;
	s24 =	sadd.s32 s25, s24;
	(v2sf) =	vpush v29, $0x0  }
0x22b: {  	vm7 =	vle.f32 v18, v15;
	v29 =	vor.u32 s26, v4;
	[tilespmem:s24+$0x2080] =	vst.msk vm8, v27;
	s25 =	spop (v2sf)  }
0x22c: {  	s26 =	sadd.s32 $0xFFFFFF60, s23;
	v27 =	vmpcnt.ones.xlane vm7;
	[tilespmem:s24+$0x3100] =	vst.msk vm8, v29;
	s24 =	sadd.s32 s25, s24;
	(v2sf) =	vpush v28, $0x0  }
0x22d: {  	vm8 =	vle.f32 v17, v15;
	v28 =	vor.u32 s26, v4;
	[tilespmem:s24+$0x2080] =	vst.msk vm1, v26;
	s25 =	spop (v2sf)  }
0x22e: {  	vm2 =	vle.f32 v16, v15;
	s26 =	sadd.s32 $0xFFFFFF70, s23;
	v26 =	vmpcnt.ones.xlane vm8;
	[tilespmem:s24+$0x3100] =	vst.msk vm1, v28;
	s24 =	sadd.s32 s25, s24;
	(v2sf) =	vpush v27, $0x0  }
0x22f: {  	v27 =	vmpcnt.ones.xlane vm2;
	v28 =	vor.u32 s26, v4;
	[tilespmem:s24+$0x2080] =	vst.msk vm5, v25;
	s25 =	spop (v2sf)  }
0x230: {  	s26 =	sadd.s32 $0xFFFFFF80, s23;
	[tilespmem:s24+$0x3100] =	vst.msk vm5, v28;
	s24 =	sadd.s32 s25, s24;
	(v2sf) =	vpush v26, $0x0  }
0x231: {  	v25 =	vor.u32 s26, v4;
	[tilespmem:s24+$0x2080] =	vst.msk vm6, v24;
	s25 =	spop (v2sf);
	(v2sf) =	vpush v27, $0x0  }
0x232: {  	s26 =	sadd.s32 $0xFFFFFF90, s23;
	[tilespmem:s24+$0x3100] =	vst.msk vm6, v25;
	s24 =	sadd.s32 s25, s24  }
0x233: {  	v24 =	vor.u32 s26, v4;
	[tilespmem:s24+$0x2080] =	vst.msk vm9, v23;
	s25 =	spop (v2sf)  }
0x234: {  	s26 =	sadd.s32 $0xFFFFFFA0, s23;
	[tilespmem:s24+$0x3100] =	vst.msk vm9, v24;
	s24 =	sadd.s32 s25, s24  }
0x235: {  	v23 =	vor.u32 s26, v4;
	[tilespmem:s24+$0x2080] =	vst.msk vm10, v22;
	s25 =	spop (v2sf)  }
0x236: {  	s26 =	sadd.s32 $0xFFFFFFB0, s23;
	[tilespmem:s24+$0x3100] =	vst.msk vm10, v23;
	s24 =	sadd.s32 s25, s24  }
0x237: {  	v22 =	vor.u32 s26, v4;
	[tilespmem:s24+$0x2080] =	vst.msk vm4, v21;
	s25 =	spop (v2sf)  }
0x238: {  	s26 =	sadd.s32 $0xFFFFFFC0, s23;
	[tilespmem:s24+$0x3100] =	vst.msk vm4, v22;
	s24 =	sadd.s32 s25, s24  }
0x239: {  	v21 =	vor.u32 s26, v4;
	[tilespmem:s24+$0x2080] =	vst.msk vm3, v20;
	s25 =	spop (v2sf)  }
0x23a: {  	s26 =	sadd.s32 $0xFFFFFFD0, s23;
	[tilespmem:s24+$0x3100] =	vst.msk vm3, v21;
	s24 =	sadd.s32 s25, s24  }
0x23b: {  	v20 =	vor.u32 s26, v4;
	[tilespmem:s24+$0x2080] =	vst.msk vm11, v19;
	s25 =	spop (v2sf)  }
0x23c: {  	s26 =	sadd.s32 $0xFFFFFFE0, s23;
	[tilespmem:s24+$0x3100] =	vst.msk vm11, v20;
	s24 =	sadd.s32 s25, s24  }
.Ltmp7:
0x23d: {  	v19 =	vor.u32 s26, v4;
	[tilespmem:s24+$0x2080] =	vst.msk vm7, v18;
	s25 =	spop (v2sf);
	(pc) =	sbr.rel @p0 .LBB2_19-.Ltmp7, $4  }
0x23e: {  	s26 =	sadd.s32 $0xFFFFFFF0, s23;
	[tilespmem:s24+$0x3100] =	vst.msk vm7, v19;
	s24 =	sadd.s32 s25, s24  }
0x23f: {  	v18 =	vor.u32 s26, v4;
	[tilespmem:s24+$0x2080] =	vst.msk vm8, v17;
	s25 =	spop (v2sf)  }
0x240: {  	[tilespmem:s24+$0x3100] =	vst.msk vm8, v18;
	s25 =	sadd.s32 s25, s24;
	s24 =	spop (v2sf)  }
0x241: {  	v17 =	vor.u32 s23, v4;
	[tilespmem:s25+$0x2080] =	vst.msk vm2, v16;
	s24 =	sadd.s32 s24, s25  }
0x242: {  	p0 =	sgt.s32 s24, $0x40  }
.Ltmp8:
0x243: {  	_ = 	snop;
	(pc) =	sbr.rel @p0 .LBB2_21-.Ltmp8, $3  }
0x244: {  	_ =	sdelay $0x1  }
0x245: {  	[tilespmem:s25+$0x3100] =	vst.msk vm2, v17;
	v15 =	vimm.f32 $+Inf  }
0x246: {  	[tilespmem:s24+$0x2080] =	vst v15  }
0x247: {  	v20 =	vld [tilespmem:$0x2080]  }
0x248: {  	v21 =	vld [tilespmem:$0x2090]  }
0x249: {  	v22 =	vld [tilespmem:$0x20A0]  }
0x24a: {  	v23 =	vld [tilespmem:$0x20B0];
	_ =	sdelay $0x4  }
0x24b: {  	v15 =	vmin.f32 v20, v21;
	v16 =	vmin.f32 v22, v23  }
0x24c: {  	v15 =	vmin.f32 v15, v16  }
0x24d: {  	v16 =	vperm.xlane v15, v5;
	_ =	sdelay $0x1  }
0x24e: {  	v15 =	vmin.f32 v15, v16  }
0x24f: {  	v16 =	vperm.xlane v15, v6;
	_ =	sdelay $0x1  }
0x250: {  	v15 =	vmin.f32 v15, v16  }
0x251: {  	v16 =	vperm.xlane v15, v7;
	_ =	sdelay $0x1  }
0x252: {  	v15 =	vmin.f32 v15, v16  }
0x253: {  	v16 =	vperm.xlane v15, v8;
	_ =	sdelay $0x1  }
0x254: {  	v15 =	vmin.f32 v15, v16  }
0x255: {  	vm1 =	veq.f32 v23, v15  }
0x256: {  	vm2 =	veq.f32 v22, v15;
	v16 =	vnsel vm1, $0x1010, v9  }
0x257: {  	vm1 =	veq.f32 v21, v15;
	v16 =	vsel vm2, v11, v16  }
0x258: {  	vm2 =	veq.f32 v20, v15;
	v16 =	vsel vm1, v13, v16  }
0x259: {  	v16 =	vsel vm2, v4, v16  }
0x25a: {  	v17 =	vperm.xlane v16, v5;
	_ =	sdelay $0x1  }
0x25b: {  	vm1 =	vlt.s32 v16, v17  }
0x25c: {  	v16 =	vsel vm1, v16, v17  }
0x25d: {  	v17 =	vperm.xlane v16, v6;
	_ =	sdelay $0x1  }
0x25e: {  	vm1 =	vlt.s32 v16, v17  }
0x25f: {  	v16 =	vsel vm1, v16, v17  }
0x260: {  	v17 =	vperm.xlane v16, v7;
	_ =	sdelay $0x1  }
0x261: {  	vm1 =	vlt.s32 v16, v17  }
0x262: {  	v18 =	vsel vm1, v16, v17  }
0x263: {  	v19 =	vperm.xlane v18, v8;
	_ =	sdelay $0x1  }
0x264: {  	v16 =	vld [tilespmem:$0x3100];
	vm1 =	vlt.s32 v18, v19  }
0x265: {  	v17 =	vld [tilespmem:$0x3110];
	v24 =	vsel vm1, v18, v19  }
0x266: {  	v18 =	vld [tilespmem:$0x3120];
	vm1 =	veq.s32 v24, v4;
	vm2 =	veq.s32 v24, v13  }
0x267: {  	v19 =	vld [tilespmem:$0x3130];
	vm3 =	veq.s32 v24, v9;
	vm4 =	veq.s32 v24, v11;
	v24 =	vsel vm2, $0x7F800000, v21  }
0x268: {  	v25 =	vsel vm3, $0x7F800000, v23;
	v23 =	vsel vm1, $0x7F800000, v20;
	v27 =	vsel vm4, $0x7F800000, v22  }
0x269: {  	v20 =	vnsel vm1, $0x0, v16;
	v21 =	vmin.f32 v23, v24;
	v22 =	vmin.f32 v27, v25  }
0x26a: {  	v20 =	vsel vm2, v17, v20;
	v21 =	vmin.f32 v21, v22  }
0x26b: {  	v20 =	vsel vm4, v18, v20;
	v22 =	vperm.xlane v21, v5  }
0x26c: {  	v20 =	vsel vm3, v19, v20  }
0x26d: {  	v26 =	vperm.xlane v20, v5;
	v21 =	vmin.f32 v21, v22  }
0x26e: {  	v22 =	vperm.xlane v21, v6  }
0x26f: {  	vm1 =	vgt.s32 v20, v26  }
0x270: {  	s22 =	simm.s32 $0x0;
	v26 =	vsel vm1, v20, v26;
	v21 =	vmin.f32 v21, v22  }
0x271: {  	s21 =	simm.s32 $0x1;
	s23 =	sand.u32 $0xF, s22;
	v22 =	vperm.xlane v26, v6;
	v28 =	vperm.xlane v21, v7  }
0x272: {  	s31 =	sand.u32 $0xF, s21;
	v29 =	vmov s23  }
0x273: {  	v30 =	vmov s31;
	vm1 =	vgt.s32 v26, v22;
	v28 =	vmin.f32 v21, v28  }
0x274: {  	v20 =	vimm.f32 $+Inf;
	v22 =	vsel vm1, v26, v22;
	v26 =	vperm.xlane v28, v8  }
0x275: {  	v21 =	vimm.s32 $0x0;
	vm1 =	veq.s32 v29, v4;
	v29 =	vperm.xlane v22, v7  }
0x276: {  	vm1 =	vmmov vm1;
	v28 =	vmin.f32 v28, v26;
	v26 =	vimm.f32 $+Inf  }
0x277: {  	vm2 =	vgt.s32 v22, v29;
	vm3 =	veq.f32 v24, v28;
	vm5 =	veq.f32 v25, v28  }
0x278: {  	p0 =	por $0x0, $0x0;
	vm4 =	veq.f32 v27, v28;
	v29 =	vsel vm2, v22, v29;
	vm2 =	vmmov vm0  }
0x279: {  	s23 =	simm.s32 $0x2;
	v31 =	vnsel vm5, $0x1010, v9;
	v22 =	vimm.s32 $0x0;
	vm2 =	vmneg @p0 vm2  }
.LBB2_32:
0x27a: {  	p0 =	seq.s32 s23, $0x1F;
	v31 =	vsel vm4, v11, v31;
	vm4 =	veq.s32 v30, v4;
	v30 =	vperm.xlane v29, v8;
	p1 =	slt.u32 s22, $0x10  }
0x27b: {  	s22 =	smov.u32 s21;
	s21 =	smov.u32 s23;
	s23 =	sadd.s32 $0x1, s23;
	vm5 =	veq.f32 v23, v28;
	v31 =	vsel vm3, v13, v31;
	vm3 =	vmmov vm0  }
0x27c: {  	vm3 =	vmneg @p1 vm3;
	v31 =	vsel vm5, v4, v31  }
0x27d: {  	vm5 =	vgt.s32 v29, v30;
	vm3 =	vmand vm3, vm1;
	v32 =	vperm.xlane v31, v5  }
0x27e: {  	v29 =	vsel vm5, v29, v30;
	vm1 =	vmand vm2, vm1;
	v20 =	vsel vm3, v15, v20  }
0x27f: {  	v26 =	vsel vm1, v15, v26;
	v21 =	vsel vm3, v29, v21;
	v15 =	vmovc v28;
	vm2 =	vlt.s32 v31, v32  }
0x280: {  	v22 =	vsel vm1, v29, v22;
	vm1 =	vmmov vm4;
	v28 =	vsel vm2, v31, v32  }
0x281: {  	v29 =	vperm.xlane v28, v6;
	_ =	sdelay $0x1  }
0x282: {  	vm2 =	vlt.s32 v28, v29  }
0x283: {  	v28 =	vsel vm2, v28, v29  }
0x284: {  	v29 =	vperm.xlane v28, v7;
	_ =	sdelay $0x1  }
0x285: {  	vm2 =	vlt.s32 v28, v29  }
0x286: {  	v28 =	vsel vm2, v28, v29  }
0x287: {  	v29 =	vperm.xlane v28, v8;
	_ =	sdelay $0x1  }
0x288: {  	vm2 =	vlt.s32 v28, v29  }
0x289: {  	v28 =	vsel vm2, v28, v29  }
0x28a: {  	vm2 =	veq.s32 v28, v4;
	vm3 =	veq.s32 v28, v13  }
0x28b: {  	vm4 =	veq.s32 v28, v9;
	vm5 =	veq.s32 v28, v11;
	v24 =	vsel vm3, $0x7F800000, v24  }
0x28c: {  	v25 =	vsel vm4, $0x7F800000, v25;
	v23 =	vsel vm2, $0x7F800000, v23;
	v27 =	vsel vm5, $0x7F800000, v27  }
0x28d: {  	v28 =	vnsel vm2, $0x0, v16;
	v29 =	vmin.f32 v23, v24;
	v30 =	vmin.f32 v27, v25  }
0x28e: {  	v28 =	vsel vm3, v17, v28;
	v29 =	vmin.f32 v29, v30  }
0x28f: {  	v28 =	vsel vm5, v18, v28;
	v30 =	vperm.xlane v29, v5  }
0x290: {  	v28 =	vsel vm4, v19, v28  }
0x291: {  	v31 =	vperm.xlane v28, v5;
	v29 =	vmin.f32 v29, v30  }
0x292: {  	v30 =	vperm.xlane v29, v6  }
0x293: {  	vm2 =	vgt.s32 v28, v31  }
0x294: {  	v28 =	vsel vm2, v28, v31;
	v29 =	vmin.f32 v29, v30  }
0x295: {  	v30 =	vperm.xlane v28, v6;
	v31 =	vperm.xlane v29, v7;
	_ =	sdelay $0x1  }
0x296: {  	vm2 =	vgt.s32 v28, v30;
	v29 =	vmin.f32 v29, v31  }
0x297: {  	v31 =	vsel vm2, v28, v30;
	v28 =	vperm.xlane v29, v8  }
.Ltmp9:
0x298: {  	v32 =	vperm.xlane v31, v7;
	(pc) =	sbr.rel @!p0 .LBB2_32-.Ltmp9, $4  }
0x299: {  	s24 =	sand.u32 $0xF, s21;
	v28 =	vmin.f32 v29, v28  }
0x29a: {  	v30 =	vmov s24;
	vm2 =	vgt.s32 v31, v32;
	vm3 =	veq.f32 v24, v28  }
0x29b: {  	p1 =	sgt.u32 s22, $0xF;
	vm5 =	veq.f32 v25, v28;
	v29 =	vsel vm2, v31, v32;
	vm2 =	vmmov vm0  }
0x29c: {  	vm4 =	veq.f32 v27, v28;
	v31 =	vnsel vm5, $0x1010, v9;
	vm2 =	vmneg @p1 vm2  }
0x29d: {  	v24 =	vsel vm4, v11, v31  }
0x29e: {  	vm10 =	veq.f32 v23, v28;
	v61 =	vsel vm3, v13, v24  }
0x29f: {  	v23 =	vsel vm10, v4, v61  }
0x2a0: {  	v62 =	vperm.xlane v23, v5;
	_ =	sdelay $0x1  }
0x2a1: {  	vm3 =	vlt.s32 v23, v62  }
0x2a2: {  	v23 =	vsel vm3, v23, v62  }
0x2a3: {  	v24 =	vperm.xlane v23, v6;
	_ =	sdelay $0x1  }
0x2a4: {  	vm3 =	vlt.s32 v23, v24  }
0x2a5: {  	v23 =	vsel vm3, v23, v24  }
0x2a6: {  	v24 =	vperm.xlane v23, v7;
	_ =	sdelay $0x1  }
0x2a7: {  	vm3 =	vlt.s32 v23, v24  }
0x2a8: {  	v23 =	vsel vm3, v23, v24  }
0x2a9: {  	v24 =	vperm.xlane v23, v8;
	_ =	sdelay $0x1  }
0x2aa: {  	vm3 =	vlt.s32 v23, v24  }
0x2ab: {  	v23 =	vsel vm3, v23, v24  }
0x2ac: {  	vm3 =	veq.s32 v23, v4  }
0x2ad: {  	vm11 =	veq.s32 v23, v13;
	v16 =	vnsel vm3, $0x0, v16  }
0x2ae: {  	vm3 =	veq.s32 v23, v11;
	v16 =	vsel vm11, v17, v16  }
0x2af: {  	vm12 =	veq.s32 v23, v9;
	v16 =	vsel vm3, v18, v16  }
0x2b0: {  	v16 =	vsel vm12, v19, v16  }
0x2b1: {  	v17 =	vperm.xlane v16, v5;
	_ =	sdelay $0x1  }
0x2b2: {  	vm3 =	vgt.s32 v16, v17  }
0x2b3: {  	v16 =	vsel vm3, v16, v17  }
0x2b4: {  	v17 =	vperm.xlane v16, v6;
	_ =	sdelay $0x1  }
0x2b5: {  	v18 =	vperm.xlane v29, v8;
	vm3 =	vgt.s32 v16, v17  }
0x2b6: {  	p0 =	slt.u32 s22, $0x10;
	v16 =	vsel vm3, v16, v17;
	vm3 =	vmmov vm0  }
0x2b7: {  	vm5 =	vgt.s32 v29, v18;
	v17 =	vperm.xlane v16, v7;
	vm3 =	vmneg @p0 vm3  }
0x2b8: {  	vm13 =	veq.s32 v30, v4;
	v18 =	vsel vm5, v29, v18;
	vm3 =	vmand vm3, vm1  }
0x2b9: {  	vm1 =	vmand vm2, vm1;
	vm2 =	vmmov vm0;
	vm14 =	vgt.s32 v16, v17  }
0x2ba: {  	v19 =	vsel vm3, v15, v20;
	v15 =	vsel vm1, v15, v26;
	v16 =	vsel vm14, v16, v17  }
.Ltmp10:
0x2bb: {  	p0 =	slt.u32 s21, $0x10;
	v63 =	vsel vm1, v18, v22;
	vm1 =	vmmov vm13;
	v20 =	vperm.xlane v16, v8;
	(pc) =	sbr.rel .LBB2_34-.Ltmp10, $4  }
0x2bc: {  	vm2 =	vmneg @p0 vm2;
	p0 =	sgt.u32 s21, $0xF;
	v17 =	vsel vm3, v18, v21;
	vm3 =	vmmov vm0  }
0x2bd: {  	vm2 =	vmand vm2, vm1;
	vm3 =	vmneg @p0 vm3;
	vm15 =	vgt.s32 v16, v20  }
0x2be: {  	v18 =	vsel vm2, v28, v19;
	vm1 =	vmand vm3, vm1;
	v16 =	vsel vm15, v16, v20  }
0x2bf: {  	v15 =	vsel vm1, v28, v15;
	v17 =	vsel vm2, v16, v17;
	v16 =	vsel vm1, v16, v63  }
.LBB2_5:
0x2c0: {  	s23 =	sadd.s32 $0xF, s26  }
0x2c1: {  	s24 =	sand.u32 $0xF, s23;
	s31 =	sshra.s32 s23, $0x1F  }
.Ltmp11:
0x2c2: {  	p1 =	slt.s32 s23, $0x1;
	p0 =	sne.s32 s24, $0x0;
	(pc) =	sbr.rel .LBB2_6-.Ltmp11, $4  }
0x2c3: {  	s24 =	sshrl.u32 s31, $0x1C;
	p0 =	por !p1, !p0  }
0x2c4: {  	s23 =	sadd.s32 s24, s23;
	s24 =	simm.s32 $0x1;
	p0 =	por !p0, !p0  }
0x2c5: {  	s23 =	sshra.s32 s23, $0x4;
	s24 =	simm.s32 @!p0 $0x0  }
0x2c6: {  	v16 =	vimm.s32 $0x0;
	v17 =	vimm.s32 $0x0;
	v18 =	vimm.f32 $+Inf;
	s23 =	ssub.s32 s23, s24;
	s24 =	simm.s32 $0x0  }
.LBB2_13:
0x2c7: {  	v21 =	vnsel vm1, $0x1010, v21  }
0x2c8: {  	vm1 =	vlt.s32 v20, v21  }
0x2c9: {  	v20 =	vsel vm1, v20, v21  }
.LBB2_14:
0x2ca: {  	v21 =	vperm.xlane v20, v5;
	_ =	sdelay $0x1  }
0x2cb: {  	vm1 =	vlt.s32 v20, v21  }
0x2cc: {  	v20 =	vsel vm1, v20, v21  }
0x2cd: {  	v21 =	vperm.xlane v20, v10;
	_ =	sdelay $0x1  }
0x2ce: {  	vm1 =	vlt.s32 v20, v21  }
0x2cf: {  	v20 =	vsel vm1, v20, v21  }
0x2d0: {  	v21 =	vperm.xlane v20, v12;
	_ =	sdelay $0x1  }
0x2d1: {  	vm1 =	vlt.s32 v20, v21  }
0x2d2: {  	v20 =	vsel vm1, v20, v21  }
0x2d3: {  	v21 =	vperm.xlane v20, v14;
	_ =	sdelay $0x1  }
0x2d4: {  	vm1 =	vlt.s32 v20, v21  }
0x2d5: {  	v20 =	vsel vm1, v20, v21  }
0x2d6: {  	(v2sf) =	vpush v20, $0x0;
	_ =	sdelay $0xe  }
0x2d7: {  	s25 =	spop (v2sf)  }
0x2d8: {  	s26 =	sand.u32 $0xF, s25  }
0x2d9: {  	s30 =	sshra.s32 s25, $0x1F;
	p1 =	slt.s32 s25, $0x1;
	p0 =	sne.s32 s26, $0x0  }
0x2da: {  	s26 =	sshrl.u32 s30, $0x1C;
	p0 =	por !p1, !p0  }
0x2db: {  	s25 =	sadd.s32 s26, s25;
	s26 =	simm.s32 $0x1;
	p0 =	por !p0, !p0  }
0x2dc: {  	s25 =	sshrl.u32 s25, $0x4;
	s26 =	simm.s32 @!p0 $0x0  }
0x2dd: {  	s25 =	ssub.s32 s25, s26  }
0x2de: {  	s25 =	sshll.u32 s25, $0x4  }
0x2df: {  	vm1 =	vmmov vm0;
	p0 =	slt.u32 s24, $0x10;
	v62 =	vld [tilespmem:s25+$0x3100]  }
0x2e0: {  	s31 =	sand.u32 $0xF, s24;
	vm4 =	vmmov vm0;
	vm1 =	vmneg @p0 vm1;
	p0 =	sgt.u32 s24, $0xF;
	s24 =	sadd.s32 $0x1, s24;
	v22 =	vld [tilespmem:s25+$0x2080]  }
0x2e1: {  	vm4 =	vmneg @p0 vm4;
	p0 =	sne.s32 s24, $0x20  }
.Ltmp12:
0x2e2: {  	v23 =	vmov s31;
	(pc) =	sbr.rel @!p0 .LBB2_18-.Ltmp12, $4  }
0x2e3: {  	vm2 =	veq.s32 v23, v4;
	v24 =	vor.u32 s25, v4  }
0x2e4: {  	vm1 =	vmand vm1, vm2;
	vm3 =	veq.s32 v24, v20;
	v20 =	vperm.xlane v62, v20  }
0x2e5: {  	vm2 =	vmand vm4, vm2;
	v18 =	vsel vm1, v19, v18;
	v63 =	vsel vm3, $0x7F800000, v22  }
0x2e6: {  	v15 =	vsel vm2, v19, v15;
	[tilespmem:s25+$0x2080] =	vst v63;
	v17 =	vsel vm1, v20, v17;
	v16 =	vsel vm2, v20, v16  }
.LBB2_6:
0x2e7: {  	p0 =	slt.s32 s23, $0x1  }
.Ltmp13:
0x2e8: {  	_ = 	snop;
	(pc) =	sbr.rel @p0 .LBB2_10-.Ltmp13, $2  }
0x2e9: {  	_ =	sdelay $0x2  }
0x2ea: {  	s25 =	simm.s32 $0x2080;
	v19 =	vimm.f32 $+Inf  }
0x2eb: {  	p1 =	sne.s32 s23, $0x1  }
.Ltmp14:
0x2ec: {  	_ = 	snop;
	(pc) =	sbr.rel @!p1 .LBB2_9-.Ltmp14, $2  }
0x2ed: {  	_ =	sdelay $0x2  }
0x2ee: {  	s26 =	sadd.s32 $0xFFFFFFFF, s23;
	v20 =	vld [tilespmem:s25+$0x0];
	v19 =	vimm.f32 $+Inf  }
.LBB2_8:
0x2ef: {  	p1 =	sne.s32 s26, $0x1  }
.Ltmp15:
0x2f0: {  	_ = 	snop;
	(pc) =	sbr.rel @p1 .LBB2_8-.Ltmp15, $3  }
0x2f1: {  	_ =	sdelay $0x1  }
0x2f2: {  	s26 =	sadd.s32 $0xFFFFFFFF, s26;
	s25 =	sadd.s32 $0x10, s25;
	v19 =	vmin.f32 v19, v20  }
0x2f3: {  	v20 =	vld [tilespmem:s25+$0x0]  }
.LBB2_9:
0x2f4: {  	_ =	sdelay $0x3  }
0x2f5: {  	v19 =	vmin.f32 v19, v20  }
.LBB2_10:
0x2f6: {  	v20 =	vperm.xlane v19, v5;
	_ =	sdelay $0x1  }
0x2f7: {  	v19 =	vmin.f32 v19, v20  }
0x2f8: {  	v20 =	vperm.xlane v19, v1;
	_ =	sdelay $0x1  }
0x2f9: {  	v19 =	vmin.f32 v19, v20  }
0x2fa: {  	v20 =	vperm.xlane v19, v2  }
.Ltmp16:
0x2fb: {  	_ = 	snop;
	(pc) =	sbr.rel @p0 .LBB2_14-.Ltmp16, $3  }
0x2fc: {  	v19 =	vmin.f32 v19, v20  }
0x2fd: {  	v20 =	vperm.xlane v19, v3;
	_ =	sdelay $0x1  }
0x2fe: {  	v19 =	vmin.f32 v19, v20;
	v20 =	vimm.s32 $0x1010  }
0x2ff: {  	s25 =	simm.s32 $0x2080  }
0x300: {  	p0 =	sne.s32 s23, $0x1;
	v21 =	vld [tilespmem:s25+$0x0]  }
.Ltmp17:
0x301: {  	_ = 	snop;
	(pc) =	sbr.rel @!p0 .LBB2_13-.Ltmp17, $3  }
0x302: {  	_ =	sdelay $0x1  }
0x303: {  	s25 =	simm.s32 $0x0  }
0x304: {  	s26 =	sadd.s32 $0xFFFFFFFF, s23;
	s28 =	simm.s32 $0x2090;
	vm1 =	veq.f32 v21, v19;
	v21 =	vor.u32 s25, v4  }
.LBB2_12:
0x305: {  	v22 =	vld [tilespmem:s28+$0x0];
	p0 =	sne.s32 s26, $0x1;
	s26 =	sadd.s32 $0xFFFFFFFF, s26;
	v21 =	vnsel vm1, $0x1010, v21  }
.Ltmp18:
0x306: {  	vm1 =	vlt.s32 v20, v21;
	(pc) =	sbr.rel @p0 .LBB2_12-.Ltmp18, $3  }
0x307: {  	v20 =	vsel vm1, v20, v21;
	_ =	sdelay $0x1  }
0x308: {  	s25 =	sadd.s32 $0x10, s25  }
0x309: {  	s28 =	sadd.s32 $0x10, s28;
	v21 =	vor.u32 s25, v4;
	vm1 =	veq.f32 v22, v19  }
.Ltmp19:
0x30a: {  	_ = 	snop;
	(pc) =	sbr.rel .LBB2_13-.Ltmp19, $1  }
0x30b: {  	_ =	sdelay $0x3  }
.LBB2_21:
0x30c: {  	s21 =	sadd.s32 $0xF, s24  }
0x30d: {  	s22 =	sand.u32 $0xF, s21;
	s31 =	sshra.s32 s21, $0x1F  }
.Ltmp20:
0x30e: {  	p1 =	slt.s32 s21, $0x1;
	p0 =	sne.s32 s22, $0x0;
	(pc) =	sbr.rel .LBB2_22-.Ltmp20, $4  }
0x30f: {  	s22 =	sshrl.u32 s31, $0x1C;
	p0 =	por !p1, !p0  }
0x310: {  	s21 =	sadd.s32 s22, s21;
	s22 =	simm.s32 $0x1;
	p0 =	por !p0, !p0  }
0x311: {  	s21 =	sshra.s32 s21, $0x4;
	s22 =	simm.s32 @!p0 $0x0  }
0x312: {  	v16 =	vimm.s32 $0x0;
	v17 =	vimm.s32 $0x0;
	v18 =	vimm.f32 $+Inf;
	s21 =	ssub.s32 s21, s22;
	s22 =	simm.s32 $0x0  }
.LBB2_29:
0x313: {  	v21 =	vnsel vm1, $0x1010, v21  }
0x314: {  	vm1 =	vlt.s32 v20, v21  }
0x315: {  	v20 =	vsel vm1, v20, v21  }
.LBB2_30:
0x316: {  	v21 =	vperm.xlane v20, v5;
	_ =	sdelay $0x1  }
0x317: {  	vm1 =	vlt.s32 v20, v21  }
0x318: {  	v20 =	vsel vm1, v20, v21  }
0x319: {  	v21 =	vperm.xlane v20, v10;
	_ =	sdelay $0x1  }
0x31a: {  	vm1 =	vlt.s32 v20, v21  }
0x31b: {  	v20 =	vsel vm1, v20, v21  }
0x31c: {  	v21 =	vperm.xlane v20, v12;
	_ =	sdelay $0x1  }
0x31d: {  	vm1 =	vlt.s32 v20, v21  }
0x31e: {  	v20 =	vsel vm1, v20, v21  }
0x31f: {  	v21 =	vperm.xlane v20, v14;
	_ =	sdelay $0x1  }
0x320: {  	vm1 =	vlt.s32 v20, v21  }
0x321: {  	v20 =	vsel vm1, v20, v21  }
0x322: {  	(v2sf) =	vpush v20, $0x0;
	_ =	sdelay $0xe  }
0x323: {  	s23 =	spop (v2sf)  }
0x324: {  	s24 =	sand.u32 $0xF, s23  }
0x325: {  	s30 =	sshra.s32 s23, $0x1F;
	p1 =	slt.s32 s23, $0x1;
	p0 =	sne.s32 s24, $0x0  }
0x326: {  	s24 =	sshrl.u32 s30, $0x1C;
	p0 =	por !p1, !p0  }
0x327: {  	s23 =	sadd.s32 s24, s23;
	s24 =	simm.s32 $0x1;
	p0 =	por !p0, !p0  }
0x328: {  	s23 =	sshrl.u32 s23, $0x4;
	s24 =	simm.s32 @!p0 $0x0  }
0x329: {  	s23 =	ssub.s32 s23, s24  }
0x32a: {  	s23 =	sshll.u32 s23, $0x4  }
0x32b: {  	vm1 =	vmmov vm0;
	p0 =	slt.u32 s22, $0x10;
	v62 =	vld [tilespmem:s23+$0x3100]  }
0x32c: {  	s31 =	sand.u32 $0xF, s22;
	vm4 =	vmmov vm0;
	vm1 =	vmneg @p0 vm1;
	p0 =	sgt.u32 s22, $0xF;
	s22 =	sadd.s32 $0x1, s22;
	v22 =	vld [tilespmem:s23+$0x2080]  }
0x32d: {  	vm4 =	vmneg @p0 vm4;
	p0 =	sne.s32 s22, $0x20  }
.Ltmp21:
0x32e: {  	v23 =	vmov s31;
	(pc) =	sbr.rel @!p0 .LBB2_34-.Ltmp21, $4  }
0x32f: {  	vm2 =	veq.s32 v23, v4;
	v24 =	vor.u32 s23, v4  }
0x330: {  	vm1 =	vmand vm1, vm2;
	vm3 =	veq.s32 v24, v20;
	v20 =	vperm.xlane v62, v20  }
0x331: {  	vm2 =	vmand vm4, vm2;
	v18 =	vsel vm1, v19, v18;
	v63 =	vsel vm3, $0x7F800000, v22  }
0x332: {  	v15 =	vsel vm2, v19, v15;
	[tilespmem:s23+$0x2080] =	vst v63;
	v17 =	vsel vm1, v20, v17;
	v16 =	vsel vm2, v20, v16  }
.LBB2_22:
0x333: {  	p0 =	slt.s32 s21, $0x1  }
.Ltmp22:
0x334: {  	_ = 	snop;
	(pc) =	sbr.rel @p0 .LBB2_26-.Ltmp22, $2  }
0x335: {  	_ =	sdelay $0x2  }
0x336: {  	s23 =	simm.s32 $0x2080;
	v19 =	vimm.f32 $+Inf  }
0x337: {  	p1 =	sne.s32 s21, $0x1  }
.Ltmp23:
0x338: {  	_ = 	snop;
	(pc) =	sbr.rel @!p1 .LBB2_25-.Ltmp23, $2  }
0x339: {  	_ =	sdelay $0x2  }
0x33a: {  	s24 =	sadd.s32 $0xFFFFFFFF, s21;
	v20 =	vld [tilespmem:s23+$0x0];
	v19 =	vimm.f32 $+Inf  }
.LBB2_24:
0x33b: {  	p1 =	sne.s32 s24, $0x1  }
.Ltmp24:
0x33c: {  	_ = 	snop;
	(pc) =	sbr.rel @p1 .LBB2_24-.Ltmp24, $3  }
0x33d: {  	_ =	sdelay $0x1  }
0x33e: {  	s24 =	sadd.s32 $0xFFFFFFFF, s24;
	s23 =	sadd.s32 $0x10, s23;
	v19 =	vmin.f32 v19, v20  }
0x33f: {  	v20 =	vld [tilespmem:s23+$0x0]  }
.LBB2_25:
0x340: {  	_ =	sdelay $0x3  }
0x341: {  	v19 =	vmin.f32 v19, v20  }
.LBB2_26:
0x342: {  	v20 =	vperm.xlane v19, v5;
	_ =	sdelay $0x1  }
0x343: {  	v19 =	vmin.f32 v19, v20  }
0x344: {  	v20 =	vperm.xlane v19, v1;
	_ =	sdelay $0x1  }
0x345: {  	v19 =	vmin.f32 v19, v20  }
0x346: {  	v20 =	vperm.xlane v19, v2  }
.Ltmp25:
0x347: {  	_ = 	snop;
	(pc) =	sbr.rel @p0 .LBB2_30-.Ltmp25, $3  }
0x348: {  	v19 =	vmin.f32 v19, v20  }
0x349: {  	v20 =	vperm.xlane v19, v3;
	_ =	sdelay $0x1  }
0x34a: {  	v19 =	vmin.f32 v19, v20;
	v20 =	vimm.s32 $0x1010  }
0x34b: {  	s23 =	simm.s32 $0x2080  }
0x34c: {  	p0 =	sne.s32 s21, $0x1;
	v21 =	vld [tilespmem:s23+$0x0]  }
.Ltmp26:
0x34d: {  	_ = 	snop;
	(pc) =	sbr.rel @!p0 .LBB2_29-.Ltmp26, $3  }
0x34e: {  	_ =	sdelay $0x1  }
0x34f: {  	s23 =	simm.s32 $0x0  }
0x350: {  	s24 =	sadd.s32 $0xFFFFFFFF, s21;
	s25 =	simm.s32 $0x2090;
	vm1 =	veq.f32 v21, v19;
	v21 =	vor.u32 s23, v4  }
.LBB2_28:
0x351: {  	v22 =	vld [tilespmem:s25+$0x0];
	p0 =	sne.s32 s24, $0x1;
	s24 =	sadd.s32 $0xFFFFFFFF, s24;
	v21 =	vnsel vm1, $0x1010, v21  }
.Ltmp27:
0x352: {  	vm1 =	vlt.s32 v20, v21;
	(pc) =	sbr.rel @p0 .LBB2_28-.Ltmp27, $3  }
0x353: {  	v20 =	vsel vm1, v20, v21;
	_ =	sdelay $0x1  }
0x354: {  	s23 =	sadd.s32 $0x10, s23  }
0x355: {  	s25 =	sadd.s32 $0x10, s25;
	v21 =	vor.u32 s23, v4;
	vm1 =	veq.f32 v22, v19  }
.Ltmp28:
0x356: {  	_ = 	snop;
	(pc) =	sbr.rel .LBB2_29-.Ltmp28, $1  }
0x357: {  	_ =	sdelay $0x3  }
.LBB2_36:
0x358: {  	_ =	sfence.sel $0x180000  }
0x359: {  	[bflag:$0x0] =	sbarrier.arrive $0xFFFF  }
0x35a: {  	p0 =	sne.s32 s1, $0x0;
	_ =	strace $0x90000047  }
0x35b: {  	s0 =	sadd.s32 @!p0 $0x100000, s0;
	[bflag:$0x2] =	sbarrier.arrive $0xFFFF  }
0x35c: {  	[sflag:s0] =	ssyncadd.tile.s32 @!p0 $0x1;
	_ =	shalt  }
.Lfunc_end2:
_tile_overlayer_lowered:
.L_overlay_start_2:
0x35d: {  	(tag) =	ssettag $0x2  }
0x35e: {  	s0 =	rddreg [dreg:$0x0];
	s2 =	stileid.u32  }
0x35f: {  	s1 =	rddreg [dreg:$0x1];
	p0 =	sne.s32 s2, $0x0  }
0x360: {  	s3 =	rddreg [dreg:$0x2];
	[bflag:$0x3] =	sbarrier.arrive $0xFFFF;
	s2 =	simm.s32 @!p0 $0x1C03  }
0x361: {  	[timem:s3], [sflag:s2] =	dma.local @!p0 [hbm:s0], s1  }
0x362: {  	s0 =	simm.s32 @!p0 $0x3  }
0x363: {  	_ =	swait.ge @!p0 [sflag:s0], s1  }
0x364: {  	s1 =	ssub.s32 @!p0 $0x0, s1;
	[sflag:s0] =	ssyncset.done @!p0 $0x0  }
0x365: {  	[sflag:s0] =	ssyncadd.s32 @!p0 s1  }
0x366: {  	[bflag:$0x3] =	sbarrier.arrive $0xFFFF  }
0x367: {  	_ =	shalt  }

</sc_bundles>
